<compile_context>
chip_gen: v7x
topology: tpu7x:2x2x1
jax: 0.10.2.dev20260603
libtpu: 0.0.44.dev20260713+nightly
codegen_flags: <defaults>
</compile_context>

<pallas_src>
import functools

import jax
import jax.numpy as jnp
from jax import lax
from jax.experimental import pallas as pl
from jax.experimental.pallas import tpu as pltpu
from jax.experimental.pallas import tpu_sc as plsc

N = 10000
D = 128
LANE = 128
NC, NS = 2, 16
NT = NC * NS
N_ACC = 10112
RPT = N_ACC // NS
DEGW = 128

_sc_mesh = plsc.VectorSubcoreMesh(core_axis_name="c", subcore_axis_name="s")


def _deg_body(dst_hbm, zeros_hbm, ones_hbm, out_hbm, dst_v, ones_v, sem, acc, *, ch):
    c = lax.axis_index("c")
    s = lax.axis_index("s")
    wid = c * NS + s
    pltpu.sync_copy(dst_hbm.at[pl.ds(wid * ch, ch)], dst_v)
    pltpu.sync_copy(ones_hbm, ones_v)
    pltpu.sync_copy(zeros_hbm, acc.at[pl.ds(s * RPT, RPT)])
    plsc.subcore_barrier()

    def fire(j, carry):
        pltpu.async_copy(ones_v, acc.at[dst_v.at[j, 0]], sem, add=True)
        return carry

    lax.fori_loop(0, ch, fire, 0)

    def drain(j, carry):
        pltpu.make_async_copy(ones_v, acc.at[dst_v.at[j, 0]], sem).wait()
        return carry

    lax.fori_loop(0, ch, drain, 0)
    plsc.subcore_barrier()
    pltpu.sync_copy(acc.at[pl.ds(s * RPT, RPT)], out_hbm.at[c, pl.ds(s * RPT, RPT)])


NBUF = 3


def _agg_body(hs_hbm, src_hbm, dst_hbm, zeros_hbm, out_hbm, sid_v, did_v,
              rows_v, isems, dsems, gsems, ssems, acc, *, ch):
    c = lax.axis_index("c")
    s = lax.axis_index("s")
    wid = c * NS + s
    base = wid * ch
    pltpu.sync_copy(zeros_hbm, acc.at[pl.ds(s * RPT, RPT)])
    plsc.subcore_barrier()

    def load_src(j, b):
        pltpu.async_copy(src_hbm.at[base + j], sid_v.at[b], isems[b])

    def wait_src(j, b):
        pltpu.make_async_copy(src_hbm.at[base + j], sid_v.at[b], isems[b]).wait()

    def load_dst(j, b):
        pltpu.async_copy(dst_hbm.at[base + j], did_v.at[b], dsems[b])

    def wait_dst(j, b):
        pltpu.make_async_copy(dst_hbm.at[base + j], did_v.at[b], dsems[b]).wait()

    def start_gather(j, b):
        pltpu.async_copy(hs_hbm.at[sid_v.at[b, 0]], rows_v.at[b], gsems[b])

    def wait_gather(j, b):
        pltpu.make_async_copy(hs_hbm.at[sid_v.at[b, 0]], rows_v.at[b], gsems[b]).wait()

    def issue_scatter(j, b):
        pltpu.async_copy(rows_v.at[b], acc.at[did_v.at[b, 0]], ssems[b], add=True)

    def wait_scatter(b):
        pltpu.make_async_copy(rows_v.at[b], acc.at[did_v.at[b, 0]], ssems[b]).wait()

    for b in range(NBUF):
        load_src(b, b)
        load_dst(b, b)
    for b in range(NBUF):
        wait_src(b, b)
        start_gather(b, b)

    ngroups = ch // NBUF - 1

    def group(g, carry):
        j0 = g * NBUF
        for b in range(NBUF):
            wait_gather(j0 + b, b)
            load_src(j0 + NBUF + b, b)
            wait_dst(j0 + b, b)
            issue_scatter(j0 + b, b)
        for b in range(NBUF):
            wait_scatter(b)
            load_dst(j0 + NBUF + b, b)
            wait_src(j0 + NBUF + b, b)
            start_gather(j0 + NBUF + b, b)
        return carry

    lax.fori_loop(0, ngroups, group, 0)

    j0 = ngroups * NBUF
    for b in range(NBUF):
        wait_gather(j0 + b, b)
        wait_dst(j0 + b, b)
        issue_scatter(j0 + b, b)
    for b in range(NBUF):
        wait_scatter(b)

    plsc.subcore_barrier()
    pltpu.sync_copy(acc.at[pl.ds(s * RPT, RPT)], out_hbm.at[c, pl.ds(s * RPT, RPT)])


def _make_deg(ch):
    return pl.kernel(
        functools.partial(_deg_body, ch=ch),
        out_type=jax.ShapeDtypeStruct((NC, N_ACC, DEGW), jnp.float32),
        mesh=_sc_mesh,
        scratch_types=[
            pltpu.VMEM((ch, 1, LANE), jnp.int32),
            pltpu.VMEM((LANE, DEGW), jnp.float32),
            pltpu.SemaphoreType.DMA,
            pltpu.VMEM_SHARED((N_ACC, DEGW), jnp.float32),
        ],
    )


def _make_agg(ch):
    return pl.kernel(
        functools.partial(_agg_body, ch=ch),
        out_type=jax.ShapeDtypeStruct((NC, N_ACC, D), jnp.float32),
        mesh=_sc_mesh,
        scratch_types=[
            pltpu.VMEM((NBUF, 1, LANE), jnp.int32),
            pltpu.VMEM((NBUF, 1, LANE), jnp.int32),
            pltpu.VMEM((NBUF, LANE, D), jnp.float32),
            [pltpu.SemaphoreType.DMA] * NBUF,
            [pltpu.SemaphoreType.DMA] * NBUF,
            [pltpu.SemaphoreType.DMA] * NBUF,
            [pltpu.SemaphoreType.DMA] * NBUF,
            pltpu.VMEM_SHARED((N_ACC, D), jnp.float32),
        ],
    )



_RB = 400
_GRID = N // _RB


def _tc_first_body(deg_ref, x_ref, w_ref, dis_ref, hs_ref):
    deg = deg_ref[0, :, 0:1] + deg_ref[1, :, 0:1] + 1.0
    dis = lax.rsqrt(jnp.maximum(deg, 1.0))
    dis_ref[...] = dis
    hs_ref[...] = dis * jnp.dot(x_ref[...], w_ref[...], preferred_element_type=jnp.float32)


def _tc_mid_body(agg_ref, hs_ref, dis_ref, b_ref, w_ref, out_ref):
    dis = dis_ref[...]
    t = (agg_ref[0] + agg_ref[1] + hs_ref[...]) * dis + b_ref[...]
    h = jnp.maximum(t, 0.0)
    out_ref[...] = dis * jnp.dot(h, w_ref[...], preferred_element_type=jnp.float32)


def _tc_last_body(agg_ref, hs_ref, dis_ref, b_ref, out_ref):
    out_ref[...] = (agg_ref[0] + agg_ref[1] + hs_ref[...]) * dis_ref[...] + b_ref[...]


_tc_first = pl.pallas_call(
    _tc_first_body,
    grid=(_GRID,),
    in_specs=[
        pl.BlockSpec((NC, _RB, DEGW), lambda i: (0, i, 0)),
        pl.BlockSpec((_RB, D), lambda i: (i, 0)),
        pl.BlockSpec((D, D), lambda i: (0, 0)),
    ],
    out_specs=[
        pl.BlockSpec((_RB, 1), lambda i: (i, 0)),
        pl.BlockSpec((_RB, D), lambda i: (i, 0)),
    ],
    out_shape=[
        jax.ShapeDtypeStruct((N, 1), jnp.float32),
        jax.ShapeDtypeStruct((N, D), jnp.float32),
    ],
)

_tc_mid = pl.pallas_call(
    _tc_mid_body,
    grid=(_GRID,),
    in_specs=[
        pl.BlockSpec((NC, _RB, D), lambda i: (0, i, 0)),
        pl.BlockSpec((_RB, D), lambda i: (i, 0)),
        pl.BlockSpec((_RB, 1), lambda i: (i, 0)),
        pl.BlockSpec((1, D), lambda i: (0, 0)),
        pl.BlockSpec((D, D), lambda i: (0, 0)),
    ],
    out_specs=pl.BlockSpec((_RB, D), lambda i: (i, 0)),
    out_shape=jax.ShapeDtypeStruct((N, D), jnp.float32),
)

_tc_last = pl.pallas_call(
    _tc_last_body,
    grid=(_GRID,),
    in_specs=[
        pl.BlockSpec((NC, _RB, D), lambda i: (0, i, 0)),
        pl.BlockSpec((_RB, D), lambda i: (i, 0)),
        pl.BlockSpec((_RB, 1), lambda i: (i, 0)),
        pl.BlockSpec((1, D), lambda i: (0, 0)),
    ],
    out_specs=pl.BlockSpec((_RB, D), lambda i: (i, 0)),
    out_shape=jax.ShapeDtypeStruct((N, D), jnp.float32),
)


def kernel(x, edge_index, W1, b1, W2, b2, W3, b3):
    n, d = x.shape
    e = edge_index.shape[1]
    ch = -(-e // (NT * LANE))
    ch = -(-ch // NBUF) * NBUF
    e_pad = NT * ch * LANE
    pad = e_pad - e

    ar = jnp.arange(pad, dtype=jnp.int32)
    src = jnp.concatenate([edge_index[0], ar % n])
    dst = jnp.concatenate([edge_index[1], n + ar % (N_ACC - n)])
    src2d = src.reshape(NT * ch, 1, LANE)
    dst2d = dst.reshape(NT * ch, 1, LANE)

    zrows = jnp.zeros((RPT, D), jnp.float32)
    ones = jnp.ones((LANE, DEGW), jnp.float32)

    deg_p = _make_deg(ch)(dst2d, zrows, ones)
    agg_fn = _make_agg(ch)

    dis, hs = _tc_first(deg_p, x, W1)

    agg = agg_fn(hs, src2d, dst2d, zrows)
    hs = _tc_mid(agg, hs, dis, b1.reshape(1, D), W2)

    agg = agg_fn(hs, src2d, dst2d, zrows)
    hs = _tc_mid(agg, hs, dis, b2.reshape(1, D), W3)

    agg = agg_fn(hs, src2d, dst2d, zrows)
    out = _tc_last(agg, hs, dis, b3.reshape(1, D))
    return out

# --- scband reference (transcript-rebuilt; emitter-appended) ---
"""Pipeline reference for scband-hggnn-35802847380150 (READ-ONLY COPY).

The authoritative reference and input builder live on the scoring server;
editing this copy changes nothing except your own understanding.
"""

import jax, jax.numpy as jnp
import numpy as np

N = 10000
E = 320000
D = 128


def setup_inputs(seed: int = 0) -> dict:
    key = jax.random.key(seed)
    ks = jax.random.split(key, 8)
    x = jax.random.normal(ks[0], (N, D), dtype=jnp.float32)
    edge_index = jax.random.randint(ks[1], (2, E), 0, N, dtype=jnp.int32)
    scale = 1.0 / np.sqrt(D)
    W1 = jax.random.normal(ks[2], (D, D), dtype=jnp.float32) * scale
    b1 = jnp.zeros((D,), dtype=jnp.float32)
    W2 = jax.random.normal(ks[3], (D, D), dtype=jnp.float32) * scale
    b2 = jnp.zeros((D,), dtype=jnp.float32)
    W3 = jax.random.normal(ks[4], (D, D), dtype=jnp.float32) * scale
    b3 = jnp.zeros((D,), dtype=jnp.float32)
    return {"x": x, "edge_index": edge_index, "W1": W1, "b1": b1, "W2": W2, "b2": b2, "W3": W3, "b3": b3}


def _gcn_layer(h, src, dst, norm, n_nodes, W, b):
    # GCNConv: x' = D^-1/2 (A + I) D^-1/2 X W + b
    hp = h @ W
    msgs = hp[src] * norm[:, None]          # gather (lift N -> E)
    out = jnp.zeros((n_nodes, W.shape[1]), dtype=h.dtype).at[dst].add(msgs)  # scatter-add
    return out + b


def reference(x, edge_index, W1, b1, W2, b2, W3, b3):
    n_nodes = x.shape[0]
    loop = jnp.arange(n_nodes, dtype=edge_index.dtype)
    src = jnp.concatenate([edge_index[0], loop])
    dst = jnp.concatenate([edge_index[1], loop])
    deg = jnp.zeros((n_nodes,), dtype=x.dtype).at[dst].add(1.0)
    deg_inv_sqrt = jax.lax.rsqrt(jnp.maximum(deg, 1.0))
    norm = deg_inv_sqrt[src] * deg_inv_sqrt[dst]
    h = jax.nn.relu(_gcn_layer(x, src, dst, norm, n_nodes, W1, b1))
    h = jax.nn.relu(_gcn_layer(h, src, dst, norm, n_nodes, W2, b2))
    h = _gcn_layer(h, src, dst, norm, n_nodes, W3, b3)
    return h

if __name__ == "__main__":
    import jax
    _d = setup_inputs()
    print(jax.jit(kernel)(*tuple(_d.values())))

</pallas_src>

<mosaic_0001>
#map = affine_map<(d0, d1) -> (0, 0)>
#map1 = affine_map<(d0, d1) -> (0, 0, 0)>
module attributes {stable_mosaic.version = 14 : i64} {
  func.func @_agg_body(%arg0: i32, %arg1: i32, %arg2: memref<10000x128xf32, #tpu.memory_space<hbm>>, %arg3: memref<2592x1x128xi32, #tpu.memory_space<hbm>>, %arg4: memref<2592x1x128xi32, #tpu.memory_space<hbm>>, %arg5: memref<632x128xf32, #tpu.memory_space<hbm>>, %arg6: memref<2x10112x128xf32, #tpu.memory_space<hbm>>, %arg7: memref<3x1x128xi32, #tpu.memory_space<vmem>>, %arg8: memref<3x1x128xi32, #tpu.memory_space<vmem>>, %arg9: memref<3x128x128xf32, #tpu.memory_space<vmem>>, %arg10: memref<!tpu.dma_semaphore, #tpu.memory_space<semaphore_mem>>, %arg11: memref<!tpu.dma_semaphore, #tpu.memory_space<semaphore_mem>>, %arg12: memref<!tpu.dma_semaphore, #tpu.memory_space<semaphore_mem>>, %arg13: memref<!tpu.dma_semaphore, #tpu.memory_space<semaphore_mem>>, %arg14: memref<!tpu.dma_semaphore, #tpu.memory_space<semaphore_mem>>, %arg15: memref<!tpu.dma_semaphore, #tpu.memory_space<semaphore_mem>>, %arg16: memref<!tpu.dma_semaphore, #tpu.memory_space<semaphore_mem>>, %arg17: memref<!tpu.dma_semaphore, #tpu.memory_space<semaphore_mem>>, %arg18: memref<!tpu.dma_semaphore, #tpu.memory_space<semaphore_mem>>, %arg19: memref<!tpu.dma_semaphore, #tpu.memory_space<semaphore_mem>>, %arg20: memref<!tpu.dma_semaphore, #tpu.memory_space<semaphore_mem>>, %arg21: memref<!tpu.dma_semaphore, #tpu.memory_space<semaphore_mem>>, %arg22: memref<10112x128xf32, #tpu.memory_space<vmem_shared>>) attributes {dimension_semantics = [#tpu.dimension_semantics<core_parallel>, #tpu.dimension_semantics<subcore_parallel>], iteration_bounds = array<i64: 2, 16>, scalar_prefetch = 0 : i64, scratch_operands = 16 : i64, tpu.core_type = #tpu.core_type<sc_vector_subcore>, window_params = [{transform_indices = #map}, {transform_indices = #map1}, {transform_indices = #map1}, {transform_indices = #map}, {transform_indices = #map1}]} {
    %mul3A = arith.constant 16 : i32
    %mul3A_0 = arith.muli %arg0, %mul3A : i32
    %add3A = arith.addi %mul3A_0, %arg1 : i32
    %mul3A_1 = arith.constant 81 : i32
    %mul3A_2 = arith.muli %add3A, %mul3A_1 : i32
    %mul3A_3 = arith.constant 632 : i32
    %mul3A_4 = arith.muli %arg1, %mul3A_3 : i32
    "tpu.region"() ({
      %run_scoped3A = tpu.sem_alloc : memref<!tpu.dma_semaphore, #tpu.memory_space<semaphore_mem>>
      %dma_start3A_397 = arith.constant 0 : i32
      %dma_start3A_398 = tpu.memref_slice %arg22[%mul3A_4, %dma_start3A_397] : memref<10112x128xf32, #tpu.memory_space<vmem_shared>> -> memref<632x128xf32, #tpu.memory_space<vmem_shared>>
      tpu.enqueue_dma source(%arg5 : memref<632x128xf32, #tpu.memory_space<hbm>>) target(%dma_start3A_398 : memref<632x128xf32, #tpu.memory_space<vmem_shared>>) target_semaphore(%run_scoped3A : memref<!tpu.dma_semaphore, #tpu.memory_space<semaphore_mem>>)
      %dma_wait3A_399 = arith.constant 0 : i32
      %dma_wait3A_400 = tpu.memref_slice %arg22[%mul3A_4, %dma_wait3A_399] : memref<10112x128xf32, #tpu.memory_space<vmem_shared>> -> memref<632x128xf32, #tpu.memory_space<vmem_shared>>
      tpu.wait_dma2 semaphore(%run_scoped3A : memref<!tpu.dma_semaphore, #tpu.memory_space<semaphore_mem>>) src(%arg5 : memref<632x128xf32, #tpu.memory_space<hbm>>) dst(%dma_wait3A_400 : memref<632x128xf32, #tpu.memory_space<vmem_shared>>)
      tpu.yield
    }) : () -> ()
    %barrier3A = arith.constant 0 : index
    tpu.barrier barrier_id(%barrier3A)
    %add3A_5 = arith.constant 0 : i32
    %add3A_6 = arith.addi %mul3A_2, %add3A_5 : i32
    %dma_start3A = arith.constant 0 : i32
    %dma_start3A_7 = arith.constant 0 : i32
    %dma_start3A_8 = arith.constant 0 : i32
    %dma_start3A_9 = tpu.memref_slice %arg7[%dma_start3A, %dma_start3A_7, %dma_start3A_8] : memref<3x1x128xi32, #tpu.memory_space<vmem>> -> memref<1x1x128xi32, #tpu.memory_space<vmem>>
    %dma_start3A_10 = tpu.memref_squeeze %dma_start3A_9 : memref<1x1x128xi32, #tpu.memory_space<vmem>> -> memref<1x128xi32, #tpu.memory_space<vmem>>
    %dma_start3A_11 = arith.constant 0 : i32
    %dma_start3A_12 = arith.constant 0 : i32
    %dma_start3A_13 = tpu.memref_slice %arg3[%add3A_6, %dma_start3A_11, %dma_start3A_12] : memref<2592x1x128xi32, #tpu.memory_space<hbm>> -> memref<1x1x128xi32, #tpu.memory_space<hbm>>
    %dma_start3A_14 = tpu.memref_squeeze %dma_start3A_13 : memref<1x1x128xi32, #tpu.memory_space<hbm>> -> memref<1x128xi32, #tpu.memory_space<hbm>>
    %dma_start3A_15 = arith.constant 0 : i32
    %dma_start3A_16 = arith.constant 0 : i32
    %dma_start3A_17 = tpu.memref_slice %arg7[%dma_start3A, %dma_start3A_15, %dma_start3A_16] : memref<3x1x128xi32, #tpu.memory_space<vmem>> -> memref<1x1x128xi32, #tpu.memory_space<vmem>>
    %dma_start3A_18 = tpu.memref_squeeze %dma_start3A_17 : memref<1x1x128xi32, #tpu.memory_space<vmem>> -> memref<1x128xi32, #tpu.memory_space<vmem>>
    %dma_start3A_19 = arith.constant 0 : i32
    %dma_start3A_20 = arith.constant 0 : i32
    %dma_start3A_21 = tpu.memref_slice %arg3[%add3A_6, %dma_start3A_19, %dma_start3A_20] : memref<2592x1x128xi32, #tpu.memory_space<hbm>> -> memref<1x1x128xi32, #tpu.memory_space<hbm>>
    %dma_start3A_22 = tpu.memref_squeeze %dma_start3A_21 : memref<1x1x128xi32, #tpu.memory_space<hbm>> -> memref<1x128xi32, #tpu.memory_space<hbm>>
    tpu.enqueue_dma source(%dma_start3A_22 : memref<1x128xi32, #tpu.memory_space<hbm>>) target(%dma_start3A_18 : memref<1x128xi32, #tpu.memory_space<vmem>>) target_semaphore(%arg10 : memref<!tpu.dma_semaphore, #tpu.memory_space<semaphore_mem>>)
    %add3A_23 = arith.constant 0 : i32
    %add3A_24 = arith.addi %mul3A_2, %add3A_23 : i32
    %dma_start3A_25 = arith.constant 0 : i32
    %dma_start3A_26 = arith.constant 0 : i32
    %dma_start3A_27 = arith.constant 0 : i32
    %dma_start3A_28 = tpu.memref_slice %arg8[%dma_start3A_25, %dma_start3A_26, %dma_start3A_27] : memref<3x1x128xi32, #tpu.memory_space<vmem>> -> memref<1x1x128xi32, #tpu.memory_space<vmem>>
    %dma_start3A_29 = tpu.memref_squeeze %dma_start3A_28 : memref<1x1x128xi32, #tpu.memory_space<vmem>> -> memref<1x128xi32, #tpu.memory_space<vmem>>
    %dma_start3A_30 = arith.constant 0 : i32
    %dma_start3A_31 = arith.constant 0 : i32
    %dma_start3A_32 = tpu.memref_slice %arg4[%add3A_24, %dma_start3A_30, %dma_start3A_31] : memref<2592x1x128xi32, #tpu.memory_space<hbm>> -> memref<1x1x128xi32, #tpu.memory_space<hbm>>
    %dma_start3A_33 = tpu.memref_squeeze %dma_start3A_32 : memref<1x1x128xi32, #tpu.memory_space<hbm>> -> memref<1x128xi32, #tpu.memory_space<hbm>>
    %dma_start3A_34 = arith.constant 0 : i32
    %dma_start3A_35 = arith.constant 0 : i32
    %dma_start3A_36 = tpu.memref_slice %arg8[%dma_start3A_25, %dma_start3A_34, %dma_start3A_35] : memref<3x1x128xi32, #tpu.memory_space<vmem>> -> memref<1x1x128xi32, #tpu.memory_space<vmem>>
    %dma_start3A_37 = tpu.memref_squeeze %dma_start3A_36 : memref<1x1x128xi32, #tpu.memory_space<vmem>> -> memref<1x128xi32, #tpu.memory_space<vmem>>
    %dma_start3A_38 = arith.constant 0 : i32
    %dma_start3A_39 = arith.constant 0 : i32
    %dma_start3A_40 = tpu.memref_slice %arg4[%add3A_24, %dma_start3A_38, %dma_start3A_39] : memref<2592x1x128xi32, #tpu.memory_space<hbm>> -> memref<1x1x128xi32, #tpu.memory_space<hbm>>
    %dma_start3A_41 = tpu.memref_squeeze %dma_start3A_40 : memref<1x1x128xi32, #tpu.memory_space<hbm>> -> memref<1x128xi32, #tpu.memory_space<hbm>>
    tpu.enqueue_dma source(%dma_start3A_41 : memref<1x128xi32, #tpu.memory_space<hbm>>) target(%dma_start3A_37 : memref<1x128xi32, #tpu.memory_space<vmem>>) target_semaphore(%arg13 : memref<!tpu.dma_semaphore, #tpu.memory_space<semaphore_mem>>)
    %add3A_42 = arith.constant 1 : i32
    %add3A_43 = arith.addi %mul3A_2, %add3A_42 : i32
    %dma_start3A_44 = arith.constant 1 : i32
    %dma_start3A_45 = arith.constant 0 : i32
    %dma_start3A_46 = arith.constant 0 : i32
    %dma_start3A_47 = tpu.memref_slice %arg7[%dma_start3A_44, %dma_start3A_45, %dma_start3A_46] : memref<3x1x128xi32, #tpu.memory_space<vmem>> -> memref<1x1x128xi32, #tpu.memory_space<vmem>>
    %dma_start3A_48 = tpu.memref_squeeze %dma_start3A_47 : memref<1x1x128xi32, #tpu.memory_space<vmem>> -> memref<1x128xi32, #tpu.memory_space<vmem>>
    %dma_start3A_49 = arith.constant 0 : i32
    %dma_start3A_50 = arith.constant 0 : i32
    %dma_start3A_51 = tpu.memref_slice %arg3[%add3A_43, %dma_start3A_49, %dma_start3A_50] : memref<2592x1x128xi32, #tpu.memory_space<hbm>> -> memref<1x1x128xi32, #tpu.memory_space<hbm>>
    %dma_start3A_52 = tpu.memref_squeeze %dma_start3A_51 : memref<1x1x128xi32, #tpu.memory_space<hbm>> -> memref<1x128xi32, #tpu.memory_space<hbm>>
    %dma_start3A_53 = arith.constant 0 : i32
    %dma_start3A_54 = arith.constant 0 : i32
    %dma_start3A_55 = tpu.memref_slice %arg7[%dma_start3A_44, %dma_start3A_53, %dma_start3A_54] : memref<3x1x128xi32, #tpu.memory_space<vmem>> -> memref<1x1x128xi32, #tpu.memory_space<vmem>>
    %dma_start3A_56 = tpu.memref_squeeze %dma_start3A_55 : memref<1x1x128xi32, #tpu.memory_space<vmem>> -> memref<1x128xi32, #tpu.memory_space<vmem>>
    %dma_start3A_57 = arith.constant 0 : i32
    %dma_start3A_58 = arith.constant 0 : i32
    %dma_start3A_59 = tpu.memref_slice %arg3[%add3A_43, %dma_start3A_57, %dma_start3A_58] : memref<2592x1x128xi32, #tpu.memory_space<hbm>> -> memref<1x1x128xi32, #tpu.memory_space<hbm>>
    %dma_start3A_60 = tpu.memref_squeeze %dma_start3A_59 : memref<1x1x128xi32, #tpu.memory_space<hbm>> -> memref<1x128xi32, #tpu.memory_space<hbm>>
    tpu.enqueue_dma source(%dma_start3A_60 : memref<1x128xi32, #tpu.memory_space<hbm>>) target(%dma_start3A_56 : memref<1x128xi32, #tpu.memory_space<vmem>>) target_semaphore(%arg11 : memref<!tpu.dma_semaphore, #tpu.memory_space<semaphore_mem>>)
    %add3A_61 = arith.constant 1 : i32
    %add3A_62 = arith.addi %mul3A_2, %add3A_61 : i32
    %dma_start3A_63 = arith.constant 1 : i32
    %dma_start3A_64 = arith.constant 0 : i32
    %dma_start3A_65 = arith.constant 0 : i32
    %dma_start3A_66 = tpu.memref_slice %arg8[%dma_start3A_63, %dma_start3A_64, %dma_start3A_65] : memref<3x1x128xi32, #tpu.memory_space<vmem>> -> memref<1x1x128xi32, #tpu.memory_space<vmem>>
    %dma_start3A_67 = tpu.memref_squeeze %dma_start3A_66 : memref<1x1x128xi32, #tpu.memory_space<vmem>> -> memref<1x128xi32, #tpu.memory_space<vmem>>
    %dma_start3A_68 = arith.constant 0 : i32
    %dma_start3A_69 = arith.constant 0 : i32
    %dma_start3A_70 = tpu.memref_slice %arg4[%add3A_62, %dma_start3A_68, %dma_start3A_69] : memref<2592x1x128xi32, #tpu.memory_space<hbm>> -> memref<1x1x128xi32, #tpu.memory_space<hbm>>
    %dma_start3A_71 = tpu.memref_squeeze %dma_start3A_70 : memref<1x1x128xi32, #tpu.memory_space<hbm>> -> memref<1x128xi32, #tpu.memory_space<hbm>>
    %dma_start3A_72 = arith.constant 0 : i32
    %dma_start3A_73 = arith.constant 0 : i32
    %dma_start3A_74 = tpu.memref_slice %arg8[%dma_start3A_63, %dma_start3A_72, %dma_start3A_73] : memref<3x1x128xi32, #tpu.memory_space<vmem>> -> memref<1x1x128xi32, #tpu.memory_space<vmem>>
    %dma_start3A_75 = tpu.memref_squeeze %dma_start3A_74 : memref<1x1x128xi32, #tpu.memory_space<vmem>> -> memref<1x128xi32, #tpu.memory_space<vmem>>
    %dma_start3A_76 = arith.constant 0 : i32
    %dma_start3A_77 = arith.constant 0 : i32
    %dma_start3A_78 = tpu.memref_slice %arg4[%add3A_62, %dma_start3A_76, %dma_start3A_77] : memref<2592x1x128xi32, #tpu.memory_space<hbm>> -> memref<1x1x128xi32, #tpu.memory_space<hbm>>
    %dma_start3A_79 = tpu.memref_squeeze %dma_start3A_78 : memref<1x1x128xi32, #tpu.memory_space<hbm>> -> memref<1x128xi32, #tpu.memory_space<hbm>>
    tpu.enqueue_dma source(%dma_start3A_79 : memref<1x128xi32, #tpu.memory_space<hbm>>) target(%dma_start3A_75 : memref<1x128xi32, #tpu.memory_space<vmem>>) target_semaphore(%arg14 : memref<!tpu.dma_semaphore, #tpu.memory_space<semaphore_mem>>)
    %add3A_80 = arith.constant 2 : i32
    %add3A_81 = arith.addi %mul3A_2, %add3A_80 : i32
    %dma_start3A_82 = arith.constant 2 : i32
    %dma_start3A_83 = arith.constant 0 : i32
    %dma_start3A_84 = arith.constant 0 : i32
    %dma_start3A_85 = tpu.memref_slice %arg7[%dma_start3A_82, %dma_start3A_83, %dma_start3A_84] : memref<3x1x128xi32, #tpu.memory_space<vmem>> -> memref<1x1x128xi32, #tpu.memory_space<vmem>>
    %dma_start3A_86 = tpu.memref_squeeze %dma_start3A_85 : memref<1x1x128xi32, #tpu.memory_space<vmem>> -> memref<1x128xi32, #tpu.memory_space<vmem>>
    %dma_start3A_87 = arith.constant 0 : i32
    %dma_start3A_88 = arith.constant 0 : i32
    %dma_start3A_89 = tpu.memref_slice %arg3[%add3A_81, %dma_start3A_87, %dma_start3A_88] : memref<2592x1x128xi32, #tpu.memory_space<hbm>> -> memref<1x1x128xi32, #tpu.memory_space<hbm>>
    %dma_start3A_90 = tpu.memref_squeeze %dma_start3A_89 : memref<1x1x128xi32, #tpu.memory_space<hbm>> -> memref<1x128xi32, #tpu.memory_space<hbm>>
    %dma_start3A_91 = arith.constant 0 : i32
    %dma_start3A_92 = arith.constant 0 : i32
    %dma_start3A_93 = tpu.memref_slice %arg7[%dma_start3A_82, %dma_start3A_91, %dma_start3A_92] : memref<3x1x128xi32, #tpu.memory_space<vmem>> -> memref<1x1x128xi32, #tpu.memory_space<vmem>>
    %dma_start3A_94 = tpu.memref_squeeze %dma_start3A_93 : memref<1x1x128xi32, #tpu.memory_space<vmem>> -> memref<1x128xi32, #tpu.memory_space<vmem>>
    %dma_start3A_95 = arith.constant 0 : i32
    %dma_start3A_96 = arith.constant 0 : i32
    %dma_start3A_97 = tpu.memref_slice %arg3[%add3A_81, %dma_start3A_95, %dma_start3A_96] : memref<2592x1x128xi32, #tpu.memory_space<hbm>> -> memref<1x1x128xi32, #tpu.memory_space<hbm>>
    %dma_start3A_98 = tpu.memref_squeeze %dma_start3A_97 : memref<1x1x128xi32, #tpu.memory_space<hbm>> -> memref<1x128xi32, #tpu.memory_space<hbm>>
    tpu.enqueue_dma source(%dma_start3A_98 : memref<1x128xi32, #tpu.memory_space<hbm>>) target(%dma_start3A_94 : memref<1x128xi32, #tpu.memory_space<vmem>>) target_semaphore(%arg12 : memref<!tpu.dma_semaphore, #tpu.memory_space<semaphore_mem>>)
    %add3A_99 = arith.constant 2 : i32
    %add3A_100 = arith.addi %mul3A_2, %add3A_99 : i32
    %dma_start3A_101 = arith.constant 2 : i32
    %dma_start3A_102 = arith.constant 0 : i32
    %dma_start3A_103 = arith.constant 0 : i32
    %dma_start3A_104 = tpu.memref_slice %arg8[%dma_start3A_101, %dma_start3A_102, %dma_start3A_103] : memref<3x1x128xi32, #tpu.memory_space<vmem>> -> memref<1x1x128xi32, #tpu.memory_space<vmem>>
    %dma_start3A_105 = tpu.memref_squeeze %dma_start3A_104 : memref<1x1x128xi32, #tpu.memory_space<vmem>> -> memref<1x128xi32, #tpu.memory_space<vmem>>
    %dma_start3A_106 = arith.constant 0 : i32
    %dma_start3A_107 = arith.constant 0 : i32
    %dma_start3A_108 = tpu.memref_slice %arg4[%add3A_100, %dma_start3A_106, %dma_start3A_107] : memref<2592x1x128xi32, #tpu.memory_space<hbm>> -> memref<1x1x128xi32, #tpu.memory_space<hbm>>
    %dma_start3A_109 = tpu.memref_squeeze %dma_start3A_108 : memref<1x1x128xi32, #tpu.memory_space<hbm>> -> memref<1x128xi32, #tpu.memory_space<hbm>>
    %dma_start3A_110 = arith.constant 0 : i32
    %dma_start3A_111 = arith.constant 0 : i32
    %dma_start3A_112 = tpu.memref_slice %arg8[%dma_start3A_101, %dma_start3A_110, %dma_start3A_111] : memref<3x1x128xi32, #tpu.memory_space<vmem>> -> memref<1x1x128xi32, #tpu.memory_space<vmem>>
    %dma_start3A_113 = tpu.memref_squeeze %dma_start3A_112 : memref<1x1x128xi32, #tpu.memory_space<vmem>> -> memref<1x128xi32, #tpu.memory_space<vmem>>
    %dma_start3A_114 = arith.constant 0 : i32
    %dma_start3A_115 = arith.constant 0 : i32
    %dma_start3A_116 = tpu.memref_slice %arg4[%add3A_100, %dma_start3A_114, %dma_start3A_115] : memref<2592x1x128xi32, #tpu.memory_space<hbm>> -> memref<1x1x128xi32, #tpu.memory_space<hbm>>
    %dma_start3A_117 = tpu.memref_squeeze %dma_start3A_116 : memref<1x1x128xi32, #tpu.memory_space<hbm>> -> memref<1x128xi32, #tpu.memory_space<hbm>>
    tpu.enqueue_dma source(%dma_start3A_117 : memref<1x128xi32, #tpu.memory_space<hbm>>) target(%dma_start3A_113 : memref<1x128xi32, #tpu.memory_space<vmem>>) target_semaphore(%arg15 : memref<!tpu.dma_semaphore, #tpu.memory_space<semaphore_mem>>)
    %add3A_118 = arith.constant 0 : i32
    %add3A_119 = arith.addi %mul3A_2, %add3A_118 : i32
    %dma_wait3A = arith.constant 0 : i32
    %dma_wait3A_120 = arith.constant 0 : i32
    %dma_wait3A_121 = arith.constant 0 : i32
    %dma_wait3A_122 = tpu.memref_slice %arg7[%dma_wait3A, %dma_wait3A_120, %dma_wait3A_121] : memref<3x1x128xi32, #tpu.memory_space<vmem>> -> memref<1x1x128xi32, #tpu.memory_space<vmem>>
    %dma_wait3A_123 = tpu.memref_squeeze %dma_wait3A_122 : memref<1x1x128xi32, #tpu.memory_space<vmem>> -> memref<1x128xi32, #tpu.memory_space<vmem>>
    %dma_wait3A_124 = arith.constant 0 : i32
    %dma_wait3A_125 = arith.constant 0 : i32
    %dma_wait3A_126 = tpu.memref_slice %arg3[%add3A_119, %dma_wait3A_124, %dma_wait3A_125] : memref<2592x1x128xi32, #tpu.memory_space<hbm>> -> memref<1x1x128xi32, #tpu.memory_space<hbm>>
    %dma_wait3A_127 = tpu.memref_squeeze %dma_wait3A_126 : memref<1x1x128xi32, #tpu.memory_space<hbm>> -> memref<1x128xi32, #tpu.memory_space<hbm>>
    %dma_wait3A_128 = arith.constant 0 : i32
    %dma_wait3A_129 = arith.constant 0 : i32
    %dma_wait3A_130 = tpu.memref_slice %arg7[%dma_wait3A, %dma_wait3A_128, %dma_wait3A_129] : memref<3x1x128xi32, #tpu.memory_space<vmem>> -> memref<1x1x128xi32, #tpu.memory_space<vmem>>
    %dma_wait3A_131 = tpu.memref_squeeze %dma_wait3A_130 : memref<1x1x128xi32, #tpu.memory_space<vmem>> -> memref<1x128xi32, #tpu.memory_space<vmem>>
    %dma_wait3A_132 = arith.constant 0 : i32
    %dma_wait3A_133 = arith.constant 0 : i32
    %dma_wait3A_134 = tpu.memref_slice %arg3[%add3A_119, %dma_wait3A_132, %dma_wait3A_133] : memref<2592x1x128xi32, #tpu.memory_space<hbm>> -> memref<1x1x128xi32, #tpu.memory_space<hbm>>
    %dma_wait3A_135 = tpu.memref_squeeze %dma_wait3A_134 : memref<1x1x128xi32, #tpu.memory_space<hbm>> -> memref<1x128xi32, #tpu.memory_space<hbm>>
    tpu.wait_dma2 semaphore(%arg10 : memref<!tpu.dma_semaphore, #tpu.memory_space<semaphore_mem>>) src(%dma_wait3A_135 : memref<1x128xi32, #tpu.memory_space<hbm>>) dst(%dma_wait3A_131 : memref<1x128xi32, #tpu.memory_space<vmem>>)
    %dma_start3A_136 = arith.constant 0 : i32
    %dma_start3A_137 = arith.constant 0 : i32
    %dma_start3A_138 = arith.constant 0 : i32
    %dma_start3A_139 = arith.constant 0 : i32
    %dma_start3A_140 = arith.constant 0 : i32
    %dma_start3A_141 = tpu.memref_slice %arg9[%dma_start3A_138, %dma_start3A_139, %dma_start3A_140] : memref<3x128x128xf32, #tpu.memory_space<vmem>> -> memref<1x128x128xf32, #tpu.memory_space<vmem>>
    %dma_start3A_142 = tpu.memref_squeeze %dma_start3A_141 : memref<1x128x128xf32, #tpu.memory_space<vmem>> -> memref<128x128xf32, #tpu.memory_space<vmem>>
    %dma_start3A_143 = arith.constant 0 : i32
    %dma_start3A_144 = tpu.memref_slice %arg7[%dma_start3A_136, %dma_start3A_137, %dma_start3A_143] : memref<3x1x128xi32, #tpu.memory_space<vmem>> -> memref<1x1x128xi32, #tpu.memory_space<vmem>>
    %dma_start3A_145 = tpu.memref_squeeze %dma_start3A_144 : memref<1x1x128xi32, #tpu.memory_space<vmem>> -> memref<128xi32, #tpu.memory_space<vmem>>
    %dma_start3A_146 = arith.constant 0 : i32
    %dma_start3A_147 = arith.constant 0 : i32
    %dma_start3A_148 = tpu.memref_slice %arg2[%dma_start3A_146, %dma_start3A_147] : memref<10000x128xf32, #tpu.memory_space<hbm>> -> memref<10000x128xf32, #tpu.memory_space<hbm>>
    tpu.enqueue_indirect_dma source(%dma_start3A_148 : memref<10000x128xf32, #tpu.memory_space<hbm>>) target(%dma_start3A_142 : memref<128x128xf32, #tpu.memory_space<vmem>>) offsets(%dma_start3A_145 : memref<128xi32, #tpu.memory_space<vmem>>) semaphore(%arg16 : memref<!tpu.dma_semaphore, #tpu.memory_space<semaphore_mem>>)
    %add3A_149 = arith.constant 1 : i32
    %add3A_150 = arith.addi %mul3A_2, %add3A_149 : i32
    %dma_wait3A_151 = arith.constant 1 : i32
    %dma_wait3A_152 = arith.constant 0 : i32
    %dma_wait3A_153 = arith.constant 0 : i32
    %dma_wait3A_154 = tpu.memref_slice %arg7[%dma_wait3A_151, %dma_wait3A_152, %dma_wait3A_153] : memref<3x1x128xi32, #tpu.memory_space<vmem>> -> memref<1x1x128xi32, #tpu.memory_space<vmem>>
    %dma_wait3A_155 = tpu.memref_squeeze %dma_wait3A_154 : memref<1x1x128xi32, #tpu.memory_space<vmem>> -> memref<1x128xi32, #tpu.memory_space<vmem>>
    %dma_wait3A_156 = arith.constant 0 : i32
    %dma_wait3A_157 = arith.constant 0 : i32
    %dma_wait3A_158 = tpu.memref_slice %arg3[%add3A_150, %dma_wait3A_156, %dma_wait3A_157] : memref<2592x1x128xi32, #tpu.memory_space<hbm>> -> memref<1x1x128xi32, #tpu.memory_space<hbm>>
    %dma_wait3A_159 = tpu.memref_squeeze %dma_wait3A_158 : memref<1x1x128xi32, #tpu.memory_space<hbm>> -> memref<1x128xi32, #tpu.memory_space<hbm>>
    %dma_wait3A_160 = arith.constant 0 : i32
    %dma_wait3A_161 = arith.constant 0 : i32
    %dma_wait3A_162 = tpu.memref_slice %arg7[%dma_wait3A_151, %dma_wait3A_160, %dma_wait3A_161] : memref<3x1x128xi32, #tpu.memory_space<vmem>> -> memref<1x1x128xi32, #tpu.memory_space<vmem>>
    %dma_wait3A_163 = tpu.memref_squeeze %dma_wait3A_162 : memref<1x1x128xi32, #tpu.memory_space<vmem>> -> memref<1x128xi32, #tpu.memory_space<vmem>>
    %dma_wait3A_164 = arith.constant 0 : i32
    %dma_wait3A_165 = arith.constant 0 : i32
    %dma_wait3A_166 = tpu.memref_slice %arg3[%add3A_150, %dma_wait3A_164, %dma_wait3A_165] : memref<2592x1x128xi32, #tpu.memory_space<hbm>> -> memref<1x1x128xi32, #tpu.memory_space<hbm>>
    %dma_wait3A_167 = tpu.memref_squeeze %dma_wait3A_166 : memref<1x1x128xi32, #tpu.memory_space<hbm>> -> memref<1x128xi32, #tpu.memory_space<hbm>>
    tpu.wait_dma2 semaphore(%arg11 : memref<!tpu.dma_semaphore, #tpu.memory_space<semaphore_mem>>) src(%dma_wait3A_167 : memref<1x128xi32, #tpu.memory_space<hbm>>) dst(%dma_wait3A_163 : memref<1x128xi32, #tpu.memory_space<vmem>>)
    %dma_start3A_168 = arith.constant 1 : i32
    %dma_start3A_169 = arith.constant 0 : i32
    %dma_start3A_170 = arith.constant 1 : i32
    %dma_start3A_171 = arith.constant 0 : i32
    %dma_start3A_172 = arith.constant 0 : i32
    %dma_start3A_173 = tpu.memref_slice %arg9[%dma_start3A_170, %dma_start3A_171, %dma_start3A_172] : memref<3x128x128xf32, #tpu.memory_space<vmem>> -> memref<1x128x128xf32, #tpu.memory_space<vmem>>
    %dma_start3A_174 = tpu.memref_squeeze %dma_start3A_173 : memref<1x128x128xf32, #tpu.memory_space<vmem>> -> memref<128x128xf32, #tpu.memory_space<vmem>>
    %dma_start3A_175 = arith.constant 0 : i32
    %dma_start3A_176 = tpu.memref_slice %arg7[%dma_start3A_168, %dma_start3A_169, %dma_start3A_175] : memref<3x1x128xi32, #tpu.memory_space<vmem>> -> memref<1x1x128xi32, #tpu.memory_space<vmem>>
    %dma_start3A_177 = tpu.memref_squeeze %dma_start3A_176 : memref<1x1x128xi32, #tpu.memory_space<vmem>> -> memref<128xi32, #tpu.memory_space<vmem>>
    %dma_start3A_178 = arith.constant 0 : i32
    %dma_start3A_179 = arith.constant 0 : i32
    %dma_start3A_180 = tpu.memref_slice %arg2[%dma_start3A_178, %dma_start3A_179] : memref<10000x128xf32, #tpu.memory_space<hbm>> -> memref<10000x128xf32, #tpu.memory_space<hbm>>
    tpu.enqueue_indirect_dma source(%dma_start3A_180 : memref<10000x128xf32, #tpu.memory_space<hbm>>) target(%dma_start3A_174 : memref<128x128xf32, #tpu.memory_space<vmem>>) offsets(%dma_start3A_177 : memref<128xi32, #tpu.memory_space<vmem>>) semaphore(%arg17 : memref<!tpu.dma_semaphore, #tpu.memory_space<semaphore_mem>>)
    %add3A_181 = arith.constant 2 : i32
    %add3A_182 = arith.addi %mul3A_2, %add3A_181 : i32
    %dma_wait3A_183 = arith.constant 2 : i32
    %dma_wait3A_184 = arith.constant 0 : i32
    %dma_wait3A_185 = arith.constant 0 : i32
    %dma_wait3A_186 = tpu.memref_slice %arg7[%dma_wait3A_183, %dma_wait3A_184, %dma_wait3A_185] : memref<3x1x128xi32, #tpu.memory_space<vmem>> -> memref<1x1x128xi32, #tpu.memory_space<vmem>>
    %dma_wait3A_187 = tpu.memref_squeeze %dma_wait3A_186 : memref<1x1x128xi32, #tpu.memory_space<vmem>> -> memref<1x128xi32, #tpu.memory_space<vmem>>
    %dma_wait3A_188 = arith.constant 0 : i32
    %dma_wait3A_189 = arith.constant 0 : i32
    %dma_wait3A_190 = tpu.memref_slice %arg3[%add3A_182, %dma_wait3A_188, %dma_wait3A_189] : memref<2592x1x128xi32, #tpu.memory_space<hbm>> -> memref<1x1x128xi32, #tpu.memory_space<hbm>>
    %dma_wait3A_191 = tpu.memref_squeeze %dma_wait3A_190 : memref<1x1x128xi32, #tpu.memory_space<hbm>> -> memref<1x128xi32, #tpu.memory_space<hbm>>
    %dma_wait3A_192 = arith.constant 0 : i32
    %dma_wait3A_193 = arith.constant 0 : i32
    %dma_wait3A_194 = tpu.memref_slice %arg7[%dma_wait3A_183, %dma_wait3A_192, %dma_wait3A_193] : memref<3x1x128xi32, #tpu.memory_space<vmem>> -> memref<1x1x128xi32, #tpu.memory_space<vmem>>
    %dma_wait3A_195 = tpu.memref_squeeze %dma_wait3A_194 : memref<1x1x128xi32, #tpu.memory_space<vmem>> -> memref<1x128xi32, #tpu.memory_space<vmem>>
    %dma_wait3A_196 = arith.constant 0 : i32
    %dma_wait3A_197 = arith.constant 0 : i32
    %dma_wait3A_198 = tpu.memref_slice %arg3[%add3A_182, %dma_wait3A_196, %dma_wait3A_197] : memref<2592x1x128xi32, #tpu.memory_space<hbm>> -> memref<1x1x128xi32, #tpu.memory_space<hbm>>
    %dma_wait3A_199 = tpu.memref_squeeze %dma_wait3A_198 : memref<1x1x128xi32, #tpu.memory_space<hbm>> -> memref<1x128xi32, #tpu.memory_space<hbm>>
    tpu.wait_dma2 semaphore(%arg12 : memref<!tpu.dma_semaphore, #tpu.memory_space<semaphore_mem>>) src(%dma_wait3A_199 : memref<1x128xi32, #tpu.memory_space<hbm>>) dst(%dma_wait3A_195 : memref<1x128xi32, #tpu.memory_space<vmem>>)
    %dma_start3A_200 = arith.constant 2 : i32
    %dma_start3A_201 = arith.constant 0 : i32
    %dma_start3A_202 = arith.constant 2 : i32
    %dma_start3A_203 = arith.constant 0 : i32
    %dma_start3A_204 = arith.constant 0 : i32
    %dma_start3A_205 = tpu.memref_slice %arg9[%dma_start3A_202, %dma_start3A_203, %dma_start3A_204] : memref<3x128x128xf32, #tpu.memory_space<vmem>> -> memref<1x128x128xf32, #tpu.memory_space<vmem>>
    %dma_start3A_206 = tpu.memref_squeeze %dma_start3A_205 : memref<1x128x128xf32, #tpu.memory_space<vmem>> -> memref<128x128xf32, #tpu.memory_space<vmem>>
    %dma_start3A_207 = arith.constant 0 : i32
    %dma_start3A_208 = tpu.memref_slice %arg7[%dma_start3A_200, %dma_start3A_201, %dma_start3A_207] : memref<3x1x128xi32, #tpu.memory_space<vmem>> -> memref<1x1x128xi32, #tpu.memory_space<vmem>>
    %dma_start3A_209 = tpu.memref_squeeze %dma_start3A_208 : memref<1x1x128xi32, #tpu.memory_space<vmem>> -> memref<128xi32, #tpu.memory_space<vmem>>
    %dma_start3A_210 = arith.constant 0 : i32
    %dma_start3A_211 = arith.constant 0 : i32
    %dma_start3A_212 = tpu.memref_slice %arg2[%dma_start3A_210, %dma_start3A_211] : memref<10000x128xf32, #tpu.memory_space<hbm>> -> memref<10000x128xf32, #tpu.memory_space<hbm>>
    tpu.enqueue_indirect_dma source(%dma_start3A_212 : memref<10000x128xf32, #tpu.memory_space<hbm>>) target(%dma_start3A_206 : memref<128x128xf32, #tpu.memory_space<vmem>>) offsets(%dma_start3A_209 : memref<128xi32, #tpu.memory_space<vmem>>) semaphore(%arg18 : memref<!tpu.dma_semaphore, #tpu.memory_space<semaphore_mem>>)
    %scan3A = arith.constant 0 : i32
    %scan3A_213 = arith.constant 0 : i32
    %scan3A_214 = arith.constant 26 : i32
    %scan3A_215 = arith.addi %scan3A_213, %scan3A_214 : i32
    %scan3A_216 = arith.constant 1 : i32
    scf.for %scan3A_397 = %scan3A_213 to %scan3A_215 step %scan3A_216  : i32 {
      %mul3A_398 = arith.constant 3 : i32
      %mul3A_399 = arith.muli %scan3A_397, %mul3A_398 : i32
      %add3A_400 = arith.constant 0 : i32
      %add3A_401 = arith.addi %mul3A_399, %add3A_400 : i32
      %dma_wait3A_402 = arith.constant 0 : i32
      %dma_wait3A_403 = arith.constant 0 : i32
      %dma_wait3A_404 = arith.constant 0 : i32
      %dma_wait3A_405 = arith.constant 0 : i32
      %dma_wait3A_406 = arith.constant 0 : i32
      %dma_wait3A_407 = tpu.memref_slice %arg9[%dma_wait3A_404, %dma_wait3A_405, %dma_wait3A_406] : memref<3x128x128xf32, #tpu.memory_space<vmem>> -> memref<1x128x128xf32, #tpu.memory_space<vmem>>
      %dma_wait3A_408 = tpu.memref_squeeze %dma_wait3A_407 : memref<1x128x128xf32, #tpu.memory_space<vmem>> -> memref<128x128xf32, #tpu.memory_space<vmem>>
      %dma_wait3A_409 = arith.constant 0 : i32
      %dma_wait3A_410 = tpu.memref_slice %arg7[%dma_wait3A_402, %dma_wait3A_403, %dma_wait3A_409] : memref<3x1x128xi32, #tpu.memory_space<vmem>> -> memref<1x1x128xi32, #tpu.memory_space<vmem>>
      %dma_wait3A_411 = tpu.memref_squeeze %dma_wait3A_410 : memref<1x1x128xi32, #tpu.memory_space<vmem>> -> memref<128xi32, #tpu.memory_space<vmem>>
      %dma_wait3A_412 = arith.constant 0 : i32
      %dma_wait3A_413 = arith.constant 0 : i32
      %dma_wait3A_414 = tpu.memref_slice %arg2[%dma_wait3A_412, %dma_wait3A_413] : memref<10000x128xf32, #tpu.memory_space<hbm>> -> memref<10000x128xf32, #tpu.memory_space<hbm>>
      tpu.wait_indirect_dma semaphore(%arg16 : memref<!tpu.dma_semaphore, #tpu.memory_space<semaphore_mem>>) src(%dma_wait3A_414 : memref<10000x128xf32, #tpu.memory_space<hbm>>) dst(%dma_wait3A_408 : memref<128x128xf32, #tpu.memory_space<vmem>>)
      %add3A_415 = arith.constant 3 : i32
      %add3A_416 = arith.addi %mul3A_399, %add3A_415 : i32
      %add3A_417 = arith.constant 0 : i32
      %add3A_418 = arith.addi %add3A_416, %add3A_417 : i32
      %add3A_419 = arith.addi %mul3A_2, %add3A_418 : i32
      %dma_start3A_420 = arith.constant 0 : i32
      %dma_start3A_421 = arith.constant 0 : i32
      %dma_start3A_422 = arith.constant 0 : i32
      %dma_start3A_423 = tpu.memref_slice %arg7[%dma_start3A_420, %dma_start3A_421, %dma_start3A_422] : memref<3x1x128xi32, #tpu.memory_space<vmem>> -> memref<1x1x128xi32, #tpu.memory_space<vmem>>
      %dma_start3A_424 = tpu.memref_squeeze %dma_start3A_423 : memref<1x1x128xi32, #tpu.memory_space<vmem>> -> memref<1x128xi32, #tpu.memory_space<vmem>>
      %dma_start3A_425 = arith.constant 0 : i32
      %dma_start3A_426 = arith.constant 0 : i32
      %dma_start3A_427 = tpu.memref_slice %arg3[%add3A_419, %dma_start3A_425, %dma_start3A_426] : memref<2592x1x128xi32, #tpu.memory_space<hbm>> -> memref<1x1x128xi32, #tpu.memory_space<hbm>>
      %dma_start3A_428 = tpu.memref_squeeze %dma_start3A_427 : memref<1x1x128xi32, #tpu.memory_space<hbm>> -> memref<1x128xi32, #tpu.memory_space<hbm>>
      %dma_start3A_429 = arith.constant 0 : i32
      %dma_start3A_430 = arith.constant 0 : i32
      %dma_start3A_431 = tpu.memref_slice %arg7[%dma_start3A_420, %dma_start3A_429, %dma_start3A_430] : memref<3x1x128xi32, #tpu.memory_space<vmem>> -> memref<1x1x128xi32, #tpu.memory_space<vmem>>
      %dma_start3A_432 = tpu.memref_squeeze %dma_start3A_431 : memref<1x1x128xi32, #tpu.memory_space<vmem>> -> memref<1x128xi32, #tpu.memory_space<vmem>>
      %dma_start3A_433 = arith.constant 0 : i32
      %dma_start3A_434 = arith.constant 0 : i32
      %dma_start3A_435 = tpu.memref_slice %arg3[%add3A_419, %dma_start3A_433, %dma_start3A_434] : memref<2592x1x128xi32, #tpu.memory_space<hbm>> -> memref<1x1x128xi32, #tpu.memory_space<hbm>>
      %dma_start3A_436 = tpu.memref_squeeze %dma_start3A_435 : memref<1x1x128xi32, #tpu.memory_space<hbm>> -> memref<1x128xi32, #tpu.memory_space<hbm>>
      tpu.enqueue_dma source(%dma_start3A_436 : memref<1x128xi32, #tpu.memory_space<hbm>>) target(%dma_start3A_432 : memref<1x128xi32, #tpu.memory_space<vmem>>) target_semaphore(%arg10 : memref<!tpu.dma_semaphore, #tpu.memory_space<semaphore_mem>>)
      %add3A_437 = arith.constant 0 : i32
      %add3A_438 = arith.addi %mul3A_399, %add3A_437 : i32
      %add3A_439 = arith.addi %mul3A_2, %add3A_438 : i32
      %dma_wait3A_440 = arith.constant 0 : i32
      %dma_wait3A_441 = arith.constant 0 : i32
      %dma_wait3A_442 = arith.constant 0 : i32
      %dma_wait3A_443 = tpu.memref_slice %arg8[%dma_wait3A_440, %dma_wait3A_441, %dma_wait3A_442] : memref<3x1x128xi32, #tpu.memory_space<vmem>> -> memref<1x1x128xi32, #tpu.memory_space<vmem>>
      %dma_wait3A_444 = tpu.memref_squeeze %dma_wait3A_443 : memref<1x1x128xi32, #tpu.memory_space<vmem>> -> memref<1x128xi32, #tpu.memory_space<vmem>>
      %dma_wait3A_445 = arith.constant 0 : i32
      %dma_wait3A_446 = arith.constant 0 : i32
      %dma_wait3A_447 = tpu.memref_slice %arg4[%add3A_439, %dma_wait3A_445, %dma_wait3A_446] : memref<2592x1x128xi32, #tpu.memory_space<hbm>> -> memref<1x1x128xi32, #tpu.memory_space<hbm>>
      %dma_wait3A_448 = tpu.memref_squeeze %dma_wait3A_447 : memref<1x1x128xi32, #tpu.memory_space<hbm>> -> memref<1x128xi32, #tpu.memory_space<hbm>>
      %dma_wait3A_449 = arith.constant 0 : i32
      %dma_wait3A_450 = arith.constant 0 : i32
      %dma_wait3A_451 = tpu.memref_slice %arg8[%dma_wait3A_440, %dma_wait3A_449, %dma_wait3A_450] : memref<3x1x128xi32, #tpu.memory_space<vmem>> -> memref<1x1x128xi32, #tpu.memory_space<vmem>>
      %dma_wait3A_452 = tpu.memref_squeeze %dma_wait3A_451 : memref<1x1x128xi32, #tpu.memory_space<vmem>> -> memref<1x128xi32, #tpu.memory_space<vmem>>
      %dma_wait3A_453 = arith.constant 0 : i32
      %dma_wait3A_454 = arith.constant 0 : i32
      %dma_wait3A_455 = tpu.memref_slice %arg4[%add3A_439, %dma_wait3A_453, %dma_wait3A_454] : memref<2592x1x128xi32, #tpu.memory_space<hbm>> -> memref<1x1x128xi32, #tpu.memory_space<hbm>>
      %dma_wait3A_456 = tpu.memref_squeeze %dma_wait3A_455 : memref<1x1x128xi32, #tpu.memory_space<hbm>> -> memref<1x128xi32, #tpu.memory_space<hbm>>
      tpu.wait_dma2 semaphore(%arg13 : memref<!tpu.dma_semaphore, #tpu.memory_space<semaphore_mem>>) src(%dma_wait3A_456 : memref<1x128xi32, #tpu.memory_space<hbm>>) dst(%dma_wait3A_452 : memref<1x128xi32, #tpu.memory_space<vmem>>)
      %add3A_457 = arith.constant 0 : i32
      %add3A_458 = arith.addi %mul3A_399, %add3A_457 : i32
      %dma_start3A_459 = arith.constant 0 : i32
      %dma_start3A_460 = arith.constant 0 : i32
      %dma_start3A_461 = arith.constant 0 : i32
      %dma_start3A_462 = arith.constant 0 : i32
      %dma_start3A_463 = arith.constant 0 : i32
      %dma_start3A_464 = tpu.memref_slice %arg9[%dma_start3A_459, %dma_start3A_462, %dma_start3A_463] : memref<3x128x128xf32, #tpu.memory_space<vmem>> -> memref<1x128x128xf32, #tpu.memory_space<vmem>>
      %dma_start3A_465 = tpu.memref_squeeze %dma_start3A_464 : memref<1x128x128xf32, #tpu.memory_space<vmem>> -> memref<128x128xf32, #tpu.memory_space<vmem>>
      %dma_start3A_466 = arith.constant 0 : i32
      %dma_start3A_467 = tpu.memref_slice %arg8[%dma_start3A_460, %dma_start3A_461, %dma_start3A_466] : memref<3x1x128xi32, #tpu.memory_space<vmem>> -> memref<1x1x128xi32, #tpu.memory_space<vmem>>
      %dma_start3A_468 = tpu.memref_squeeze %dma_start3A_467 : memref<1x1x128xi32, #tpu.memory_space<vmem>> -> memref<128xi32, #tpu.memory_space<vmem>>
      %dma_start3A_469 = arith.constant 0 : i32
      %dma_start3A_470 = arith.constant 0 : i32
      %dma_start3A_471 = tpu.memref_slice %arg22[%dma_start3A_469, %dma_start3A_470] : memref<10112x128xf32, #tpu.memory_space<vmem_shared>> -> memref<10112x128xf32, #tpu.memory_space<vmem_shared>>
      tpu.enqueue_indirect_dma source(%dma_start3A_465 : memref<128x128xf32, #tpu.memory_space<vmem>>) target(%dma_start3A_471 : memref<10112x128xf32, #tpu.memory_space<vmem_shared>>) offsets(%dma_start3A_468 : memref<128xi32, #tpu.memory_space<vmem>>) semaphore(%arg19 : memref<!tpu.dma_semaphore, #tpu.memory_space<semaphore_mem>>) {add = true}
      %add3A_472 = arith.constant 1 : i32
      %add3A_473 = arith.addi %mul3A_399, %add3A_472 : i32
      %dma_wait3A_474 = arith.constant 1 : i32
      %dma_wait3A_475 = arith.constant 0 : i32
      %dma_wait3A_476 = arith.constant 1 : i32
      %dma_wait3A_477 = arith.constant 0 : i32
      %dma_wait3A_478 = arith.constant 0 : i32
      %dma_wait3A_479 = tpu.memref_slice %arg9[%dma_wait3A_476, %dma_wait3A_477, %dma_wait3A_478] : memref<3x128x128xf32, #tpu.memory_space<vmem>> -> memref<1x128x128xf32, #tpu.memory_space<vmem>>
      %dma_wait3A_480 = tpu.memref_squeeze %dma_wait3A_479 : memref<1x128x128xf32, #tpu.memory_space<vmem>> -> memref<128x128xf32, #tpu.memory_space<vmem>>
      %dma_wait3A_481 = arith.constant 0 : i32
      %dma_wait3A_482 = tpu.memref_slice %arg7[%dma_wait3A_474, %dma_wait3A_475, %dma_wait3A_481] : memref<3x1x128xi32, #tpu.memory_space<vmem>> -> memref<1x1x128xi32, #tpu.memory_space<vmem>>
      %dma_wait3A_483 = tpu.memref_squeeze %dma_wait3A_482 : memref<1x1x128xi32, #tpu.memory_space<vmem>> -> memref<128xi32, #tpu.memory_space<vmem>>
      %dma_wait3A_484 = arith.constant 0 : i32
      %dma_wait3A_485 = arith.constant 0 : i32
      %dma_wait3A_486 = tpu.memref_slice %arg2[%dma_wait3A_484, %dma_wait3A_485] : memref<10000x128xf32, #tpu.memory_space<hbm>> -> memref<10000x128xf32, #tpu.memory_space<hbm>>
      tpu.wait_indirect_dma semaphore(%arg17 : memref<!tpu.dma_semaphore, #tpu.memory_space<semaphore_mem>>) src(%dma_wait3A_486 : memref<10000x128xf32, #tpu.memory_space<hbm>>) dst(%dma_wait3A_480 : memref<128x128xf32, #tpu.memory_space<vmem>>)
      %add3A_487 = arith.constant 3 : i32
      %add3A_488 = arith.addi %mul3A_399, %add3A_487 : i32
      %add3A_489 = arith.constant 1 : i32
      %add3A_490 = arith.addi %add3A_488, %add3A_489 : i32
      %add3A_491 = arith.addi %mul3A_2, %add3A_490 : i32
      %dma_start3A_492 = arith.constant 1 : i32
      %dma_start3A_493 = arith.constant 0 : i32
      %dma_start3A_494 = arith.constant 0 : i32
      %dma_start3A_495 = tpu.memref_slice %arg7[%dma_start3A_492, %dma_start3A_493, %dma_start3A_494] : memref<3x1x128xi32, #tpu.memory_space<vmem>> -> memref<1x1x128xi32, #tpu.memory_space<vmem>>
      %dma_start3A_496 = tpu.memref_squeeze %dma_start3A_495 : memref<1x1x128xi32, #tpu.memory_space<vmem>> -> memref<1x128xi32, #tpu.memory_space<vmem>>
      %dma_start3A_497 = arith.constant 0 : i32
      %dma_start3A_498 = arith.constant 0 : i32
      %dma_start3A_499 = tpu.memref_slice %arg3[%add3A_491, %dma_start3A_497, %dma_start3A_498] : memref<2592x1x128xi32, #tpu.memory_space<hbm>> -> memref<1x1x128xi32, #tpu.memory_space<hbm>>
      %dma_start3A_500 = tpu.memref_squeeze %dma_start3A_499 : memref<1x1x128xi32, #tpu.memory_space<hbm>> -> memref<1x128xi32, #tpu.memory_space<hbm>>
      %dma_start3A_501 = arith.constant 0 : i32
      %dma_start3A_502 = arith.constant 0 : i32
      %dma_start3A_503 = tpu.memref_slice %arg7[%dma_start3A_492, %dma_start3A_501, %dma_start3A_502] : memref<3x1x128xi32, #tpu.memory_space<vmem>> -> memref<1x1x128xi32, #tpu.memory_space<vmem>>
      %dma_start3A_504 = tpu.memref_squeeze %dma_start3A_503 : memref<1x1x128xi32, #tpu.memory_space<vmem>> -> memref<1x128xi32, #tpu.memory_space<vmem>>
      %dma_start3A_505 = arith.constant 0 : i32
      %dma_start3A_506 = arith.constant 0 : i32
      %dma_start3A_507 = tpu.memref_slice %arg3[%add3A_491, %dma_start3A_505, %dma_start3A_506] : memref<2592x1x128xi32, #tpu.memory_space<hbm>> -> memref<1x1x128xi32, #tpu.memory_space<hbm>>
      %dma_start3A_508 = tpu.memref_squeeze %dma_start3A_507 : memref<1x1x128xi32, #tpu.memory_space<hbm>> -> memref<1x128xi32, #tpu.memory_space<hbm>>
      tpu.enqueue_dma source(%dma_start3A_508 : memref<1x128xi32, #tpu.memory_space<hbm>>) target(%dma_start3A_504 : memref<1x128xi32, #tpu.memory_space<vmem>>) target_semaphore(%arg11 : memref<!tpu.dma_semaphore, #tpu.memory_space<semaphore_mem>>)
      %add3A_509 = arith.constant 1 : i32
      %add3A_510 = arith.addi %mul3A_399, %add3A_509 : i32
      %add3A_511 = arith.addi %mul3A_2, %add3A_510 : i32
      %dma_wait3A_512 = arith.constant 1 : i32
      %dma_wait3A_513 = arith.constant 0 : i32
      %dma_wait3A_514 = arith.constant 0 : i32
      %dma_wait3A_515 = tpu.memref_slice %arg8[%dma_wait3A_512, %dma_wait3A_513, %dma_wait3A_514] : memref<3x1x128xi32, #tpu.memory_space<vmem>> -> memref<1x1x128xi32, #tpu.memory_space<vmem>>
      %dma_wait3A_516 = tpu.memref_squeeze %dma_wait3A_515 : memref<1x1x128xi32, #tpu.memory_space<vmem>> -> memref<1x128xi32, #tpu.memory_space<vmem>>
      %dma_wait3A_517 = arith.constant 0 : i32
      %dma_wait3A_518 = arith.constant 0 : i32
      %dma_wait3A_519 = tpu.memref_slice %arg4[%add3A_511, %dma_wait3A_517, %dma_wait3A_518] : memref<2592x1x128xi32, #tpu.memory_space<hbm>> -> memref<1x1x128xi32, #tpu.memory_space<hbm>>
      %dma_wait3A_520 = tpu.memref_squeeze %dma_wait3A_519 : memref<1x1x128xi32, #tpu.memory_space<hbm>> -> memref<1x128xi32, #tpu.memory_space<hbm>>
      %dma_wait3A_521 = arith.constant 0 : i32
      %dma_wait3A_522 = arith.constant 0 : i32
      %dma_wait3A_523 = tpu.memref_slice %arg8[%dma_wait3A_512, %dma_wait3A_521, %dma_wait3A_522] : memref<3x1x128xi32, #tpu.memory_space<vmem>> -> memref<1x1x128xi32, #tpu.memory_space<vmem>>
      %dma_wait3A_524 = tpu.memref_squeeze %dma_wait3A_523 : memref<1x1x128xi32, #tpu.memory_space<vmem>> -> memref<1x128xi32, #tpu.memory_space<vmem>>
      %dma_wait3A_525 = arith.constant 0 : i32
      %dma_wait3A_526 = arith.constant 0 : i32
      %dma_wait3A_527 = tpu.memref_slice %arg4[%add3A_511, %dma_wait3A_525, %dma_wait3A_526] : memref<2592x1x128xi32, #tpu.memory_space<hbm>> -> memref<1x1x128xi32, #tpu.memory_space<hbm>>
      %dma_wait3A_528 = tpu.memref_squeeze %dma_wait3A_527 : memref<1x1x128xi32, #tpu.memory_space<hbm>> -> memref<1x128xi32, #tpu.memory_space<hbm>>
      tpu.wait_dma2 semaphore(%arg14 : memref<!tpu.dma_semaphore, #tpu.memory_space<semaphore_mem>>) src(%dma_wait3A_528 : memref<1x128xi32, #tpu.memory_space<hbm>>) dst(%dma_wait3A_524 : memref<1x128xi32, #tpu.memory_space<vmem>>)
      %add3A_529 = arith.constant 1 : i32
      %add3A_530 = arith.addi %mul3A_399, %add3A_529 : i32
      %dma_start3A_531 = arith.constant 1 : i32
      %dma_start3A_532 = arith.constant 1 : i32
      %dma_start3A_533 = arith.constant 0 : i32
      %dma_start3A_534 = arith.constant 0 : i32
      %dma_start3A_535 = arith.constant 0 : i32
      %dma_start3A_536 = tpu.memref_slice %arg9[%dma_start3A_531, %dma_start3A_534, %dma_start3A_535] : memref<3x128x128xf32, #tpu.memory_space<vmem>> -> memref<1x128x128xf32, #tpu.memory_space<vmem>>
      %dma_start3A_537 = tpu.memref_squeeze %dma_start3A_536 : memref<1x128x128xf32, #tpu.memory_space<vmem>> -> memref<128x128xf32, #tpu.memory_space<vmem>>
      %dma_start3A_538 = arith.constant 0 : i32
      %dma_start3A_539 = tpu.memref_slice %arg8[%dma_start3A_532, %dma_start3A_533, %dma_start3A_538] : memref<3x1x128xi32, #tpu.memory_space<vmem>> -> memref<1x1x128xi32, #tpu.memory_space<vmem>>
      %dma_start3A_540 = tpu.memref_squeeze %dma_start3A_539 : memref<1x1x128xi32, #tpu.memory_space<vmem>> -> memref<128xi32, #tpu.memory_space<vmem>>
      %dma_start3A_541 = arith.constant 0 : i32
      %dma_start3A_542 = arith.constant 0 : i32
      %dma_start3A_543 = tpu.memref_slice %arg22[%dma_start3A_541, %dma_start3A_542] : memref<10112x128xf32, #tpu.memory_space<vmem_shared>> -> memref<10112x128xf32, #tpu.memory_space<vmem_shared>>
      tpu.enqueue_indirect_dma source(%dma_start3A_537 : memref<128x128xf32, #tpu.memory_space<vmem>>) target(%dma_start3A_543 : memref<10112x128xf32, #tpu.memory_space<vmem_shared>>) offsets(%dma_start3A_540 : memref<128xi32, #tpu.memory_space<vmem>>) semaphore(%arg20 : memref<!tpu.dma_semaphore, #tpu.memory_space<semaphore_mem>>) {add = true}
      %add3A_544 = arith.constant 2 : i32
      %add3A_545 = arith.addi %mul3A_399, %add3A_544 : i32
      %dma_wait3A_546 = arith.constant 2 : i32
      %dma_wait3A_547 = arith.constant 0 : i32
      %dma_wait3A_548 = arith.constant 2 : i32
      %dma_wait3A_549 = arith.constant 0 : i32
      %dma_wait3A_550 = arith.constant 0 : i32
      %dma_wait3A_551 = tpu.memref_slice %arg9[%dma_wait3A_548, %dma_wait3A_549, %dma_wait3A_550] : memref<3x128x128xf32, #tpu.memory_space<vmem>> -> memref<1x128x128xf32, #tpu.memory_space<vmem>>
      %dma_wait3A_552 = tpu.memref_squeeze %dma_wait3A_551 : memref<1x128x128xf32, #tpu.memory_space<vmem>> -> memref<128x128xf32, #tpu.memory_space<vmem>>
      %dma_wait3A_553 = arith.constant 0 : i32
      %dma_wait3A_554 = tpu.memref_slice %arg7[%dma_wait3A_546, %dma_wait3A_547, %dma_wait3A_553] : memref<3x1x128xi32, #tpu.memory_space<vmem>> -> memref<1x1x128xi32, #tpu.memory_space<vmem>>
      %dma_wait3A_555 = tpu.memref_squeeze %dma_wait3A_554 : memref<1x1x128xi32, #tpu.memory_space<vmem>> -> memref<128xi32, #tpu.memory_space<vmem>>
      %dma_wait3A_556 = arith.constant 0 : i32
      %dma_wait3A_557 = arith.constant 0 : i32
      %dma_wait3A_558 = tpu.memref_slice %arg2[%dma_wait3A_556, %dma_wait3A_557] : memref<10000x128xf32, #tpu.memory_space<hbm>> -> memref<10000x128xf32, #tpu.memory_space<hbm>>
      tpu.wait_indirect_dma semaphore(%arg18 : memref<!tpu.dma_semaphore, #tpu.memory_space<semaphore_mem>>) src(%dma_wait3A_558 : memref<10000x128xf32, #tpu.memory_space<hbm>>) dst(%dma_wait3A_552 : memref<128x128xf32, #tpu.memory_space<vmem>>)
      %add3A_559 = arith.constant 3 : i32
      %add3A_560 = arith.addi %mul3A_399, %add3A_559 : i32
      %add3A_561 = arith.constant 2 : i32
      %add3A_562 = arith.addi %add3A_560, %add3A_561 : i32
      %add3A_563 = arith.addi %mul3A_2, %add3A_562 : i32
      %dma_start3A_564 = arith.constant 2 : i32
      %dma_start3A_565 = arith.constant 0 : i32
      %dma_start3A_566 = arith.constant 0 : i32
      %dma_start3A_567 = tpu.memref_slice %arg7[%dma_start3A_564, %dma_start3A_565, %dma_start3A_566] : memref<3x1x128xi32, #tpu.memory_space<vmem>> -> memref<1x1x128xi32, #tpu.memory_space<vmem>>
      %dma_start3A_568 = tpu.memref_squeeze %dma_start3A_567 : memref<1x1x128xi32, #tpu.memory_space<vmem>> -> memref<1x128xi32, #tpu.memory_space<vmem>>
      %dma_start3A_569 = arith.constant 0 : i32
      %dma_start3A_570 = arith.constant 0 : i32
      %dma_start3A_571 = tpu.memref_slice %arg3[%add3A_563, %dma_start3A_569, %dma_start3A_570] : memref<2592x1x128xi32, #tpu.memory_space<hbm>> -> memref<1x1x128xi32, #tpu.memory_space<hbm>>
      %dma_start3A_572 = tpu.memref_squeeze %dma_start3A_571 : memref<1x1x128xi32, #tpu.memory_space<hbm>> -> memref<1x128xi32, #tpu.memory_space<hbm>>
      %dma_start3A_573 = arith.constant 0 : i32
      %dma_start3A_574 = arith.constant 0 : i32
      %dma_start3A_575 = tpu.memref_slice %arg7[%dma_start3A_564, %dma_start3A_573, %dma_start3A_574] : memref<3x1x128xi32, #tpu.memory_space<vmem>> -> memref<1x1x128xi32, #tpu.memory_space<vmem>>
      %dma_start3A_576 = tpu.memref_squeeze %dma_start3A_575 : memref<1x1x128xi32, #tpu.memory_space<vmem>> -> memref<1x128xi32, #tpu.memory_space<vmem>>
      %dma_start3A_577 = arith.constant 0 : i32
      %dma_start3A_578 = arith.constant 0 : i32
      %dma_start3A_579 = tpu.memref_slice %arg3[%add3A_563, %dma_start3A_577, %dma_start3A_578] : memref<2592x1x128xi32, #tpu.memory_space<hbm>> -> memref<1x1x128xi32, #tpu.memory_space<hbm>>
      %dma_start3A_580 = tpu.memref_squeeze %dma_start3A_579 : memref<1x1x128xi32, #tpu.memory_space<hbm>> -> memref<1x128xi32, #tpu.memory_space<hbm>>
      tpu.enqueue_dma source(%dma_start3A_580 : memref<1x128xi32, #tpu.memory_space<hbm>>) target(%dma_start3A_576 : memref<1x128xi32, #tpu.memory_space<vmem>>) target_semaphore(%arg12 : memref<!tpu.dma_semaphore, #tpu.memory_space<semaphore_mem>>)
      %add3A_581 = arith.constant 2 : i32
      %add3A_582 = arith.addi %mul3A_399, %add3A_581 : i32
      %add3A_583 = arith.addi %mul3A_2, %add3A_582 : i32
      %dma_wait3A_584 = arith.constant 2 : i32
      %dma_wait3A_585 = arith.constant 0 : i32
      %dma_wait3A_586 = arith.constant 0 : i32
      %dma_wait3A_587 = tpu.memref_slice %arg8[%dma_wait3A_584, %dma_wait3A_585, %dma_wait3A_586] : memref<3x1x128xi32, #tpu.memory_space<vmem>> -> memref<1x1x128xi32, #tpu.memory_space<vmem>>
      %dma_wait3A_588 = tpu.memref_squeeze %dma_wait3A_587 : memref<1x1x128xi32, #tpu.memory_space<vmem>> -> memref<1x128xi32, #tpu.memory_space<vmem>>
      %dma_wait3A_589 = arith.constant 0 : i32
      %dma_wait3A_590 = arith.constant 0 : i32
      %dma_wait3A_591 = tpu.memref_slice %arg4[%add3A_583, %dma_wait3A_589, %dma_wait3A_590] : memref<2592x1x128xi32, #tpu.memory_space<hbm>> -> memref<1x1x128xi32, #tpu.memory_space<hbm>>
      %dma_wait3A_592 = tpu.memref_squeeze %dma_wait3A_591 : memref<1x1x128xi32, #tpu.memory_space<hbm>> -> memref<1x128xi32, #tpu.memory_space<hbm>>
      %dma_wait3A_593 = arith.constant 0 : i32
      %dma_wait3A_594 = arith.constant 0 : i32
      %dma_wait3A_595 = tpu.memref_slice %arg8[%dma_wait3A_584, %dma_wait3A_593, %dma_wait3A_594] : memref<3x1x128xi32, #tpu.memory_space<vmem>> -> memref<1x1x128xi32, #tpu.memory_space<vmem>>
      %dma_wait3A_596 = tpu.memref_squeeze %dma_wait3A_595 : memref<1x1x128xi32, #tpu.memory_space<vmem>> -> memref<1x128xi32, #tpu.memory_space<vmem>>
      %dma_wait3A_597 = arith.constant 0 : i32
      %dma_wait3A_598 = arith.constant 0 : i32
      %dma_wait3A_599 = tpu.memref_slice %arg4[%add3A_583, %dma_wait3A_597, %dma_wait3A_598] : memref<2592x1x128xi32, #tpu.memory_space<hbm>> -> memref<1x1x128xi32, #tpu.memory_space<hbm>>
      %dma_wait3A_600 = tpu.memref_squeeze %dma_wait3A_599 : memref<1x1x128xi32, #tpu.memory_space<hbm>> -> memref<1x128xi32, #tpu.memory_space<hbm>>
      tpu.wait_dma2 semaphore(%arg15 : memref<!tpu.dma_semaphore, #tpu.memory_space<semaphore_mem>>) src(%dma_wait3A_600 : memref<1x128xi32, #tpu.memory_space<hbm>>) dst(%dma_wait3A_596 : memref<1x128xi32, #tpu.memory_space<vmem>>)
      %add3A_601 = arith.constant 2 : i32
      %add3A_602 = arith.addi %mul3A_399, %add3A_601 : i32
      %dma_start3A_603 = arith.constant 2 : i32
      %dma_start3A_604 = arith.constant 2 : i32
      %dma_start3A_605 = arith.constant 0 : i32
      %dma_start3A_606 = arith.constant 0 : i32
      %dma_start3A_607 = arith.constant 0 : i32
      %dma_start3A_608 = tpu.memref_slice %arg9[%dma_start3A_603, %dma_start3A_606, %dma_start3A_607] : memref<3x128x128xf32, #tpu.memory_space<vmem>> -> memref<1x128x128xf32, #tpu.memory_space<vmem>>
      %dma_start3A_609 = tpu.memref_squeeze %dma_start3A_608 : memref<1x128x128xf32, #tpu.memory_space<vmem>> -> memref<128x128xf32, #tpu.memory_space<vmem>>
      %dma_start3A_610 = arith.constant 0 : i32
      %dma_start3A_611 = tpu.memref_slice %arg8[%dma_start3A_604, %dma_start3A_605, %dma_start3A_610] : memref<3x1x128xi32, #tpu.memory_space<vmem>> -> memref<1x1x128xi32, #tpu.memory_space<vmem>>
      %dma_start3A_612 = tpu.memref_squeeze %dma_start3A_611 : memref<1x1x128xi32, #tpu.memory_space<vmem>> -> memref<128xi32, #tpu.memory_space<vmem>>
      %dma_start3A_613 = arith.constant 0 : i32
      %dma_start3A_614 = arith.constant 0 : i32
      %dma_start3A_615 = tpu.memref_slice %arg22[%dma_start3A_613, %dma_start3A_614] : memref<10112x128xf32, #tpu.memory_space<vmem_shared>> -> memref<10112x128xf32, #tpu.memory_space<vmem_shared>>
      tpu.enqueue_indirect_dma source(%dma_start3A_609 : memref<128x128xf32, #tpu.memory_space<vmem>>) target(%dma_start3A_615 : memref<10112x128xf32, #tpu.memory_space<vmem_shared>>) offsets(%dma_start3A_612 : memref<128xi32, #tpu.memory_space<vmem>>) semaphore(%arg21 : memref<!tpu.dma_semaphore, #tpu.memory_space<semaphore_mem>>) {add = true}
      %dma_wait3A_616 = arith.constant 0 : i32
      %dma_wait3A_617 = arith.constant 0 : i32
      %dma_wait3A_618 = arith.constant 0 : i32
      %dma_wait3A_619 = arith.constant 0 : i32
      %dma_wait3A_620 = arith.constant 0 : i32
      %dma_wait3A_621 = tpu.memref_slice %arg9[%dma_wait3A_616, %dma_wait3A_619, %dma_wait3A_620] : memref<3x128x128xf32, #tpu.memory_space<vmem>> -> memref<1x128x128xf32, #tpu.memory_space<vmem>>
      %dma_wait3A_622 = tpu.memref_squeeze %dma_wait3A_621 : memref<1x128x128xf32, #tpu.memory_space<vmem>> -> memref<128x128xf32, #tpu.memory_space<vmem>>
      %dma_wait3A_623 = arith.constant 0 : i32
      %dma_wait3A_624 = tpu.memref_slice %arg8[%dma_wait3A_617, %dma_wait3A_618, %dma_wait3A_623] : memref<3x1x128xi32, #tpu.memory_space<vmem>> -> memref<1x1x128xi32, #tpu.memory_space<vmem>>
      %dma_wait3A_625 = tpu.memref_squeeze %dma_wait3A_624 : memref<1x1x128xi32, #tpu.memory_space<vmem>> -> memref<128xi32, #tpu.memory_space<vmem>>
      %dma_wait3A_626 = arith.constant 0 : i32
      %dma_wait3A_627 = arith.constant 0 : i32
      %dma_wait3A_628 = tpu.memref_slice %arg22[%dma_wait3A_626, %dma_wait3A_627] : memref<10112x128xf32, #tpu.memory_space<vmem_shared>> -> memref<10112x128xf32, #tpu.memory_space<vmem_shared>>
      tpu.wait_indirect_dma semaphore(%arg19 : memref<!tpu.dma_semaphore, #tpu.memory_space<semaphore_mem>>) src(%dma_wait3A_622 : memref<128x128xf32, #tpu.memory_space<vmem>>) dst(%dma_wait3A_628 : memref<10112x128xf32, #tpu.memory_space<vmem_shared>>)
      %add3A_629 = arith.constant 3 : i32
      %add3A_630 = arith.addi %mul3A_399, %add3A_629 : i32
      %add3A_631 = arith.constant 0 : i32
      %add3A_632 = arith.addi %add3A_630, %add3A_631 : i32
      %add3A_633 = arith.addi %mul3A_2, %add3A_632 : i32
      %dma_start3A_634 = arith.constant 0 : i32
      %dma_start3A_635 = arith.constant 0 : i32
      %dma_start3A_636 = arith.constant 0 : i32
      %dma_start3A_637 = tpu.memref_slice %arg8[%dma_start3A_634, %dma_start3A_635, %dma_start3A_636] : memref<3x1x128xi32, #tpu.memory_space<vmem>> -> memref<1x1x128xi32, #tpu.memory_space<vmem>>
      %dma_start3A_638 = tpu.memref_squeeze %dma_start3A_637 : memref<1x1x128xi32, #tpu.memory_space<vmem>> -> memref<1x128xi32, #tpu.memory_space<vmem>>
      %dma_start3A_639 = arith.constant 0 : i32
      %dma_start3A_640 = arith.constant 0 : i32
      %dma_start3A_641 = tpu.memref_slice %arg4[%add3A_633, %dma_start3A_639, %dma_start3A_640] : memref<2592x1x128xi32, #tpu.memory_space<hbm>> -> memref<1x1x128xi32, #tpu.memory_space<hbm>>
      %dma_start3A_642 = tpu.memref_squeeze %dma_start3A_641 : memref<1x1x128xi32, #tpu.memory_space<hbm>> -> memref<1x128xi32, #tpu.memory_space<hbm>>
      %dma_start3A_643 = arith.constant 0 : i32
      %dma_start3A_644 = arith.constant 0 : i32
      %dma_start3A_645 = tpu.memref_slice %arg8[%dma_start3A_634, %dma_start3A_643, %dma_start3A_644] : memref<3x1x128xi32, #tpu.memory_space<vmem>> -> memref<1x1x128xi32, #tpu.memory_space<vmem>>
      %dma_start3A_646 = tpu.memref_squeeze %dma_start3A_645 : memref<1x1x128xi32, #tpu.memory_space<vmem>> -> memref<1x128xi32, #tpu.memory_space<vmem>>
      %dma_start3A_647 = arith.constant 0 : i32
      %dma_start3A_648 = arith.constant 0 : i32
      %dma_start3A_649 = tpu.memref_slice %arg4[%add3A_633, %dma_start3A_647, %dma_start3A_648] : memref<2592x1x128xi32, #tpu.memory_space<hbm>> -> memref<1x1x128xi32, #tpu.memory_space<hbm>>
      %dma_start3A_650 = tpu.memref_squeeze %dma_start3A_649 : memref<1x1x128xi32, #tpu.memory_space<hbm>> -> memref<1x128xi32, #tpu.memory_space<hbm>>
      tpu.enqueue_dma source(%dma_start3A_650 : memref<1x128xi32, #tpu.memory_space<hbm>>) target(%dma_start3A_646 : memref<1x128xi32, #tpu.memory_space<vmem>>) target_semaphore(%arg13 : memref<!tpu.dma_semaphore, #tpu.memory_space<semaphore_mem>>)
      %add3A_651 = arith.constant 3 : i32
      %add3A_652 = arith.addi %mul3A_399, %add3A_651 : i32
      %add3A_653 = arith.constant 0 : i32
      %add3A_654 = arith.addi %add3A_652, %add3A_653 : i32
      %add3A_655 = arith.addi %mul3A_2, %add3A_654 : i32
      %dma_wait3A_656 = arith.constant 0 : i32
      %dma_wait3A_657 = arith.constant 0 : i32
      %dma_wait3A_658 = arith.constant 0 : i32
      %dma_wait3A_659 = tpu.memref_slice %arg7[%dma_wait3A_656, %dma_wait3A_657, %dma_wait3A_658] : memref<3x1x128xi32, #tpu.memory_space<vmem>> -> memref<1x1x128xi32, #tpu.memory_space<vmem>>
      %dma_wait3A_660 = tpu.memref_squeeze %dma_wait3A_659 : memref<1x1x128xi32, #tpu.memory_space<vmem>> -> memref<1x128xi32, #tpu.memory_space<vmem>>
      %dma_wait3A_661 = arith.constant 0 : i32
      %dma_wait3A_662 = arith.constant 0 : i32
      %dma_wait3A_663 = tpu.memref_slice %arg3[%add3A_655, %dma_wait3A_661, %dma_wait3A_662] : memref<2592x1x128xi32, #tpu.memory_space<hbm>> -> memref<1x1x128xi32, #tpu.memory_space<hbm>>
      %dma_wait3A_664 = tpu.memref_squeeze %dma_wait3A_663 : memref<1x1x128xi32, #tpu.memory_space<hbm>> -> memref<1x128xi32, #tpu.memory_space<hbm>>
      %dma_wait3A_665 = arith.constant 0 : i32
      %dma_wait3A_666 = arith.constant 0 : i32
      %dma_wait3A_667 = tpu.memref_slice %arg7[%dma_wait3A_656, %dma_wait3A_665, %dma_wait3A_666] : memref<3x1x128xi32, #tpu.memory_space<vmem>> -> memref<1x1x128xi32, #tpu.memory_space<vmem>>
      %dma_wait3A_668 = tpu.memref_squeeze %dma_wait3A_667 : memref<1x1x128xi32, #tpu.memory_space<vmem>> -> memref<1x128xi32, #tpu.memory_space<vmem>>
      %dma_wait3A_669 = arith.constant 0 : i32
      %dma_wait3A_670 = arith.constant 0 : i32
      %dma_wait3A_671 = tpu.memref_slice %arg3[%add3A_655, %dma_wait3A_669, %dma_wait3A_670] : memref<2592x1x128xi32, #tpu.memory_space<hbm>> -> memref<1x1x128xi32, #tpu.memory_space<hbm>>
      %dma_wait3A_672 = tpu.memref_squeeze %dma_wait3A_671 : memref<1x1x128xi32, #tpu.memory_space<hbm>> -> memref<1x128xi32, #tpu.memory_space<hbm>>
      tpu.wait_dma2 semaphore(%arg10 : memref<!tpu.dma_semaphore, #tpu.memory_space<semaphore_mem>>) src(%dma_wait3A_672 : memref<1x128xi32, #tpu.memory_space<hbm>>) dst(%dma_wait3A_668 : memref<1x128xi32, #tpu.memory_space<vmem>>)
      %add3A_673 = arith.constant 3 : i32
      %add3A_674 = arith.addi %mul3A_399, %add3A_673 : i32
      %add3A_675 = arith.constant 0 : i32
      %add3A_676 = arith.addi %add3A_674, %add3A_675 : i32
      %dma_start3A_677 = arith.constant 0 : i32
      %dma_start3A_678 = arith.constant 0 : i32
      %dma_start3A_679 = arith.constant 0 : i32
      %dma_start3A_680 = arith.constant 0 : i32
      %dma_start3A_681 = arith.constant 0 : i32
      %dma_start3A_682 = tpu.memref_slice %arg9[%dma_start3A_679, %dma_start3A_680, %dma_start3A_681] : memref<3x128x128xf32, #tpu.memory_space<vmem>> -> memref<1x128x128xf32, #tpu.memory_space<vmem>>
      %dma_start3A_683 = tpu.memref_squeeze %dma_start3A_682 : memref<1x128x128xf32, #tpu.memory_space<vmem>> -> memref<128x128xf32, #tpu.memory_space<vmem>>
      %dma_start3A_684 = arith.constant 0 : i32
      %dma_start3A_685 = tpu.memref_slice %arg7[%dma_start3A_677, %dma_start3A_678, %dma_start3A_684] : memref<3x1x128xi32, #tpu.memory_space<vmem>> -> memref<1x1x128xi32, #tpu.memory_space<vmem>>
      %dma_start3A_686 = tpu.memref_squeeze %dma_start3A_685 : memref<1x1x128xi32, #tpu.memory_space<vmem>> -> memref<128xi32, #tpu.memory_space<vmem>>
      %dma_start3A_687 = arith.constant 0 : i32
      %dma_start3A_688 = arith.constant 0 : i32
      %dma_start3A_689 = tpu.memref_slice %arg2[%dma_start3A_687, %dma_start3A_688] : memref<10000x128xf32, #tpu.memory_space<hbm>> -> memref<10000x128xf32, #tpu.memory_space<hbm>>
      tpu.enqueue_indirect_dma source(%dma_start3A_689 : memref<10000x128xf32, #tpu.memory_space<hbm>>) target(%dma_start3A_683 : memref<128x128xf32, #tpu.memory_space<vmem>>) offsets(%dma_start3A_686 : memref<128xi32, #tpu.memory_space<vmem>>) semaphore(%arg16 : memref<!tpu.dma_semaphore, #tpu.memory_space<semaphore_mem>>)
      %dma_wait3A_690 = arith.constant 1 : i32
      %dma_wait3A_691 = arith.constant 1 : i32
      %dma_wait3A_692 = arith.constant 0 : i32
      %dma_wait3A_693 = arith.constant 0 : i32
      %dma_wait3A_694 = arith.constant 0 : i32
      %dma_wait3A_695 = tpu.memref_slice %arg9[%dma_wait3A_690, %dma_wait3A_693, %dma_wait3A_694] : memref<3x128x128xf32, #tpu.memory_space<vmem>> -> memref<1x128x128xf32, #tpu.memory_space<vmem>>
      %dma_wait3A_696 = tpu.memref_squeeze %dma_wait3A_695 : memref<1x128x128xf32, #tpu.memory_space<vmem>> -> memref<128x128xf32, #tpu.memory_space<vmem>>
      %dma_wait3A_697 = arith.constant 0 : i32
      %dma_wait3A_698 = tpu.memref_slice %arg8[%dma_wait3A_691, %dma_wait3A_692, %dma_wait3A_697] : memref<3x1x128xi32, #tpu.memory_space<vmem>> -> memref<1x1x128xi32, #tpu.memory_space<vmem>>
      %dma_wait3A_699 = tpu.memref_squeeze %dma_wait3A_698 : memref<1x1x128xi32, #tpu.memory_space<vmem>> -> memref<128xi32, #tpu.memory_space<vmem>>
      %dma_wait3A_700 = arith.constant 0 : i32
      %dma_wait3A_701 = arith.constant 0 : i32
      %dma_wait3A_702 = tpu.memref_slice %arg22[%dma_wait3A_700, %dma_wait3A_701] : memref<10112x128xf32, #tpu.memory_space<vmem_shared>> -> memref<10112x128xf32, #tpu.memory_space<vmem_shared>>
      tpu.wait_indirect_dma semaphore(%arg20 : memref<!tpu.dma_semaphore, #tpu.memory_space<semaphore_mem>>) src(%dma_wait3A_696 : memref<128x128xf32, #tpu.memory_space<vmem>>) dst(%dma_wait3A_702 : memref<10112x128xf32, #tpu.memory_space<vmem_shared>>)
      %add3A_703 = arith.constant 3 : i32
      %add3A_704 = arith.addi %mul3A_399, %add3A_703 : i32
      %add3A_705 = arith.constant 1 : i32
      %add3A_706 = arith.addi %add3A_704, %add3A_705 : i32
      %add3A_707 = arith.addi %mul3A_2, %add3A_706 : i32
      %dma_start3A_708 = arith.constant 1 : i32
      %dma_start3A_709 = arith.constant 0 : i32
      %dma_start3A_710 = arith.constant 0 : i32
      %dma_start3A_711 = tpu.memref_slice %arg8[%dma_start3A_708, %dma_start3A_709, %dma_start3A_710] : memref<3x1x128xi32, #tpu.memory_space<vmem>> -> memref<1x1x128xi32, #tpu.memory_space<vmem>>
      %dma_start3A_712 = tpu.memref_squeeze %dma_start3A_711 : memref<1x1x128xi32, #tpu.memory_space<vmem>> -> memref<1x128xi32, #tpu.memory_space<vmem>>
      %dma_start3A_713 = arith.constant 0 : i32
      %dma_start3A_714 = arith.constant 0 : i32
      %dma_start3A_715 = tpu.memref_slice %arg4[%add3A_707, %dma_start3A_713, %dma_start3A_714] : memref<2592x1x128xi32, #tpu.memory_space<hbm>> -> memref<1x1x128xi32, #tpu.memory_space<hbm>>
      %dma_start3A_716 = tpu.memref_squeeze %dma_start3A_715 : memref<1x1x128xi32, #tpu.memory_space<hbm>> -> memref<1x128xi32, #tpu.memory_space<hbm>>
      %dma_start3A_717 = arith.constant 0 : i32
      %dma_start3A_718 = arith.constant 0 : i32
      %dma_start3A_719 = tpu.memref_slice %arg8[%dma_start3A_708, %dma_start3A_717, %dma_start3A_718] : memref<3x1x128xi32, #tpu.memory_space<vmem>> -> memref<1x1x128xi32, #tpu.memory_space<vmem>>
      %dma_start3A_720 = tpu.memref_squeeze %dma_start3A_719 : memref<1x1x128xi32, #tpu.memory_space<vmem>> -> memref<1x128xi32, #tpu.memory_space<vmem>>
      %dma_start3A_721 = arith.constant 0 : i32
      %dma_start3A_722 = arith.constant 0 : i32
      %dma_start3A_723 = tpu.memref_slice %arg4[%add3A_707, %dma_start3A_721, %dma_start3A_722] : memref<2592x1x128xi32, #tpu.memory_space<hbm>> -> memref<1x1x128xi32, #tpu.memory_space<hbm>>
      %dma_start3A_724 = tpu.memref_squeeze %dma_start3A_723 : memref<1x1x128xi32, #tpu.memory_space<hbm>> -> memref<1x128xi32, #tpu.memory_space<hbm>>
      tpu.enqueue_dma source(%dma_start3A_724 : memref<1x128xi32, #tpu.memory_space<hbm>>) target(%dma_start3A_720 : memref<1x128xi32, #tpu.memory_space<vmem>>) target_semaphore(%arg14 : memref<!tpu.dma_semaphore, #tpu.memory_space<semaphore_mem>>)
      %add3A_725 = arith.constant 3 : i32
      %add3A_726 = arith.addi %mul3A_399, %add3A_725 : i32
      %add3A_727 = arith.constant 1 : i32
      %add3A_728 = arith.addi %add3A_726, %add3A_727 : i32
      %add3A_729 = arith.addi %mul3A_2, %add3A_728 : i32
      %dma_wait3A_730 = arith.constant 1 : i32
      %dma_wait3A_731 = arith.constant 0 : i32
      %dma_wait3A_732 = arith.constant 0 : i32
      %dma_wait3A_733 = tpu.memref_slice %arg7[%dma_wait3A_730, %dma_wait3A_731, %dma_wait3A_732] : memref<3x1x128xi32, #tpu.memory_space<vmem>> -> memref<1x1x128xi32, #tpu.memory_space<vmem>>
      %dma_wait3A_734 = tpu.memref_squeeze %dma_wait3A_733 : memref<1x1x128xi32, #tpu.memory_space<vmem>> -> memref<1x128xi32, #tpu.memory_space<vmem>>
      %dma_wait3A_735 = arith.constant 0 : i32
      %dma_wait3A_736 = arith.constant 0 : i32
      %dma_wait3A_737 = tpu.memref_slice %arg3[%add3A_729, %dma_wait3A_735, %dma_wait3A_736] : memref<2592x1x128xi32, #tpu.memory_space<hbm>> -> memref<1x1x128xi32, #tpu.memory_space<hbm>>
      %dma_wait3A_738 = tpu.memref_squeeze %dma_wait3A_737 : memref<1x1x128xi32, #tpu.memory_space<hbm>> -> memref<1x128xi32, #tpu.memory_space<hbm>>
      %dma_wait3A_739 = arith.constant 0 : i32
      %dma_wait3A_740 = arith.constant 0 : i32
      %dma_wait3A_741 = tpu.memref_slice %arg7[%dma_wait3A_730, %dma_wait3A_739, %dma_wait3A_740] : memref<3x1x128xi32, #tpu.memory_space<vmem>> -> memref<1x1x128xi32, #tpu.memory_space<vmem>>
      %dma_wait3A_742 = tpu.memref_squeeze %dma_wait3A_741 : memref<1x1x128xi32, #tpu.memory_space<vmem>> -> memref<1x128xi32, #tpu.memory_space<vmem>>
      %dma_wait3A_743 = arith.constant 0 : i32
      %dma_wait3A_744 = arith.constant 0 : i32
      %dma_wait3A_745 = tpu.memref_slice %arg3[%add3A_729, %dma_wait3A_743, %dma_wait3A_744] : memref<2592x1x128xi32, #tpu.memory_space<hbm>> -> memref<1x1x128xi32, #tpu.memory_space<hbm>>
      %dma_wait3A_746 = tpu.memref_squeeze %dma_wait3A_745 : memref<1x1x128xi32, #tpu.memory_space<hbm>> -> memref<1x128xi32, #tpu.memory_space<hbm>>
      tpu.wait_dma2 semaphore(%arg11 : memref<!tpu.dma_semaphore, #tpu.memory_space<semaphore_mem>>) src(%dma_wait3A_746 : memref<1x128xi32, #tpu.memory_space<hbm>>) dst(%dma_wait3A_742 : memref<1x128xi32, #tpu.memory_space<vmem>>)
      %add3A_747 = arith.constant 3 : i32
      %add3A_748 = arith.addi %mul3A_399, %add3A_747 : i32
      %add3A_749 = arith.constant 1 : i32
      %add3A_750 = arith.addi %add3A_748, %add3A_749 : i32
      %dma_start3A_751 = arith.constant 1 : i32
      %dma_start3A_752 = arith.constant 0 : i32
      %dma_start3A_753 = arith.constant 1 : i32
      %dma_start3A_754 = arith.constant 0 : i32
      %dma_start3A_755 = arith.constant 0 : i32
      %dma_start3A_756 = tpu.memref_slice %arg9[%dma_start3A_753, %dma_start3A_754, %dma_start3A_755] : memref<3x128x128xf32, #tpu.memory_space<vmem>> -> memref<1x128x128xf32, #tpu.memory_space<vmem>>
      %dma_start3A_757 = tpu.memref_squeeze %dma_start3A_756 : memref<1x128x128xf32, #tpu.memory_space<vmem>> -> memref<128x128xf32, #tpu.memory_space<vmem>>
      %dma_start3A_758 = arith.constant 0 : i32
      %dma_start3A_759 = tpu.memref_slice %arg7[%dma_start3A_751, %dma_start3A_752, %dma_start3A_758] : memref<3x1x128xi32, #tpu.memory_space<vmem>> -> memref<1x1x128xi32, #tpu.memory_space<vmem>>
      %dma_start3A_760 = tpu.memref_squeeze %dma_start3A_759 : memref<1x1x128xi32, #tpu.memory_space<vmem>> -> memref<128xi32, #tpu.memory_space<vmem>>
      %dma_start3A_761 = arith.constant 0 : i32
      %dma_start3A_762 = arith.constant 0 : i32
      %dma_start3A_763 = tpu.memref_slice %arg2[%dma_start3A_761, %dma_start3A_762] : memref<10000x128xf32, #tpu.memory_space<hbm>> -> memref<10000x128xf32, #tpu.memory_space<hbm>>
      tpu.enqueue_indirect_dma source(%dma_start3A_763 : memref<10000x128xf32, #tpu.memory_space<hbm>>) target(%dma_start3A_757 : memref<128x128xf32, #tpu.memory_space<vmem>>) offsets(%dma_start3A_760 : memref<128xi32, #tpu.memory_space<vmem>>) semaphore(%arg17 : memref<!tpu.dma_semaphore, #tpu.memory_space<semaphore_mem>>)
      %dma_wait3A_764 = arith.constant 2 : i32
      %dma_wait3A_765 = arith.constant 2 : i32
      %dma_wait3A_766 = arith.constant 0 : i32
      %dma_wait3A_767 = arith.constant 0 : i32
      %dma_wait3A_768 = arith.constant 0 : i32
      %dma_wait3A_769 = tpu.memref_slice %arg9[%dma_wait3A_764, %dma_wait3A_767, %dma_wait3A_768] : memref<3x128x128xf32, #tpu.memory_space<vmem>> -> memref<1x128x128xf32, #tpu.memory_space<vmem>>
      %dma_wait3A_770 = tpu.memref_squeeze %dma_wait3A_769 : memref<1x128x128xf32, #tpu.memory_space<vmem>> -> memref<128x128xf32, #tpu.memory_space<vmem>>
      %dma_wait3A_771 = arith.constant 0 : i32
      %dma_wait3A_772 = tpu.memref_slice %arg8[%dma_wait3A_765, %dma_wait3A_766, %dma_wait3A_771] : memref<3x1x128xi32, #tpu.memory_space<vmem>> -> memref<1x1x128xi32, #tpu.memory_space<vmem>>
      %dma_wait3A_773 = tpu.memref_squeeze %dma_wait3A_772 : memref<1x1x128xi32, #tpu.memory_space<vmem>> -> memref<128xi32, #tpu.memory_space<vmem>>
      %dma_wait3A_774 = arith.constant 0 : i32
      %dma_wait3A_775 = arith.constant 0 : i32
      %dma_wait3A_776 = tpu.memref_slice %arg22[%dma_wait3A_774, %dma_wait3A_775] : memref<10112x128xf32, #tpu.memory_space<vmem_shared>> -> memref<10112x128xf32, #tpu.memory_space<vmem_shared>>
      tpu.wait_indirect_dma semaphore(%arg21 : memref<!tpu.dma_semaphore, #tpu.memory_space<semaphore_mem>>) src(%dma_wait3A_770 : memref<128x128xf32, #tpu.memory_space<vmem>>) dst(%dma_wait3A_776 : memref<10112x128xf32, #tpu.memory_space<vmem_shared>>)
      %add3A_777 = arith.constant 3 : i32
      %add3A_778 = arith.addi %mul3A_399, %add3A_777 : i32
      %add3A_779 = arith.constant 2 : i32
      %add3A_780 = arith.addi %add3A_778, %add3A_779 : i32
      %add3A_781 = arith.addi %mul3A_2, %add3A_780 : i32
      %dma_start3A_782 = arith.constant 2 : i32
      %dma_start3A_783 = arith.constant 0 : i32
      %dma_start3A_784 = arith.constant 0 : i32
      %dma_start3A_785 = tpu.memref_slice %arg8[%dma_start3A_782, %dma_start3A_783, %dma_start3A_784] : memref<3x1x128xi32, #tpu.memory_space<vmem>> -> memref<1x1x128xi32, #tpu.memory_space<vmem>>
      %dma_start3A_786 = tpu.memref_squeeze %dma_start3A_785 : memref<1x1x128xi32, #tpu.memory_space<vmem>> -> memref<1x128xi32, #tpu.memory_space<vmem>>
      %dma_start3A_787 = arith.constant 0 : i32
      %dma_start3A_788 = arith.constant 0 : i32
      %dma_start3A_789 = tpu.memref_slice %arg4[%add3A_781, %dma_start3A_787, %dma_start3A_788] : memref<2592x1x128xi32, #tpu.memory_space<hbm>> -> memref<1x1x128xi32, #tpu.memory_space<hbm>>
      %dma_start3A_790 = tpu.memref_squeeze %dma_start3A_789 : memref<1x1x128xi32, #tpu.memory_space<hbm>> -> memref<1x128xi32, #tpu.memory_space<hbm>>
      %dma_start3A_791 = arith.constant 0 : i32
      %dma_start3A_792 = arith.constant 0 : i32
      %dma_start3A_793 = tpu.memref_slice %arg8[%dma_start3A_782, %dma_start3A_791, %dma_start3A_792] : memref<3x1x128xi32, #tpu.memory_space<vmem>> -> memref<1x1x128xi32, #tpu.memory_space<vmem>>
      %dma_start3A_794 = tpu.memref_squeeze %dma_start3A_793 : memref<1x1x128xi32, #tpu.memory_space<vmem>> -> memref<1x128xi32, #tpu.memory_space<vmem>>
      %dma_start3A_795 = arith.constant 0 : i32
      %dma_start3A_796 = arith.constant 0 : i32
      %dma_start3A_797 = tpu.memref_slice %arg4[%add3A_781, %dma_start3A_795, %dma_start3A_796] : memref<2592x1x128xi32, #tpu.memory_space<hbm>> -> memref<1x1x128xi32, #tpu.memory_space<hbm>>
      %dma_start3A_798 = tpu.memref_squeeze %dma_start3A_797 : memref<1x1x128xi32, #tpu.memory_space<hbm>> -> memref<1x128xi32, #tpu.memory_space<hbm>>
      tpu.enqueue_dma source(%dma_start3A_798 : memref<1x128xi32, #tpu.memory_space<hbm>>) target(%dma_start3A_794 : memref<1x128xi32, #tpu.memory_space<vmem>>) target_semaphore(%arg15 : memref<!tpu.dma_semaphore, #tpu.memory_space<semaphore_mem>>)
      %add3A_799 = arith.constant 3 : i32
      %add3A_800 = arith.addi %mul3A_399, %add3A_799 : i32
      %add3A_801 = arith.constant 2 : i32
      %add3A_802 = arith.addi %add3A_800, %add3A_801 : i32
      %add3A_803 = arith.addi %mul3A_2, %add3A_802 : i32
      %dma_wait3A_804 = arith.constant 2 : i32
      %dma_wait3A_805 = arith.constant 0 : i32
      %dma_wait3A_806 = arith.constant 0 : i32
      %dma_wait3A_807 = tpu.memref_slice %arg7[%dma_wait3A_804, %dma_wait3A_805, %dma_wait3A_806] : memref<3x1x128xi32, #tpu.memory_space<vmem>> -> memref<1x1x128xi32, #tpu.memory_space<vmem>>
      %dma_wait3A_808 = tpu.memref_squeeze %dma_wait3A_807 : memref<1x1x128xi32, #tpu.memory_space<vmem>> -> memref<1x128xi32, #tpu.memory_space<vmem>>
      %dma_wait3A_809 = arith.constant 0 : i32
      %dma_wait3A_810 = arith.constant 0 : i32
      %dma_wait3A_811 = tpu.memref_slice %arg3[%add3A_803, %dma_wait3A_809, %dma_wait3A_810] : memref<2592x1x128xi32, #tpu.memory_space<hbm>> -> memref<1x1x128xi32, #tpu.memory_space<hbm>>
      %dma_wait3A_812 = tpu.memref_squeeze %dma_wait3A_811 : memref<1x1x128xi32, #tpu.memory_space<hbm>> -> memref<1x128xi32, #tpu.memory_space<hbm>>
      %dma_wait3A_813 = arith.constant 0 : i32
      %dma_wait3A_814 = arith.constant 0 : i32
      %dma_wait3A_815 = tpu.memref_slice %arg7[%dma_wait3A_804, %dma_wait3A_813, %dma_wait3A_814] : memref<3x1x128xi32, #tpu.memory_space<vmem>> -> memref<1x1x128xi32, #tpu.memory_space<vmem>>
      %dma_wait3A_816 = tpu.memref_squeeze %dma_wait3A_815 : memref<1x1x128xi32, #tpu.memory_space<vmem>> -> memref<1x128xi32, #tpu.memory_space<vmem>>
      %dma_wait3A_817 = arith.constant 0 : i32
      %dma_wait3A_818 = arith.constant 0 : i32
      %dma_wait3A_819 = tpu.memref_slice %arg3[%add3A_803, %dma_wait3A_817, %dma_wait3A_818] : memref<2592x1x128xi32, #tpu.memory_space<hbm>> -> memref<1x1x128xi32, #tpu.memory_space<hbm>>
      %dma_wait3A_820 = tpu.memref_squeeze %dma_wait3A_819 : memref<1x1x128xi32, #tpu.memory_space<hbm>> -> memref<1x128xi32, #tpu.memory_space<hbm>>
      tpu.wait_dma2 semaphore(%arg12 : memref<!tpu.dma_semaphore, #tpu.memory_space<semaphore_mem>>) src(%dma_wait3A_820 : memref<1x128xi32, #tpu.memory_space<hbm>>) dst(%dma_wait3A_816 : memref<1x128xi32, #tpu.memory_space<vmem>>)
      %add3A_821 = arith.constant 3 : i32
      %add3A_822 = arith.addi %mul3A_399, %add3A_821 : i32
      %add3A_823 = arith.constant 2 : i32
      %add3A_824 = arith.addi %add3A_822, %add3A_823 : i32
      %dma_start3A_825 = arith.constant 2 : i32
      %dma_start3A_826 = arith.constant 0 : i32
      %dma_start3A_827 = arith.constant 2 : i32
      %dma_start3A_828 = arith.constant 0 : i32
      %dma_start3A_829 = arith.constant 0 : i32
      %dma_start3A_830 = tpu.memref_slice %arg9[%dma_start3A_827, %dma_start3A_828, %dma_start3A_829] : memref<3x128x128xf32, #tpu.memory_space<vmem>> -> memref<1x128x128xf32, #tpu.memory_space<vmem>>
      %dma_start3A_831 = tpu.memref_squeeze %dma_start3A_830 : memref<1x128x128xf32, #tpu.memory_space<vmem>> -> memref<128x128xf32, #tpu.memory_space<vmem>>
      %dma_start3A_832 = arith.constant 0 : i32
      %dma_start3A_833 = tpu.memref_slice %arg7[%dma_start3A_825, %dma_start3A_826, %dma_start3A_832] : memref<3x1x128xi32, #tpu.memory_space<vmem>> -> memref<1x1x128xi32, #tpu.memory_space<vmem>>
      %dma_start3A_834 = tpu.memref_squeeze %dma_start3A_833 : memref<1x1x128xi32, #tpu.memory_space<vmem>> -> memref<128xi32, #tpu.memory_space<vmem>>
      %dma_start3A_835 = arith.constant 0 : i32
      %dma_start3A_836 = arith.constant 0 : i32
      %dma_start3A_837 = tpu.memref_slice %arg2[%dma_start3A_835, %dma_start3A_836] : memref<10000x128xf32, #tpu.memory_space<hbm>> -> memref<10000x128xf32, #tpu.memory_space<hbm>>
      tpu.enqueue_indirect_dma source(%dma_start3A_837 : memref<10000x128xf32, #tpu.memory_space<hbm>>) target(%dma_start3A_831 : memref<128x128xf32, #tpu.memory_space<vmem>>) offsets(%dma_start3A_834 : memref<128xi32, #tpu.memory_space<vmem>>) semaphore(%arg18 : memref<!tpu.dma_semaphore, #tpu.memory_space<semaphore_mem>>)
    }
    %scan3A_217 = arith.constant 26 : i32
    %dma_wait3A_218 = arith.constant 0 : i32
    %dma_wait3A_219 = arith.constant 0 : i32
    %dma_wait3A_220 = arith.constant 0 : i32
    %dma_wait3A_221 = arith.constant 0 : i32
    %dma_wait3A_222 = arith.constant 0 : i32
    %dma_wait3A_223 = tpu.memref_slice %arg9[%dma_wait3A_220, %dma_wait3A_221, %dma_wait3A_222] : memref<3x128x128xf32, #tpu.memory_space<vmem>> -> memref<1x128x128xf32, #tpu.memory_space<vmem>>
    %dma_wait3A_224 = tpu.memref_squeeze %dma_wait3A_223 : memref<1x128x128xf32, #tpu.memory_space<vmem>> -> memref<128x128xf32, #tpu.memory_space<vmem>>
    %dma_wait3A_225 = arith.constant 0 : i32
    %dma_wait3A_226 = tpu.memref_slice %arg7[%dma_wait3A_218, %dma_wait3A_219, %dma_wait3A_225] : memref<3x1x128xi32, #tpu.memory_space<vmem>> -> memref<1x1x128xi32, #tpu.memory_space<vmem>>
    %dma_wait3A_227 = tpu.memref_squeeze %dma_wait3A_226 : memref<1x1x128xi32, #tpu.memory_space<vmem>> -> memref<128xi32, #tpu.memory_space<vmem>>
    %dma_wait3A_228 = arith.constant 0 : i32
    %dma_wait3A_229 = arith.constant 0 : i32
    %dma_wait3A_230 = tpu.memref_slice %arg2[%dma_wait3A_228, %dma_wait3A_229] : memref<10000x128xf32, #tpu.memory_space<hbm>> -> memref<10000x128xf32, #tpu.memory_space<hbm>>
    tpu.wait_indirect_dma semaphore(%arg16 : memref<!tpu.dma_semaphore, #tpu.memory_space<semaphore_mem>>) src(%dma_wait3A_230 : memref<10000x128xf32, #tpu.memory_space<hbm>>) dst(%dma_wait3A_224 : memref<128x128xf32, #tpu.memory_space<vmem>>)
    %add3A_231 = arith.constant 78 : i32
    %add3A_232 = arith.addi %mul3A_2, %add3A_231 : i32
    %dma_wait3A_233 = arith.constant 0 : i32
    %dma_wait3A_234 = arith.constant 0 : i32
    %dma_wait3A_235 = arith.constant 0 : i32
    %dma_wait3A_236 = tpu.memref_slice %arg8[%dma_wait3A_233, %dma_wait3A_234, %dma_wait3A_235] : memref<3x1x128xi32, #tpu.memory_space<vmem>> -> memref<1x1x128xi32, #tpu.memory_space<vmem>>
    %dma_wait3A_237 = tpu.memref_squeeze %dma_wait3A_236 : memref<1x1x128xi32, #tpu.memory_space<vmem>> -> memref<1x128xi32, #tpu.memory_space<vmem>>
    %dma_wait3A_238 = arith.constant 0 : i32
    %dma_wait3A_239 = arith.constant 0 : i32
    %dma_wait3A_240 = tpu.memref_slice %arg4[%add3A_232, %dma_wait3A_238, %dma_wait3A_239] : memref<2592x1x128xi32, #tpu.memory_space<hbm>> -> memref<1x1x128xi32, #tpu.memory_space<hbm>>
    %dma_wait3A_241 = tpu.memref_squeeze %dma_wait3A_240 : memref<1x1x128xi32, #tpu.memory_space<hbm>> -> memref<1x128xi32, #tpu.memory_space<hbm>>
    %dma_wait3A_242 = arith.constant 0 : i32
    %dma_wait3A_243 = arith.constant 0 : i32
    %dma_wait3A_244 = tpu.memref_slice %arg8[%dma_wait3A_233, %dma_wait3A_242, %dma_wait3A_243] : memref<3x1x128xi32, #tpu.memory_space<vmem>> -> memref<1x1x128xi32, #tpu.memory_space<vmem>>
    %dma_wait3A_245 = tpu.memref_squeeze %dma_wait3A_244 : memref<1x1x128xi32, #tpu.memory_space<vmem>> -> memref<1x128xi32, #tpu.memory_space<vmem>>
    %dma_wait3A_246 = arith.constant 0 : i32
    %dma_wait3A_247 = arith.constant 0 : i32
    %dma_wait3A_248 = tpu.memref_slice %arg4[%add3A_232, %dma_wait3A_246, %dma_wait3A_247] : memref<2592x1x128xi32, #tpu.memory_space<hbm>> -> memref<1x1x128xi32, #tpu.memory_space<hbm>>
    %dma_wait3A_249 = tpu.memref_squeeze %dma_wait3A_248 : memref<1x1x128xi32, #tpu.memory_space<hbm>> -> memref<1x128xi32, #tpu.memory_space<hbm>>
    tpu.wait_dma2 semaphore(%arg13 : memref<!tpu.dma_semaphore, #tpu.memory_space<semaphore_mem>>) src(%dma_wait3A_249 : memref<1x128xi32, #tpu.memory_space<hbm>>) dst(%dma_wait3A_245 : memref<1x128xi32, #tpu.memory_space<vmem>>)
    %dma_start3A_250 = arith.constant 0 : i32
    %dma_start3A_251 = arith.constant 0 : i32
    %dma_start3A_252 = arith.constant 0 : i32
    %dma_start3A_253 = arith.constant 0 : i32
    %dma_start3A_254 = arith.constant 0 : i32
    %dma_start3A_255 = tpu.memref_slice %arg9[%dma_start3A_250, %dma_start3A_253, %dma_start3A_254] : memref<3x128x128xf32, #tpu.memory_space<vmem>> -> memref<1x128x128xf32, #tpu.memory_space<vmem>>
    %dma_start3A_256 = tpu.memref_squeeze %dma_start3A_255 : memref<1x128x128xf32, #tpu.memory_space<vmem>> -> memref<128x128xf32, #tpu.memory_space<vmem>>
    %dma_start3A_257 = arith.constant 0 : i32
    %dma_start3A_258 = tpu.memref_slice %arg8[%dma_start3A_251, %dma_start3A_252, %dma_start3A_257] : memref<3x1x128xi32, #tpu.memory_space<vmem>> -> memref<1x1x128xi32, #tpu.memory_space<vmem>>
    %dma_start3A_259 = tpu.memref_squeeze %dma_start3A_258 : memref<1x1x128xi32, #tpu.memory_space<vmem>> -> memref<128xi32, #tpu.memory_space<vmem>>
    %dma_start3A_260 = arith.constant 0 : i32
    %dma_start3A_261 = arith.constant 0 : i32
    %dma_start3A_262 = tpu.memref_slice %arg22[%dma_start3A_260, %dma_start3A_261] : memref<10112x128xf32, #tpu.memory_space<vmem_shared>> -> memref<10112x128xf32, #tpu.memory_space<vmem_shared>>
    tpu.enqueue_indirect_dma source(%dma_start3A_256 : memref<128x128xf32, #tpu.memory_space<vmem>>) target(%dma_start3A_262 : memref<10112x128xf32, #tpu.memory_space<vmem_shared>>) offsets(%dma_start3A_259 : memref<128xi32, #tpu.memory_space<vmem>>) semaphore(%arg19 : memref<!tpu.dma_semaphore, #tpu.memory_space<semaphore_mem>>) {add = true}
    %dma_wait3A_263 = arith.constant 1 : i32
    %dma_wait3A_264 = arith.constant 0 : i32
    %dma_wait3A_265 = arith.constant 1 : i32
    %dma_wait3A_266 = arith.constant 0 : i32
    %dma_wait3A_267 = arith.constant 0 : i32
    %dma_wait3A_268 = tpu.memref_slice %arg9[%dma_wait3A_265, %dma_wait3A_266, %dma_wait3A_267] : memref<3x128x128xf32, #tpu.memory_space<vmem>> -> memref<1x128x128xf32, #tpu.memory_space<vmem>>
    %dma_wait3A_269 = tpu.memref_squeeze %dma_wait3A_268 : memref<1x128x128xf32, #tpu.memory_space<vmem>> -> memref<128x128xf32, #tpu.memory_space<vmem>>
    %dma_wait3A_270 = arith.constant 0 : i32
    %dma_wait3A_271 = tpu.memref_slice %arg7[%dma_wait3A_263, %dma_wait3A_264, %dma_wait3A_270] : memref<3x1x128xi32, #tpu.memory_space<vmem>> -> memref<1x1x128xi32, #tpu.memory_space<vmem>>
    %dma_wait3A_272 = tpu.memref_squeeze %dma_wait3A_271 : memref<1x1x128xi32, #tpu.memory_space<vmem>> -> memref<128xi32, #tpu.memory_space<vmem>>
    %dma_wait3A_273 = arith.constant 0 : i32
    %dma_wait3A_274 = arith.constant 0 : i32
    %dma_wait3A_275 = tpu.memref_slice %arg2[%dma_wait3A_273, %dma_wait3A_274] : memref<10000x128xf32, #tpu.memory_space<hbm>> -> memref<10000x128xf32, #tpu.memory_space<hbm>>
    tpu.wait_indirect_dma semaphore(%arg17 : memref<!tpu.dma_semaphore, #tpu.memory_space<semaphore_mem>>) src(%dma_wait3A_275 : memref<10000x128xf32, #tpu.memory_space<hbm>>) dst(%dma_wait3A_269 : memref<128x128xf32, #tpu.memory_space<vmem>>)
    %add3A_276 = arith.constant 79 : i32
    %add3A_277 = arith.addi %mul3A_2, %add3A_276 : i32
    %dma_wait3A_278 = arith.constant 1 : i32
    %dma_wait3A_279 = arith.constant 0 : i32
    %dma_wait3A_280 = arith.constant 0 : i32
    %dma_wait3A_281 = tpu.memref_slice %arg8[%dma_wait3A_278, %dma_wait3A_279, %dma_wait3A_280] : memref<3x1x128xi32, #tpu.memory_space<vmem>> -> memref<1x1x128xi32, #tpu.memory_space<vmem>>
    %dma_wait3A_282 = tpu.memref_squeeze %dma_wait3A_281 : memref<1x1x128xi32, #tpu.memory_space<vmem>> -> memref<1x128xi32, #tpu.memory_space<vmem>>
    %dma_wait3A_283 = arith.constant 0 : i32
    %dma_wait3A_284 = arith.constant 0 : i32
    %dma_wait3A_285 = tpu.memref_slice %arg4[%add3A_277, %dma_wait3A_283, %dma_wait3A_284] : memref<2592x1x128xi32, #tpu.memory_space<hbm>> -> memref<1x1x128xi32, #tpu.memory_space<hbm>>
    %dma_wait3A_286 = tpu.memref_squeeze %dma_wait3A_285 : memref<1x1x128xi32, #tpu.memory_space<hbm>> -> memref<1x128xi32, #tpu.memory_space<hbm>>
    %dma_wait3A_287 = arith.constant 0 : i32
    %dma_wait3A_288 = arith.constant 0 : i32
    %dma_wait3A_289 = tpu.memref_slice %arg8[%dma_wait3A_278, %dma_wait3A_287, %dma_wait3A_288] : memref<3x1x128xi32, #tpu.memory_space<vmem>> -> memref<1x1x128xi32, #tpu.memory_space<vmem>>
    %dma_wait3A_290 = tpu.memref_squeeze %dma_wait3A_289 : memref<1x1x128xi32, #tpu.memory_space<vmem>> -> memref<1x128xi32, #tpu.memory_space<vmem>>
    %dma_wait3A_291 = arith.constant 0 : i32
    %dma_wait3A_292 = arith.constant 0 : i32
    %dma_wait3A_293 = tpu.memref_slice %arg4[%add3A_277, %dma_wait3A_291, %dma_wait3A_292] : memref<2592x1x128xi32, #tpu.memory_space<hbm>> -> memref<1x1x128xi32, #tpu.memory_space<hbm>>
    %dma_wait3A_294 = tpu.memref_squeeze %dma_wait3A_293 : memref<1x1x128xi32, #tpu.memory_space<hbm>> -> memref<1x128xi32, #tpu.memory_space<hbm>>
    tpu.wait_dma2 semaphore(%arg14 : memref<!tpu.dma_semaphore, #tpu.memory_space<semaphore_mem>>) src(%dma_wait3A_294 : memref<1x128xi32, #tpu.memory_space<hbm>>) dst(%dma_wait3A_290 : memref<1x128xi32, #tpu.memory_space<vmem>>)
    %dma_start3A_295 = arith.constant 1 : i32
    %dma_start3A_296 = arith.constant 1 : i32
    %dma_start3A_297 = arith.constant 0 : i32
    %dma_start3A_298 = arith.constant 0 : i32
    %dma_start3A_299 = arith.constant 0 : i32
    %dma_start3A_300 = tpu.memref_slice %arg9[%dma_start3A_295, %dma_start3A_298, %dma_start3A_299] : memref<3x128x128xf32, #tpu.memory_space<vmem>> -> memref<1x128x128xf32, #tpu.memory_space<vmem>>
    %dma_start3A_301 = tpu.memref_squeeze %dma_start3A_300 : memref<1x128x128xf32, #tpu.memory_space<vmem>> -> memref<128x128xf32, #tpu.memory_space<vmem>>
    %dma_start3A_302 = arith.constant 0 : i32
    %dma_start3A_303 = tpu.memref_slice %arg8[%dma_start3A_296, %dma_start3A_297, %dma_start3A_302] : memref<3x1x128xi32, #tpu.memory_space<vmem>> -> memref<1x1x128xi32, #tpu.memory_space<vmem>>
    %dma_start3A_304 = tpu.memref_squeeze %dma_start3A_303 : memref<1x1x128xi32, #tpu.memory_space<vmem>> -> memref<128xi32, #tpu.memory_space<vmem>>
    %dma_start3A_305 = arith.constant 0 : i32
    %dma_start3A_306 = arith.constant 0 : i32
    %dma_start3A_307 = tpu.memref_slice %arg22[%dma_start3A_305, %dma_start3A_306] : memref<10112x128xf32, #tpu.memory_space<vmem_shared>> -> memref<10112x128xf32, #tpu.memory_space<vmem_shared>>
    tpu.enqueue_indirect_dma source(%dma_start3A_301 : memref<128x128xf32, #tpu.memory_space<vmem>>) target(%dma_start3A_307 : memref<10112x128xf32, #tpu.memory_space<vmem_shared>>) offsets(%dma_start3A_304 : memref<128xi32, #tpu.memory_space<vmem>>) semaphore(%arg20 : memref<!tpu.dma_semaphore, #tpu.memory_space<semaphore_mem>>) {add = true}
    %dma_wait3A_308 = arith.constant 2 : i32
    %dma_wait3A_309 = arith.constant 0 : i32
    %dma_wait3A_310 = arith.constant 2 : i32
    %dma_wait3A_311 = arith.constant 0 : i32
    %dma_wait3A_312 = arith.constant 0 : i32
    %dma_wait3A_313 = tpu.memref_slice %arg9[%dma_wait3A_310, %dma_wait3A_311, %dma_wait3A_312] : memref<3x128x128xf32, #tpu.memory_space<vmem>> -> memref<1x128x128xf32, #tpu.memory_space<vmem>>
    %dma_wait3A_314 = tpu.memref_squeeze %dma_wait3A_313 : memref<1x128x128xf32, #tpu.memory_space<vmem>> -> memref<128x128xf32, #tpu.memory_space<vmem>>
    %dma_wait3A_315 = arith.constant 0 : i32
    %dma_wait3A_316 = tpu.memref_slice %arg7[%dma_wait3A_308, %dma_wait3A_309, %dma_wait3A_315] : memref<3x1x128xi32, #tpu.memory_space<vmem>> -> memref<1x1x128xi32, #tpu.memory_space<vmem>>
    %dma_wait3A_317 = tpu.memref_squeeze %dma_wait3A_316 : memref<1x1x128xi32, #tpu.memory_space<vmem>> -> memref<128xi32, #tpu.memory_space<vmem>>
    %dma_wait3A_318 = arith.constant 0 : i32
    %dma_wait3A_319 = arith.constant 0 : i32
    %dma_wait3A_320 = tpu.memref_slice %arg2[%dma_wait3A_318, %dma_wait3A_319] : memref<10000x128xf32, #tpu.memory_space<hbm>> -> memref<10000x128xf32, #tpu.memory_space<hbm>>
    tpu.wait_indirect_dma semaphore(%arg18 : memref<!tpu.dma_semaphore, #tpu.memory_space<semaphore_mem>>) src(%dma_wait3A_320 : memref<10000x128xf32, #tpu.memory_space<hbm>>) dst(%dma_wait3A_314 : memref<128x128xf32, #tpu.memory_space<vmem>>)
    %add3A_321 = arith.constant 80 : i32
    %add3A_322 = arith.addi %mul3A_2, %add3A_321 : i32
    %dma_wait3A_323 = arith.constant 2 : i32
    %dma_wait3A_324 = arith.constant 0 : i32
    %dma_wait3A_325 = arith.constant 0 : i32
    %dma_wait3A_326 = tpu.memref_slice %arg8[%dma_wait3A_323, %dma_wait3A_324, %dma_wait3A_325] : memref<3x1x128xi32, #tpu.memory_space<vmem>> -> memref<1x1x128xi32, #tpu.memory_space<vmem>>
    %dma_wait3A_327 = tpu.memref_squeeze %dma_wait3A_326 : memref<1x1x128xi32, #tpu.memory_space<vmem>> -> memref<1x128xi32, #tpu.memory_space<vmem>>
    %dma_wait3A_328 = arith.constant 0 : i32
    %dma_wait3A_329 = arith.constant 0 : i32
    %dma_wait3A_330 = tpu.memref_slice %arg4[%add3A_322, %dma_wait3A_328, %dma_wait3A_329] : memref<2592x1x128xi32, #tpu.memory_space<hbm>> -> memref<1x1x128xi32, #tpu.memory_space<hbm>>
    %dma_wait3A_331 = tpu.memref_squeeze %dma_wait3A_330 : memref<1x1x128xi32, #tpu.memory_space<hbm>> -> memref<1x128xi32, #tpu.memory_space<hbm>>
    %dma_wait3A_332 = arith.constant 0 : i32
    %dma_wait3A_333 = arith.constant 0 : i32
    %dma_wait3A_334 = tpu.memref_slice %arg8[%dma_wait3A_323, %dma_wait3A_332, %dma_wait3A_333] : memref<3x1x128xi32, #tpu.memory_space<vmem>> -> memref<1x1x128xi32, #tpu.memory_space<vmem>>
    %dma_wait3A_335 = tpu.memref_squeeze %dma_wait3A_334 : memref<1x1x128xi32, #tpu.memory_space<vmem>> -> memref<1x128xi32, #tpu.memory_space<vmem>>
    %dma_wait3A_336 = arith.constant 0 : i32
    %dma_wait3A_337 = arith.constant 0 : i32
    %dma_wait3A_338 = tpu.memref_slice %arg4[%add3A_322, %dma_wait3A_336, %dma_wait3A_337] : memref<2592x1x128xi32, #tpu.memory_space<hbm>> -> memref<1x1x128xi32, #tpu.memory_space<hbm>>
    %dma_wait3A_339 = tpu.memref_squeeze %dma_wait3A_338 : memref<1x1x128xi32, #tpu.memory_space<hbm>> -> memref<1x128xi32, #tpu.memory_space<hbm>>
    tpu.wait_dma2 semaphore(%arg15 : memref<!tpu.dma_semaphore, #tpu.memory_space<semaphore_mem>>) src(%dma_wait3A_339 : memref<1x128xi32, #tpu.memory_space<hbm>>) dst(%dma_wait3A_335 : memref<1x128xi32, #tpu.memory_space<vmem>>)
    %dma_start3A_340 = arith.constant 2 : i32
    %dma_start3A_341 = arith.constant 2 : i32
    %dma_start3A_342 = arith.constant 0 : i32
    %dma_start3A_343 = arith.constant 0 : i32
    %dma_start3A_344 = arith.constant 0 : i32
    %dma_start3A_345 = tpu.memref_slice %arg9[%dma_start3A_340, %dma_start3A_343, %dma_start3A_344] : memref<3x128x128xf32, #tpu.memory_space<vmem>> -> memref<1x128x128xf32, #tpu.memory_space<vmem>>
    %dma_start3A_346 = tpu.memref_squeeze %dma_start3A_345 : memref<1x128x128xf32, #tpu.memory_space<vmem>> -> memref<128x128xf32, #tpu.memory_space<vmem>>
    %dma_start3A_347 = arith.constant 0 : i32
    %dma_start3A_348 = tpu.memref_slice %arg8[%dma_start3A_341, %dma_start3A_342, %dma_start3A_347] : memref<3x1x128xi32, #tpu.memory_space<vmem>> -> memref<1x1x128xi32, #tpu.memory_space<vmem>>
    %dma_start3A_349 = tpu.memref_squeeze %dma_start3A_348 : memref<1x1x128xi32, #tpu.memory_space<vmem>> -> memref<128xi32, #tpu.memory_space<vmem>>
    %dma_start3A_350 = arith.constant 0 : i32
    %dma_start3A_351 = arith.constant 0 : i32
    %dma_start3A_352 = tpu.memref_slice %arg22[%dma_start3A_350, %dma_start3A_351] : memref<10112x128xf32, #tpu.memory_space<vmem_shared>> -> memref<10112x128xf32, #tpu.memory_space<vmem_shared>>
    tpu.enqueue_indirect_dma source(%dma_start3A_346 : memref<128x128xf32, #tpu.memory_space<vmem>>) target(%dma_start3A_352 : memref<10112x128xf32, #tpu.memory_space<vmem_shared>>) offsets(%dma_start3A_349 : memref<128xi32, #tpu.memory_space<vmem>>) semaphore(%arg21 : memref<!tpu.dma_semaphore, #tpu.memory_space<semaphore_mem>>) {add = true}
    %dma_wait3A_353 = arith.constant 0 : i32
    %dma_wait3A_354 = arith.constant 0 : i32
    %dma_wait3A_355 = arith.constant 0 : i32
    %dma_wait3A_356 = arith.constant 0 : i32
    %dma_wait3A_357 = arith.constant 0 : i32
    %dma_wait3A_358 = tpu.memref_slice %arg9[%dma_wait3A_353, %dma_wait3A_356, %dma_wait3A_357] : memref<3x128x128xf32, #tpu.memory_space<vmem>> -> memref<1x128x128xf32, #tpu.memory_space<vmem>>
    %dma_wait3A_359 = tpu.memref_squeeze %dma_wait3A_358 : memref<1x128x128xf32, #tpu.memory_space<vmem>> -> memref<128x128xf32, #tpu.memory_space<vmem>>
    %dma_wait3A_360 = arith.constant 0 : i32
    %dma_wait3A_361 = tpu.memref_slice %arg8[%dma_wait3A_354, %dma_wait3A_355, %dma_wait3A_360] : memref<3x1x128xi32, #tpu.memory_space<vmem>> -> memref<1x1x128xi32, #tpu.memory_space<vmem>>
    %dma_wait3A_362 = tpu.memref_squeeze %dma_wait3A_361 : memref<1x1x128xi32, #tpu.memory_space<vmem>> -> memref<128xi32, #tpu.memory_space<vmem>>
    %dma_wait3A_363 = arith.constant 0 : i32
    %dma_wait3A_364 = arith.constant 0 : i32
    %dma_wait3A_365 = tpu.memref_slice %arg22[%dma_wait3A_363, %dma_wait3A_364] : memref<10112x128xf32, #tpu.memory_space<vmem_shared>> -> memref<10112x128xf32, #tpu.memory_space<vmem_shared>>
    tpu.wait_indirect_dma semaphore(%arg19 : memref<!tpu.dma_semaphore, #tpu.memory_space<semaphore_mem>>) src(%dma_wait3A_359 : memref<128x128xf32, #tpu.memory_space<vmem>>) dst(%dma_wait3A_365 : memref<10112x128xf32, #tpu.memory_space<vmem_shared>>)
    %dma_wait3A_366 = arith.constant 1 : i32
    %dma_wait3A_367 = arith.constant 1 : i32
    %dma_wait3A_368 = arith.constant 0 : i32
    %dma_wait3A_369 = arith.constant 0 : i32
    %dma_wait3A_370 = arith.constant 0 : i32
    %dma_wait3A_371 = tpu.memref_slice %arg9[%dma_wait3A_366, %dma_wait3A_369, %dma_wait3A_370] : memref<3x128x128xf32, #tpu.memory_space<vmem>> -> memref<1x128x128xf32, #tpu.memory_space<vmem>>
    %dma_wait3A_372 = tpu.memref_squeeze %dma_wait3A_371 : memref<1x128x128xf32, #tpu.memory_space<vmem>> -> memref<128x128xf32, #tpu.memory_space<vmem>>
    %dma_wait3A_373 = arith.constant 0 : i32
    %dma_wait3A_374 = tpu.memref_slice %arg8[%dma_wait3A_367, %dma_wait3A_368, %dma_wait3A_373] : memref<3x1x128xi32, #tpu.memory_space<vmem>> -> memref<1x1x128xi32, #tpu.memory_space<vmem>>
    %dma_wait3A_375 = tpu.memref_squeeze %dma_wait3A_374 : memref<1x1x128xi32, #tpu.memory_space<vmem>> -> memref<128xi32, #tpu.memory_space<vmem>>
    %dma_wait3A_376 = arith.constant 0 : i32
    %dma_wait3A_377 = arith.constant 0 : i32
    %dma_wait3A_378 = tpu.memref_slice %arg22[%dma_wait3A_376, %dma_wait3A_377] : memref<10112x128xf32, #tpu.memory_space<vmem_shared>> -> memref<10112x128xf32, #tpu.memory_space<vmem_shared>>
    tpu.wait_indirect_dma semaphore(%arg20 : memref<!tpu.dma_semaphore, #tpu.memory_space<semaphore_mem>>) src(%dma_wait3A_372 : memref<128x128xf32, #tpu.memory_space<vmem>>) dst(%dma_wait3A_378 : memref<10112x128xf32, #tpu.memory_space<vmem_shared>>)
    %dma_wait3A_379 = arith.constant 2 : i32
    %dma_wait3A_380 = arith.constant 2 : i32
    %dma_wait3A_381 = arith.constant 0 : i32
    %dma_wait3A_382 = arith.constant 0 : i32
    %dma_wait3A_383 = arith.constant 0 : i32
    %dma_wait3A_384 = tpu.memref_slice %arg9[%dma_wait3A_379, %dma_wait3A_382, %dma_wait3A_383] : memref<3x128x128xf32, #tpu.memory_space<vmem>> -> memref<1x128x128xf32, #tpu.memory_space<vmem>>
    %dma_wait3A_385 = tpu.memref_squeeze %dma_wait3A_384 : memref<1x128x128xf32, #tpu.memory_space<vmem>> -> memref<128x128xf32, #tpu.memory_space<vmem>>
    %dma_wait3A_386 = arith.constant 0 : i32
    %dma_wait3A_387 = tpu.memref_slice %arg8[%dma_wait3A_380, %dma_wait3A_381, %dma_wait3A_386] : memref<3x1x128xi32, #tpu.memory_space<vmem>> -> memref<1x1x128xi32, #tpu.memory_space<vmem>>
    %dma_wait3A_388 = tpu.memref_squeeze %dma_wait3A_387 : memref<1x1x128xi32, #tpu.memory_space<vmem>> -> memref<128xi32, #tpu.memory_space<vmem>>
    %dma_wait3A_389 = arith.constant 0 : i32
    %dma_wait3A_390 = arith.constant 0 : i32
    %dma_wait3A_391 = tpu.memref_slice %arg22[%dma_wait3A_389, %dma_wait3A_390] : memref<10112x128xf32, #tpu.memory_space<vmem_shared>> -> memref<10112x128xf32, #tpu.memory_space<vmem_shared>>
    tpu.wait_indirect_dma semaphore(%arg21 : memref<!tpu.dma_semaphore, #tpu.memory_space<semaphore_mem>>) src(%dma_wait3A_385 : memref<128x128xf32, #tpu.memory_space<vmem>>) dst(%dma_wait3A_391 : memref<10112x128xf32, #tpu.memory_space<vmem_shared>>)
    %barrier3A_392 = arith.constant 0 : index
    tpu.barrier barrier_id(%barrier3A_392)
    %mul3A_393 = arith.constant 632 : i32
    %mul3A_394 = arith.muli %arg1, %mul3A_393 : i32
    %mul3A_395 = arith.constant 632 : i32
    %mul3A_396 = arith.muli %arg1, %mul3A_395 : i32
    "tpu.region"() ({
      %run_scoped3A = tpu.sem_alloc : memref<!tpu.dma_semaphore, #tpu.memory_space<semaphore_mem>>
      %dma_start3A_397 = arith.constant 0 : i32
      %dma_start3A_398 = tpu.memref_slice %arg6[%arg0, %mul3A_396, %dma_start3A_397] : memref<2x10112x128xf32, #tpu.memory_space<hbm>> -> memref<1x632x128xf32, #tpu.memory_space<hbm>>
      %dma_start3A_399 = tpu.memref_squeeze %dma_start3A_398 : memref<1x632x128xf32, #tpu.memory_space<hbm>> -> memref<632x128xf32, #tpu.memory_space<hbm>>
      %dma_start3A_400 = arith.constant 0 : i32
      %dma_start3A_401 = tpu.memref_slice %arg22[%mul3A_394, %dma_start3A_400] : memref<10112x128xf32, #tpu.memory_space<vmem_shared>> -> memref<632x128xf32, #tpu.memory_space<vmem_shared>>
      tpu.enqueue_dma source(%dma_start3A_401 : memref<632x128xf32, #tpu.memory_space<vmem_shared>>) target(%dma_start3A_399 : memref<632x128xf32, #tpu.memory_space<hbm>>) target_semaphore(%run_scoped3A : memref<!tpu.dma_semaphore, #tpu.memory_space<semaphore_mem>>)
      %dma_wait3A_402 = arith.constant 0 : i32
      %dma_wait3A_403 = tpu.memref_slice %arg6[%arg0, %mul3A_396, %dma_wait3A_402] : memref<2x10112x128xf32, #tpu.memory_space<hbm>> -> memref<1x632x128xf32, #tpu.memory_space<hbm>>
      %dma_wait3A_404 = tpu.memref_squeeze %dma_wait3A_403 : memref<1x632x128xf32, #tpu.memory_space<hbm>> -> memref<632x128xf32, #tpu.memory_space<hbm>>
      %dma_wait3A_405 = arith.constant 0 : i32
      %dma_wait3A_406 = tpu.memref_slice %arg22[%mul3A_394, %dma_wait3A_405] : memref<10112x128xf32, #tpu.memory_space<vmem_shared>> -> memref<632x128xf32, #tpu.memory_space<vmem_shared>>
      tpu.wait_dma2 semaphore(%run_scoped3A : memref<!tpu.dma_semaphore, #tpu.memory_space<semaphore_mem>>) src(%dma_wait3A_406 : memref<632x128xf32, #tpu.memory_space<vmem_shared>>) dst(%dma_wait3A_404 : memref<632x128xf32, #tpu.memory_space<hbm>>)
      tpu.yield
    }) : () -> ()
    return
  }
}

#map = affine_map<(d0, d1) -> (0, 0, 0)>
#map1 = affine_map<(d0, d1) -> (0, 0)>
module attributes {stable_mosaic.version = 14 : i64} {
  func.func @_deg_body(%arg0: i32, %arg1: i32, %arg2: memref<2592x1x128xi32, #tpu.memory_space<hbm>>, %arg3: memref<632x128xf32, #tpu.memory_space<hbm>>, %arg4: memref<128x128xf32, #tpu.memory_space<hbm>>, %arg5: memref<2x10112x128xf32, #tpu.memory_space<hbm>>, %arg6: memref<81x1x128xi32, #tpu.memory_space<vmem>>, %arg7: memref<128x128xf32, #tpu.memory_space<vmem>>, %arg8: memref<!tpu.dma_semaphore, #tpu.memory_space<semaphore_mem>>, %arg9: memref<10112x128xf32, #tpu.memory_space<vmem_shared>>) attributes {dimension_semantics = [#tpu.dimension_semantics<core_parallel>, #tpu.dimension_semantics<subcore_parallel>], iteration_bounds = array<i64: 2, 16>, scalar_prefetch = 0 : i64, scratch_operands = 4 : i64, tpu.core_type = #tpu.core_type<sc_vector_subcore>, window_params = [{transform_indices = #map}, {transform_indices = #map1}, {transform_indices = #map1}, {transform_indices = #map}]} {
    %mul3A = arith.constant 16 : i32
    %mul3A_0 = arith.muli %arg0, %mul3A : i32
    %add3A = arith.addi %mul3A_0, %arg1 : i32
    %mul3A_1 = arith.constant 81 : i32
    %mul3A_2 = arith.muli %add3A, %mul3A_1 : i32
    "tpu.region"() ({
      %run_scoped3A = tpu.sem_alloc : memref<!tpu.dma_semaphore, #tpu.memory_space<semaphore_mem>>
      %dma_start3A = arith.constant 0 : i32
      %dma_start3A_21 = arith.constant 0 : i32
      %dma_start3A_22 = tpu.memref_slice %arg2[%mul3A_2, %dma_start3A, %dma_start3A_21] : memref<2592x1x128xi32, #tpu.memory_space<hbm>> -> memref<81x1x128xi32, #tpu.memory_space<hbm>>
      %dma_start3A_23 = arith.constant 0 : i32
      %dma_start3A_24 = arith.constant 0 : i32
      %dma_start3A_25 = tpu.memref_slice %arg2[%mul3A_2, %dma_start3A_23, %dma_start3A_24] : memref<2592x1x128xi32, #tpu.memory_space<hbm>> -> memref<81x1x128xi32, #tpu.memory_space<hbm>>
      tpu.enqueue_dma source(%dma_start3A_25 : memref<81x1x128xi32, #tpu.memory_space<hbm>>) target(%arg6 : memref<81x1x128xi32, #tpu.memory_space<vmem>>) target_semaphore(%run_scoped3A : memref<!tpu.dma_semaphore, #tpu.memory_space<semaphore_mem>>)
      %dma_wait3A = arith.constant 0 : i32
      %dma_wait3A_26 = arith.constant 0 : i32
      %dma_wait3A_27 = tpu.memref_slice %arg2[%mul3A_2, %dma_wait3A, %dma_wait3A_26] : memref<2592x1x128xi32, #tpu.memory_space<hbm>> -> memref<81x1x128xi32, #tpu.memory_space<hbm>>
      %dma_wait3A_28 = arith.constant 0 : i32
      %dma_wait3A_29 = arith.constant 0 : i32
      %dma_wait3A_30 = tpu.memref_slice %arg2[%mul3A_2, %dma_wait3A_28, %dma_wait3A_29] : memref<2592x1x128xi32, #tpu.memory_space<hbm>> -> memref<81x1x128xi32, #tpu.memory_space<hbm>>
      tpu.wait_dma2 semaphore(%run_scoped3A : memref<!tpu.dma_semaphore, #tpu.memory_space<semaphore_mem>>) src(%dma_wait3A_30 : memref<81x1x128xi32, #tpu.memory_space<hbm>>) dst(%arg6 : memref<81x1x128xi32, #tpu.memory_space<vmem>>)
      tpu.yield
    }) : () -> ()
    "tpu.region"() ({
      %run_scoped3A = tpu.sem_alloc : memref<!tpu.dma_semaphore, #tpu.memory_space<semaphore_mem>>
      tpu.enqueue_dma source(%arg4 : memref<128x128xf32, #tpu.memory_space<hbm>>) target(%arg7 : memref<128x128xf32, #tpu.memory_space<vmem>>) target_semaphore(%run_scoped3A : memref<!tpu.dma_semaphore, #tpu.memory_space<semaphore_mem>>)
      tpu.wait_dma2 semaphore(%run_scoped3A : memref<!tpu.dma_semaphore, #tpu.memory_space<semaphore_mem>>) src(%arg4 : memref<128x128xf32, #tpu.memory_space<hbm>>) dst(%arg7 : memref<128x128xf32, #tpu.memory_space<vmem>>)
      tpu.yield
    }) : () -> ()
    %mul3A_3 = arith.constant 632 : i32
    %mul3A_4 = arith.muli %arg1, %mul3A_3 : i32
    "tpu.region"() ({
      %run_scoped3A = tpu.sem_alloc : memref<!tpu.dma_semaphore, #tpu.memory_space<semaphore_mem>>
      %dma_start3A = arith.constant 0 : i32
      %dma_start3A_21 = tpu.memref_slice %arg9[%mul3A_4, %dma_start3A] : memref<10112x128xf32, #tpu.memory_space<vmem_shared>> -> memref<632x128xf32, #tpu.memory_space<vmem_shared>>
      tpu.enqueue_dma source(%arg3 : memref<632x128xf32, #tpu.memory_space<hbm>>) target(%dma_start3A_21 : memref<632x128xf32, #tpu.memory_space<vmem_shared>>) target_semaphore(%run_scoped3A : memref<!tpu.dma_semaphore, #tpu.memory_space<semaphore_mem>>)
      %dma_wait3A = arith.constant 0 : i32
      %dma_wait3A_22 = tpu.memref_slice %arg9[%mul3A_4, %dma_wait3A] : memref<10112x128xf32, #tpu.memory_space<vmem_shared>> -> memref<632x128xf32, #tpu.memory_space<vmem_shared>>
      tpu.wait_dma2 semaphore(%run_scoped3A : memref<!tpu.dma_semaphore, #tpu.memory_space<semaphore_mem>>) src(%arg3 : memref<632x128xf32, #tpu.memory_space<hbm>>) dst(%dma_wait3A_22 : memref<632x128xf32, #tpu.memory_space<vmem_shared>>)
      tpu.yield
    }) : () -> ()
    %barrier3A = arith.constant 0 : index
    tpu.barrier barrier_id(%barrier3A)
    %scan3A = arith.constant 0 : i32
    %scan3A_5 = arith.constant 0 : i32
    %scan3A_6 = arith.constant 81 : i32
    %scan3A_7 = arith.addi %scan3A_5, %scan3A_6 : i32
    %scan3A_8 = arith.constant 1 : i32
    scf.for %scan3A_21 = %scan3A_5 to %scan3A_7 step %scan3A_8  : i32 {
      %dma_start3A = arith.constant 0 : i32
      %dma_start3A_22 = arith.constant 0 : i32
      %dma_start3A_23 = tpu.memref_slice %arg6[%scan3A_21, %dma_start3A, %dma_start3A_22] : memref<81x1x128xi32, #tpu.memory_space<vmem>> -> memref<1x1x128xi32, #tpu.memory_space<vmem>>
      %dma_start3A_24 = tpu.memref_squeeze %dma_start3A_23 : memref<1x1x128xi32, #tpu.memory_space<vmem>> -> memref<128xi32, #tpu.memory_space<vmem>>
      %dma_start3A_25 = arith.constant 0 : i32
      %dma_start3A_26 = arith.constant 0 : i32
      %dma_start3A_27 = tpu.memref_slice %arg9[%dma_start3A_25, %dma_start3A_26] : memref<10112x128xf32, #tpu.memory_space<vmem_shared>> -> memref<10112x128xf32, #tpu.memory_space<vmem_shared>>
      tpu.enqueue_indirect_dma source(%arg7 : memref<128x128xf32, #tpu.memory_space<vmem>>) target(%dma_start3A_27 : memref<10112x128xf32, #tpu.memory_space<vmem_shared>>) offsets(%dma_start3A_24 : memref<128xi32, #tpu.memory_space<vmem>>) semaphore(%arg8 : memref<!tpu.dma_semaphore, #tpu.memory_space<semaphore_mem>>) {add = true}
    }
    %scan3A_9 = arith.constant 81 : i32
    %scan3A_10 = arith.constant 0 : i32
    %scan3A_11 = arith.constant 0 : i32
    %scan3A_12 = arith.constant 81 : i32
    %scan3A_13 = arith.addi %scan3A_11, %scan3A_12 : i32
    %scan3A_14 = arith.constant 1 : i32
    scf.for %scan3A_21 = %scan3A_11 to %scan3A_13 step %scan3A_14  : i32 {
      %dma_wait3A = arith.constant 0 : i32
      %dma_wait3A_22 = arith.constant 0 : i32
      %dma_wait3A_23 = tpu.memref_slice %arg6[%scan3A_21, %dma_wait3A, %dma_wait3A_22] : memref<81x1x128xi32, #tpu.memory_space<vmem>> -> memref<1x1x128xi32, #tpu.memory_space<vmem>>
      %dma_wait3A_24 = tpu.memref_squeeze %dma_wait3A_23 : memref<1x1x128xi32, #tpu.memory_space<vmem>> -> memref<128xi32, #tpu.memory_space<vmem>>
      %dma_wait3A_25 = arith.constant 0 : i32
      %dma_wait3A_26 = arith.constant 0 : i32
      %dma_wait3A_27 = tpu.memref_slice %arg9[%dma_wait3A_25, %dma_wait3A_26] : memref<10112x128xf32, #tpu.memory_space<vmem_shared>> -> memref<10112x128xf32, #tpu.memory_space<vmem_shared>>
      tpu.wait_indirect_dma semaphore(%arg8 : memref<!tpu.dma_semaphore, #tpu.memory_space<semaphore_mem>>) src(%arg7 : memref<128x128xf32, #tpu.memory_space<vmem>>) dst(%dma_wait3A_27 : memref<10112x128xf32, #tpu.memory_space<vmem_shared>>)
    }
    %scan3A_15 = arith.constant 81 : i32
    %barrier3A_16 = arith.constant 0 : index
    tpu.barrier barrier_id(%barrier3A_16)
    %mul3A_17 = arith.constant 632 : i32
    %mul3A_18 = arith.muli %arg1, %mul3A_17 : i32
    %mul3A_19 = arith.constant 632 : i32
    %mul3A_20 = arith.muli %arg1, %mul3A_19 : i32
    "tpu.region"() ({
      %run_scoped3A = tpu.sem_alloc : memref<!tpu.dma_semaphore, #tpu.memory_space<semaphore_mem>>
      %dma_start3A = arith.constant 0 : i32
      %dma_start3A_21 = tpu.memref_slice %arg5[%arg0, %mul3A_20, %dma_start3A] : memref<2x10112x128xf32, #tpu.memory_space<hbm>> -> memref<1x632x128xf32, #tpu.memory_space<hbm>>
      %dma_start3A_22 = tpu.memref_squeeze %dma_start3A_21 : memref<1x632x128xf32, #tpu.memory_space<hbm>> -> memref<632x128xf32, #tpu.memory_space<hbm>>
      %dma_start3A_23 = arith.constant 0 : i32
      %dma_start3A_24 = tpu.memref_slice %arg9[%mul3A_18, %dma_start3A_23] : memref<10112x128xf32, #tpu.memory_space<vmem_shared>> -> memref<632x128xf32, #tpu.memory_space<vmem_shared>>
      tpu.enqueue_dma source(%dma_start3A_24 : memref<632x128xf32, #tpu.memory_space<vmem_shared>>) target(%dma_start3A_22 : memref<632x128xf32, #tpu.memory_space<hbm>>) target_semaphore(%run_scoped3A : memref<!tpu.dma_semaphore, #tpu.memory_space<semaphore_mem>>)
      %dma_wait3A = arith.constant 0 : i32
      %dma_wait3A_25 = tpu.memref_slice %arg5[%arg0, %mul3A_20, %dma_wait3A] : memref<2x10112x128xf32, #tpu.memory_space<hbm>> -> memref<1x632x128xf32, #tpu.memory_space<hbm>>
      %dma_wait3A_26 = tpu.memref_squeeze %dma_wait3A_25 : memref<1x632x128xf32, #tpu.memory_space<hbm>> -> memref<632x128xf32, #tpu.memory_space<hbm>>
      %dma_wait3A_27 = arith.constant 0 : i32
      %dma_wait3A_28 = tpu.memref_slice %arg9[%mul3A_18, %dma_wait3A_27] : memref<10112x128xf32, #tpu.memory_space<vmem_shared>> -> memref<632x128xf32, #tpu.memory_space<vmem_shared>>
      tpu.wait_dma2 semaphore(%run_scoped3A : memref<!tpu.dma_semaphore, #tpu.memory_space<semaphore_mem>>) src(%dma_wait3A_28 : memref<632x128xf32, #tpu.memory_space<vmem_shared>>) dst(%dma_wait3A_26 : memref<632x128xf32, #tpu.memory_space<hbm>>)
      tpu.yield
    }) : () -> ()
    return
  }
}

#map = affine_map<(d0, d1) -> (0, 0)>
#map1 = affine_map<(d0, d1) -> (0, 0, 0)>
module attributes {stable_mosaic.version = 14 : i64} {
  func.func @_agg_body(%arg0: i32, %arg1: i32, %arg2: memref<10000x128xf32, #tpu.memory_space<hbm>>, %arg3: memref<2592x1x128xi32, #tpu.memory_space<hbm>>, %arg4: memref<2592x1x128xi32, #tpu.memory_space<hbm>>, %arg5: memref<632x128xf32, #tpu.memory_space<hbm>>, %arg6: memref<2x10112x128xf32, #tpu.memory_space<hbm>>, %arg7: memref<3x1x128xi32, #tpu.memory_space<vmem>>, %arg8: memref<3x1x128xi32, #tpu.memory_space<vmem>>, %arg9: memref<3x128x128xf32, #tpu.memory_space<vmem>>, %arg10: memref<!tpu.dma_semaphore, #tpu.memory_space<semaphore_mem>>, %arg11: memref<!tpu.dma_semaphore, #tpu.memory_space<semaphore_mem>>, %arg12: memref<!tpu.dma_semaphore, #tpu.memory_space<semaphore_mem>>, %arg13: memref<!tpu.dma_semaphore, #tpu.memory_space<semaphore_mem>>, %arg14: memref<!tpu.dma_semaphore, #tpu.memory_space<semaphore_mem>>, %arg15: memref<!tpu.dma_semaphore, #tpu.memory_space<semaphore_mem>>, %arg16: memref<!tpu.dma_semaphore, #tpu.memory_space<semaphore_mem>>, %arg17: memref<!tpu.dma_semaphore, #tpu.memory_space<semaphore_mem>>, %arg18: memref<!tpu.dma_semaphore, #tpu.memory_space<semaphore_mem>>, %arg19: memref<!tpu.dma_semaphore, #tpu.memory_space<semaphore_mem>>, %arg20: memref<!tpu.dma_semaphore, #tpu.memory_space<semaphore_mem>>, %arg21: memref<!tpu.dma_semaphore, #tpu.memory_space<semaphore_mem>>, %arg22: memref<10112x128xf32, #tpu.memory_space<vmem_shared>>) attributes {dimension_semantics = [#tpu.dimension_semantics<core_parallel>, #tpu.dimension_semantics<subcore_parallel>], iteration_bounds = array<i64: 2, 16>, scalar_prefetch = 0 : i64, scratch_operands = 16 : i64, tpu.core_type = #tpu.core_type<sc_vector_subcore>, window_params = [{transform_indices = #map}, {transform_indices = #map1}, {transform_indices = #map1}, {transform_indices = #map}, {transform_indices = #map1}]} {
    %mul3A = arith.constant 16 : i32
    %mul3A_0 = arith.muli %arg0, %mul3A : i32
    %add3A = arith.addi %mul3A_0, %arg1 : i32
    %mul3A_1 = arith.constant 81 : i32
    %mul3A_2 = arith.muli %add3A, %mul3A_1 : i32
    %mul3A_3 = arith.constant 632 : i32
    %mul3A_4 = arith.muli %arg1, %mul3A_3 : i32
    "tpu.region"() ({
      %run_scoped3A = tpu.sem_alloc : memref<!tpu.dma_semaphore, #tpu.memory_space<semaphore_mem>>
      %dma_start3A_397 = arith.constant 0 : i32
      %dma_start3A_398 = tpu.memref_slice %arg22[%mul3A_4, %dma_start3A_397] : memref<10112x128xf32, #tpu.memory_space<vmem_shared>> -> memref<632x128xf32, #tpu.memory_space<vmem_shared>>
      tpu.enqueue_dma source(%arg5 : memref<632x128xf32, #tpu.memory_space<hbm>>) target(%dma_start3A_398 : memref<632x128xf32, #tpu.memory_space<vmem_shared>>) target_semaphore(%run_scoped3A : memref<!tpu.dma_semaphore, #tpu.memory_space<semaphore_mem>>)
      %dma_wait3A_399 = arith.constant 0 : i32
      %dma_wait3A_400 = tpu.memref_slice %arg22[%mul3A_4, %dma_wait3A_399] : memref<10112x128xf32, #tpu.memory_space<vmem_shared>> -> memref<632x128xf32, #tpu.memory_space<vmem_shared>>
      tpu.wait_dma2 semaphore(%run_scoped3A : memref<!tpu.dma_semaphore, #tpu.memory_space<semaphore_mem>>) src(%arg5 : memref<632x128xf32, #tpu.memory_space<hbm>>) dst(%dma_wait3A_400 : memref<632x128xf32, #tpu.memory_space<vmem_shared>>)
      tpu.yield
    }) : () -> ()
    %barrier3A = arith.constant 0 : index
    tpu.barrier barrier_id(%barrier3A)
    %add3A_5 = arith.constant 0 : i32
    %add3A_6 = arith.addi %mul3A_2, %add3A_5 : i32
    %dma_start3A = arith.constant 0 : i32
    %dma_start3A_7 = arith.constant 0 : i32
    %dma_start3A_8 = arith.constant 0 : i32
    %dma_start3A_9 = tpu.memref_slice %arg7[%dma_start3A, %dma_start3A_7, %dma_start3A_8] : memref<3x1x128xi32, #tpu.memory_space<vmem>> -> memref<1x1x128xi32, #tpu.memory_space<vmem>>
    %dma_start3A_10 = tpu.memref_squeeze %dma_start3A_9 : memref<1x1x128xi32, #tpu.memory_space<vmem>> -> memref<1x128xi32, #tpu.memory_space<vmem>>
    %dma_start3A_11 = arith.constant 0 : i32
    %dma_start3A_12 = arith.constant 0 : i32
    %dma_start3A_13 = tpu.memref_slice %arg3[%add3A_6, %dma_start3A_11, %dma_start3A_12] : memref<2592x1x128xi32, #tpu.memory_space<hbm>> -> memref<1x1x128xi32, #tpu.memory_space<hbm>>
    %dma_start3A_14 = tpu.memref_squeeze %dma_start3A_13 : memref<1x1x128xi32, #tpu.memory_space<hbm>> -> memref<1x128xi32, #tpu.memory_space<hbm>>
    %dma_start3A_15 = arith.constant 0 : i32
    %dma_start3A_16 = arith.constant 0 : i32
    %dma_start3A_17 = tpu.memref_slice %arg7[%dma_start3A, %dma_start3A_15, %dma_start3A_16] : memref<3x1x128xi32, #tpu.memory_space<vmem>> -> memref<1x1x128xi32, #tpu.memory_space<vmem>>
    %dma_start3A_18 = tpu.memref_squeeze %dma_start3A_17 : memref<1x1x128xi32, #tpu.memory_space<vmem>> -> memref<1x128xi32, #tpu.memory_space<vmem>>
    %dma_start3A_19 = arith.constant 0 : i32
    %dma_start3A_20 = arith.constant 0 : i32
    %dma_start3A_21 = tpu.memref_slice %arg3[%add3A_6, %dma_start3A_19, %dma_start3A_20] : memref<2592x1x128xi32, #tpu.memory_space<hbm>> -> memref<1x1x128xi32, #tpu.memory_space<hbm>>
    %dma_start3A_22 = tpu.memref_squeeze %dma_start3A_21 : memref<1x1x128xi32, #tpu.memory_space<hbm>> -> memref<1x128xi32, #tpu.memory_space<hbm>>
    tpu.enqueue_dma source(%dma_start3A_22 : memref<1x128xi32, #tpu.memory_space<hbm>>) target(%dma_start3A_18 : memref<1x128xi32, #tpu.memory_space<vmem>>) target_semaphore(%arg10 : memref<!tpu.dma_semaphore, #tpu.memory_space<semaphore_mem>>)
    %add3A_23 = arith.constant 0 : i32
    %add3A_24 = arith.addi %mul3A_2, %add3A_23 : i32
    %dma_start3A_25 = arith.constant 0 : i32
    %dma_start3A_26 = arith.constant 0 : i32
    %dma_start3A_27 = arith.constant 0 : i32
    %dma_start3A_28 = tpu.memref_slice %arg8[%dma_start3A_25, %dma_start3A_26, %dma_start3A_27] : memref<3x1x128xi32, #tpu.memory_space<vmem>> -> memref<1x1x128xi32, #tpu.memory_space<vmem>>
    %dma_start3A_29 = tpu.memref_squeeze %dma_start3A_28 : memref<1x1x128xi32, #tpu.memory_space<vmem>> -> memref<1x128xi32, #tpu.memory_space<vmem>>
    %dma_start3A_30 = arith.constant 0 : i32
    %dma_start3A_31 = arith.constant 0 : i32
    %dma_start3A_32 = tpu.memref_slice %arg4[%add3A_24, %dma_start3A_30, %dma_start3A_31] : memref<2592x1x128xi32, #tpu.memory_space<hbm>> -> memref<1x1x128xi32, #tpu.memory_space<hbm>>
    %dma_start3A_33 = tpu.memref_squeeze %dma_start3A_32 : memref<1x1x128xi32, #tpu.memory_space<hbm>> -> memref<1x128xi32, #tpu.memory_space<hbm>>
    %dma_start3A_34 = arith.constant 0 : i32
    %dma_start3A_35 = arith.constant 0 : i32
    %dma_start3A_36 = tpu.memref_slice %arg8[%dma_start3A_25, %dma_start3A_34, %dma_start3A_35] : memref<3x1x128xi32, #tpu.memory_space<vmem>> -> memref<1x1x128xi32, #tpu.memory_space<vmem>>
    %dma_start3A_37 = tpu.memref_squeeze %dma_start3A_36 : memref<1x1x128xi32, #tpu.memory_space<vmem>> -> memref<1x128xi32, #tpu.memory_space<vmem>>
    %dma_start3A_38 = arith.constant 0 : i32
    %dma_start3A_39 = arith.constant 0 : i32
    %dma_start3A_40 = tpu.memref_slice %arg4[%add3A_24, %dma_start3A_38, %dma_start3A_39] : memref<2592x1x128xi32, #tpu.memory_space<hbm>> -> memref<1x1x128xi32, #tpu.memory_space<hbm>>
    %dma_start3A_41 = tpu.memref_squeeze %dma_start3A_40 : memref<1x1x128xi32, #tpu.memory_space<hbm>> -> memref<1x128xi32, #tpu.memory_space<hbm>>
    tpu.enqueue_dma source(%dma_start3A_41 : memref<1x128xi32, #tpu.memory_space<hbm>>) target(%dma_start3A_37 : memref<1x128xi32, #tpu.memory_space<vmem>>) target_semaphore(%arg13 : memref<!tpu.dma_semaphore, #tpu.memory_space<semaphore_mem>>)
    %add3A_42 = arith.constant 1 : i32
    %add3A_43 = arith.addi %mul3A_2, %add3A_42 : i32
    %dma_start3A_44 = arith.constant 1 : i32
    %dma_start3A_45 = arith.constant 0 : i32
    %dma_start3A_46 = arith.constant 0 : i32
    %dma_start3A_47 = tpu.memref_slice %arg7[%dma_start3A_44, %dma_start3A_45, %dma_start3A_46] : memref<3x1x128xi32, #tpu.memory_space<vmem>> -> memref<1x1x128xi32, #tpu.memory_space<vmem>>
    %dma_start3A_48 = tpu.memref_squeeze %dma_start3A_47 : memref<1x1x128xi32, #tpu.memory_space<vmem>> -> memref<1x128xi32, #tpu.memory_space<vmem>>
    %dma_start3A_49 = arith.constant 0 : i32
    %dma_start3A_50 = arith.constant 0 : i32
    %dma_start3A_51 = tpu.memref_slice %arg3[%add3A_43, %dma_start3A_49, %dma_start3A_50] : memref<2592x1x128xi32, #tpu.memory_space<hbm>> -> memref<1x1x128xi32, #tpu.memory_space<hbm>>
    %dma_start3A_52 = tpu.memref_squeeze %dma_start3A_51 : memref<1x1x128xi32, #tpu.memory_space<hbm>> -> memref<1x128xi32, #tpu.memory_space<hbm>>
    %dma_start3A_53 = arith.constant 0 : i32
    %dma_start3A_54 = arith.constant 0 : i32
    %dma_start3A_55 = tpu.memref_slice %arg7[%dma_start3A_44, %dma_start3A_53, %dma_start3A_54] : memref<3x1x128xi32, #tpu.memory_space<vmem>> -> memref<1x1x128xi32, #tpu.memory_space<vmem>>
    %dma_start3A_56 = tpu.memref_squeeze %dma_start3A_55 : memref<1x1x128xi32, #tpu.memory_space<vmem>> -> memref<1x128xi32, #tpu.memory_space<vmem>>
    %dma_start3A_57 = arith.constant 0 : i32
    %dma_start3A_58 = arith.constant 0 : i32
    %dma_start3A_59 = tpu.memref_slice %arg3[%add3A_43, %dma_start3A_57, %dma_start3A_58] : memref<2592x1x128xi32, #tpu.memory_space<hbm>> -> memref<1x1x128xi32, #tpu.memory_space<hbm>>
    %dma_start3A_60 = tpu.memref_squeeze %dma_start3A_59 : memref<1x1x128xi32, #tpu.memory_space<hbm>> -> memref<1x128xi32, #tpu.memory_space<hbm>>
    tpu.enqueue_dma source(%dma_start3A_60 : memref<1x128xi32, #tpu.memory_space<hbm>>) target(%dma_start3A_56 : memref<1x128xi32, #tpu.memory_space<vmem>>) target_semaphore(%arg11 : memref<!tpu.dma_semaphore, #tpu.memory_space<semaphore_mem>>)
    %add3A_61 = arith.constant 1 : i32
    %add3A_62 = arith.addi %mul3A_2, %add3A_61 : i32
    %dma_start3A_63 = arith.constant 1 : i32
    %dma_start3A_64 = arith.constant 0 : i32
    %dma_start3A_65 = arith.constant 0 : i32
    %dma_start3A_66 = tpu.memref_slice %arg8[%dma_start3A_63, %dma_start3A_64, %dma_start3A_65] : memref<3x1x128xi32, #tpu.memory_space<vmem>> -> memref<1x1x128xi32, #tpu.memory_space<vmem>>
    %dma_start3A_67 = tpu.memref_squeeze %dma_start3A_66 : memref<1x1x128xi32, #tpu.memory_space<vmem>> -> memref<1x128xi32, #tpu.memory_space<vmem>>
    %dma_start3A_68 = arith.constant 0 : i32
    %dma_start3A_69 = arith.constant 0 : i32
    %dma_start3A_70 = tpu.memref_slice %arg4[%add3A_62, %dma_start3A_68, %dma_start3A_69] : memref<2592x1x128xi32, #tpu.memory_space<hbm>> -> memref<1x1x128xi32, #tpu.memory_space<hbm>>
    %dma_start3A_71 = tpu.memref_squeeze %dma_start3A_70 : memref<1x1x128xi32, #tpu.memory_space<hbm>> -> memref<1x128xi32, #tpu.memory_space<hbm>>
    %dma_start3A_72 = arith.constant 0 : i32
    %dma_start3A_73 = arith.constant 0 : i32
    %dma_start3A_74 = tpu.memref_slice %arg8[%dma_start3A_63, %dma_start3A_72, %dma_start3A_73] : memref<3x1x128xi32, #tpu.memory_space<vmem>> -> memref<1x1x128xi32, #tpu.memory_space<vmem>>
    %dma_start3A_75 = tpu.memref_squeeze %dma_start3A_74 : memref<1x1x128xi32, #tpu.memory_space<vmem>> -> memref<1x128xi32, #tpu.memory_space<vmem>>
    %dma_start3A_76 = arith.constant 0 : i32
    %dma_start3A_77 = arith.constant 0 : i32
    %dma_start3A_78 = tpu.memref_slice %arg4[%add3A_62, %dma_start3A_76, %dma_start3A_77] : memref<2592x1x128xi32, #tpu.memory_space<hbm>> -> memref<1x1x128xi32, #tpu.memory_space<hbm>>
    %dma_start3A_79 = tpu.memref_squeeze %dma_start3A_78 : memref<1x1x128xi32, #tpu.memory_space<hbm>> -> memref<1x128xi32, #tpu.memory_space<hbm>>
    tpu.enqueue_dma source(%dma_start3A_79 : memref<1x128xi32, #tpu.memory_space<hbm>>) target(%dma_start3A_75 : memref<1x128xi32, #tpu.memory_space<vmem>>) target_semaphore(%arg14 : memref<!tpu.dma_semaphore, #tpu.memory_space<semaphore_mem>>)
    %add3A_80 = arith.constant 2 : i32
    %add3A_81 = arith.addi %mul3A_2, %add3A_80 : i32
    %dma_start3A_82 = arith.constant 2 : i32
    %dma_start3A_83 = arith.constant 0 : i32
    %dma_start3A_84 = arith.constant 0 : i32
    %dma_start3A_85 = tpu.memref_slice %arg7[%dma_start3A_82, %dma_start3A_83, %dma_start3A_84] : memref<3x1x128xi32, #tpu.memory_space<vmem>> -> memref<1x1x128xi32, #tpu.memory_space<vmem>>
    %dma_start3A_86 = tpu.memref_squeeze %dma_start3A_85 : memref<1x1x128xi32, #tpu.memory_space<vmem>> -> memref<1x128xi32, #tpu.memory_space<vmem>>
    %dma_start3A_87 = arith.constant 0 : i32
    %dma_start3A_88 = arith.constant 0 : i32
    %dma_start3A_89 = tpu.memref_slice %arg3[%add3A_81, %dma_start3A_87, %dma_start3A_88] : memref<2592x1x128xi32, #tpu.memory_space<hbm>> -> memref<1x1x128xi32, #tpu.memory_space<hbm>>
    %dma_start3A_90 = tpu.memref_squeeze %dma_start3A_89 : memref<1x1x128xi32, #tpu.memory_space<hbm>> -> memref<1x128xi32, #tpu.memory_space<hbm>>
    %dma_start3A_91 = arith.constant 0 : i32
    %dma_start3A_92 = arith.constant 0 : i32
    %dma_start3A_93 = tpu.memref_slice %arg7[%dma_start3A_82, %dma_start3A_91, %dma_start3A_92] : memref<3x1x128xi32, #tpu.memory_space<vmem>> -> memref<1x1x128xi32, #tpu.memory_space<vmem>>
    %dma_start3A_94 = tpu.memref_squeeze %dma_start3A_93 : memref<1x1x128xi32, #tpu.memory_space<vmem>> -> memref<1x128xi32, #tpu.memory_space<vmem>>
    %dma_start3A_95 = arith.constant 0 : i32
    %dma_start3A_96 = arith.constant 0 : i32
    %dma_start3A_97 = tpu.memref_slice %arg3[%add3A_81, %dma_start3A_95, %dma_start3A_96] : memref<2592x1x128xi32, #tpu.memory_space<hbm>> -> memref<1x1x128xi32, #tpu.memory_space<hbm>>
    %dma_start3A_98 = tpu.memref_squeeze %dma_start3A_97 : memref<1x1x128xi32, #tpu.memory_space<hbm>> -> memref<1x128xi32, #tpu.memory_space<hbm>>
    tpu.enqueue_dma source(%dma_start3A_98 : memref<1x128xi32, #tpu.memory_space<hbm>>) target(%dma_start3A_94 : memref<1x128xi32, #tpu.memory_space<vmem>>) target_semaphore(%arg12 : memref<!tpu.dma_semaphore, #tpu.memory_space<semaphore_mem>>)
    %add3A_99 = arith.constant 2 : i32
    %add3A_100 = arith.addi %mul3A_2, %add3A_99 : i32
    %dma_start3A_101 = arith.constant 2 : i32
    %dma_start3A_102 = arith.constant 0 : i32
    %dma_start3A_103 = arith.constant 0 : i32
    %dma_start3A_104 = tpu.memref_slice %arg8[%dma_start3A_101, %dma_start3A_102, %dma_start3A_103] : memref<3x1x128xi32, #tpu.memory_space<vmem>> -> memref<1x1x128xi32, #tpu.memory_space<vmem>>
    %dma_start3A_105 = tpu.memref_squeeze %dma_start3A_104 : memref<1x1x128xi32, #tpu.memory_space<vmem>> -> memref<1x128xi32, #tpu.memory_space<vmem>>
    %dma_start3A_106 = arith.constant 0 : i32
    %dma_start3A_107 = arith.constant 0 : i32
    %dma_start3A_108 = tpu.memref_slice %arg4[%add3A_100, %dma_start3A_106, %dma_start3A_107] : memref<2592x1x128xi32, #tpu.memory_space<hbm>> -> memref<1x1x128xi32, #tpu.memory_space<hbm>>
    %dma_start3A_109 = tpu.memref_squeeze %dma_start3A_108 : memref<1x1x128xi32, #tpu.memory_space<hbm>> -> memref<1x128xi32, #tpu.memory_space<hbm>>
    %dma_start3A_110 = arith.constant 0 : i32
    %dma_start3A_111 = arith.constant 0 : i32
    %dma_start3A_112 = tpu.memref_slice %arg8[%dma_start3A_101, %dma_start3A_110, %dma_start3A_111] : memref<3x1x128xi32, #tpu.memory_space<vmem>> -> memref<1x1x128xi32, #tpu.memory_space<vmem>>
    %dma_start3A_113 = tpu.memref_squeeze %dma_start3A_112 : memref<1x1x128xi32, #tpu.memory_space<vmem>> -> memref<1x128xi32, #tpu.memory_space<vmem>>
    %dma_start3A_114 = arith.constant 0 : i32
    %dma_start3A_115 = arith.constant 0 : i32
    %dma_start3A_116 = tpu.memref_slice %arg4[%add3A_100, %dma_start3A_114, %dma_start3A_115] : memref<2592x1x128xi32, #tpu.memory_space<hbm>> -> memref<1x1x128xi32, #tpu.memory_space<hbm>>
    %dma_start3A_117 = tpu.memref_squeeze %dma_start3A_116 : memref<1x1x128xi32, #tpu.memory_space<hbm>> -> memref<1x128xi32, #tpu.memory_space<hbm>>
    tpu.enqueue_dma source(%dma_start3A_117 : memref<1x128xi32, #tpu.memory_space<hbm>>) target(%dma_start3A_113 : memref<1x128xi32, #tpu.memory_space<vmem>>) target_semaphore(%arg15 : memref<!tpu.dma_semaphore, #tpu.memory_space<semaphore_mem>>)
    %add3A_118 = arith.constant 0 : i32
    %add3A_119 = arith.addi %mul3A_2, %add3A_118 : i32
    %dma_wait3A = arith.constant 0 : i32
    %dma_wait3A_120 = arith.constant 0 : i32
    %dma_wait3A_121 = arith.constant 0 : i32
    %dma_wait3A_122 = tpu.memref_slice %arg7[%dma_wait3A, %dma_wait3A_120, %dma_wait3A_121] : memref<3x1x128xi32, #tpu.memory_space<vmem>> -> memref<1x1x128xi32, #tpu.memory_space<vmem>>
    %dma_wait3A_123 = tpu.memref_squeeze %dma_wait3A_122 : memref<1x1x128xi32, #tpu.memory_space<vmem>> -> memref<1x128xi32, #tpu.memory_space<vmem>>
    %dma_wait3A_124 = arith.constant 0 : i32
    %dma_wait3A_125 = arith.constant 0 : i32
    %dma_wait3A_126 = tpu.memref_slice %arg3[%add3A_119, %dma_wait3A_124, %dma_wait3A_125] : memref<2592x1x128xi32, #tpu.memory_space<hbm>> -> memref<1x1x128xi32, #tpu.memory_space<hbm>>
    %dma_wait3A_127 = tpu.memref_squeeze %dma_wait3A_126 : memref<1x1x128xi32, #tpu.memory_space<hbm>> -> memref<1x128xi32, #tpu.memory_space<hbm>>
    %dma_wait3A_128 = arith.constant 0 : i32
    %dma_wait3A_129 = arith.constant 0 : i32
    %dma_wait3A_130 = tpu.memref_slice %arg7[%dma_wait3A, %dma_wait3A_128, %dma_wait3A_129] : memref<3x1x128xi32, #tpu.memory_space<vmem>> -> memref<1x1x128xi32, #tpu.memory_space<vmem>>
    %dma_wait3A_131 = tpu.memref_squeeze %dma_wait3A_130 : memref<1x1x128xi32, #tpu.memory_space<vmem>> -> memref<1x128xi32, #tpu.memory_space<vmem>>
    %dma_wait3A_132 = arith.constant 0 : i32
    %dma_wait3A_133 = arith.constant 0 : i32
    %dma_wait3A_134 = tpu.memref_slice %arg3[%add3A_119, %dma_wait3A_132, %dma_wait3A_133] : memref<2592x1x128xi32, #tpu.memory_space<hbm>> -> memref<1x1x128xi32, #tpu.memory_space<hbm>>
    %dma_wait3A_135 = tpu.memref_squeeze %dma_wait3A_134 : memref<1x1x128xi32, #tpu.memory_space<hbm>> -> memref<1x128xi32, #tpu.memory_space<hbm>>
    tpu.wait_dma2 semaphore(%arg10 : memref<!tpu.dma_semaphore, #tpu.memory_space<semaphore_mem>>) src(%dma_wait3A_135 : memref<1x128xi32, #tpu.memory_space<hbm>>) dst(%dma_wait3A_131 : memref<1x128xi32, #tpu.memory_space<vmem>>)
    %dma_start3A_136 = arith.constant 0 : i32
    %dma_start3A_137 = arith.constant 0 : i32
    %dma_start3A_138 = arith.constant 0 : i32
    %dma_start3A_139 = arith.constant 0 : i32
    %dma_start3A_140 = arith.constant 0 : i32
    %dma_start3A_141 = tpu.memref_slice %arg9[%dma_start3A_138, %dma_start3A_139, %dma_start3A_140] : memref<3x128x128xf32, #tpu.memory_space<vmem>> -> memref<1x128x128xf32, #tpu.memory_space<vmem>>
    %dma_start3A_142 = tpu.memref_squeeze %dma_start3A_141 : memref<1x128x128xf32, #tpu.memory_space<vmem>> -> memref<128x128xf32, #tpu.memory_space<vmem>>
    %dma_start3A_143 = arith.constant 0 : i32
    %dma_start3A_144 = tpu.memref_slice %arg7[%dma_start3A_136, %dma_start3A_137, %dma_start3A_143] : memref<3x1x128xi32, #tpu.memory_space<vmem>> -> memref<1x1x128xi32, #tpu.memory_space<vmem>>
    %dma_start3A_145 = tpu.memref_squeeze %dma_start3A_144 : memref<1x1x128xi32, #tpu.memory_space<vmem>> -> memref<128xi32, #tpu.memory_space<vmem>>
    %dma_start3A_146 = arith.constant 0 : i32
    %dma_start3A_147 = arith.constant 0 : i32
    %dma_start3A_148 = tpu.memref_slice %arg2[%dma_start3A_146, %dma_start3A_147] : memref<10000x128xf32, #tpu.memory_space<hbm>> -> memref<10000x128xf32, #tpu.memory_space<hbm>>
    tpu.enqueue_indirect_dma source(%dma_start3A_148 : memref<10000x128xf32, #tpu.memory_space<hbm>>) target(%dma_start3A_142 : memref<128x128xf32, #tpu.memory_space<vmem>>) offsets(%dma_start3A_145 : memref<128xi32, #tpu.memory_space<vmem>>) semaphore(%arg16 : memref<!tpu.dma_semaphore, #tpu.memory_space<semaphore_mem>>)
    %add3A_149 = arith.constant 1 : i32
    %add3A_150 = arith.addi %mul3A_2, %add3A_149 : i32
    %dma_wait3A_151 = arith.constant 1 : i32
    %dma_wait3A_152 = arith.constant 0 : i32
    %dma_wait3A_153 = arith.constant 0 : i32
    %dma_wait3A_154 = tpu.memref_slice %arg7[%dma_wait3A_151, %dma_wait3A_152, %dma_wait3A_153] : memref<3x1x128xi32, #tpu.memory_space<vmem>> -> memref<1x1x128xi32, #tpu.memory_space<vmem>>
    %dma_wait3A_155 = tpu.memref_squeeze %dma_wait3A_154 : memref<1x1x128xi32, #tpu.memory_space<vmem>> -> memref<1x128xi32, #tpu.memory_space<vmem>>
    %dma_wait3A_156 = arith.constant 0 : i32
    %dma_wait3A_157 = arith.constant 0 : i32
    %dma_wait3A_158 = tpu.memref_slice %arg3[%add3A_150, %dma_wait3A_156, %dma_wait3A_157] : memref<2592x1x128xi32, #tpu.memory_space<hbm>> -> memref<1x1x128xi32, #tpu.memory_space<hbm>>
    %dma_wait3A_159 = tpu.memref_squeeze %dma_wait3A_158 : memref<1x1x128xi32, #tpu.memory_space<hbm>> -> memref<1x128xi32, #tpu.memory_space<hbm>>
    %dma_wait3A_160 = arith.constant 0 : i32
    %dma_wait3A_161 = arith.constant 0 : i32
    %dma_wait3A_162 = tpu.memref_slice %arg7[%dma_wait3A_151, %dma_wait3A_160, %dma_wait3A_161] : memref<3x1x128xi32, #tpu.memory_space<vmem>> -> memref<1x1x128xi32, #tpu.memory_space<vmem>>
    %dma_wait3A_163 = tpu.memref_squeeze %dma_wait3A_162 : memref<1x1x128xi32, #tpu.memory_space<vmem>> -> memref<1x128xi32, #tpu.memory_space<vmem>>
    %dma_wait3A_164 = arith.constant 0 : i32
    %dma_wait3A_165 = arith.constant 0 : i32
    %dma_wait3A_166 = tpu.memref_slice %arg3[%add3A_150, %dma_wait3A_164, %dma_wait3A_165] : memref<2592x1x128xi32, #tpu.memory_space<hbm>> -> memref<1x1x128xi32, #tpu.memory_space<hbm>>
    %dma_wait3A_167 = tpu.memref_squeeze %dma_wait3A_166 : memref<1x1x128xi32, #tpu.memory_space<hbm>> -> memref<1x128xi32, #tpu.memory_space<hbm>>
    tpu.wait_dma2 semaphore(%arg11 : memref<!tpu.dma_semaphore, #tpu.memory_space<semaphore_mem>>) src(%dma_wait3A_167 : memref<1x128xi32, #tpu.memory_space<hbm>>) dst(%dma_wait3A_163 : memref<1x128xi32, #tpu.memory_space<vmem>>)
    %dma_start3A_168 = arith.constant 1 : i32
    %dma_start3A_169 = arith.constant 0 : i32
    %dma_start3A_170 = arith.constant 1 : i32
    %dma_start3A_171 = arith.constant 0 : i32
    %dma_start3A_172 = arith.constant 0 : i32
    %dma_start3A_173 = tpu.memref_slice %arg9[%dma_start3A_170, %dma_start3A_171, %dma_start3A_172] : memref<3x128x128xf32, #tpu.memory_space<vmem>> -> memref<1x128x128xf32, #tpu.memory_space<vmem>>
    %dma_start3A_174 = tpu.memref_squeeze %dma_start3A_173 : memref<1x128x128xf32, #tpu.memory_space<vmem>> -> memref<128x128xf32, #tpu.memory_space<vmem>>
    %dma_start3A_175 = arith.constant 0 : i32
    %dma_start3A_176 = tpu.memref_slice %arg7[%dma_start3A_168, %dma_start3A_169, %dma_start3A_175] : memref<3x1x128xi32, #tpu.memory_space<vmem>> -> memref<1x1x128xi32, #tpu.memory_space<vmem>>
    %dma_start3A_177 = tpu.memref_squeeze %dma_start3A_176 : memref<1x1x128xi32, #tpu.memory_space<vmem>> -> memref<128xi32, #tpu.memory_space<vmem>>
    %dma_start3A_178 = arith.constant 0 : i32
    %dma_start3A_179 = arith.constant 0 : i32
    %dma_start3A_180 = tpu.memref_slice %arg2[%dma_start3A_178, %dma_start3A_179] : memref<10000x128xf32, #tpu.memory_space<hbm>> -> memref<10000x128xf32, #tpu.memory_space<hbm>>
    tpu.enqueue_indirect_dma source(%dma_start3A_180 : memref<10000x128xf32, #tpu.memory_space<hbm>>) target(%dma_start3A_174 : memref<128x128xf32, #tpu.memory_space<vmem>>) offsets(%dma_start3A_177 : memref<128xi32, #tpu.memory_space<vmem>>) semaphore(%arg17 : memref<!tpu.dma_semaphore, #tpu.memory_space<semaphore_mem>>)
    %add3A_181 = arith.constant 2 : i32
    %add3A_182 = arith.addi %mul3A_2, %add3A_181 : i32
    %dma_wait3A_183 = arith.constant 2 : i32
    %dma_wait3A_184 = arith.constant 0 : i32
    %dma_wait3A_185 = arith.constant 0 : i32
    %dma_wait3A_186 = tpu.memref_slice %arg7[%dma_wait3A_183, %dma_wait3A_184, %dma_wait3A_185] : memref<3x1x128xi32, #tpu.memory_space<vmem>> -> memref<1x1x128xi32, #tpu.memory_space<vmem>>
    %dma_wait3A_187 = tpu.memref_squeeze %dma_wait3A_186 : memref<1x1x128xi32, #tpu.memory_space<vmem>> -> memref<1x128xi32, #tpu.memory_space<vmem>>
    %dma_wait3A_188 = arith.constant 0 : i32
    %dma_wait3A_189 = arith.constant 0 : i32
    %dma_wait3A_190 = tpu.memref_slice %arg3[%add3A_182, %dma_wait3A_188, %dma_wait3A_189] : memref<2592x1x128xi32, #tpu.memory_space<hbm>> -> memref<1x1x128xi32, #tpu.memory_space<hbm>>
    %dma_wait3A_191 = tpu.memref_squeeze %dma_wait3A_190 : memref<1x1x128xi32, #tpu.memory_space<hbm>> -> memref<1x128xi32, #tpu.memory_space<hbm>>
    %dma_wait3A_192 = arith.constant 0 : i32
    %dma_wait3A_193 = arith.constant 0 : i32
    %dma_wait3A_194 = tpu.memref_slice %arg7[%dma_wait3A_183, %dma_wait3A_192, %dma_wait3A_193] : memref<3x1x128xi32, #tpu.memory_space<vmem>> -> memref<1x1x128xi32, #tpu.memory_space<vmem>>
    %dma_wait3A_195 = tpu.memref_squeeze %dma_wait3A_194 : memref<1x1x128xi32, #tpu.memory_space<vmem>> -> memref<1x128xi32, #tpu.memory_space<vmem>>
    %dma_wait3A_196 = arith.constant 0 : i32
    %dma_wait3A_197 = arith.constant 0 : i32
    %dma_wait3A_198 = tpu.memref_slice %arg3[%add3A_182, %dma_wait3A_196, %dma_wait3A_197] : memref<2592x1x128xi32, #tpu.memory_space<hbm>> -> memref<1x1x128xi32, #tpu.memory_space<hbm>>
    %dma_wait3A_199 = tpu.memref_squeeze %dma_wait3A_198 : memref<1x1x128xi32, #tpu.memory_space<hbm>> -> memref<1x128xi32, #tpu.memory_space<hbm>>
    tpu.wait_dma2 semaphore(%arg12 : memref<!tpu.dma_semaphore, #tpu.memory_space<semaphore_mem>>) src(%dma_wait3A_199 : memref<1x128xi32, #tpu.memory_space<hbm>>) dst(%dma_wait3A_195 : memref<1x128xi32, #tpu.memory_space<vmem>>)
    %dma_start3A_200 = arith.constant 2 : i32
    %dma_start3A_201 = arith.constant 0 : i32
    %dma_start3A_202 = arith.constant 2 : i32
    %dma_start3A_203 = arith.constant 0 : i32
    %dma_start3A_204 = arith.constant 0 : i32
    %dma_start3A_205 = tpu.memref_slice %arg9[%dma_start3A_202, %dma_start3A_203, %dma_start3A_204] : memref<3x128x128xf32, #tpu.memory_space<vmem>> -> memref<1x128x128xf32, #tpu.memory_space<vmem>>
    %dma_start3A_206 = tpu.memref_squeeze %dma_start3A_205 : memref<1x128x128xf32, #tpu.memory_space<vmem>> -> memref<128x128xf32, #tpu.memory_space<vmem>>
    %dma_start3A_207 = arith.constant 0 : i32
    %dma_start3A_208 = tpu.memref_slice %arg7[%dma_start3A_200, %dma_start3A_201, %dma_start3A_207] : memref<3x1x128xi32, #tpu.memory_space<vmem>> -> memref<1x1x128xi32, #tpu.memory_space<vmem>>
    %dma_start3A_209 = tpu.memref_squeeze %dma_start3A_208 : memref<1x1x128xi32, #tpu.memory_space<vmem>> -> memref<128xi32, #tpu.memory_space<vmem>>
    %dma_start3A_210 = arith.constant 0 : i32
    %dma_start3A_211 = arith.constant 0 : i32
    %dma_start3A_212 = tpu.memref_slice %arg2[%dma_start3A_210, %dma_start3A_211] : memref<10000x128xf32, #tpu.memory_space<hbm>> -> memref<10000x128xf32, #tpu.memory_space<hbm>>
    tpu.enqueue_indirect_dma source(%dma_start3A_212 : memref<10000x128xf32, #tpu.memory_space<hbm>>) target(%dma_start3A_206 : memref<128x128xf32, #tpu.memory_space<vmem>>) offsets(%dma_start3A_209 : memref<128xi32, #tpu.memory_space<vmem>>) semaphore(%arg18 : memref<!tpu.dma_semaphore, #tpu.memory_space<semaphore_mem>>)
    %scan3A = arith.constant 0 : i32
    %scan3A_213 = arith.constant 0 : i32
    %scan3A_214 = arith.constant 26 : i32
    %scan3A_215 = arith.addi %scan3A_213, %scan3A_214 : i32
    %scan3A_216 = arith.constant 1 : i32
    scf.for %scan3A_397 = %scan3A_213 to %scan3A_215 step %scan3A_216  : i32 {
      %mul3A_398 = arith.constant 3 : i32
      %mul3A_399 = arith.muli %scan3A_397, %mul3A_398 : i32
      %add3A_400 = arith.constant 0 : i32
      %add3A_401 = arith.addi %mul3A_399, %add3A_400 : i32
      %dma_wait3A_402 = arith.constant 0 : i32
      %dma_wait3A_403 = arith.constant 0 : i32
      %dma_wait3A_404 = arith.constant 0 : i32
      %dma_wait3A_405 = arith.constant 0 : i32
      %dma_wait3A_406 = arith.constant 0 : i32
      %dma_wait3A_407 = tpu.memref_slice %arg9[%dma_wait3A_404, %dma_wait3A_405, %dma_wait3A_406] : memref<3x128x128xf32, #tpu.memory_space<vmem>> -> memref<1x128x128xf32, #tpu.memory_space<vmem>>
      %dma_wait3A_408 = tpu.memref_squeeze %dma_wait3A_407 : memref<1x128x128xf32, #tpu.memory_space<vmem>> -> memref<128x128xf32, #tpu.memory_space<vmem>>
      %dma_wait3A_409 = arith.constant 0 : i32
      %dma_wait3A_410 = tpu.memref_slice %arg7[%dma_wait3A_402, %dma_wait3A_403, %dma_wait3A_409] : memref<3x1x128xi32, #tpu.memory_space<vmem>> -> memref<1x1x128xi32, #tpu.memory_space<vmem>>
      %dma_wait3A_411 = tpu.memref_squeeze %dma_wait3A_410 : memref<1x1x128xi32, #tpu.memory_space<vmem>> -> memref<128xi32, #tpu.memory_space<vmem>>
      %dma_wait3A_412 = arith.constant 0 : i32
      %dma_wait3A_413 = arith.constant 0 : i32
      %dma_wait3A_414 = tpu.memref_slice %arg2[%dma_wait3A_412, %dma_wait3A_413] : memref<10000x128xf32, #tpu.memory_space<hbm>> -> memref<10000x128xf32, #tpu.memory_space<hbm>>
      tpu.wait_indirect_dma semaphore(%arg16 : memref<!tpu.dma_semaphore, #tpu.memory_space<semaphore_mem>>) src(%dma_wait3A_414 : memref<10000x128xf32, #tpu.memory_space<hbm>>) dst(%dma_wait3A_408 : memref<128x128xf32, #tpu.memory_space<vmem>>)
      %add3A_415 = arith.constant 3 : i32
      %add3A_416 = arith.addi %mul3A_399, %add3A_415 : i32
      %add3A_417 = arith.constant 0 : i32
      %add3A_418 = arith.addi %add3A_416, %add3A_417 : i32
      %add3A_419 = arith.addi %mul3A_2, %add3A_418 : i32
      %dma_start3A_420 = arith.constant 0 : i32
      %dma_start3A_421 = arith.constant 0 : i32
      %dma_start3A_422 = arith.constant 0 : i32
      %dma_start3A_423 = tpu.memref_slice %arg7[%dma_start3A_420, %dma_start3A_421, %dma_start3A_422] : memref<3x1x128xi32, #tpu.memory_space<vmem>> -> memref<1x1x128xi32, #tpu.memory_space<vmem>>
      %dma_start3A_424 = tpu.memref_squeeze %dma_start3A_423 : memref<1x1x128xi32, #tpu.memory_space<vmem>> -> memref<1x128xi32, #tpu.memory_space<vmem>>
      %dma_start3A_425 = arith.constant 0 : i32
      %dma_start3A_426 = arith.constant 0 : i32
      %dma_start3A_427 = tpu.memref_slice %arg3[%add3A_419, %dma_start3A_425, %dma_start3A_426] : memref<2592x1x128xi32, #tpu.memory_space<hbm>> -> memref<1x1x128xi32, #tpu.memory_space<hbm>>
      %dma_start3A_428 = tpu.memref_squeeze %dma_start3A_427 : memref<1x1x128xi32, #tpu.memory_space<hbm>> -> memref<1x128xi32, #tpu.memory_space<hbm>>
      %dma_start3A_429 = arith.constant 0 : i32
      %dma_start3A_430 = arith.constant 0 : i32
      %dma_start3A_431 = tpu.memref_slice %arg7[%dma_start3A_420, %dma_start3A_429, %dma_start3A_430] : memref<3x1x128xi32, #tpu.memory_space<vmem>> -> memref<1x1x128xi32, #tpu.memory_space<vmem>>
      %dma_start3A_432 = tpu.memref_squeeze %dma_start3A_431 : memref<1x1x128xi32, #tpu.memory_space<vmem>> -> memref<1x128xi32, #tpu.memory_space<vmem>>
      %dma_start3A_433 = arith.constant 0 : i32
      %dma_start3A_434 = arith.constant 0 : i32
      %dma_start3A_435 = tpu.memref_slice %arg3[%add3A_419, %dma_start3A_433, %dma_start3A_434] : memref<2592x1x128xi32, #tpu.memory_space<hbm>> -> memref<1x1x128xi32, #tpu.memory_space<hbm>>
      %dma_start3A_436 = tpu.memref_squeeze %dma_start3A_435 : memref<1x1x128xi32, #tpu.memory_space<hbm>> -> memref<1x128xi32, #tpu.memory_space<hbm>>
      tpu.enqueue_dma source(%dma_start3A_436 : memref<1x128xi32, #tpu.memory_space<hbm>>) target(%dma_start3A_432 : memref<1x128xi32, #tpu.memory_space<vmem>>) target_semaphore(%arg10 : memref<!tpu.dma_semaphore, #tpu.memory_space<semaphore_mem>>)
      %add3A_437 = arith.constant 0 : i32
      %add3A_438 = arith.addi %mul3A_399, %add3A_437 : i32
      %add3A_439 = arith.addi %mul3A_2, %add3A_438 : i32
      %dma_wait3A_440 = arith.constant 0 : i32
      %dma_wait3A_441 = arith.constant 0 : i32
      %dma_wait3A_442 = arith.constant 0 : i32
      %dma_wait3A_443 = tpu.memref_slice %arg8[%dma_wait3A_440, %dma_wait3A_441, %dma_wait3A_442] : memref<3x1x128xi32, #tpu.memory_space<vmem>> -> memref<1x1x128xi32, #tpu.memory_space<vmem>>
      %dma_wait3A_444 = tpu.memref_squeeze %dma_wait3A_443 : memref<1x1x128xi32, #tpu.memory_space<vmem>> -> memref<1x128xi32, #tpu.memory_space<vmem>>
      %dma_wait3A_445 = arith.constant 0 : i32
      %dma_wait3A_446 = arith.constant 0 : i32
      %dma_wait3A_447 = tpu.memref_slice %arg4[%add3A_439, %dma_wait3A_445, %dma_wait3A_446] : memref<2592x1x128xi32, #tpu.memory_space<hbm>> -> memref<1x1x128xi32, #tpu.memory_space<hbm>>
      %dma_wait3A_448 = tpu.memref_squeeze %dma_wait3A_447 : memref<1x1x128xi32, #tpu.memory_space<hbm>> -> memref<1x128xi32, #tpu.memory_space<hbm>>
      %dma_wait3A_449 = arith.constant 0 : i32
      %dma_wait3A_450 = arith.constant 0 : i32
      %dma_wait3A_451 = tpu.memref_slice %arg8[%dma_wait3A_440, %dma_wait3A_449, %dma_wait3A_450] : memref<3x1x128xi32, #tpu.memory_space<vmem>> -> memref<1x1x128xi32, #tpu.memory_space<vmem>>
      %dma_wait3A_452 = tpu.memref_squeeze %dma_wait3A_451 : memref<1x1x128xi32, #tpu.memory_space<vmem>> -> memref<1x128xi32, #tpu.memory_space<vmem>>
      %dma_wait3A_453 = arith.constant 0 : i32
      %dma_wait3A_454 = arith.constant 0 : i32
      %dma_wait3A_455 = tpu.memref_slice %arg4[%add3A_439, %dma_wait3A_453, %dma_wait3A_454] : memref<2592x1x128xi32, #tpu.memory_space<hbm>> -> memref<1x1x128xi32, #tpu.memory_space<hbm>>
      %dma_wait3A_456 = tpu.memref_squeeze %dma_wait3A_455 : memref<1x1x128xi32, #tpu.memory_space<hbm>> -> memref<1x128xi32, #tpu.memory_space<hbm>>
      tpu.wait_dma2 semaphore(%arg13 : memref<!tpu.dma_semaphore, #tpu.memory_space<semaphore_mem>>) src(%dma_wait3A_456 : memref<1x128xi32, #tpu.memory_space<hbm>>) dst(%dma_wait3A_452 : memref<1x128xi32, #tpu.memory_space<vmem>>)
      %add3A_457 = arith.constant 0 : i32
      %add3A_458 = arith.addi %mul3A_399, %add3A_457 : i32
      %dma_start3A_459 = arith.constant 0 : i32
      %dma_start3A_460 = arith.constant 0 : i32
      %dma_start3A_461 = arith.constant 0 : i32
      %dma_start3A_462 = arith.constant 0 : i32
      %dma_start3A_463 = arith.constant 0 : i32
      %dma_start3A_464 = tpu.memref_slice %arg9[%dma_start3A_459, %dma_start3A_462, %dma_start3A_463] : memref<3x128x128xf32, #tpu.memory_space<vmem>> -> memref<1x128x128xf32, #tpu.memory_space<vmem>>
      %dma_start3A_465 = tpu.memref_squeeze %dma_start3A_464 : memref<1x128x128xf32, #tpu.memory_space<vmem>> -> memref<128x128xf32, #tpu.memory_space<vmem>>
      %dma_start3A_466 = arith.constant 0 : i32
      %dma_start3A_467 = tpu.memref_slice %arg8[%dma_start3A_460, %dma_start3A_461, %dma_start3A_466] : memref<3x1x128xi32, #tpu.memory_space<vmem>> -> memref<1x1x128xi32, #tpu.memory_space<vmem>>
      %dma_start3A_468 = tpu.memref_squeeze %dma_start3A_467 : memref<1x1x128xi32, #tpu.memory_space<vmem>> -> memref<128xi32, #tpu.memory_space<vmem>>
      %dma_start3A_469 = arith.constant 0 : i32
      %dma_start3A_470 = arith.constant 0 : i32
      %dma_start3A_471 = tpu.memref_slice %arg22[%dma_start3A_469, %dma_start3A_470] : memref<10112x128xf32, #tpu.memory_space<vmem_shared>> -> memref<10112x128xf32, #tpu.memory_space<vmem_shared>>
      tpu.enqueue_indirect_dma source(%dma_start3A_465 : memref<128x128xf32, #tpu.memory_space<vmem>>) target(%dma_start3A_471 : memref<10112x128xf32, #tpu.memory_space<vmem_shared>>) offsets(%dma_start3A_468 : memref<128xi32, #tpu.memory_space<vmem>>) semaphore(%arg19 : memref<!tpu.dma_semaphore, #tpu.memory_space<semaphore_mem>>) {add = true}
      %add3A_472 = arith.constant 1 : i32
      %add3A_473 = arith.addi %mul3A_399, %add3A_472 : i32
      %dma_wait3A_474 = arith.constant 1 : i32
      %dma_wait3A_475 = arith.constant 0 : i32
      %dma_wait3A_476 = arith.constant 1 : i32
      %dma_wait3A_477 = arith.constant 0 : i32
      %dma_wait3A_478 = arith.constant 0 : i32
      %dma_wait3A_479 = tpu.memref_slice %arg9[%dma_wait3A_476, %dma_wait3A_477, %dma_wait3A_478] : memref<3x128x128xf32, #tpu.memory_space<vmem>> -> memref<1x128x128xf32, #tpu.memory_space<vmem>>
      %dma_wait3A_480 = tpu.memref_squeeze %dma_wait3A_479 : memref<1x128x128xf32, #tpu.memory_space<vmem>> -> memref<128x128xf32, #tpu.memory_space<vmem>>
      %dma_wait3A_481 = arith.constant 0 : i32
      %dma_wait3A_482 = tpu.memref_slice %arg7[%dma_wait3A_474, %dma_wait3A_475, %dma_wait3A_481] : memref<3x1x128xi32, #tpu.memory_space<vmem>> -> memref<1x1x128xi32, #tpu.memory_space<vmem>>
      %dma_wait3A_483 = tpu.memref_squeeze %dma_wait3A_482 : memref<1x1x128xi32, #tpu.memory_space<vmem>> -> memref<128xi32, #tpu.memory_space<vmem>>
      %dma_wait3A_484 = arith.constant 0 : i32
      %dma_wait3A_485 = arith.constant 0 : i32
      %dma_wait3A_486 = tpu.memref_slice %arg2[%dma_wait3A_484, %dma_wait3A_485] : memref<10000x128xf32, #tpu.memory_space<hbm>> -> memref<10000x128xf32, #tpu.memory_space<hbm>>
      tpu.wait_indirect_dma semaphore(%arg17 : memref<!tpu.dma_semaphore, #tpu.memory_space<semaphore_mem>>) src(%dma_wait3A_486 : memref<10000x128xf32, #tpu.memory_space<hbm>>) dst(%dma_wait3A_480 : memref<128x128xf32, #tpu.memory_space<vmem>>)
      %add3A_487 = arith.constant 3 : i32
      %add3A_488 = arith.addi %mul3A_399, %add3A_487 : i32
      %add3A_489 = arith.constant 1 : i32
      %add3A_490 = arith.addi %add3A_488, %add3A_489 : i32
      %add3A_491 = arith.addi %mul3A_2, %add3A_490 : i32
      %dma_start3A_492 = arith.constant 1 : i32
      %dma_start3A_493 = arith.constant 0 : i32
      %dma_start3A_494 = arith.constant 0 : i32
      %dma_start3A_495 = tpu.memref_slice %arg7[%dma_start3A_492, %dma_start3A_493, %dma_start3A_494] : memref<3x1x128xi32, #tpu.memory_space<vmem>> -> memref<1x1x128xi32, #tpu.memory_space<vmem>>
      %dma_start3A_496 = tpu.memref_squeeze %dma_start3A_495 : memref<1x1x128xi32, #tpu.memory_space<vmem>> -> memref<1x128xi32, #tpu.memory_space<vmem>>
      %dma_start3A_497 = arith.constant 0 : i32
      %dma_start3A_498 = arith.constant 0 : i32
      %dma_start3A_499 = tpu.memref_slice %arg3[%add3A_491, %dma_start3A_497, %dma_start3A_498] : memref<2592x1x128xi32, #tpu.memory_space<hbm>> -> memref<1x1x128xi32, #tpu.memory_space<hbm>>
      %dma_start3A_500 = tpu.memref_squeeze %dma_start3A_499 : memref<1x1x128xi32, #tpu.memory_space<hbm>> -> memref<1x128xi32, #tpu.memory_space<hbm>>
      %dma_start3A_501 = arith.constant 0 : i32
      %dma_start3A_502 = arith.constant 0 : i32
      %dma_start3A_503 = tpu.memref_slice %arg7[%dma_start3A_492, %dma_start3A_501, %dma_start3A_502] : memref<3x1x128xi32, #tpu.memory_space<vmem>> -> memref<1x1x128xi32, #tpu.memory_space<vmem>>
      %dma_start3A_504 = tpu.memref_squeeze %dma_start3A_503 : memref<1x1x128xi32, #tpu.memory_space<vmem>> -> memref<1x128xi32, #tpu.memory_space<vmem>>
      %dma_start3A_505 = arith.constant 0 : i32
      %dma_start3A_506 = arith.constant 0 : i32
      %dma_start3A_507 = tpu.memref_slice %arg3[%add3A_491, %dma_start3A_505, %dma_start3A_506] : memref<2592x1x128xi32, #tpu.memory_space<hbm>> -> memref<1x1x128xi32, #tpu.memory_space<hbm>>
      %dma_start3A_508 = tpu.memref_squeeze %dma_start3A_507 : memref<1x1x128xi32, #tpu.memory_space<hbm>> -> memref<1x128xi32, #tpu.memory_space<hbm>>
      tpu.enqueue_dma source(%dma_start3A_508 : memref<1x128xi32, #tpu.memory_space<hbm>>) target(%dma_start3A_504 : memref<1x128xi32, #tpu.memory_space<vmem>>) target_semaphore(%arg11 : memref<!tpu.dma_semaphore, #tpu.memory_space<semaphore_mem>>)
      %add3A_509 = arith.constant 1 : i32
      %add3A_510 = arith.addi %mul3A_399, %add3A_509 : i32
      %add3A_511 = arith.addi %mul3A_2, %add3A_510 : i32
      %dma_wait3A_512 = arith.constant 1 : i32
      %dma_wait3A_513 = arith.constant 0 : i32
      %dma_wait3A_514 = arith.constant 0 : i32
      %dma_wait3A_515 = tpu.memref_slice %arg8[%dma_wait3A_512, %dma_wait3A_513, %dma_wait3A_514] : memref<3x1x128xi32, #tpu.memory_space<vmem>> -> memref<1x1x128xi32, #tpu.memory_space<vmem>>
      %dma_wait3A_516 = tpu.memref_squeeze %dma_wait3A_515 : memref<1x1x128xi32, #tpu.memory_space<vmem>> -> memref<1x128xi32, #tpu.memory_space<vmem>>
      %dma_wait3A_517 = arith.constant 0 : i32
      %dma_wait3A_518 = arith.constant 0 : i32
      %dma_wait3A_519 = tpu.memref_slice %arg4[%add3A_511, %dma_wait3A_517, %dma_wait3A_518] : memref<2592x1x128xi32, #tpu.memory_space<hbm>> -> memref<1x1x128xi32, #tpu.memory_space<hbm>>
      %dma_wait3A_520 = tpu.memref_squeeze %dma_wait3A_519 : memref<1x1x128xi32, #tpu.memory_space<hbm>> -> memref<1x128xi32, #tpu.memory_space<hbm>>
      %dma_wait3A_521 = arith.constant 0 : i32
      %dma_wait3A_522 = arith.constant 0 : i32
      %dma_wait3A_523 = tpu.memref_slice %arg8[%dma_wait3A_512, %dma_wait3A_521, %dma_wait3A_522] : memref<3x1x128xi32, #tpu.memory_space<vmem>> -> memref<1x1x128xi32, #tpu.memory_space<vmem>>
      %dma_wait3A_524 = tpu.memref_squeeze %dma_wait3A_523 : memref<1x1x128xi32, #tpu.memory_space<vmem>> -> memref<1x128xi32, #tpu.memory_space<vmem>>
      %dma_wait3A_525 = arith.constant 0 : i32
      %dma_wait3A_526 = arith.constant 0 : i32
      %dma_wait3A_527 = tpu.memref_slice %arg4[%add3A_511, %dma_wait3A_525, %dma_wait3A_526] : memref<2592x1x128xi32, #tpu.memory_space<hbm>> -> memref<1x1x128xi32, #tpu.memory_space<hbm>>
      %dma_wait3A_528 = tpu.memref_squeeze %dma_wait3A_527 : memref<1x1x128xi32, #tpu.memory_space<hbm>> -> memref<1x128xi32, #tpu.memory_space<hbm>>
      tpu.wait_dma2 semaphore(%arg14 : memref<!tpu.dma_semaphore, #tpu.memory_space<semaphore_mem>>) src(%dma_wait3A_528 : memref<1x128xi32, #tpu.memory_space<hbm>>) dst(%dma_wait3A_524 : memref<1x128xi32, #tpu.memory_space<vmem>>)
      %add3A_529 = arith.constant 1 : i32
      %add3A_530 = arith.addi %mul3A_399, %add3A_529 : i32
      %dma_start3A_531 = arith.constant 1 : i32
      %dma_start3A_532 = arith.constant 1 : i32
      %dma_start3A_533 = arith.constant 0 : i32
      %dma_start3A_534 = arith.constant 0 : i32
      %dma_start3A_535 = arith.constant 0 : i32
      %dma_start3A_536 = tpu.memref_slice %arg9[%dma_start3A_531, %dma_start3A_534, %dma_start3A_535] : memref<3x128x128xf32, #tpu.memory_space<vmem>> -> memref<1x128x128xf32, #tpu.memory_space<vmem>>
      %dma_start3A_537 = tpu.memref_squeeze %dma_start3A_536 : memref<1x128x128xf32, #tpu.memory_space<vmem>> -> memref<128x128xf32, #tpu.memory_space<vmem>>
      %dma_start3A_538 = arith.constant 0 : i32
      %dma_start3A_539 = tpu.memref_slice %arg8[%dma_start3A_532, %dma_start3A_533, %dma_start3A_538] : memref<3x1x128xi32, #tpu.memory_space<vmem>> -> memref<1x1x128xi32, #tpu.memory_space<vmem>>
      %dma_start3A_540 = tpu.memref_squeeze %dma_start3A_539 : memref<1x1x128xi32, #tpu.memory_space<vmem>> -> memref<128xi32, #tpu.memory_space<vmem>>
      %dma_start3A_541 = arith.constant 0 : i32
      %dma_start3A_542 = arith.constant 0 : i32
      %dma_start3A_543 = tpu.memref_slice %arg22[%dma_start3A_541, %dma_start3A_542] : memref<10112x128xf32, #tpu.memory_space<vmem_shared>> -> memref<10112x128xf32, #tpu.memory_space<vmem_shared>>
      tpu.enqueue_indirect_dma source(%dma_start3A_537 : memref<128x128xf32, #tpu.memory_space<vmem>>) target(%dma_start3A_543 : memref<10112x128xf32, #tpu.memory_space<vmem_shared>>) offsets(%dma_start3A_540 : memref<128xi32, #tpu.memory_space<vmem>>) semaphore(%arg20 : memref<!tpu.dma_semaphore, #tpu.memory_space<semaphore_mem>>) {add = true}
      %add3A_544 = arith.constant 2 : i32
      %add3A_545 = arith.addi %mul3A_399, %add3A_544 : i32
      %dma_wait3A_546 = arith.constant 2 : i32
      %dma_wait3A_547 = arith.constant 0 : i32
      %dma_wait3A_548 = arith.constant 2 : i32
      %dma_wait3A_549 = arith.constant 0 : i32
      %dma_wait3A_550 = arith.constant 0 : i32
      %dma_wait3A_551 = tpu.memref_slice %arg9[%dma_wait3A_548, %dma_wait3A_549, %dma_wait3A_550] : memref<3x128x128xf32, #tpu.memory_space<vmem>> -> memref<1x128x128xf32, #tpu.memory_space<vmem>>
      %dma_wait3A_552 = tpu.memref_squeeze %dma_wait3A_551 : memref<1x128x128xf32, #tpu.memory_space<vmem>> -> memref<128x128xf32, #tpu.memory_space<vmem>>
      %dma_wait3A_553 = arith.constant 0 : i32
      %dma_wait3A_554 = tpu.memref_slice %arg7[%dma_wait3A_546, %dma_wait3A_547, %dma_wait3A_553] : memref<3x1x128xi32, #tpu.memory_space<vmem>> -> memref<1x1x128xi32, #tpu.memory_space<vmem>>
      %dma_wait3A_555 = tpu.memref_squeeze %dma_wait3A_554 : memref<1x1x128xi32, #tpu.memory_space<vmem>> -> memref<128xi32, #tpu.memory_space<vmem>>
      %dma_wait3A_556 = arith.constant 0 : i32
      %dma_wait3A_557 = arith.constant 0 : i32
      %dma_wait3A_558 = tpu.memref_slice %arg2[%dma_wait3A_556, %dma_wait3A_557] : memref<10000x128xf32, #tpu.memory_space<hbm>> -> memref<10000x128xf32, #tpu.memory_space<hbm>>
      tpu.wait_indirect_dma semaphore(%arg18 : memref<!tpu.dma_semaphore, #tpu.memory_space<semaphore_mem>>) src(%dma_wait3A_558 : memref<10000x128xf32, #tpu.memory_space<hbm>>) dst(%dma_wait3A_552 : memref<128x128xf32, #tpu.memory_space<vmem>>)
      %add3A_559 = arith.constant 3 : i32
      %add3A_560 = arith.addi %mul3A_399, %add3A_559 : i32
      %add3A_561 = arith.constant 2 : i32
      %add3A_562 = arith.addi %add3A_560, %add3A_561 : i32
      %add3A_563 = arith.addi %mul3A_2, %add3A_562 : i32
      %dma_start3A_564 = arith.constant 2 : i32
      %dma_start3A_565 = arith.constant 0 : i32
      %dma_start3A_566 = arith.constant 0 : i32
      %dma_start3A_567 = tpu.memref_slice %arg7[%dma_start3A_564, %dma_start3A_565, %dma_start3A_566] : memref<3x1x128xi32, #tpu.memory_space<vmem>> -> memref<1x1x128xi32, #tpu.memory_space<vmem>>
      %dma_start3A_568 = tpu.memref_squeeze %dma_start3A_567 : memref<1x1x128xi32, #tpu.memory_space<vmem>> -> memref<1x128xi32, #tpu.memory_space<vmem>>
      %dma_start3A_569 = arith.constant 0 : i32
      %dma_start3A_570 = arith.constant 0 : i32
      %dma_start3A_571 = tpu.memref_slice %arg3[%add3A_563, %dma_start3A_569, %dma_start3A_570] : memref<2592x1x128xi32, #tpu.memory_space<hbm>> -> memref<1x1x128xi32, #tpu.memory_space<hbm>>
      %dma_start3A_572 = tpu.memref_squeeze %dma_start3A_571 : memref<1x1x128xi32, #tpu.memory_space<hbm>> -> memref<1x128xi32, #tpu.memory_space<hbm>>
      %dma_start3A_573 = arith.constant 0 : i32
      %dma_start3A_574 = arith.constant 0 : i32
      %dma_start3A_575 = tpu.memref_slice %arg7[%dma_start3A_564, %dma_start3A_573, %dma_start3A_574] : memref<3x1x128xi32, #tpu.memory_space<vmem>> -> memref<1x1x128xi32, #tpu.memory_space<vmem>>
      %dma_start3A_576 = tpu.memref_squeeze %dma_start3A_575 : memref<1x1x128xi32, #tpu.memory_space<vmem>> -> memref<1x128xi32, #tpu.memory_space<vmem>>
      %dma_start3A_577 = arith.constant 0 : i32
      %dma_start3A_578 = arith.constant 0 : i32
      %dma_start3A_579 = tpu.memref_slice %arg3[%add3A_563, %dma_start3A_577, %dma_start3A_578] : memref<2592x1x128xi32, #tpu.memory_space<hbm>> -> memref<1x1x128xi32, #tpu.memory_space<hbm>>
      %dma_start3A_580 = tpu.memref_squeeze %dma_start3A_579 : memref<1x1x128xi32, #tpu.memory_space<hbm>> -> memref<1x128xi32, #tpu.memory_space<hbm>>
      tpu.enqueue_dma source(%dma_start3A_580 : memref<1x128xi32, #tpu.memory_space<hbm>>) target(%dma_start3A_576 : memref<1x128xi32, #tpu.memory_space<vmem>>) target_semaphore(%arg12 : memref<!tpu.dma_semaphore, #tpu.memory_space<semaphore_mem>>)
      %add3A_581 = arith.constant 2 : i32
      %add3A_582 = arith.addi %mul3A_399, %add3A_581 : i32
      %add3A_583 = arith.addi %mul3A_2, %add3A_582 : i32
      %dma_wait3A_584 = arith.constant 2 : i32
      %dma_wait3A_585 = arith.constant 0 : i32
      %dma_wait3A_586 = arith.constant 0 : i32
      %dma_wait3A_587 = tpu.memref_slice %arg8[%dma_wait3A_584, %dma_wait3A_585, %dma_wait3A_586] : memref<3x1x128xi32, #tpu.memory_space<vmem>> -> memref<1x1x128xi32, #tpu.memory_space<vmem>>
      %dma_wait3A_588 = tpu.memref_squeeze %dma_wait3A_587 : memref<1x1x128xi32, #tpu.memory_space<vmem>> -> memref<1x128xi32, #tpu.memory_space<vmem>>
      %dma_wait3A_589 = arith.constant 0 : i32
      %dma_wait3A_590 = arith.constant 0 : i32
      %dma_wait3A_591 = tpu.memref_slice %arg4[%add3A_583, %dma_wait3A_589, %dma_wait3A_590] : memref<2592x1x128xi32, #tpu.memory_space<hbm>> -> memref<1x1x128xi32, #tpu.memory_space<hbm>>
      %dma_wait3A_592 = tpu.memref_squeeze %dma_wait3A_591 : memref<1x1x128xi32, #tpu.memory_space<hbm>> -> memref<1x128xi32, #tpu.memory_space<hbm>>
      %dma_wait3A_593 = arith.constant 0 : i32
      %dma_wait3A_594 = arith.constant 0 : i32
      %dma_wait3A_595 = tpu.memref_slice %arg8[%dma_wait3A_584, %dma_wait3A_593, %dma_wait3A_594] : memref<3x1x128xi32, #tpu.memory_space<vmem>> -> memref<1x1x128xi32, #tpu.memory_space<vmem>>
      %dma_wait3A_596 = tpu.memref_squeeze %dma_wait3A_595 : memref<1x1x128xi32, #tpu.memory_space<vmem>> -> memref<1x128xi32, #tpu.memory_space<vmem>>
      %dma_wait3A_597 = arith.constant 0 : i32
      %dma_wait3A_598 = arith.constant 0 : i32
      %dma_wait3A_599 = tpu.memref_slice %arg4[%add3A_583, %dma_wait3A_597, %dma_wait3A_598] : memref<2592x1x128xi32, #tpu.memory_space<hbm>> -> memref<1x1x128xi32, #tpu.memory_space<hbm>>
      %dma_wait3A_600 = tpu.memref_squeeze %dma_wait3A_599 : memref<1x1x128xi32, #tpu.memory_space<hbm>> -> memref<1x128xi32, #tpu.memory_space<hbm>>
      tpu.wait_dma2 semaphore(%arg15 : memref<!tpu.dma_semaphore, #tpu.memory_space<semaphore_mem>>) src(%dma_wait3A_600 : memref<1x128xi32, #tpu.memory_space<hbm>>) dst(%dma_wait3A_596 : memref<1x128xi32, #tpu.memory_space<vmem>>)
      %add3A_601 = arith.constant 2 : i32
      %add3A_602 = arith.addi %mul3A_399, %add3A_601 : i32
      %dma_start3A_603 = arith.constant 2 : i32
      %dma_start3A_604 = arith.constant 2 : i32
      %dma_start3A_605 = arith.constant 0 : i32
      %dma_start3A_606 = arith.constant 0 : i32
      %dma_start3A_607 = arith.constant 0 : i32
      %dma_start3A_608 = tpu.memref_slice %arg9[%dma_start3A_603, %dma_start3A_606, %dma_start3A_607] : memref<3x128x128xf32, #tpu.memory_space<vmem>> -> memref<1x128x128xf32, #tpu.memory_space<vmem>>
      %dma_start3A_609 = tpu.memref_squeeze %dma_start3A_608 : memref<1x128x128xf32, #tpu.memory_space<vmem>> -> memref<128x128xf32, #tpu.memory_space<vmem>>
      %dma_start3A_610 = arith.constant 0 : i32
      %dma_start3A_611 = tpu.memref_slice %arg8[%dma_start3A_604, %dma_start3A_605, %dma_start3A_610] : memref<3x1x128xi32, #tpu.memory_space<vmem>> -> memref<1x1x128xi32, #tpu.memory_space<vmem>>
      %dma_start3A_612 = tpu.memref_squeeze %dma_start3A_611 : memref<1x1x128xi32, #tpu.memory_space<vmem>> -> memref<128xi32, #tpu.memory_space<vmem>>
      %dma_start3A_613 = arith.constant 0 : i32
      %dma_start3A_614 = arith.constant 0 : i32
      %dma_start3A_615 = tpu.memref_slice %arg22[%dma_start3A_613, %dma_start3A_614] : memref<10112x128xf32, #tpu.memory_space<vmem_shared>> -> memref<10112x128xf32, #tpu.memory_space<vmem_shared>>
      tpu.enqueue_indirect_dma source(%dma_start3A_609 : memref<128x128xf32, #tpu.memory_space<vmem>>) target(%dma_start3A_615 : memref<10112x128xf32, #tpu.memory_space<vmem_shared>>) offsets(%dma_start3A_612 : memref<128xi32, #tpu.memory_space<vmem>>) semaphore(%arg21 : memref<!tpu.dma_semaphore, #tpu.memory_space<semaphore_mem>>) {add = true}
      %dma_wait3A_616 = arith.constant 0 : i32
      %dma_wait3A_617 = arith.constant 0 : i32
      %dma_wait3A_618 = arith.constant 0 : i32
      %dma_wait3A_619 = arith.constant 0 : i32
      %dma_wait3A_620 = arith.constant 0 : i32
      %dma_wait3A_621 = tpu.memref_slice %arg9[%dma_wait3A_616, %dma_wait3A_619, %dma_wait3A_620] : memref<3x128x128xf32, #tpu.memory_space<vmem>> -> memref<1x128x128xf32, #tpu.memory_space<vmem>>
      %dma_wait3A_622 = tpu.memref_squeeze %dma_wait3A_621 : memref<1x128x128xf32, #tpu.memory_space<vmem>> -> memref<128x128xf32, #tpu.memory_space<vmem>>
      %dma_wait3A_623 = arith.constant 0 : i32
      %dma_wait3A_624 = tpu.memref_slice %arg8[%dma_wait3A_617, %dma_wait3A_618, %dma_wait3A_623] : memref<3x1x128xi32, #tpu.memory_space<vmem>> -> memref<1x1x128xi32, #tpu.memory_space<vmem>>
      %dma_wait3A_625 = tpu.memref_squeeze %dma_wait3A_624 : memref<1x1x128xi32, #tpu.memory_space<vmem>> -> memref<128xi32, #tpu.memory_space<vmem>>
      %dma_wait3A_626 = arith.constant 0 : i32
      %dma_wait3A_627 = arith.constant 0 : i32
      %dma_wait3A_628 = tpu.memref_slice %arg22[%dma_wait3A_626, %dma_wait3A_627] : memref<10112x128xf32, #tpu.memory_space<vmem_shared>> -> memref<10112x128xf32, #tpu.memory_space<vmem_shared>>
      tpu.wait_indirect_dma semaphore(%arg19 : memref<!tpu.dma_semaphore, #tpu.memory_space<semaphore_mem>>) src(%dma_wait3A_622 : memref<128x128xf32, #tpu.memory_space<vmem>>) dst(%dma_wait3A_628 : memref<10112x128xf32, #tpu.memory_space<vmem_shared>>)
      %add3A_629 = arith.constant 3 : i32
      %add3A_630 = arith.addi %mul3A_399, %add3A_629 : i32
      %add3A_631 = arith.constant 0 : i32
      %add3A_632 = arith.addi %add3A_630, %add3A_631 : i32
      %add3A_633 = arith.addi %mul3A_2, %add3A_632 : i32
      %dma_start3A_634 = arith.constant 0 : i32
      %dma_start3A_635 = arith.constant 0 : i32
      %dma_start3A_636 = arith.constant 0 : i32
      %dma_start3A_637 = tpu.memref_slice %arg8[%dma_start3A_634, %dma_start3A_635, %dma_start3A_636] : memref<3x1x128xi32, #tpu.memory_space<vmem>> -> memref<1x1x128xi32, #tpu.memory_space<vmem>>
      %dma_start3A_638 = tpu.memref_squeeze %dma_start3A_637 : memref<1x1x128xi32, #tpu.memory_space<vmem>> -> memref<1x128xi32, #tpu.memory_space<vmem>>
      %dma_start3A_639 = arith.constant 0 : i32
      %dma_start3A_640 = arith.constant 0 : i32
      %dma_start3A_641 = tpu.memref_slice %arg4[%add3A_633, %dma_start3A_639, %dma_start3A_640] : memref<2592x1x128xi32, #tpu.memory_space<hbm>> -> memref<1x1x128xi32, #tpu.memory_space<hbm>>
      %dma_start3A_642 = tpu.memref_squeeze %dma_start3A_641 : memref<1x1x128xi32, #tpu.memory_space<hbm>> -> memref<1x128xi32, #tpu.memory_space<hbm>>
      %dma_start3A_643 = arith.constant 0 : i32
      %dma_start3A_644 = arith.constant 0 : i32
      %dma_start3A_645 = tpu.memref_slice %arg8[%dma_start3A_634, %dma_start3A_643, %dma_start3A_644] : memref<3x1x128xi32, #tpu.memory_space<vmem>> -> memref<1x1x128xi32, #tpu.memory_space<vmem>>
      %dma_start3A_646 = tpu.memref_squeeze %dma_start3A_645 : memref<1x1x128xi32, #tpu.memory_space<vmem>> -> memref<1x128xi32, #tpu.memory_space<vmem>>
      %dma_start3A_647 = arith.constant 0 : i32
      %dma_start3A_648 = arith.constant 0 : i32
      %dma_start3A_649 = tpu.memref_slice %arg4[%add3A_633, %dma_start3A_647, %dma_start3A_648] : memref<2592x1x128xi32, #tpu.memory_space<hbm>> -> memref<1x1x128xi32, #tpu.memory_space<hbm>>
      %dma_start3A_650 = tpu.memref_squeeze %dma_start3A_649 : memref<1x1x128xi32, #tpu.memory_space<hbm>> -> memref<1x128xi32, #tpu.memory_space<hbm>>
      tpu.enqueue_dma source(%dma_start3A_650 : memref<1x128xi32, #tpu.memory_space<hbm>>) target(%dma_start3A_646 : memref<1x128xi32, #tpu.memory_space<vmem>>) target_semaphore(%arg13 : memref<!tpu.dma_semaphore, #tpu.memory_space<semaphore_mem>>)
      %add3A_651 = arith.constant 3 : i32
      %add3A_652 = arith.addi %mul3A_399, %add3A_651 : i32
      %add3A_653 = arith.constant 0 : i32
      %add3A_654 = arith.addi %add3A_652, %add3A_653 : i32
      %add3A_655 = arith.addi %mul3A_2, %add3A_654 : i32
      %dma_wait3A_656 = arith.constant 0 : i32
      %dma_wait3A_657 = arith.constant 0 : i32
      %dma_wait3A_658 = arith.constant 0 : i32
      %dma_wait3A_659 = tpu.memref_slice %arg7[%dma_wait3A_656, %dma_wait3A_657, %dma_wait3A_658] : memref<3x1x128xi32, #tpu.memory_space<vmem>> -> memref<1x1x128xi32, #tpu.memory_space<vmem>>
      %dma_wait3A_660 = tpu.memref_squeeze %dma_wait3A_659 : memref<1x1x128xi32, #tpu.memory_space<vmem>> -> memref<1x128xi32, #tpu.memory_space<vmem>>
      %dma_wait3A_661 = arith.constant 0 : i32
      %dma_wait3A_662 = arith.constant 0 : i32
      %dma_wait3A_663 = tpu.memref_slice %arg3[%add3A_655, %dma_wait3A_661, %dma_wait3A_662] : memref<2592x1x128xi32, #tpu.memory_space<hbm>> -> memref<1x1x128xi32, #tpu.memory_space<hbm>>
      %dma_wait3A_664 = tpu.memref_squeeze %dma_wait3A_663 : memref<1x1x128xi32, #tpu.memory_space<hbm>> -> memref<1x128xi32, #tpu.memory_space<hbm>>
      %dma_wait3A_665 = arith.constant 0 : i32
      %dma_wait3A_666 = arith.constant 0 : i32
      %dma_wait3A_667 = tpu.memref_slice %arg7[%dma_wait3A_656, %dma_wait3A_665, %dma_wait3A_666] : memref<3x1x128xi32, #tpu.memory_space<vmem>> -> memref<1x1x128xi32, #tpu.memory_space<vmem>>
      %dma_wait3A_668 = tpu.memref_squeeze %dma_wait3A_667 : memref<1x1x128xi32, #tpu.memory_space<vmem>> -> memref<1x128xi32, #tpu.memory_space<vmem>>
      %dma_wait3A_669 = arith.constant 0 : i32
      %dma_wait3A_670 = arith.constant 0 : i32
      %dma_wait3A_671 = tpu.memref_slice %arg3[%add3A_655, %dma_wait3A_669, %dma_wait3A_670] : memref<2592x1x128xi32, #tpu.memory_space<hbm>> -> memref<1x1x128xi32, #tpu.memory_space<hbm>>
      %dma_wait3A_672 = tpu.memref_squeeze %dma_wait3A_671 : memref<1x1x128xi32, #tpu.memory_space<hbm>> -> memref<1x128xi32, #tpu.memory_space<hbm>>
      tpu.wait_dma2 semaphore(%arg10 : memref<!tpu.dma_semaphore, #tpu.memory_space<semaphore_mem>>) src(%dma_wait3A_672 : memref<1x128xi32, #tpu.memory_space<hbm>>) dst(%dma_wait3A_668 : memref<1x128xi32, #tpu.memory_space<vmem>>)
      %add3A_673 = arith.constant 3 : i32
      %add3A_674 = arith.addi %mul3A_399, %add3A_673 : i32
      %add3A_675 = arith.constant 0 : i32
      %add3A_676 = arith.addi %add3A_674, %add3A_675 : i32
      %dma_start3A_677 = arith.constant 0 : i32
      %dma_start3A_678 = arith.constant 0 : i32
      %dma_start3A_679 = arith.constant 0 : i32
      %dma_start3A_680 = arith.constant 0 : i32
      %dma_start3A_681 = arith.constant 0 : i32
      %dma_start3A_682 = tpu.memref_slice %arg9[%dma_start3A_679, %dma_start3A_680, %dma_start3A_681] : memref<3x128x128xf32, #tpu.memory_space<vmem>> -> memref<1x128x128xf32, #tpu.memory_space<vmem>>
      %dma_start3A_683 = tpu.memref_squeeze %dma_start3A_682 : memref<1x128x128xf32, #tpu.memory_space<vmem>> -> memref<128x128xf32, #tpu.memory_space<vmem>>
      %dma_start3A_684 = arith.constant 0 : i32
      %dma_start3A_685 = tpu.memref_slice %arg7[%dma_start3A_677, %dma_start3A_678, %dma_start3A_684] : memref<3x1x128xi32, #tpu.memory_space<vmem>> -> memref<1x1x128xi32, #tpu.memory_space<vmem>>
      %dma_start3A_686 = tpu.memref_squeeze %dma_start3A_685 : memref<1x1x128xi32, #tpu.memory_space<vmem>> -> memref<128xi32, #tpu.memory_space<vmem>>
      %dma_start3A_687 = arith.constant 0 : i32
      %dma_start3A_688 = arith.constant 0 : i32
      %dma_start3A_689 = tpu.memref_slice %arg2[%dma_start3A_687, %dma_start3A_688] : memref<10000x128xf32, #tpu.memory_space<hbm>> -> memref<10000x128xf32, #tpu.memory_space<hbm>>
      tpu.enqueue_indirect_dma source(%dma_start3A_689 : memref<10000x128xf32, #tpu.memory_space<hbm>>) target(%dma_start3A_683 : memref<128x128xf32, #tpu.memory_space<vmem>>) offsets(%dma_start3A_686 : memref<128xi32, #tpu.memory_space<vmem>>) semaphore(%arg16 : memref<!tpu.dma_semaphore, #tpu.memory_space<semaphore_mem>>)
      %dma_wait3A_690 = arith.constant 1 : i32
      %dma_wait3A_691 = arith.constant 1 : i32
      %dma_wait3A_692 = arith.constant 0 : i32
      %dma_wait3A_693 = arith.constant 0 : i32
      %dma_wait3A_694 = arith.constant 0 : i32
      %dma_wait3A_695 = tpu.memref_slice %arg9[%dma_wait3A_690, %dma_wait3A_693, %dma_wait3A_694] : memref<3x128x128xf32, #tpu.memory_space<vmem>> -> memref<1x128x128xf32, #tpu.memory_space<vmem>>
      %dma_wait3A_696 = tpu.memref_squeeze %dma_wait3A_695 : memref<1x128x128xf32, #tpu.memory_space<vmem>> -> memref<128x128xf32, #tpu.memory_space<vmem>>
      %dma_wait3A_697 = arith.constant 0 : i32
      %dma_wait3A_698 = tpu.memref_slice %arg8[%dma_wait3A_691, %dma_wait3A_692, %dma_wait3A_697] : memref<3x1x128xi32, #tpu.memory_space<vmem>> -> memref<1x1x128xi32, #tpu.memory_space<vmem>>
      %dma_wait3A_699 = tpu.memref_squeeze %dma_wait3A_698 : memref<1x1x128xi32, #tpu.memory_space<vmem>> -> memref<128xi32, #tpu.memory_space<vmem>>
      %dma_wait3A_700 = arith.constant 0 : i32
      %dma_wait3A_701 = arith.constant 0 : i32
      %dma_wait3A_702 = tpu.memref_slice %arg22[%dma_wait3A_700, %dma_wait3A_701] : memref<10112x128xf32, #tpu.memory_space<vmem_shared>> -> memref<10112x128xf32, #tpu.memory_space<vmem_shared>>
      tpu.wait_indirect_dma semaphore(%arg20 : memref<!tpu.dma_semaphore, #tpu.memory_space<semaphore_mem>>) src(%dma_wait3A_696 : memref<128x128xf32, #tpu.memory_space<vmem>>) dst(%dma_wait3A_702 : memref<10112x128xf32, #tpu.memory_space<vmem_shared>>)
      %add3A_703 = arith.constant 3 : i32
      %add3A_704 = arith.addi %mul3A_399, %add3A_703 : i32
      %add3A_705 = arith.constant 1 : i32
      %add3A_706 = arith.addi %add3A_704, %add3A_705 : i32
      %add3A_707 = arith.addi %mul3A_2, %add3A_706 : i32
      %dma_start3A_708 = arith.constant 1 : i32
      %dma_start3A_709 = arith.constant 0 : i32
      %dma_start3A_710 = arith.constant 0 : i32
      %dma_start3A_711 = tpu.memref_slice %arg8[%dma_start3A_708, %dma_start3A_709, %dma_start3A_710] : memref<3x1x128xi32, #tpu.memory_space<vmem>> -> memref<1x1x128xi32, #tpu.memory_space<vmem>>
      %dma_start3A_712 = tpu.memref_squeeze %dma_start3A_711 : memref<1x1x128xi32, #tpu.memory_space<vmem>> -> memref<1x128xi32, #tpu.memory_space<vmem>>
      %dma_start3A_713 = arith.constant 0 : i32
      %dma_start3A_714 = arith.constant 0 : i32
      %dma_start3A_715 = tpu.memref_slice %arg4[%add3A_707, %dma_start3A_713, %dma_start3A_714] : memref<2592x1x128xi32, #tpu.memory_space<hbm>> -> memref<1x1x128xi32, #tpu.memory_space<hbm>>
      %dma_start3A_716 = tpu.memref_squeeze %dma_start3A_715 : memref<1x1x128xi32, #tpu.memory_space<hbm>> -> memref<1x128xi32, #tpu.memory_space<hbm>>
      %dma_start3A_717 = arith.constant 0 : i32
      %dma_start3A_718 = arith.constant 0 : i32
      %dma_start3A_719 = tpu.memref_slice %arg8[%dma_start3A_708, %dma_start3A_717, %dma_start3A_718] : memref<3x1x128xi32, #tpu.memory_space<vmem>> -> memref<1x1x128xi32, #tpu.memory_space<vmem>>
      %dma_start3A_720 = tpu.memref_squeeze %dma_start3A_719 : memref<1x1x128xi32, #tpu.memory_space<vmem>> -> memref<1x128xi32, #tpu.memory_space<vmem>>
      %dma_start3A_721 = arith.constant 0 : i32
      %dma_start3A_722 = arith.constant 0 : i32
      %dma_start3A_723 = tpu.memref_slice %arg4[%add3A_707, %dma_start3A_721, %dma_start3A_722] : memref<2592x1x128xi32, #tpu.memory_space<hbm>> -> memref<1x1x128xi32, #tpu.memory_space<hbm>>
      %dma_start3A_724 = tpu.memref_squeeze %dma_start3A_723 : memref<1x1x128xi32, #tpu.memory_space<hbm>> -> memref<1x128xi32, #tpu.memory_space<hbm>>
      tpu.enqueue_dma source(%dma_start3A_724 : memref<1x128xi32, #tpu.memory_space<hbm>>) target(%dma_start3A_720 : memref<1x128xi32, #tpu.memory_space<vmem>>) target_semaphore(%arg14 : memref<!tpu.dma_semaphore, #tpu.memory_space<semaphore_mem>>)
      %add3A_725 = arith.constant 3 : i32
      %add3A_726 = arith.addi %mul3A_399, %add3A_725 : i32
      %add3A_727 = arith.constant 1 : i32
      %add3A_728 = arith.addi %add3A_726, %add3A_727 : i32
      %add3A_729 = arith.addi %mul3A_2, %add3A_728 : i32
      %dma_wait3A_730 = arith.constant 1 : i32
      %dma_wait3A_731 = arith.constant 0 : i32
      %dma_wait3A_732 = arith.constant 0 : i32
      %dma_wait3A_733 = tpu.memref_slice %arg7[%dma_wait3A_730, %dma_wait3A_731, %dma_wait3A_732] : memref<3x1x128xi32, #tpu.memory_space<vmem>> -> memref<1x1x128xi32, #tpu.memory_space<vmem>>
      %dma_wait3A_734 = tpu.memref_squeeze %dma_wait3A_733 : memref<1x1x128xi32, #tpu.memory_space<vmem>> -> memref<1x128xi32, #tpu.memory_space<vmem>>
      %dma_wait3A_735 = arith.constant 0 : i32
      %dma_wait3A_736 = arith.constant 0 : i32
      %dma_wait3A_737 = tpu.memref_slice %arg3[%add3A_729, %dma_wait3A_735, %dma_wait3A_736] : memref<2592x1x128xi32, #tpu.memory_space<hbm>> -> memref<1x1x128xi32, #tpu.memory_space<hbm>>
      %dma_wait3A_738 = tpu.memref_squeeze %dma_wait3A_737 : memref<1x1x128xi32, #tpu.memory_space<hbm>> -> memref<1x128xi32, #tpu.memory_space<hbm>>
      %dma_wait3A_739 = arith.constant 0 : i32
      %dma_wait3A_740 = arith.constant 0 : i32
      %dma_wait3A_741 = tpu.memref_slice %arg7[%dma_wait3A_730, %dma_wait3A_739, %dma_wait3A_740] : memref<3x1x128xi32, #tpu.memory_space<vmem>> -> memref<1x1x128xi32, #tpu.memory_space<vmem>>
      %dma_wait3A_742 = tpu.memref_squeeze %dma_wait3A_741 : memref<1x1x128xi32, #tpu.memory_space<vmem>> -> memref<1x128xi32, #tpu.memory_space<vmem>>
      %dma_wait3A_743 = arith.constant 0 : i32
      %dma_wait3A_744 = arith.constant 0 : i32
      %dma_wait3A_745 = tpu.memref_slice %arg3[%add3A_729, %dma_wait3A_743, %dma_wait3A_744] : memref<2592x1x128xi32, #tpu.memory_space<hbm>> -> memref<1x1x128xi32, #tpu.memory_space<hbm>>
      %dma_wait3A_746 = tpu.memref_squeeze %dma_wait3A_745 : memref<1x1x128xi32, #tpu.memory_space<hbm>> -> memref<1x128xi32, #tpu.memory_space<hbm>>
      tpu.wait_dma2 semaphore(%arg11 : memref<!tpu.dma_semaphore, #tpu.memory_space<semaphore_mem>>) src(%dma_wait3A_746 : memref<1x128xi32, #tpu.memory_space<hbm>>) dst(%dma_wait3A_742 : memref<1x128xi32, #tpu.memory_space<vmem>>)
      %add3A_747 = arith.constant 3 : i32
      %add3A_748 = arith.addi %mul3A_399, %add3A_747 : i32
      %add3A_749 = arith.constant 1 : i32
      %add3A_750 = arith.addi %add3A_748, %add3A_749 : i32
      %dma_start3A_751 = arith.constant 1 : i32
      %dma_start3A_752 = arith.constant 0 : i32
      %dma_start3A_753 = arith.constant 1 : i32
      %dma_start3A_754 = arith.constant 0 : i32
      %dma_start3A_755 = arith.constant 0 : i32
      %dma_start3A_756 = tpu.memref_slice %arg9[%dma_start3A_753, %dma_start3A_754, %dma_start3A_755] : memref<3x128x128xf32, #tpu.memory_space<vmem>> -> memref<1x128x128xf32, #tpu.memory_space<vmem>>
      %dma_start3A_757 = tpu.memref_squeeze %dma_start3A_756 : memref<1x128x128xf32, #tpu.memory_space<vmem>> -> memref<128x128xf32, #tpu.memory_space<vmem>>
      %dma_start3A_758 = arith.constant 0 : i32
      %dma_start3A_759 = tpu.memref_slice %arg7[%dma_start3A_751, %dma_start3A_752, %dma_start3A_758] : memref<3x1x128xi32, #tpu.memory_space<vmem>> -> memref<1x1x128xi32, #tpu.memory_space<vmem>>
      %dma_start3A_760 = tpu.memref_squeeze %dma_start3A_759 : memref<1x1x128xi32, #tpu.memory_space<vmem>> -> memref<128xi32, #tpu.memory_space<vmem>>
      %dma_start3A_761 = arith.constant 0 : i32
      %dma_start3A_762 = arith.constant 0 : i32
      %dma_start3A_763 = tpu.memref_slice %arg2[%dma_start3A_761, %dma_start3A_762] : memref<10000x128xf32, #tpu.memory_space<hbm>> -> memref<10000x128xf32, #tpu.memory_space<hbm>>
      tpu.enqueue_indirect_dma source(%dma_start3A_763 : memref<10000x128xf32, #tpu.memory_space<hbm>>) target(%dma_start3A_757 : memref<128x128xf32, #tpu.memory_space<vmem>>) offsets(%dma_start3A_760 : memref<128xi32, #tpu.memory_space<vmem>>) semaphore(%arg17 : memref<!tpu.dma_semaphore, #tpu.memory_space<semaphore_mem>>)
      %dma_wait3A_764 = arith.constant 2 : i32
      %dma_wait3A_765 = arith.constant 2 : i32
      %dma_wait3A_766 = arith.constant 0 : i32
      %dma_wait3A_767 = arith.constant 0 : i32
      %dma_wait3A_768 = arith.constant 0 : i32
      %dma_wait3A_769 = tpu.memref_slice %arg9[%dma_wait3A_764, %dma_wait3A_767, %dma_wait3A_768] : memref<3x128x128xf32, #tpu.memory_space<vmem>> -> memref<1x128x128xf32, #tpu.memory_space<vmem>>
      %dma_wait3A_770 = tpu.memref_squeeze %dma_wait3A_769 : memref<1x128x128xf32, #tpu.memory_space<vmem>> -> memref<128x128xf32, #tpu.memory_space<vmem>>
      %dma_wait3A_771 = arith.constant 0 : i32
      %dma_wait3A_772 = tpu.memref_slice %arg8[%dma_wait3A_765, %dma_wait3A_766, %dma_wait3A_771] : memref<3x1x128xi32, #tpu.memory_space<vmem>> -> memref<1x1x128xi32, #tpu.memory_space<vmem>>
      %dma_wait3A_773 = tpu.memref_squeeze %dma_wait3A_772 : memref<1x1x128xi32, #tpu.memory_space<vmem>> -> memref<128xi32, #tpu.memory_space<vmem>>
      %dma_wait3A_774 = arith.constant 0 : i32
      %dma_wait3A_775 = arith.constant 0 : i32
      %dma_wait3A_776 = tpu.memref_slice %arg22[%dma_wait3A_774, %dma_wait3A_775] : memref<10112x128xf32, #tpu.memory_space<vmem_shared>> -> memref<10112x128xf32, #tpu.memory_space<vmem_shared>>
      tpu.wait_indirect_dma semaphore(%arg21 : memref<!tpu.dma_semaphore, #tpu.memory_space<semaphore_mem>>) src(%dma_wait3A_770 : memref<128x128xf32, #tpu.memory_space<vmem>>) dst(%dma_wait3A_776 : memref<10112x128xf32, #tpu.memory_space<vmem_shared>>)
      %add3A_777 = arith.constant 3 : i32
      %add3A_778 = arith.addi %mul3A_399, %add3A_777 : i32
      %add3A_779 = arith.constant 2 : i32
      %add3A_780 = arith.addi %add3A_778, %add3A_779 : i32
      %add3A_781 = arith.addi %mul3A_2, %add3A_780 : i32
      %dma_start3A_782 = arith.constant 2 : i32
      %dma_start3A_783 = arith.constant 0 : i32
      %dma_start3A_784 = arith.constant 0 : i32
      %dma_start3A_785 = tpu.memref_slice %arg8[%dma_start3A_782, %dma_start3A_783, %dma_start3A_784] : memref<3x1x128xi32, #tpu.memory_space<vmem>> -> memref<1x1x128xi32, #tpu.memory_space<vmem>>
      %dma_start3A_786 = tpu.memref_squeeze %dma_start3A_785 : memref<1x1x128xi32, #tpu.memory_space<vmem>> -> memref<1x128xi32, #tpu.memory_space<vmem>>
      %dma_start3A_787 = arith.constant 0 : i32
      %dma_start3A_788 = arith.constant 0 : i32
      %dma_start3A_789 = tpu.memref_slice %arg4[%add3A_781, %dma_start3A_787, %dma_start3A_788] : memref<2592x1x128xi32, #tpu.memory_space<hbm>> -> memref<1x1x128xi32, #tpu.memory_space<hbm>>
      %dma_start3A_790 = tpu.memref_squeeze %dma_start3A_789 : memref<1x1x128xi32, #tpu.memory_space<hbm>> -> memref<1x128xi32, #tpu.memory_space<hbm>>
      %dma_start3A_791 = arith.constant 0 : i32
      %dma_start3A_792 = arith.constant 0 : i32
      %dma_start3A_793 = tpu.memref_slice %arg8[%dma_start3A_782, %dma_start3A_791, %dma_start3A_792] : memref<3x1x128xi32, #tpu.memory_space<vmem>> -> memref<1x1x128xi32, #tpu.memory_space<vmem>>
      %dma_start3A_794 = tpu.memref_squeeze %dma_start3A_793 : memref<1x1x128xi32, #tpu.memory_space<vmem>> -> memref<1x128xi32, #tpu.memory_space<vmem>>
      %dma_start3A_795 = arith.constant 0 : i32
      %dma_start3A_796 = arith.constant 0 : i32
      %dma_start3A_797 = tpu.memref_slice %arg4[%add3A_781, %dma_start3A_795, %dma_start3A_796] : memref<2592x1x128xi32, #tpu.memory_space<hbm>> -> memref<1x1x128xi32, #tpu.memory_space<hbm>>
      %dma_start3A_798 = tpu.memref_squeeze %dma_start3A_797 : memref<1x1x128xi32, #tpu.memory_space<hbm>> -> memref<1x128xi32, #tpu.memory_space<hbm>>
      tpu.enqueue_dma source(%dma_start3A_798 : memref<1x128xi32, #tpu.memory_space<hbm>>) target(%dma_start3A_794 : memref<1x128xi32, #tpu.memory_space<vmem>>) target_semaphore(%arg15 : memref<!tpu.dma_semaphore, #tpu.memory_space<semaphore_mem>>)
      %add3A_799 = arith.constant 3 : i32
      %add3A_800 = arith.addi %mul3A_399, %add3A_799 : i32
      %add3A_801 = arith.constant 2 : i32
      %add3A_802 = arith.addi %add3A_800, %add3A_801 : i32
      %add3A_803 = arith.addi %mul3A_2, %add3A_802 : i32
      %dma_wait3A_804 = arith.constant 2 : i32
      %dma_wait3A_805 = arith.constant 0 : i32
      %dma_wait3A_806 = arith.constant 0 : i32
      %dma_wait3A_807 = tpu.memref_slice %arg7[%dma_wait3A_804, %dma_wait3A_805, %dma_wait3A_806] : memref<3x1x128xi32, #tpu.memory_space<vmem>> -> memref<1x1x128xi32, #tpu.memory_space<vmem>>
      %dma_wait3A_808 = tpu.memref_squeeze %dma_wait3A_807 : memref<1x1x128xi32, #tpu.memory_space<vmem>> -> memref<1x128xi32, #tpu.memory_space<vmem>>
      %dma_wait3A_809 = arith.constant 0 : i32
      %dma_wait3A_810 = arith.constant 0 : i32
      %dma_wait3A_811 = tpu.memref_slice %arg3[%add3A_803, %dma_wait3A_809, %dma_wait3A_810] : memref<2592x1x128xi32, #tpu.memory_space<hbm>> -> memref<1x1x128xi32, #tpu.memory_space<hbm>>
      %dma_wait3A_812 = tpu.memref_squeeze %dma_wait3A_811 : memref<1x1x128xi32, #tpu.memory_space<hbm>> -> memref<1x128xi32, #tpu.memory_space<hbm>>
      %dma_wait3A_813 = arith.constant 0 : i32
      %dma_wait3A_814 = arith.constant 0 : i32
      %dma_wait3A_815 = tpu.memref_slice %arg7[%dma_wait3A_804, %dma_wait3A_813, %dma_wait3A_814] : memref<3x1x128xi32, #tpu.memory_space<vmem>> -> memref<1x1x128xi32, #tpu.memory_space<vmem>>
      %dma_wait3A_816 = tpu.memref_squeeze %dma_wait3A_815 : memref<1x1x128xi32, #tpu.memory_space<vmem>> -> memref<1x128xi32, #tpu.memory_space<vmem>>
      %dma_wait3A_817 = arith.constant 0 : i32
      %dma_wait3A_818 = arith.constant 0 : i32
      %dma_wait3A_819 = tpu.memref_slice %arg3[%add3A_803, %dma_wait3A_817, %dma_wait3A_818] : memref<2592x1x128xi32, #tpu.memory_space<hbm>> -> memref<1x1x128xi32, #tpu.memory_space<hbm>>
      %dma_wait3A_820 = tpu.memref_squeeze %dma_wait3A_819 : memref<1x1x128xi32, #tpu.memory_space<hbm>> -> memref<1x128xi32, #tpu.memory_space<hbm>>
      tpu.wait_dma2 semaphore(%arg12 : memref<!tpu.dma_semaphore, #tpu.memory_space<semaphore_mem>>) src(%dma_wait3A_820 : memref<1x128xi32, #tpu.memory_space<hbm>>) dst(%dma_wait3A_816 : memref<1x128xi32, #tpu.memory_space<vmem>>)
      %add3A_821 = arith.constant 3 : i32
      %add3A_822 = arith.addi %mul3A_399, %add3A_821 : i32
      %add3A_823 = arith.constant 2 : i32
      %add3A_824 = arith.addi %add3A_822, %add3A_823 : i32
      %dma_start3A_825 = arith.constant 2 : i32
      %dma_start3A_826 = arith.constant 0 : i32
      %dma_start3A_827 = arith.constant 2 : i32
      %dma_start3A_828 = arith.constant 0 : i32
      %dma_start3A_829 = arith.constant 0 : i32
      %dma_start3A_830 = tpu.memref_slice %arg9[%dma_start3A_827, %dma_start3A_828, %dma_start3A_829] : memref<3x128x128xf32, #tpu.memory_space<vmem>> -> memref<1x128x128xf32, #tpu.memory_space<vmem>>
      %dma_start3A_831 = tpu.memref_squeeze %dma_start3A_830 : memref<1x128x128xf32, #tpu.memory_space<vmem>> -> memref<128x128xf32, #tpu.memory_space<vmem>>
      %dma_start3A_832 = arith.constant 0 : i32
      %dma_start3A_833 = tpu.memref_slice %arg7[%dma_start3A_825, %dma_start3A_826, %dma_start3A_832] : memref<3x1x128xi32, #tpu.memory_space<vmem>> -> memref<1x1x128xi32, #tpu.memory_space<vmem>>
      %dma_start3A_834 = tpu.memref_squeeze %dma_start3A_833 : memref<1x1x128xi32, #tpu.memory_space<vmem>> -> memref<128xi32, #tpu.memory_space<vmem>>
      %dma_start3A_835 = arith.constant 0 : i32
      %dma_start3A_836 = arith.constant 0 : i32
      %dma_start3A_837 = tpu.memref_slice %arg2[%dma_start3A_835, %dma_start3A_836] : memref<10000x128xf32, #tpu.memory_space<hbm>> -> memref<10000x128xf32, #tpu.memory_space<hbm>>
      tpu.enqueue_indirect_dma source(%dma_start3A_837 : memref<10000x128xf32, #tpu.memory_space<hbm>>) target(%dma_start3A_831 : memref<128x128xf32, #tpu.memory_space<vmem>>) offsets(%dma_start3A_834 : memref<128xi32, #tpu.memory_space<vmem>>) semaphore(%arg18 : memref<!tpu.dma_semaphore, #tpu.memory_space<semaphore_mem>>)
    }
    %scan3A_217 = arith.constant 26 : i32
    %dma_wait3A_218 = arith.constant 0 : i32
    %dma_wait3A_219 = arith.constant 0 : i32
    %dma_wait3A_220 = arith.constant 0 : i32
    %dma_wait3A_221 = arith.constant 0 : i32
    %dma_wait3A_222 = arith.constant 0 : i32
    %dma_wait3A_223 = tpu.memref_slice %arg9[%dma_wait3A_220, %dma_wait3A_221, %dma_wait3A_222] : memref<3x128x128xf32, #tpu.memory_space<vmem>> -> memref<1x128x128xf32, #tpu.memory_space<vmem>>
    %dma_wait3A_224 = tpu.memref_squeeze %dma_wait3A_223 : memref<1x128x128xf32, #tpu.memory_space<vmem>> -> memref<128x128xf32, #tpu.memory_space<vmem>>
    %dma_wait3A_225 = arith.constant 0 : i32
    %dma_wait3A_226 = tpu.memref_slice %arg7[%dma_wait3A_218, %dma_wait3A_219, %dma_wait3A_225] : memref<3x1x128xi32, #tpu.memory_space<vmem>> -> memref<1x1x128xi32, #tpu.memory_space<vmem>>
    %dma_wait3A_227 = tpu.memref_squeeze %dma_wait3A_226 : memref<1x1x128xi32, #tpu.memory_space<vmem>> -> memref<128xi32, #tpu.memory_space<vmem>>
    %dma_wait3A_228 = arith.constant 0 : i32
    %dma_wait3A_229 = arith.constant 0 : i32
    %dma_wait3A_230 = tpu.memref_slice %arg2[%dma_wait3A_228, %dma_wait3A_229] : memref<10000x128xf32, #tpu.memory_space<hbm>> -> memref<10000x128xf32, #tpu.memory_space<hbm>>
    tpu.wait_indirect_dma semaphore(%arg16 : memref<!tpu.dma_semaphore, #tpu.memory_space<semaphore_mem>>) src(%dma_wait3A_230 : memref<10000x128xf32, #tpu.memory_space<hbm>>) dst(%dma_wait3A_224 : memref<128x128xf32, #tpu.memory_space<vmem>>)
    %add3A_231 = arith.constant 78 : i32
    %add3A_232 = arith.addi %mul3A_2, %add3A_231 : i32
    %dma_wait3A_233 = arith.constant 0 : i32
    %dma_wait3A_234 = arith.constant 0 : i32
    %dma_wait3A_235 = arith.constant 0 : i32
    %dma_wait3A_236 = tpu.memref_slice %arg8[%dma_wait3A_233, %dma_wait3A_234, %dma_wait3A_235] : memref<3x1x128xi32, #tpu.memory_space<vmem>> -> memref<1x1x128xi32, #tpu.memory_space<vmem>>
    %dma_wait3A_237 = tpu.memref_squeeze %dma_wait3A_236 : memref<1x1x128xi32, #tpu.memory_space<vmem>> -> memref<1x128xi32, #tpu.memory_space<vmem>>
    %dma_wait3A_238 = arith.constant 0 : i32
    %dma_wait3A_239 = arith.constant 0 : i32
    %dma_wait3A_240 = tpu.memref_slice %arg4[%add3A_232, %dma_wait3A_238, %dma_wait3A_239] : memref<2592x1x128xi32, #tpu.memory_space<hbm>> -> memref<1x1x128xi32, #tpu.memory_space<hbm>>
    %dma_wait3A_241 = tpu.memref_squeeze %dma_wait3A_240 : memref<1x1x128xi32, #tpu.memory_space<hbm>> -> memref<1x128xi32, #tpu.memory_space<hbm>>
    %dma_wait3A_242 = arith.constant 0 : i32
    %dma_wait3A_243 = arith.constant 0 : i32
    %dma_wait3A_244 = tpu.memref_slice %arg8[%dma_wait3A_233, %dma_wait3A_242, %dma_wait3A_243] : memref<3x1x128xi32, #tpu.memory_space<vmem>> -> memref<1x1x128xi32, #tpu.memory_space<vmem>>
    %dma_wait3A_245 = tpu.memref_squeeze %dma_wait3A_244 : memref<1x1x128xi32, #tpu.memory_space<vmem>> -> memref<1x128xi32, #tpu.memory_space<vmem>>
    %dma_wait3A_246 = arith.constant 0 : i32
    %dma_wait3A_247 = arith.constant 0 : i32
    %dma_wait3A_248 = tpu.memref_slice %arg4[%add3A_232, %dma_wait3A_246, %dma_wait3A_247] : memref<2592x1x128xi32, #tpu.memory_space<hbm>> -> memref<1x1x128xi32, #tpu.memory_space<hbm>>
    %dma_wait3A_249 = tpu.memref_squeeze %dma_wait3A_248 : memref<1x1x128xi32, #tpu.memory_space<hbm>> -> memref<1x128xi32, #tpu.memory_space<hbm>>
    tpu.wait_dma2 semaphore(%arg13 : memref<!tpu.dma_semaphore, #tpu.memory_space<semaphore_mem>>) src(%dma_wait3A_249 : memref<1x128xi32, #tpu.memory_space<hbm>>) dst(%dma_wait3A_245 : memref<1x128xi32, #tpu.memory_space<vmem>>)
    %dma_start3A_250 = arith.constant 0 : i32
    %dma_start3A_251 = arith.constant 0 : i32
    %dma_start3A_252 = arith.constant 0 : i32
    %dma_start3A_253 = arith.constant 0 : i32
    %dma_start3A_254 = arith.constant 0 : i32
    %dma_start3A_255 = tpu.memref_slice %arg9[%dma_start3A_250, %dma_start3A_253, %dma_start3A_254] : memref<3x128x128xf32, #tpu.memory_space<vmem>> -> memref<1x128x128xf32, #tpu.memory_space<vmem>>
    %dma_start3A_256 = tpu.memref_squeeze %dma_start3A_255 : memref<1x128x128xf32, #tpu.memory_space<vmem>> -> memref<128x128xf32, #tpu.memory_space<vmem>>
    %dma_start3A_257 = arith.constant 0 : i32
    %dma_start3A_258 = tpu.memref_slice %arg8[%dma_start3A_251, %dma_start3A_252, %dma_start3A_257] : memref<3x1x128xi32, #tpu.memory_space<vmem>> -> memref<1x1x128xi32, #tpu.memory_space<vmem>>
    %dma_start3A_259 = tpu.memref_squeeze %dma_start3A_258 : memref<1x1x128xi32, #tpu.memory_space<vmem>> -> memref<128xi32, #tpu.memory_space<vmem>>
    %dma_start3A_260 = arith.constant 0 : i32
    %dma_start3A_261 = arith.constant 0 : i32
    %dma_start3A_262 = tpu.memref_slice %arg22[%dma_start3A_260, %dma_start3A_261] : memref<10112x128xf32, #tpu.memory_space<vmem_shared>> -> memref<10112x128xf32, #tpu.memory_space<vmem_shared>>
    tpu.enqueue_indirect_dma source(%dma_start3A_256 : memref<128x128xf32, #tpu.memory_space<vmem>>) target(%dma_start3A_262 : memref<10112x128xf32, #tpu.memory_space<vmem_shared>>) offsets(%dma_start3A_259 : memref<128xi32, #tpu.memory_space<vmem>>) semaphore(%arg19 : memref<!tpu.dma_semaphore, #tpu.memory_space<semaphore_mem>>) {add = true}
    %dma_wait3A_263 = arith.constant 1 : i32
    %dma_wait3A_264 = arith.constant 0 : i32
    %dma_wait3A_265 = arith.constant 1 : i32
    %dma_wait3A_266 = arith.constant 0 : i32
    %dma_wait3A_267 = arith.constant 0 : i32
    %dma_wait3A_268 = tpu.memref_slice %arg9[%dma_wait3A_265, %dma_wait3A_266, %dma_wait3A_267] : memref<3x128x128xf32, #tpu.memory_space<vmem>> -> memref<1x128x128xf32, #tpu.memory_space<vmem>>
    %dma_wait3A_269 = tpu.memref_squeeze %dma_wait3A_268 : memref<1x128x128xf32, #tpu.memory_space<vmem>> -> memref<128x128xf32, #tpu.memory_space<vmem>>
    %dma_wait3A_270 = arith.constant 0 : i32
    %dma_wait3A_271 = tpu.memref_slice %arg7[%dma_wait3A_263, %dma_wait3A_264, %dma_wait3A_270] : memref<3x1x128xi32, #tpu.memory_space<vmem>> -> memref<1x1x128xi32, #tpu.memory_space<vmem>>
    %dma_wait3A_272 = tpu.memref_squeeze %dma_wait3A_271 : memref<1x1x128xi32, #tpu.memory_space<vmem>> -> memref<128xi32, #tpu.memory_space<vmem>>
    %dma_wait3A_273 = arith.constant 0 : i32
    %dma_wait3A_274 = arith.constant 0 : i32
    %dma_wait3A_275 = tpu.memref_slice %arg2[%dma_wait3A_273, %dma_wait3A_274] : memref<10000x128xf32, #tpu.memory_space<hbm>> -> memref<10000x128xf32, #tpu.memory_space<hbm>>
    tpu.wait_indirect_dma semaphore(%arg17 : memref<!tpu.dma_semaphore, #tpu.memory_space<semaphore_mem>>) src(%dma_wait3A_275 : memref<10000x128xf32, #tpu.memory_space<hbm>>) dst(%dma_wait3A_269 : memref<128x128xf32, #tpu.memory_space<vmem>>)
    %add3A_276 = arith.constant 79 : i32
    %add3A_277 = arith.addi %mul3A_2, %add3A_276 : i32
    %dma_wait3A_278 = arith.constant 1 : i32
    %dma_wait3A_279 = arith.constant 0 : i32
    %dma_wait3A_280 = arith.constant 0 : i32
    %dma_wait3A_281 = tpu.memref_slice %arg8[%dma_wait3A_278, %dma_wait3A_279, %dma_wait3A_280] : memref<3x1x128xi32, #tpu.memory_space<vmem>> -> memref<1x1x128xi32, #tpu.memory_space<vmem>>
    %dma_wait3A_282 = tpu.memref_squeeze %dma_wait3A_281 : memref<1x1x128xi32, #tpu.memory_space<vmem>> -> memref<1x128xi32, #tpu.memory_space<vmem>>
    %dma_wait3A_283 = arith.constant 0 : i32
    %dma_wait3A_284 = arith.constant 0 : i32
    %dma_wait3A_285 = tpu.memref_slice %arg4[%add3A_277, %dma_wait3A_283, %dma_wait3A_284] : memref<2592x1x128xi32, #tpu.memory_space<hbm>> -> memref<1x1x128xi32, #tpu.memory_space<hbm>>
    %dma_wait3A_286 = tpu.memref_squeeze %dma_wait3A_285 : memref<1x1x128xi32, #tpu.memory_space<hbm>> -> memref<1x128xi32, #tpu.memory_space<hbm>>
    %dma_wait3A_287 = arith.constant 0 : i32
    %dma_wait3A_288 = arith.constant 0 : i32
    %dma_wait3A_289 = tpu.memref_slice %arg8[%dma_wait3A_278, %dma_wait3A_287, %dma_wait3A_288] : memref<3x1x128xi32, #tpu.memory_space<vmem>> -> memref<1x1x128xi32, #tpu.memory_space<vmem>>
    %dma_wait3A_290 = tpu.memref_squeeze %dma_wait3A_289 : memref<1x1x128xi32, #tpu.memory_space<vmem>> -> memref<1x128xi32, #tpu.memory_space<vmem>>
    %dma_wait3A_291 = arith.constant 0 : i32
    %dma_wait3A_292 = arith.constant 0 : i32
    %dma_wait3A_293 = tpu.memref_slice %arg4[%add3A_277, %dma_wait3A_291, %dma_wait3A_292] : memref<2592x1x128xi32, #tpu.memory_space<hbm>> -> memref<1x1x128xi32, #tpu.memory_space<hbm>>
    %dma_wait3A_294 = tpu.memref_squeeze %dma_wait3A_293 : memref<1x1x128xi32, #tpu.memory_space<hbm>> -> memref<1x128xi32, #tpu.memory_space<hbm>>
    tpu.wait_dma2 semaphore(%arg14 : memref<!tpu.dma_semaphore, #tpu.memory_space<semaphore_mem>>) src(%dma_wait3A_294 : memref<1x128xi32, #tpu.memory_space<hbm>>) dst(%dma_wait3A_290 : memref<1x128xi32, #tpu.memory_space<vmem>>)
    %dma_start3A_295 = arith.constant 1 : i32
    %dma_start3A_296 = arith.constant 1 : i32
    %dma_start3A_297 = arith.constant 0 : i32
    %dma_start3A_298 = arith.constant 0 : i32
    %dma_start3A_299 = arith.constant 0 : i32
    %dma_start3A_300 = tpu.memref_slice %arg9[%dma_start3A_295, %dma_start3A_298, %dma_start3A_299] : memref<3x128x128xf32, #tpu.memory_space<vmem>> -> memref<1x128x128xf32, #tpu.memory_space<vmem>>
    %dma_start3A_301 = tpu.memref_squeeze %dma_start3A_300 : memref<1x128x128xf32, #tpu.memory_space<vmem>> -> memref<128x128xf32, #tpu.memory_space<vmem>>
    %dma_start3A_302 = arith.constant 0 : i32
    %dma_start3A_303 = tpu.memref_slice %arg8[%dma_start3A_296, %dma_start3A_297, %dma_start3A_302] : memref<3x1x128xi32, #tpu.memory_space<vmem>> -> memref<1x1x128xi32, #tpu.memory_space<vmem>>
    %dma_start3A_304 = tpu.memref_squeeze %dma_start3A_303 : memref<1x1x128xi32, #tpu.memory_space<vmem>> -> memref<128xi32, #tpu.memory_space<vmem>>
    %dma_start3A_305 = arith.constant 0 : i32
    %dma_start3A_306 = arith.constant 0 : i32
    %dma_start3A_307 = tpu.memref_slice %arg22[%dma_start3A_305, %dma_start3A_306] : memref<10112x128xf32, #tpu.memory_space<vmem_shared>> -> memref<10112x128xf32, #tpu.memory_space<vmem_shared>>
    tpu.enqueue_indirect_dma source(%dma_start3A_301 : memref<128x128xf32, #tpu.memory_space<vmem>>) target(%dma_start3A_307 : memref<10112x128xf32, #tpu.memory_space<vmem_shared>>) offsets(%dma_start3A_304 : memref<128xi32, #tpu.memory_space<vmem>>) semaphore(%arg20 : memref<!tpu.dma_semaphore, #tpu.memory_space<semaphore_mem>>) {add = true}
    %dma_wait3A_308 = arith.constant 2 : i32
    %dma_wait3A_309 = arith.constant 0 : i32
    %dma_wait3A_310 = arith.constant 2 : i32
    %dma_wait3A_311 = arith.constant 0 : i32
    %dma_wait3A_312 = arith.constant 0 : i32
    %dma_wait3A_313 = tpu.memref_slice %arg9[%dma_wait3A_310, %dma_wait3A_311, %dma_wait3A_312] : memref<3x128x128xf32, #tpu.memory_space<vmem>> -> memref<1x128x128xf32, #tpu.memory_space<vmem>>
    %dma_wait3A_314 = tpu.memref_squeeze %dma_wait3A_313 : memref<1x128x128xf32, #tpu.memory_space<vmem>> -> memref<128x128xf32, #tpu.memory_space<vmem>>
    %dma_wait3A_315 = arith.constant 0 : i32
    %dma_wait3A_316 = tpu.memref_slice %arg7[%dma_wait3A_308, %dma_wait3A_309, %dma_wait3A_315] : memref<3x1x128xi32, #tpu.memory_space<vmem>> -> memref<1x1x128xi32, #tpu.memory_space<vmem>>
    %dma_wait3A_317 = tpu.memref_squeeze %dma_wait3A_316 : memref<1x1x128xi32, #tpu.memory_space<vmem>> -> memref<128xi32, #tpu.memory_space<vmem>>
    %dma_wait3A_318 = arith.constant 0 : i32
    %dma_wait3A_319 = arith.constant 0 : i32
    %dma_wait3A_320 = tpu.memref_slice %arg2[%dma_wait3A_318, %dma_wait3A_319] : memref<10000x128xf32, #tpu.memory_space<hbm>> -> memref<10000x128xf32, #tpu.memory_space<hbm>>
    tpu.wait_indirect_dma semaphore(%arg18 : memref<!tpu.dma_semaphore, #tpu.memory_space<semaphore_mem>>) src(%dma_wait3A_320 : memref<10000x128xf32, #tpu.memory_space<hbm>>) dst(%dma_wait3A_314 : memref<128x128xf32, #tpu.memory_space<vmem>>)
    %add3A_321 = arith.constant 80 : i32
    %add3A_322 = arith.addi %mul3A_2, %add3A_321 : i32
    %dma_wait3A_323 = arith.constant 2 : i32
    %dma_wait3A_324 = arith.constant 0 : i32
    %dma_wait3A_325 = arith.constant 0 : i32
    %dma_wait3A_326 = tpu.memref_slice %arg8[%dma_wait3A_323, %dma_wait3A_324, %dma_wait3A_325] : memref<3x1x128xi32, #tpu.memory_space<vmem>> -> memref<1x1x128xi32, #tpu.memory_space<vmem>>
    %dma_wait3A_327 = tpu.memref_squeeze %dma_wait3A_326 : memref<1x1x128xi32, #tpu.memory_space<vmem>> -> memref<1x128xi32, #tpu.memory_space<vmem>>
    %dma_wait3A_328 = arith.constant 0 : i32
    %dma_wait3A_329 = arith.constant 0 : i32
    %dma_wait3A_330 = tpu.memref_slice %arg4[%add3A_322, %dma_wait3A_328, %dma_wait3A_329] : memref<2592x1x128xi32, #tpu.memory_space<hbm>> -> memref<1x1x128xi32, #tpu.memory_space<hbm>>
    %dma_wait3A_331 = tpu.memref_squeeze %dma_wait3A_330 : memref<1x1x128xi32, #tpu.memory_space<hbm>> -> memref<1x128xi32, #tpu.memory_space<hbm>>
    %dma_wait3A_332 = arith.constant 0 : i32
    %dma_wait3A_333 = arith.constant 0 : i32
    %dma_wait3A_334 = tpu.memref_slice %arg8[%dma_wait3A_323, %dma_wait3A_332, %dma_wait3A_333] : memref<3x1x128xi32, #tpu.memory_space<vmem>> -> memref<1x1x128xi32, #tpu.memory_space<vmem>>
    %dma_wait3A_335 = tpu.memref_squeeze %dma_wait3A_334 : memref<1x1x128xi32, #tpu.memory_space<vmem>> -> memref<1x128xi32, #tpu.memory_space<vmem>>
    %dma_wait3A_336 = arith.constant 0 : i32
    %dma_wait3A_337 = arith.constant 0 : i32
    %dma_wait3A_338 = tpu.memref_slice %arg4[%add3A_322, %dma_wait3A_336, %dma_wait3A_337] : memref<2592x1x128xi32, #tpu.memory_space<hbm>> -> memref<1x1x128xi32, #tpu.memory_space<hbm>>
    %dma_wait3A_339 = tpu.memref_squeeze %dma_wait3A_338 : memref<1x1x128xi32, #tpu.memory_space<hbm>> -> memref<1x128xi32, #tpu.memory_space<hbm>>
    tpu.wait_dma2 semaphore(%arg15 : memref<!tpu.dma_semaphore, #tpu.memory_space<semaphore_mem>>) src(%dma_wait3A_339 : memref<1x128xi32, #tpu.memory_space<hbm>>) dst(%dma_wait3A_335 : memref<1x128xi32, #tpu.memory_space<vmem>>)
    %dma_start3A_340 = arith.constant 2 : i32
    %dma_start3A_341 = arith.constant 2 : i32
    %dma_start3A_342 = arith.constant 0 : i32
    %dma_start3A_343 = arith.constant 0 : i32
    %dma_start3A_344 = arith.constant 0 : i32
    %dma_start3A_345 = tpu.memref_slice %arg9[%dma_start3A_340, %dma_start3A_343, %dma_start3A_344] : memref<3x128x128xf32, #tpu.memory_space<vmem>> -> memref<1x128x128xf32, #tpu.memory_space<vmem>>
    %dma_start3A_346 = tpu.memref_squeeze %dma_start3A_345 : memref<1x128x128xf32, #tpu.memory_space<vmem>> -> memref<128x128xf32, #tpu.memory_space<vmem>>
    %dma_start3A_347 = arith.constant 0 : i32
    %dma_start3A_348 = tpu.memref_slice %arg8[%dma_start3A_341, %dma_start3A_342, %dma_start3A_347] : memref<3x1x128xi32, #tpu.memory_space<vmem>> -> memref<1x1x128xi32, #tpu.memory_space<vmem>>
    %dma_start3A_349 = tpu.memref_squeeze %dma_start3A_348 : memref<1x1x128xi32, #tpu.memory_space<vmem>> -> memref<128xi32, #tpu.memory_space<vmem>>
    %dma_start3A_350 = arith.constant 0 : i32
    %dma_start3A_351 = arith.constant 0 : i32
    %dma_start3A_352 = tpu.memref_slice %arg22[%dma_start3A_350, %dma_start3A_351] : memref<10112x128xf32, #tpu.memory_space<vmem_shared>> -> memref<10112x128xf32, #tpu.memory_space<vmem_shared>>
    tpu.enqueue_indirect_dma source(%dma_start3A_346 : memref<128x128xf32, #tpu.memory_space<vmem>>) target(%dma_start3A_352 : memref<10112x128xf32, #tpu.memory_space<vmem_shared>>) offsets(%dma_start3A_349 : memref<128xi32, #tpu.memory_space<vmem>>) semaphore(%arg21 : memref<!tpu.dma_semaphore, #tpu.memory_space<semaphore_mem>>) {add = true}
    %dma_wait3A_353 = arith.constant 0 : i32
    %dma_wait3A_354 = arith.constant 0 : i32
    %dma_wait3A_355 = arith.constant 0 : i32
    %dma_wait3A_356 = arith.constant 0 : i32
    %dma_wait3A_357 = arith.constant 0 : i32
    %dma_wait3A_358 = tpu.memref_slice %arg9[%dma_wait3A_353, %dma_wait3A_356, %dma_wait3A_357] : memref<3x128x128xf32, #tpu.memory_space<vmem>> -> memref<1x128x128xf32, #tpu.memory_space<vmem>>
    %dma_wait3A_359 = tpu.memref_squeeze %dma_wait3A_358 : memref<1x128x128xf32, #tpu.memory_space<vmem>> -> memref<128x128xf32, #tpu.memory_space<vmem>>
    %dma_wait3A_360 = arith.constant 0 : i32
    %dma_wait3A_361 = tpu.memref_slice %arg8[%dma_wait3A_354, %dma_wait3A_355, %dma_wait3A_360] : memref<3x1x128xi32, #tpu.memory_space<vmem>> -> memref<1x1x128xi32, #tpu.memory_space<vmem>>
    %dma_wait3A_362 = tpu.memref_squeeze %dma_wait3A_361 : memref<1x1x128xi32, #tpu.memory_space<vmem>> -> memref<128xi32, #tpu.memory_space<vmem>>
    %dma_wait3A_363 = arith.constant 0 : i32
    %dma_wait3A_364 = arith.constant 0 : i32
    %dma_wait3A_365 = tpu.memref_slice %arg22[%dma_wait3A_363, %dma_wait3A_364] : memref<10112x128xf32, #tpu.memory_space<vmem_shared>> -> memref<10112x128xf32, #tpu.memory_space<vmem_shared>>
    tpu.wait_indirect_dma semaphore(%arg19 : memref<!tpu.dma_semaphore, #tpu.memory_space<semaphore_mem>>) src(%dma_wait3A_359 : memref<128x128xf32, #tpu.memory_space<vmem>>) dst(%dma_wait3A_365 : memref<10112x128xf32, #tpu.memory_space<vmem_shared>>)
    %dma_wait3A_366 = arith.constant 1 : i32
    %dma_wait3A_367 = arith.constant 1 : i32
    %dma_wait3A_368 = arith.constant 0 : i32
    %dma_wait3A_369 = arith.constant 0 : i32
    %dma_wait3A_370 = arith.constant 0 : i32
    %dma_wait3A_371 = tpu.memref_slice %arg9[%dma_wait3A_366, %dma_wait3A_369, %dma_wait3A_370] : memref<3x128x128xf32, #tpu.memory_space<vmem>> -> memref<1x128x128xf32, #tpu.memory_space<vmem>>
    %dma_wait3A_372 = tpu.memref_squeeze %dma_wait3A_371 : memref<1x128x128xf32, #tpu.memory_space<vmem>> -> memref<128x128xf32, #tpu.memory_space<vmem>>
    %dma_wait3A_373 = arith.constant 0 : i32
    %dma_wait3A_374 = tpu.memref_slice %arg8[%dma_wait3A_367, %dma_wait3A_368, %dma_wait3A_373] : memref<3x1x128xi32, #tpu.memory_space<vmem>> -> memref<1x1x128xi32, #tpu.memory_space<vmem>>
    %dma_wait3A_375 = tpu.memref_squeeze %dma_wait3A_374 : memref<1x1x128xi32, #tpu.memory_space<vmem>> -> memref<128xi32, #tpu.memory_space<vmem>>
    %dma_wait3A_376 = arith.constant 0 : i32
    %dma_wait3A_377 = arith.constant 0 : i32
    %dma_wait3A_378 = tpu.memref_slice %arg22[%dma_wait3A_376, %dma_wait3A_377] : memref<10112x128xf32, #tpu.memory_space<vmem_shared>> -> memref<10112x128xf32, #tpu.memory_space<vmem_shared>>
    tpu.wait_indirect_dma semaphore(%arg20 : memref<!tpu.dma_semaphore, #tpu.memory_space<semaphore_mem>>) src(%dma_wait3A_372 : memref<128x128xf32, #tpu.memory_space<vmem>>) dst(%dma_wait3A_378 : memref<10112x128xf32, #tpu.memory_space<vmem_shared>>)
    %dma_wait3A_379 = arith.constant 2 : i32
    %dma_wait3A_380 = arith.constant 2 : i32
    %dma_wait3A_381 = arith.constant 0 : i32
    %dma_wait3A_382 = arith.constant 0 : i32
    %dma_wait3A_383 = arith.constant 0 : i32
    %dma_wait3A_384 = tpu.memref_slice %arg9[%dma_wait3A_379, %dma_wait3A_382, %dma_wait3A_383] : memref<3x128x128xf32, #tpu.memory_space<vmem>> -> memref<1x128x128xf32, #tpu.memory_space<vmem>>
    %dma_wait3A_385 = tpu.memref_squeeze %dma_wait3A_384 : memref<1x128x128xf32, #tpu.memory_space<vmem>> -> memref<128x128xf32, #tpu.memory_space<vmem>>
    %dma_wait3A_386 = arith.constant 0 : i32
    %dma_wait3A_387 = tpu.memref_slice %arg8[%dma_wait3A_380, %dma_wait3A_381, %dma_wait3A_386] : memref<3x1x128xi32, #tpu.memory_space<vmem>> -> memref<1x1x128xi32, #tpu.memory_space<vmem>>
    %dma_wait3A_388 = tpu.memref_squeeze %dma_wait3A_387 : memref<1x1x128xi32, #tpu.memory_space<vmem>> -> memref<128xi32, #tpu.memory_space<vmem>>
    %dma_wait3A_389 = arith.constant 0 : i32
    %dma_wait3A_390 = arith.constant 0 : i32
    %dma_wait3A_391 = tpu.memref_slice %arg22[%dma_wait3A_389, %dma_wait3A_390] : memref<10112x128xf32, #tpu.memory_space<vmem_shared>> -> memref<10112x128xf32, #tpu.memory_space<vmem_shared>>
    tpu.wait_indirect_dma semaphore(%arg21 : memref<!tpu.dma_semaphore, #tpu.memory_space<semaphore_mem>>) src(%dma_wait3A_385 : memref<128x128xf32, #tpu.memory_space<vmem>>) dst(%dma_wait3A_391 : memref<10112x128xf32, #tpu.memory_space<vmem_shared>>)
    %barrier3A_392 = arith.constant 0 : index
    tpu.barrier barrier_id(%barrier3A_392)
    %mul3A_393 = arith.constant 632 : i32
    %mul3A_394 = arith.muli %arg1, %mul3A_393 : i32
    %mul3A_395 = arith.constant 632 : i32
    %mul3A_396 = arith.muli %arg1, %mul3A_395 : i32
    "tpu.region"() ({
      %run_scoped3A = tpu.sem_alloc : memref<!tpu.dma_semaphore, #tpu.memory_space<semaphore_mem>>
      %dma_start3A_397 = arith.constant 0 : i32
      %dma_start3A_398 = tpu.memref_slice %arg6[%arg0, %mul3A_396, %dma_start3A_397] : memref<2x10112x128xf32, #tpu.memory_space<hbm>> -> memref<1x632x128xf32, #tpu.memory_space<hbm>>
      %dma_start3A_399 = tpu.memref_squeeze %dma_start3A_398 : memref<1x632x128xf32, #tpu.memory_space<hbm>> -> memref<632x128xf32, #tpu.memory_space<hbm>>
      %dma_start3A_400 = arith.constant 0 : i32
      %dma_start3A_401 = tpu.memref_slice %arg22[%mul3A_394, %dma_start3A_400] : memref<10112x128xf32, #tpu.memory_space<vmem_shared>> -> memref<632x128xf32, #tpu.memory_space<vmem_shared>>
      tpu.enqueue_dma source(%dma_start3A_401 : memref<632x128xf32, #tpu.memory_space<vmem_shared>>) target(%dma_start3A_399 : memref<632x128xf32, #tpu.memory_space<hbm>>) target_semaphore(%run_scoped3A : memref<!tpu.dma_semaphore, #tpu.memory_space<semaphore_mem>>)
      %dma_wait3A_402 = arith.constant 0 : i32
      %dma_wait3A_403 = tpu.memref_slice %arg6[%arg0, %mul3A_396, %dma_wait3A_402] : memref<2x10112x128xf32, #tpu.memory_space<hbm>> -> memref<1x632x128xf32, #tpu.memory_space<hbm>>
      %dma_wait3A_404 = tpu.memref_squeeze %dma_wait3A_403 : memref<1x632x128xf32, #tpu.memory_space<hbm>> -> memref<632x128xf32, #tpu.memory_space<hbm>>
      %dma_wait3A_405 = arith.constant 0 : i32
      %dma_wait3A_406 = tpu.memref_slice %arg22[%mul3A_394, %dma_wait3A_405] : memref<10112x128xf32, #tpu.memory_space<vmem_shared>> -> memref<632x128xf32, #tpu.memory_space<vmem_shared>>
      tpu.wait_dma2 semaphore(%run_scoped3A : memref<!tpu.dma_semaphore, #tpu.memory_space<semaphore_mem>>) src(%dma_wait3A_406 : memref<632x128xf32, #tpu.memory_space<vmem_shared>>) dst(%dma_wait3A_404 : memref<632x128xf32, #tpu.memory_space<hbm>>)
      tpu.yield
    }) : () -> ()
    return
  }
}

#map = affine_map<(d0, d1) -> (0, 0)>
#map1 = affine_map<(d0, d1) -> (0, 0, 0)>
module attributes {stable_mosaic.version = 14 : i64} {
  func.func @_agg_body(%arg0: i32, %arg1: i32, %arg2: memref<10000x128xf32, #tpu.memory_space<hbm>>, %arg3: memref<2592x1x128xi32, #tpu.memory_space<hbm>>, %arg4: memref<2592x1x128xi32, #tpu.memory_space<hbm>>, %arg5: memref<632x128xf32, #tpu.memory_space<hbm>>, %arg6: memref<2x10112x128xf32, #tpu.memory_space<hbm>>, %arg7: memref<3x1x128xi32, #tpu.memory_space<vmem>>, %arg8: memref<3x1x128xi32, #tpu.memory_space<vmem>>, %arg9: memref<3x128x128xf32, #tpu.memory_space<vmem>>, %arg10: memref<!tpu.dma_semaphore, #tpu.memory_space<semaphore_mem>>, %arg11: memref<!tpu.dma_semaphore, #tpu.memory_space<semaphore_mem>>, %arg12: memref<!tpu.dma_semaphore, #tpu.memory_space<semaphore_mem>>, %arg13: memref<!tpu.dma_semaphore, #tpu.memory_space<semaphore_mem>>, %arg14: memref<!tpu.dma_semaphore, #tpu.memory_space<semaphore_mem>>, %arg15: memref<!tpu.dma_semaphore, #tpu.memory_space<semaphore_mem>>, %arg16: memref<!tpu.dma_semaphore, #tpu.memory_space<semaphore_mem>>, %arg17: memref<!tpu.dma_semaphore, #tpu.memory_space<semaphore_mem>>, %arg18: memref<!tpu.dma_semaphore, #tpu.memory_space<semaphore_mem>>, %arg19: memref<!tpu.dma_semaphore, #tpu.memory_space<semaphore_mem>>, %arg20: memref<!tpu.dma_semaphore, #tpu.memory_space<semaphore_mem>>, %arg21: memref<!tpu.dma_semaphore, #tpu.memory_space<semaphore_mem>>, %arg22: memref<10112x128xf32, #tpu.memory_space<vmem_shared>>) attributes {dimension_semantics = [#tpu.dimension_semantics<core_parallel>, #tpu.dimension_semantics<subcore_parallel>], iteration_bounds = array<i64: 2, 16>, scalar_prefetch = 0 : i64, scratch_operands = 16 : i64, tpu.core_type = #tpu.core_type<sc_vector_subcore>, window_params = [{transform_indices = #map}, {transform_indices = #map1}, {transform_indices = #map1}, {transform_indices = #map}, {transform_indices = #map1}]} {
    %mul3A = arith.constant 16 : i32
    %mul3A_0 = arith.muli %arg0, %mul3A : i32
    %add3A = arith.addi %mul3A_0, %arg1 : i32
    %mul3A_1 = arith.constant 81 : i32
    %mul3A_2 = arith.muli %add3A, %mul3A_1 : i32
    %mul3A_3 = arith.constant 632 : i32
    %mul3A_4 = arith.muli %arg1, %mul3A_3 : i32
    "tpu.region"() ({
      %run_scoped3A = tpu.sem_alloc : memref<!tpu.dma_semaphore, #tpu.memory_space<semaphore_mem>>
      %dma_start3A_397 = arith.constant 0 : i32
      %dma_start3A_398 = tpu.memref_slice %arg22[%mul3A_4, %dma_start3A_397] : memref<10112x128xf32, #tpu.memory_space<vmem_shared>> -> memref<632x128xf32, #tpu.memory_space<vmem_shared>>
      tpu.enqueue_dma source(%arg5 : memref<632x128xf32, #tpu.memory_space<hbm>>) target(%dma_start3A_398 : memref<632x128xf32, #tpu.memory_space<vmem_shared>>) target_semaphore(%run_scoped3A : memref<!tpu.dma_semaphore, #tpu.memory_space<semaphore_mem>>)
      %dma_wait3A_399 = arith.constant 0 : i32
      %dma_wait3A_400 = tpu.memref_slice %arg22[%mul3A_4, %dma_wait3A_399] : memref<10112x128xf32, #tpu.memory_space<vmem_shared>> -> memref<632x128xf32, #tpu.memory_space<vmem_shared>>
      tpu.wait_dma2 semaphore(%run_scoped3A : memref<!tpu.dma_semaphore, #tpu.memory_space<semaphore_mem>>) src(%arg5 : memref<632x128xf32, #tpu.memory_space<hbm>>) dst(%dma_wait3A_400 : memref<632x128xf32, #tpu.memory_space<vmem_shared>>)
      tpu.yield
    }) : () -> ()
    %barrier3A = arith.constant 0 : index
    tpu.barrier barrier_id(%barrier3A)
    %add3A_5 = arith.constant 0 : i32
    %add3A_6 = arith.addi %mul3A_2, %add3A_5 : i32
    %dma_start3A = arith.constant 0 : i32
    %dma_start3A_7 = arith.constant 0 : i32
    %dma_start3A_8 = arith.constant 0 : i32
    %dma_start3A_9 = tpu.memref_slice %arg7[%dma_start3A, %dma_start3A_7, %dma_start3A_8] : memref<3x1x128xi32, #tpu.memory_space<vmem>> -> memref<1x1x128xi32, #tpu.memory_space<vmem>>
    %dma_start3A_10 = tpu.memref_squeeze %dma_start3A_9 : memref<1x1x128xi32, #tpu.memory_space<vmem>> -> memref<1x128xi32, #tpu.memory_space<vmem>>
    %dma_start3A_11 = arith.constant 0 : i32
    %dma_start3A_12 = arith.constant 0 : i32
    %dma_start3A_13 = tpu.memref_slice %arg3[%add3A_6, %dma_start3A_11, %dma_start3A_12] : memref<2592x1x128xi32, #tpu.memory_space<hbm>> -> memref<1x1x128xi32, #tpu.memory_space<hbm>>
    %dma_start3A_14 = tpu.memref_squeeze %dma_start3A_13 : memref<1x1x128xi32, #tpu.memory_space<hbm>> -> memref<1x128xi32, #tpu.memory_space<hbm>>
    %dma_start3A_15 = arith.constant 0 : i32
    %dma_start3A_16 = arith.constant 0 : i32
    %dma_start3A_17 = tpu.memref_slice %arg7[%dma_start3A, %dma_start3A_15, %dma_start3A_16] : memref<3x1x128xi32, #tpu.memory_space<vmem>> -> memref<1x1x128xi32, #tpu.memory_space<vmem>>
    %dma_start3A_18 = tpu.memref_squeeze %dma_start3A_17 : memref<1x1x128xi32, #tpu.memory_space<vmem>> -> memref<1x128xi32, #tpu.memory_space<vmem>>
    %dma_start3A_19 = arith.constant 0 : i32
    %dma_start3A_20 = arith.constant 0 : i32
    %dma_start3A_21 = tpu.memref_slice %arg3[%add3A_6, %dma_start3A_19, %dma_start3A_20] : memref<2592x1x128xi32, #tpu.memory_space<hbm>> -> memref<1x1x128xi32, #tpu.memory_space<hbm>>
    %dma_start3A_22 = tpu.memref_squeeze %dma_start3A_21 : memref<1x1x128xi32, #tpu.memory_space<hbm>> -> memref<1x128xi32, #tpu.memory_space<hbm>>
    tpu.enqueue_dma source(%dma_start3A_22 : memref<1x128xi32, #tpu.memory_space<hbm>>) target(%dma_start3A_18 : memref<1x128xi32, #tpu.memory_space<vmem>>) target_semaphore(%arg10 : memref<!tpu.dma_semaphore, #tpu.memory_space<semaphore_mem>>)
    %add3A_23 = arith.constant 0 : i32
    %add3A_24 = arith.addi %mul3A_2, %add3A_23 : i32
    %dma_start3A_25 = arith.constant 0 : i32
    %dma_start3A_26 = arith.constant 0 : i32
    %dma_start3A_27 = arith.constant 0 : i32
    %dma_start3A_28 = tpu.memref_slice %arg8[%dma_start3A_25, %dma_start3A_26, %dma_start3A_27] : memref<3x1x128xi32, #tpu.memory_space<vmem>> -> memref<1x1x128xi32, #tpu.memory_space<vmem>>
    %dma_start3A_29 = tpu.memref_squeeze %dma_start3A_28 : memref<1x1x128xi32, #tpu.memory_space<vmem>> -> memref<1x128xi32, #tpu.memory_space<vmem>>
    %dma_start3A_30 = arith.constant 0 : i32
    %dma_start3A_31 = arith.constant 0 : i32
    %dma_start3A_32 = tpu.memref_slice %arg4[%add3A_24, %dma_start3A_30, %dma_start3A_31] : memref<2592x1x128xi32, #tpu.memory_space<hbm>> -> memref<1x1x128xi32, #tpu.memory_space<hbm>>
    %dma_start3A_33 = tpu.memref_squeeze %dma_start3A_32 : memref<1x1x128xi32, #tpu.memory_space<hbm>> -> memref<1x128xi32, #tpu.memory_space<hbm>>
    %dma_start3A_34 = arith.constant 0 : i32
    %dma_start3A_35 = arith.constant 0 : i32
    %dma_start3A_36 = tpu.memref_slice %arg8[%dma_start3A_25, %dma_start3A_34, %dma_start3A_35] : memref<3x1x128xi32, #tpu.memory_space<vmem>> -> memref<1x1x128xi32, #tpu.memory_space<vmem>>
    %dma_start3A_37 = tpu.memref_squeeze %dma_start3A_36 : memref<1x1x128xi32, #tpu.memory_space<vmem>> -> memref<1x128xi32, #tpu.memory_space<vmem>>
    %dma_start3A_38 = arith.constant 0 : i32
    %dma_start3A_39 = arith.constant 0 : i32
    %dma_start3A_40 = tpu.memref_slice %arg4[%add3A_24, %dma_start3A_38, %dma_start3A_39] : memref<2592x1x128xi32, #tpu.memory_space<hbm>> -> memref<1x1x128xi32, #tpu.memory_space<hbm>>
    %dma_start3A_41 = tpu.memref_squeeze %dma_start3A_40 : memref<1x1x128xi32, #tpu.memory_space<hbm>> -> memref<1x128xi32, #tpu.memory_space<hbm>>
    tpu.enqueue_dma source(%dma_start3A_41 : memref<1x128xi32, #tpu.memory_space<hbm>>) target(%dma_start3A_37 : memref<1x128xi32, #tpu.memory_space<vmem>>) target_semaphore(%arg13 : memref<!tpu.dma_semaphore, #tpu.memory_space<semaphore_mem>>)
    %add3A_42 = arith.constant 1 : i32
    %add3A_43 = arith.addi %mul3A_2, %add3A_42 : i32
    %dma_start3A_44 = arith.constant 1 : i32
    %dma_start3A_45 = arith.constant 0 : i32
    %dma_start3A_46 = arith.constant 0 : i32
    %dma_start3A_47 = tpu.memref_slice %arg7[%dma_start3A_44, %dma_start3A_45, %dma_start3A_46] : memref<3x1x128xi32, #tpu.memory_space<vmem>> -> memref<1x1x128xi32, #tpu.memory_space<vmem>>
    %dma_start3A_48 = tpu.memref_squeeze %dma_start3A_47 : memref<1x1x128xi32, #tpu.memory_space<vmem>> -> memref<1x128xi32, #tpu.memory_space<vmem>>
    %dma_start3A_49 = arith.constant 0 : i32
    %dma_start3A_50 = arith.constant 0 : i32
    %dma_start3A_51 = tpu.memref_slice %arg3[%add3A_43, %dma_start3A_49, %dma_start3A_50] : memref<2592x1x128xi32, #tpu.memory_space<hbm>> -> memref<1x1x128xi32, #tpu.memory_space<hbm>>
    %dma_start3A_52 = tpu.memref_squeeze %dma_start3A_51 : memref<1x1x128xi32, #tpu.memory_space<hbm>> -> memref<1x128xi32, #tpu.memory_space<hbm>>
    %dma_start3A_53 = arith.constant 0 : i32
    %dma_start3A_54 = arith.constant 0 : i32
    %dma_start3A_55 = tpu.memref_slice %arg7[%dma_start3A_44, %dma_start3A_53, %dma_start3A_54] : memref<3x1x128xi32, #tpu.memory_space<vmem>> -> memref<1x1x128xi32, #tpu.memory_space<vmem>>
    %dma_start3A_56 = tpu.memref_squeeze %dma_start3A_55 : memref<1x1x128xi32, #tpu.memory_space<vmem>> -> memref<1x128xi32, #tpu.memory_space<vmem>>
    %dma_start3A_57 = arith.constant 0 : i32
    %dma_start3A_58 = arith.constant 0 : i32
    %dma_start3A_59 = tpu.memref_slice %arg3[%add3A_43, %dma_start3A_57, %dma_start3A_58] : memref<2592x1x128xi32, #tpu.memory_space<hbm>> -> memref<1x1x128xi32, #tpu.memory_space<hbm>>
    %dma_start3A_60 = tpu.memref_squeeze %dma_start3A_59 : memref<1x1x128xi32, #tpu.memory_space<hbm>> -> memref<1x128xi32, #tpu.memory_space<hbm>>
    tpu.enqueue_dma source(%dma_start3A_60 : memref<1x128xi32, #tpu.memory_space<hbm>>) target(%dma_start3A_56 : memref<1x128xi32, #tpu.memory_space<vmem>>) target_semaphore(%arg11 : memref<!tpu.dma_semaphore, #tpu.memory_space<semaphore_mem>>)
    %add3A_61 = arith.constant 1 : i32
    %add3A_62 = arith.addi %mul3A_2, %add3A_61 : i32
    %dma_start3A_63 = arith.constant 1 : i32
    %dma_start3A_64 = arith.constant 0 : i32
    %dma_start3A_65 = arith.constant 0 : i32
    %dma_start3A_66 = tpu.memref_slice %arg8[%dma_start3A_63, %dma_start3A_64, %dma_start3A_65] : memref<3x1x128xi32, #tpu.memory_space<vmem>> -> memref<1x1x128xi32, #tpu.memory_space<vmem>>
    %dma_start3A_67 = tpu.memref_squeeze %dma_start3A_66 : memref<1x1x128xi32, #tpu.memory_space<vmem>> -> memref<1x128xi32, #tpu.memory_space<vmem>>
    %dma_start3A_68 = arith.constant 0 : i32
    %dma_start3A_69 = arith.constant 0 : i32
    %dma_start3A_70 = tpu.memref_slice %arg4[%add3A_62, %dma_start3A_68, %dma_start3A_69] : memref<2592x1x128xi32, #tpu.memory_space<hbm>> -> memref<1x1x128xi32, #tpu.memory_space<hbm>>
    %dma_start3A_71 = tpu.memref_squeeze %dma_start3A_70 : memref<1x1x128xi32, #tpu.memory_space<hbm>> -> memref<1x128xi32, #tpu.memory_space<hbm>>
    %dma_start3A_72 = arith.constant 0 : i32
    %dma_start3A_73 = arith.constant 0 : i32
    %dma_start3A_74 = tpu.memref_slice %arg8[%dma_start3A_63, %dma_start3A_72, %dma_start3A_73] : memref<3x1x128xi32, #tpu.memory_space<vmem>> -> memref<1x1x128xi32, #tpu.memory_space<vmem>>
    %dma_start3A_75 = tpu.memref_squeeze %dma_start3A_74 : memref<1x1x128xi32, #tpu.memory_space<vmem>> -> memref<1x128xi32, #tpu.memory_space<vmem>>
    %dma_start3A_76 = arith.constant 0 : i32
    %dma_start3A_77 = arith.constant 0 : i32
    %dma_start3A_78 = tpu.memref_slice %arg4[%add3A_62, %dma_start3A_76, %dma_start3A_77] : memref<2592x1x128xi32, #tpu.memory_space<hbm>> -> memref<1x1x128xi32, #tpu.memory_space<hbm>>
    %dma_start3A_79 = tpu.memref_squeeze %dma_start3A_78 : memref<1x1x128xi32, #tpu.memory_space<hbm>> -> memref<1x128xi32, #tpu.memory_space<hbm>>
    tpu.enqueue_dma source(%dma_start3A_79 : memref<1x128xi32, #tpu.memory_space<hbm>>) target(%dma_start3A_75 : memref<1x128xi32, #tpu.memory_space<vmem>>) target_semaphore(%arg14 : memref<!tpu.dma_semaphore, #tpu.memory_space<semaphore_mem>>)
    %add3A_80 = arith.constant 2 : i32
    %add3A_81 = arith.addi %mul3A_2, %add3A_80 : i32
    %dma_start3A_82 = arith.constant 2 : i32
    %dma_start3A_83 = arith.constant 0 : i32
    %dma_start3A_84 = arith.constant 0 : i32
    %dma_start3A_85 = tpu.memref_slice %arg7[%dma_start3A_82, %dma_start3A_83, %dma_start3A_84] : memref<3x1x128xi32, #tpu.memory_space<vmem>> -> memref<1x1x128xi32, #tpu.memory_space<vmem>>
    %dma_start3A_86 = tpu.memref_squeeze %dma_start3A_85 : memref<1x1x128xi32, #tpu.memory_space<vmem>> -> memref<1x128xi32, #tpu.memory_space<vmem>>
    %dma_start3A_87 = arith.constant 0 : i32
    %dma_start3A_88 = arith.constant 0 : i32
    %dma_start3A_89 = tpu.memref_slice %arg3[%add3A_81, %dma_start3A_87, %dma_start3A_88] : memref<2592x1x128xi32, #tpu.memory_space<hbm>> -> memref<1x1x128xi32, #tpu.memory_space<hbm>>
    %dma_start3A_90 = tpu.memref_squeeze %dma_start3A_89 : memref<1x1x128xi32, #tpu.memory_space<hbm>> -> memref<1x128xi32, #tpu.memory_space<hbm>>
    %dma_start3A_91 = arith.constant 0 : i32
    %dma_start3A_92 = arith.constant 0 : i32
    %dma_start3A_93 = tpu.memref_slice %arg7[%dma_start3A_82, %dma_start3A_91, %dma_start3A_92] : memref<3x1x128xi32, #tpu.memory_space<vmem>> -> memref<1x1x128xi32, #tpu.memory_space<vmem>>
    %dma_start3A_94 = tpu.memref_squeeze %dma_start3A_93 : memref<1x1x128xi32, #tpu.memory_space<vmem>> -> memref<1x128xi32, #tpu.memory_space<vmem>>
    %dma_start3A_95 = arith.constant 0 : i32
    %dma_start3A_96 = arith.constant 0 : i32
    %dma_start3A_97 = tpu.memref_slice %arg3[%add3A_81, %dma_start3A_95, %dma_start3A_96] : memref<2592x1x128xi32, #tpu.memory_space<hbm>> -> memref<1x1x128xi32, #tpu.memory_space<hbm>>
    %dma_start3A_98 = tpu.memref_squeeze %dma_start3A_97 : memref<1x1x128xi32, #tpu.memory_space<hbm>> -> memref<1x128xi32, #tpu.memory_space<hbm>>
    tpu.enqueue_dma source(%dma_start3A_98 : memref<1x128xi32, #tpu.memory_space<hbm>>) target(%dma_start3A_94 : memref<1x128xi32, #tpu.memory_space<vmem>>) target_semaphore(%arg12 : memref<!tpu.dma_semaphore, #tpu.memory_space<semaphore_mem>>)
    %add3A_99 = arith.constant 2 : i32
    %add3A_100 = arith.addi %mul3A_2, %add3A_99 : i32
    %dma_start3A_101 = arith.constant 2 : i32
    %dma_start3A_102 = arith.constant 0 : i32
    %dma_start3A_103 = arith.constant 0 : i32
    %dma_start3A_104 = tpu.memref_slice %arg8[%dma_start3A_101, %dma_start3A_102, %dma_start3A_103] : memref<3x1x128xi32, #tpu.memory_space<vmem>> -> memref<1x1x128xi32, #tpu.memory_space<vmem>>
    %dma_start3A_105 = tpu.memref_squeeze %dma_start3A_104 : memref<1x1x128xi32, #tpu.memory_space<vmem>> -> memref<1x128xi32, #tpu.memory_space<vmem>>
    %dma_start3A_106 = arith.constant 0 : i32
    %dma_start3A_107 = arith.constant 0 : i32
    %dma_start3A_108 = tpu.memref_slice %arg4[%add3A_100, %dma_start3A_106, %dma_start3A_107] : memref<2592x1x128xi32, #tpu.memory_space<hbm>> -> memref<1x1x128xi32, #tpu.memory_space<hbm>>
    %dma_start3A_109 = tpu.memref_squeeze %dma_start3A_108 : memref<1x1x128xi32, #tpu.memory_space<hbm>> -> memref<1x128xi32, #tpu.memory_space<hbm>>
    %dma_start3A_110 = arith.constant 0 : i32
    %dma_start3A_111 = arith.constant 0 : i32
    %dma_start3A_112 = tpu.memref_slice %arg8[%dma_start3A_101, %dma_start3A_110, %dma_start3A_111] : memref<3x1x128xi32, #tpu.memory_space<vmem>> -> memref<1x1x128xi32, #tpu.memory_space<vmem>>
    %dma_start3A_113 = tpu.memref_squeeze %dma_start3A_112 : memref<1x1x128xi32, #tpu.memory_space<vmem>> -> memref<1x128xi32, #tpu.memory_space<vmem>>
    %dma_start3A_114 = arith.constant 0 : i32
    %dma_start3A_115 = arith.constant 0 : i32
    %dma_start3A_116 = tpu.memref_slice %arg4[%add3A_100, %dma_start3A_114, %dma_start3A_115] : memref<2592x1x128xi32, #tpu.memory_space<hbm>> -> memref<1x1x128xi32, #tpu.memory_space<hbm>>
    %dma_start3A_117 = tpu.memref_squeeze %dma_start3A_116 : memref<1x1x128xi32, #tpu.memory_space<hbm>> -> memref<1x128xi32, #tpu.memory_space<hbm>>
    tpu.enqueue_dma source(%dma_start3A_117 : memref<1x128xi32, #tpu.memory_space<hbm>>) target(%dma_start3A_113 : memref<1x128xi32, #tpu.memory_space<vmem>>) target_semaphore(%arg15 : memref<!tpu.dma_semaphore, #tpu.memory_space<semaphore_mem>>)
    %add3A_118 = arith.constant 0 : i32
    %add3A_119 = arith.addi %mul3A_2, %add3A_118 : i32
    %dma_wait3A = arith.constant 0 : i32
    %dma_wait3A_120 = arith.constant 0 : i32
    %dma_wait3A_121 = arith.constant 0 : i32
    %dma_wait3A_122 = tpu.memref_slice %arg7[%dma_wait3A, %dma_wait3A_120, %dma_wait3A_121] : memref<3x1x128xi32, #tpu.memory_space<vmem>> -> memref<1x1x128xi32, #tpu.memory_space<vmem>>
    %dma_wait3A_123 = tpu.memref_squeeze %dma_wait3A_122 : memref<1x1x128xi32, #tpu.memory_space<vmem>> -> memref<1x128xi32, #tpu.memory_space<vmem>>
    %dma_wait3A_124 = arith.constant 0 : i32
    %dma_wait3A_125 = arith.constant 0 : i32
    %dma_wait3A_126 = tpu.memref_slice %arg3[%add3A_119, %dma_wait3A_124, %dma_wait3A_125] : memref<2592x1x128xi32, #tpu.memory_space<hbm>> -> memref<1x1x128xi32, #tpu.memory_space<hbm>>
    %dma_wait3A_127 = tpu.memref_squeeze %dma_wait3A_126 : memref<1x1x128xi32, #tpu.memory_space<hbm>> -> memref<1x128xi32, #tpu.memory_space<hbm>>
    %dma_wait3A_128 = arith.constant 0 : i32
    %dma_wait3A_129 = arith.constant 0 : i32
    %dma_wait3A_130 = tpu.memref_slice %arg7[%dma_wait3A, %dma_wait3A_128, %dma_wait3A_129] : memref<3x1x128xi32, #tpu.memory_space<vmem>> -> memref<1x1x128xi32, #tpu.memory_space<vmem>>
    %dma_wait3A_131 = tpu.memref_squeeze %dma_wait3A_130 : memref<1x1x128xi32, #tpu.memory_space<vmem>> -> memref<1x128xi32, #tpu.memory_space<vmem>>
    %dma_wait3A_132 = arith.constant 0 : i32
    %dma_wait3A_133 = arith.constant 0 : i32
    %dma_wait3A_134 = tpu.memref_slice %arg3[%add3A_119, %dma_wait3A_132, %dma_wait3A_133] : memref<2592x1x128xi32, #tpu.memory_space<hbm>> -> memref<1x1x128xi32, #tpu.memory_space<hbm>>
    %dma_wait3A_135 = tpu.memref_squeeze %dma_wait3A_134 : memref<1x1x128xi32, #tpu.memory_space<hbm>> -> memref<1x128xi32, #tpu.memory_space<hbm>>
    tpu.wait_dma2 semaphore(%arg10 : memref<!tpu.dma_semaphore, #tpu.memory_space<semaphore_mem>>) src(%dma_wait3A_135 : memref<1x128xi32, #tpu.memory_space<hbm>>) dst(%dma_wait3A_131 : memref<1x128xi32, #tpu.memory_space<vmem>>)
    %dma_start3A_136 = arith.constant 0 : i32
    %dma_start3A_137 = arith.constant 0 : i32
    %dma_start3A_138 = arith.constant 0 : i32
    %dma_start3A_139 = arith.constant 0 : i32
    %dma_start3A_140 = arith.constant 0 : i32
    %dma_start3A_141 = tpu.memref_slice %arg9[%dma_start3A_138, %dma_start3A_139, %dma_start3A_140] : memref<3x128x128xf32, #tpu.memory_space<vmem>> -> memref<1x128x128xf32, #tpu.memory_space<vmem>>
    %dma_start3A_142 = tpu.memref_squeeze %dma_start3A_141 : memref<1x128x128xf32, #tpu.memory_space<vmem>> -> memref<128x128xf32, #tpu.memory_space<vmem>>
    %dma_start3A_143 = arith.constant 0 : i32
    %dma_start3A_144 = tpu.memref_slice %arg7[%dma_start3A_136, %dma_start3A_137, %dma_start3A_143] : memref<3x1x128xi32, #tpu.memory_space<vmem>> -> memref<1x1x128xi32, #tpu.memory_space<vmem>>
    %dma_start3A_145 = tpu.memref_squeeze %dma_start3A_144 : memref<1x1x128xi32, #tpu.memory_space<vmem>> -> memref<128xi32, #tpu.memory_space<vmem>>
    %dma_start3A_146 = arith.constant 0 : i32
    %dma_start3A_147 = arith.constant 0 : i32
    %dma_start3A_148 = tpu.memref_slice %arg2[%dma_start3A_146, %dma_start3A_147] : memref<10000x128xf32, #tpu.memory_space<hbm>> -> memref<10000x128xf32, #tpu.memory_space<hbm>>
    tpu.enqueue_indirect_dma source(%dma_start3A_148 : memref<10000x128xf32, #tpu.memory_space<hbm>>) target(%dma_start3A_142 : memref<128x128xf32, #tpu.memory_space<vmem>>) offsets(%dma_start3A_145 : memref<128xi32, #tpu.memory_space<vmem>>) semaphore(%arg16 : memref<!tpu.dma_semaphore, #tpu.memory_space<semaphore_mem>>)
    %add3A_149 = arith.constant 1 : i32
    %add3A_150 = arith.addi %mul3A_2, %add3A_149 : i32
    %dma_wait3A_151 = arith.constant 1 : i32
    %dma_wait3A_152 = arith.constant 0 : i32
    %dma_wait3A_153 = arith.constant 0 : i32
    %dma_wait3A_154 = tpu.memref_slice %arg7[%dma_wait3A_151, %dma_wait3A_152, %dma_wait3A_153] : memref<3x1x128xi32, #tpu.memory_space<vmem>> -> memref<1x1x128xi32, #tpu.memory_space<vmem>>
    %dma_wait3A_155 = tpu.memref_squeeze %dma_wait3A_154 : memref<1x1x128xi32, #tpu.memory_space<vmem>> -> memref<1x128xi32, #tpu.memory_space<vmem>>
    %dma_wait3A_156 = arith.constant 0 : i32
    %dma_wait3A_157 = arith.constant 0 : i32
    %dma_wait3A_158 = tpu.memref_slice %arg3[%add3A_150, %dma_wait3A_156, %dma_wait3A_157] : memref<2592x1x128xi32, #tpu.memory_space<hbm>> -> memref<1x1x128xi32, #tpu.memory_space<hbm>>
    %dma_wait3A_159 = tpu.memref_squeeze %dma_wait3A_158 : memref<1x1x128xi32, #tpu.memory_space<hbm>> -> memref<1x128xi32, #tpu.memory_space<hbm>>
    %dma_wait3A_160 = arith.constant 0 : i32
    %dma_wait3A_161 = arith.constant 0 : i32
    %dma_wait3A_162 = tpu.memref_slice %arg7[%dma_wait3A_151, %dma_wait3A_160, %dma_wait3A_161] : memref<3x1x128xi32, #tpu.memory_space<vmem>> -> memref<1x1x128xi32, #tpu.memory_space<vmem>>
    %dma_wait3A_163 = tpu.memref_squeeze %dma_wait3A_162 : memref<1x1x128xi32, #tpu.memory_space<vmem>> -> memref<1x128xi32, #tpu.memory_space<vmem>>
    %dma_wait3A_164 = arith.constant 0 : i32
    %dma_wait3A_165 = arith.constant 0 : i32
    %dma_wait3A_166 = tpu.memref_slice %arg3[%add3A_150, %dma_wait3A_164, %dma_wait3A_165] : memref<2592x1x128xi32, #tpu.memory_space<hbm>> -> memref<1x1x128xi32, #tpu.memory_space<hbm>>
    %dma_wait3A_167 = tpu.memref_squeeze %dma_wait3A_166 : memref<1x1x128xi32, #tpu.memory_space<hbm>> -> memref<1x128xi32, #tpu.memory_space<hbm>>
    tpu.wait_dma2 semaphore(%arg11 : memref<!tpu.dma_semaphore, #tpu.memory_space<semaphore_mem>>) src(%dma_wait3A_167 : memref<1x128xi32, #tpu.memory_space<hbm>>) dst(%dma_wait3A_163 : memref<1x128xi32, #tpu.memory_space<vmem>>)
    %dma_start3A_168 = arith.constant 1 : i32
    %dma_start3A_169 = arith.constant 0 : i32
    %dma_start3A_170 = arith.constant 1 : i32
    %dma_start3A_171 = arith.constant 0 : i32
    %dma_start3A_172 = arith.constant 0 : i32
    %dma_start3A_173 = tpu.memref_slice %arg9[%dma_start3A_170, %dma_start3A_171, %dma_start3A_172] : memref<3x128x128xf32, #tpu.memory_space<vmem>> -> memref<1x128x128xf32, #tpu.memory_space<vmem>>
    %dma_start3A_174 = tpu.memref_squeeze %dma_start3A_173 : memref<1x128x128xf32, #tpu.memory_space<vmem>> -> memref<128x128xf32, #tpu.memory_space<vmem>>
    %dma_start3A_175 = arith.constant 0 : i32
    %dma_start3A_176 = tpu.memref_slice %arg7[%dma_start3A_168, %dma_start3A_169, %dma_start3A_175] : memref<3x1x128xi32, #tpu.memory_space<vmem>> -> memref<1x1x128xi32, #tpu.memory_space<vmem>>
    %dma_start3A_177 = tpu.memref_squeeze %dma_start3A_176 : memref<1x1x128xi32, #tpu.memory_space<vmem>> -> memref<128xi32, #tpu.memory_space<vmem>>
    %dma_start3A_178 = arith.constant 0 : i32
    %dma_start3A_179 = arith.constant 0 : i32
    %dma_start3A_180 = tpu.memref_slice %arg2[%dma_start3A_178, %dma_start3A_179] : memref<10000x128xf32, #tpu.memory_space<hbm>> -> memref<10000x128xf32, #tpu.memory_space<hbm>>
    tpu.enqueue_indirect_dma source(%dma_start3A_180 : memref<10000x128xf32, #tpu.memory_space<hbm>>) target(%dma_start3A_174 : memref<128x128xf32, #tpu.memory_space<vmem>>) offsets(%dma_start3A_177 : memref<128xi32, #tpu.memory_space<vmem>>) semaphore(%arg17 : memref<!tpu.dma_semaphore, #tpu.memory_space<semaphore_mem>>)
    %add3A_181 = arith.constant 2 : i32
    %add3A_182 = arith.addi %mul3A_2, %add3A_181 : i32
    %dma_wait3A_183 = arith.constant 2 : i32
    %dma_wait3A_184 = arith.constant 0 : i32
    %dma_wait3A_185 = arith.constant 0 : i32
    %dma_wait3A_186 = tpu.memref_slice %arg7[%dma_wait3A_183, %dma_wait3A_184, %dma_wait3A_185] : memref<3x1x128xi32, #tpu.memory_space<vmem>> -> memref<1x1x128xi32, #tpu.memory_space<vmem>>
    %dma_wait3A_187 = tpu.memref_squeeze %dma_wait3A_186 : memref<1x1x128xi32, #tpu.memory_space<vmem>> -> memref<1x128xi32, #tpu.memory_space<vmem>>
    %dma_wait3A_188 = arith.constant 0 : i32
    %dma_wait3A_189 = arith.constant 0 : i32
    %dma_wait3A_190 = tpu.memref_slice %arg3[%add3A_182, %dma_wait3A_188, %dma_wait3A_189] : memref<2592x1x128xi32, #tpu.memory_space<hbm>> -> memref<1x1x128xi32, #tpu.memory_space<hbm>>
    %dma_wait3A_191 = tpu.memref_squeeze %dma_wait3A_190 : memref<1x1x128xi32, #tpu.memory_space<hbm>> -> memref<1x128xi32, #tpu.memory_space<hbm>>
    %dma_wait3A_192 = arith.constant 0 : i32
    %dma_wait3A_193 = arith.constant 0 : i32
    %dma_wait3A_194 = tpu.memref_slice %arg7[%dma_wait3A_183, %dma_wait3A_192, %dma_wait3A_193] : memref<3x1x128xi32, #tpu.memory_space<vmem>> -> memref<1x1x128xi32, #tpu.memory_space<vmem>>
    %dma_wait3A_195 = tpu.memref_squeeze %dma_wait3A_194 : memref<1x1x128xi32, #tpu.memory_space<vmem>> -> memref<1x128xi32, #tpu.memory_space<vmem>>
    %dma_wait3A_196 = arith.constant 0 : i32
    %dma_wait3A_197 = arith.constant 0 : i32
    %dma_wait3A_198 = tpu.memref_slice %arg3[%add3A_182, %dma_wait3A_196, %dma_wait3A_197] : memref<2592x1x128xi32, #tpu.memory_space<hbm>> -> memref<1x1x128xi32, #tpu.memory_space<hbm>>
    %dma_wait3A_199 = tpu.memref_squeeze %dma_wait3A_198 : memref<1x1x128xi32, #tpu.memory_space<hbm>> -> memref<1x128xi32, #tpu.memory_space<hbm>>
    tpu.wait_dma2 semaphore(%arg12 : memref<!tpu.dma_semaphore, #tpu.memory_space<semaphore_mem>>) src(%dma_wait3A_199 : memref<1x128xi32, #tpu.memory_space<hbm>>) dst(%dma_wait3A_195 : memref<1x128xi32, #tpu.memory_space<vmem>>)
    %dma_start3A_200 = arith.constant 2 : i32
    %dma_start3A_201 = arith.constant 0 : i32
    %dma_start3A_202 = arith.constant 2 : i32
    %dma_start3A_203 = arith.constant 0 : i32
    %dma_start3A_204 = arith.constant 0 : i32
    %dma_start3A_205 = tpu.memref_slice %arg9[%dma_start3A_202, %dma_start3A_203, %dma_start3A_204] : memref<3x128x128xf32, #tpu.memory_space<vmem>> -> memref<1x128x128xf32, #tpu.memory_space<vmem>>
    %dma_start3A_206 = tpu.memref_squeeze %dma_start3A_205 : memref<1x128x128xf32, #tpu.memory_space<vmem>> -> memref<128x128xf32, #tpu.memory_space<vmem>>
    %dma_start3A_207 = arith.constant 0 : i32
    %dma_start3A_208 = tpu.memref_slice %arg7[%dma_start3A_200, %dma_start3A_201, %dma_start3A_207] : memref<3x1x128xi32, #tpu.memory_space<vmem>> -> memref<1x1x128xi32, #tpu.memory_space<vmem>>
    %dma_start3A_209 = tpu.memref_squeeze %dma_start3A_208 : memref<1x1x128xi32, #tpu.memory_space<vmem>> -> memref<128xi32, #tpu.memory_space<vmem>>
    %dma_start3A_210 = arith.constant 0 : i32
    %dma_start3A_211 = arith.constant 0 : i32
    %dma_start3A_212 = tpu.memref_slice %arg2[%dma_start3A_210, %dma_start3A_211] : memref<10000x128xf32, #tpu.memory_space<hbm>> -> memref<10000x128xf32, #tpu.memory_space<hbm>>
    tpu.enqueue_indirect_dma source(%dma_start3A_212 : memref<10000x128xf32, #tpu.memory_space<hbm>>) target(%dma_start3A_206 : memref<128x128xf32, #tpu.memory_space<vmem>>) offsets(%dma_start3A_209 : memref<128xi32, #tpu.memory_space<vmem>>) semaphore(%arg18 : memref<!tpu.dma_semaphore, #tpu.memory_space<semaphore_mem>>)
    %scan3A = arith.constant 0 : i32
    %scan3A_213 = arith.constant 0 : i32
    %scan3A_214 = arith.constant 26 : i32
    %scan3A_215 = arith.addi %scan3A_213, %scan3A_214 : i32
    %scan3A_216 = arith.constant 1 : i32
    scf.for %scan3A_397 = %scan3A_213 to %scan3A_215 step %scan3A_216  : i32 {
      %mul3A_398 = arith.constant 3 : i32
      %mul3A_399 = arith.muli %scan3A_397, %mul3A_398 : i32
      %add3A_400 = arith.constant 0 : i32
      %add3A_401 = arith.addi %mul3A_399, %add3A_400 : i32
      %dma_wait3A_402 = arith.constant 0 : i32
      %dma_wait3A_403 = arith.constant 0 : i32
      %dma_wait3A_404 = arith.constant 0 : i32
      %dma_wait3A_405 = arith.constant 0 : i32
      %dma_wait3A_406 = arith.constant 0 : i32
      %dma_wait3A_407 = tpu.memref_slice %arg9[%dma_wait3A_404, %dma_wait3A_405, %dma_wait3A_406] : memref<3x128x128xf32, #tpu.memory_space<vmem>> -> memref<1x128x128xf32, #tpu.memory_space<vmem>>
      %dma_wait3A_408 = tpu.memref_squeeze %dma_wait3A_407 : memref<1x128x128xf32, #tpu.memory_space<vmem>> -> memref<128x128xf32, #tpu.memory_space<vmem>>
      %dma_wait3A_409 = arith.constant 0 : i32
      %dma_wait3A_410 = tpu.memref_slice %arg7[%dma_wait3A_402, %dma_wait3A_403, %dma_wait3A_409] : memref<3x1x128xi32, #tpu.memory_space<vmem>> -> memref<1x1x128xi32, #tpu.memory_space<vmem>>
      %dma_wait3A_411 = tpu.memref_squeeze %dma_wait3A_410 : memref<1x1x128xi32, #tpu.memory_space<vmem>> -> memref<128xi32, #tpu.memory_space<vmem>>
      %dma_wait3A_412 = arith.constant 0 : i32
      %dma_wait3A_413 = arith.constant 0 : i32
      %dma_wait3A_414 = tpu.memref_slice %arg2[%dma_wait3A_412, %dma_wait3A_413] : memref<10000x128xf32, #tpu.memory_space<hbm>> -> memref<10000x128xf32, #tpu.memory_space<hbm>>
      tpu.wait_indirect_dma semaphore(%arg16 : memref<!tpu.dma_semaphore, #tpu.memory_space<semaphore_mem>>) src(%dma_wait3A_414 : memref<10000x128xf32, #tpu.memory_space<hbm>>) dst(%dma_wait3A_408 : memref<128x128xf32, #tpu.memory_space<vmem>>)
      %add3A_415 = arith.constant 3 : i32
      %add3A_416 = arith.addi %mul3A_399, %add3A_415 : i32
      %add3A_417 = arith.constant 0 : i32
      %add3A_418 = arith.addi %add3A_416, %add3A_417 : i32
      %add3A_419 = arith.addi %mul3A_2, %add3A_418 : i32
      %dma_start3A_420 = arith.constant 0 : i32
      %dma_start3A_421 = arith.constant 0 : i32
      %dma_start3A_422 = arith.constant 0 : i32
      %dma_start3A_423 = tpu.memref_slice %arg7[%dma_start3A_420, %dma_start3A_421, %dma_start3A_422] : memref<3x1x128xi32, #tpu.memory_space<vmem>> -> memref<1x1x128xi32, #tpu.memory_space<vmem>>
      %dma_start3A_424 = tpu.memref_squeeze %dma_start3A_423 : memref<1x1x128xi32, #tpu.memory_space<vmem>> -> memref<1x128xi32, #tpu.memory_space<vmem>>
      %dma_start3A_425 = arith.constant 0 : i32
      %dma_start3A_426 = arith.constant 0 : i32
      %dma_start3A_427 = tpu.memref_slice %arg3[%add3A_419, %dma_start3A_425, %dma_start3A_426] : memref<2592x1x128xi32, #tpu.memory_space<hbm>> -> memref<1x1x128xi32, #tpu.memory_space<hbm>>
      %dma_start3A_428 = tpu.memref_squeeze %dma_start3A_427 : memref<1x1x128xi32, #tpu.memory_space<hbm>> -> memref<1x128xi32, #tpu.memory_space<hbm>>
      %dma_start3A_429 = arith.constant 0 : i32
      %dma_start3A_430 = arith.constant 0 : i32
      %dma_start3A_431 = tpu.memref_slice %arg7[%dma_start3A_420, %dma_start3A_429, %dma_start3A_430] : memref<3x1x128xi32, #tpu.memory_space<vmem>> -> memref<1x1x128xi32, #tpu.memory_space<vmem>>
      %dma_start3A_432 = tpu.memref_squeeze %dma_start3A_431 : memref<1x1x128xi32, #tpu.memory_space<vmem>> -> memref<1x128xi32, #tpu.memory_space<vmem>>
      %dma_start3A_433 = arith.constant 0 : i32
      %dma_start3A_434 = arith.constant 0 : i32
      %dma_start3A_435 = tpu.memref_slice %arg3[%add3A_419, %dma_start3A_433, %dma_start3A_434] : memref<2592x1x128xi32, #tpu.memory_space<hbm>> -> memref<1x1x128xi32, #tpu.memory_space<hbm>>
      %dma_start3A_436 = tpu.memref_squeeze %dma_start3A_435 : memref<1x1x128xi32, #tpu.memory_space<hbm>> -> memref<1x128xi32, #tpu.memory_space<hbm>>
      tpu.enqueue_dma source(%dma_start3A_436 : memref<1x128xi32, #tpu.memory_space<hbm>>) target(%dma_start3A_432 : memref<1x128xi32, #tpu.memory_space<vmem>>) target_semaphore(%arg10 : memref<!tpu.dma_semaphore, #tpu.memory_space<semaphore_mem>>)
      %add3A_437 = arith.constant 0 : i32
      %add3A_438 = arith.addi %mul3A_399, %add3A_437 : i32
      %add3A_439 = arith.addi %mul3A_2, %add3A_438 : i32
      %dma_wait3A_440 = arith.constant 0 : i32
      %dma_wait3A_441 = arith.constant 0 : i32
      %dma_wait3A_442 = arith.constant 0 : i32
      %dma_wait3A_443 = tpu.memref_slice %arg8[%dma_wait3A_440, %dma_wait3A_441, %dma_wait3A_442] : memref<3x1x128xi32, #tpu.memory_space<vmem>> -> memref<1x1x128xi32, #tpu.memory_space<vmem>>
      %dma_wait3A_444 = tpu.memref_squeeze %dma_wait3A_443 : memref<1x1x128xi32, #tpu.memory_space<vmem>> -> memref<1x128xi32, #tpu.memory_space<vmem>>
      %dma_wait3A_445 = arith.constant 0 : i32
      %dma_wait3A_446 = arith.constant 0 : i32
      %dma_wait3A_447 = tpu.memref_slice %arg4[%add3A_439, %dma_wait3A_445, %dma_wait3A_446] : memref<2592x1x128xi32, #tpu.memory_space<hbm>> -> memref<1x1x128xi32, #tpu.memory_space<hbm>>
      %dma_wait3A_448 = tpu.memref_squeeze %dma_wait3A_447 : memref<1x1x128xi32, #tpu.memory_space<hbm>> -> memref<1x128xi32, #tpu.memory_space<hbm>>
      %dma_wait3A_449 = arith.constant 0 : i32
      %dma_wait3A_450 = arith.constant 0 : i32
      %dma_wait3A_451 = tpu.memref_slice %arg8[%dma_wait3A_440, %dma_wait3A_449, %dma_wait3A_450] : memref<3x1x128xi32, #tpu.memory_space<vmem>> -> memref<1x1x128xi32, #tpu.memory_space<vmem>>
      %dma_wait3A_452 = tpu.memref_squeeze %dma_wait3A_451 : memref<1x1x128xi32, #tpu.memory_space<vmem>> -> memref<1x128xi32, #tpu.memory_space<vmem>>
      %dma_wait3A_453 = arith.constant 0 : i32
      %dma_wait3A_454 = arith.constant 0 : i32
      %dma_wait3A_455 = tpu.memref_slice %arg4[%add3A_439, %dma_wait3A_453, %dma_wait3A_454] : memref<2592x1x128xi32, #tpu.memory_space<hbm>> -> memref<1x1x128xi32, #tpu.memory_space<hbm>>
      %dma_wait3A_456 = tpu.memref_squeeze %dma_wait3A_455 : memref<1x1x128xi32, #tpu.memory_space<hbm>> -> memref<1x128xi32, #tpu.memory_space<hbm>>
      tpu.wait_dma2 semaphore(%arg13 : memref<!tpu.dma_semaphore, #tpu.memory_space<semaphore_mem>>) src(%dma_wait3A_456 : memref<1x128xi32, #tpu.memory_space<hbm>>) dst(%dma_wait3A_452 : memref<1x128xi32, #tpu.memory_space<vmem>>)
      %add3A_457 = arith.constant 0 : i32
      %add3A_458 = arith.addi %mul3A_399, %add3A_457 : i32
      %dma_start3A_459 = arith.constant 0 : i32
      %dma_start3A_460 = arith.constant 0 : i32
      %dma_start3A_461 = arith.constant 0 : i32
      %dma_start3A_462 = arith.constant 0 : i32
      %dma_start3A_463 = arith.constant 0 : i32
      %dma_start3A_464 = tpu.memref_slice %arg9[%dma_start3A_459, %dma_start3A_462, %dma_start3A_463] : memref<3x128x128xf32, #tpu.memory_space<vmem>> -> memref<1x128x128xf32, #tpu.memory_space<vmem>>
      %dma_start3A_465 = tpu.memref_squeeze %dma_start3A_464 : memref<1x128x128xf32, #tpu.memory_space<vmem>> -> memref<128x128xf32, #tpu.memory_space<vmem>>
      %dma_start3A_466 = arith.constant 0 : i32
      %dma_start3A_467 = tpu.memref_slice %arg8[%dma_start3A_460, %dma_start3A_461, %dma_start3A_466] : memref<3x1x128xi32, #tpu.memory_space<vmem>> -> memref<1x1x128xi32, #tpu.memory_space<vmem>>
      %dma_start3A_468 = tpu.memref_squeeze %dma_start3A_467 : memref<1x1x128xi32, #tpu.memory_space<vmem>> -> memref<128xi32, #tpu.memory_space<vmem>>
      %dma_start3A_469 = arith.constant 0 : i32
      %dma_start3A_470 = arith.constant 0 : i32
      %dma_start3A_471 = tpu.memref_slice %arg22[%dma_start3A_469, %dma_start3A_470] : memref<10112x128xf32, #tpu.memory_space<vmem_shared>> -> memref<10112x128xf32, #tpu.memory_space<vmem_shared>>
      tpu.enqueue_indirect_dma source(%dma_start3A_465 : memref<128x128xf32, #tpu.memory_space<vmem>>) target(%dma_start3A_471 : memref<10112x128xf32, #tpu.memory_space<vmem_shared>>) offsets(%dma_start3A_468 : memref<128xi32, #tpu.memory_space<vmem>>) semaphore(%arg19 : memref<!tpu.dma_semaphore, #tpu.memory_space<semaphore_mem>>) {add = true}
      %add3A_472 = arith.constant 1 : i32
      %add3A_473 = arith.addi %mul3A_399, %add3A_472 : i32
      %dma_wait3A_474 = arith.constant 1 : i32
      %dma_wait3A_475 = arith.constant 0 : i32
      %dma_wait3A_476 = arith.constant 1 : i32
      %dma_wait3A_477 = arith.constant 0 : i32
      %dma_wait3A_478 = arith.constant 0 : i32
      %dma_wait3A_479 = tpu.memref_slice %arg9[%dma_wait3A_476, %dma_wait3A_477, %dma_wait3A_478] : memref<3x128x128xf32, #tpu.memory_space<vmem>> -> memref<1x128x128xf32, #tpu.memory_space<vmem>>
      %dma_wait3A_480 = tpu.memref_squeeze %dma_wait3A_479 : memref<1x128x128xf32, #tpu.memory_space<vmem>> -> memref<128x128xf32, #tpu.memory_space<vmem>>
      %dma_wait3A_481 = arith.constant 0 : i32
      %dma_wait3A_482 = tpu.memref_slice %arg7[%dma_wait3A_474, %dma_wait3A_475, %dma_wait3A_481] : memref<3x1x128xi32, #tpu.memory_space<vmem>> -> memref<1x1x128xi32, #tpu.memory_space<vmem>>
      %dma_wait3A_483 = tpu.memref_squeeze %dma_wait3A_482 : memref<1x1x128xi32, #tpu.memory_space<vmem>> -> memref<128xi32, #tpu.memory_space<vmem>>
      %dma_wait3A_484 = arith.constant 0 : i32
      %dma_wait3A_485 = arith.constant 0 : i32
      %dma_wait3A_486 = tpu.memref_slice %arg2[%dma_wait3A_484, %dma_wait3A_485] : memref<10000x128xf32, #tpu.memory_space<hbm>> -> memref<10000x128xf32, #tpu.memory_space<hbm>>
      tpu.wait_indirect_dma semaphore(%arg17 : memref<!tpu.dma_semaphore, #tpu.memory_space<semaphore_mem>>) src(%dma_wait3A_486 : memref<10000x128xf32, #tpu.memory_space<hbm>>) dst(%dma_wait3A_480 : memref<128x128xf32, #tpu.memory_space<vmem>>)
      %add3A_487 = arith.constant 3 : i32
      %add3A_488 = arith.addi %mul3A_399, %add3A_487 : i32
      %add3A_489 = arith.constant 1 : i32
      %add3A_490 = arith.addi %add3A_488, %add3A_489 : i32
      %add3A_491 = arith.addi %mul3A_2, %add3A_490 : i32
      %dma_start3A_492 = arith.constant 1 : i32
      %dma_start3A_493 = arith.constant 0 : i32
      %dma_start3A_494 = arith.constant 0 : i32
      %dma_start3A_495 = tpu.memref_slice %arg7[%dma_start3A_492, %dma_start3A_493, %dma_start3A_494] : memref<3x1x128xi32, #tpu.memory_space<vmem>> -> memref<1x1x128xi32, #tpu.memory_space<vmem>>
      %dma_start3A_496 = tpu.memref_squeeze %dma_start3A_495 : memref<1x1x128xi32, #tpu.memory_space<vmem>> -> memref<1x128xi32, #tpu.memory_space<vmem>>
      %dma_start3A_497 = arith.constant 0 : i32
      %dma_start3A_498 = arith.constant 0 : i32
      %dma_start3A_499 = tpu.memref_slice %arg3[%add3A_491, %dma_start3A_497, %dma_start3A_498] : memref<2592x1x128xi32, #tpu.memory_space<hbm>> -> memref<1x1x128xi32, #tpu.memory_space<hbm>>
      %dma_start3A_500 = tpu.memref_squeeze %dma_start3A_499 : memref<1x1x128xi32, #tpu.memory_space<hbm>> -> memref<1x128xi32, #tpu.memory_space<hbm>>
      %dma_start3A_501 = arith.constant 0 : i32
      %dma_start3A_502 = arith.constant 0 : i32
      %dma_start3A_503 = tpu.memref_slice %arg7[%dma_start3A_492, %dma_start3A_501, %dma_start3A_502] : memref<3x1x128xi32, #tpu.memory_space<vmem>> -> memref<1x1x128xi32, #tpu.memory_space<vmem>>
      %dma_start3A_504 = tpu.memref_squeeze %dma_start3A_503 : memref<1x1x128xi32, #tpu.memory_space<vmem>> -> memref<1x128xi32, #tpu.memory_space<vmem>>
      %dma_start3A_505 = arith.constant 0 : i32
      %dma_start3A_506 = arith.constant 0 : i32
      %dma_start3A_507 = tpu.memref_slice %arg3[%add3A_491, %dma_start3A_505, %dma_start3A_506] : memref<2592x1x128xi32, #tpu.memory_space<hbm>> -> memref<1x1x128xi32, #tpu.memory_space<hbm>>
      %dma_start3A_508 = tpu.memref_squeeze %dma_start3A_507 : memref<1x1x128xi32, #tpu.memory_space<hbm>> -> memref<1x128xi32, #tpu.memory_space<hbm>>
      tpu.enqueue_dma source(%dma_start3A_508 : memref<1x128xi32, #tpu.memory_space<hbm>>) target(%dma_start3A_504 : memref<1x128xi32, #tpu.memory_space<vmem>>) target_semaphore(%arg11 : memref<!tpu.dma_semaphore, #tpu.memory_space<semaphore_mem>>)
      %add3A_509 = arith.constant 1 : i32
      %add3A_510 = arith.addi %mul3A_399, %add3A_509 : i32
      %add3A_511 = arith.addi %mul3A_2, %add3A_510 : i32
      %dma_wait3A_512 = arith.constant 1 : i32
      %dma_wait3A_513 = arith.constant 0 : i32
      %dma_wait3A_514 = arith.constant 0 : i32
      %dma_wait3A_515 = tpu.memref_slice %arg8[%dma_wait3A_512, %dma_wait3A_513, %dma_wait3A_514] : memref<3x1x128xi32, #tpu.memory_space<vmem>> -> memref<1x1x128xi32, #tpu.memory_space<vmem>>
      %dma_wait3A_516 = tpu.memref_squeeze %dma_wait3A_515 : memref<1x1x128xi32, #tpu.memory_space<vmem>> -> memref<1x128xi32, #tpu.memory_space<vmem>>
      %dma_wait3A_517 = arith.constant 0 : i32
      %dma_wait3A_518 = arith.constant 0 : i32
      %dma_wait3A_519 = tpu.memref_slice %arg4[%add3A_511, %dma_wait3A_517, %dma_wait3A_518] : memref<2592x1x128xi32, #tpu.memory_space<hbm>> -> memref<1x1x128xi32, #tpu.memory_space<hbm>>
      %dma_wait3A_520 = tpu.memref_squeeze %dma_wait3A_519 : memref<1x1x128xi32, #tpu.memory_space<hbm>> -> memref<1x128xi32, #tpu.memory_space<hbm>>
      %dma_wait3A_521 = arith.constant 0 : i32
      %dma_wait3A_522 = arith.constant 0 : i32
      %dma_wait3A_523 = tpu.memref_slice %arg8[%dma_wait3A_512, %dma_wait3A_521, %dma_wait3A_522] : memref<3x1x128xi32, #tpu.memory_space<vmem>> -> memref<1x1x128xi32, #tpu.memory_space<vmem>>
      %dma_wait3A_524 = tpu.memref_squeeze %dma_wait3A_523 : memref<1x1x128xi32, #tpu.memory_space<vmem>> -> memref<1x128xi32, #tpu.memory_space<vmem>>
      %dma_wait3A_525 = arith.constant 0 : i32
      %dma_wait3A_526 = arith.constant 0 : i32
      %dma_wait3A_527 = tpu.memref_slice %arg4[%add3A_511, %dma_wait3A_525, %dma_wait3A_526] : memref<2592x1x128xi32, #tpu.memory_space<hbm>> -> memref<1x1x128xi32, #tpu.memory_space<hbm>>
      %dma_wait3A_528 = tpu.memref_squeeze %dma_wait3A_527 : memref<1x1x128xi32, #tpu.memory_space<hbm>> -> memref<1x128xi32, #tpu.memory_space<hbm>>
      tpu.wait_dma2 semaphore(%arg14 : memref<!tpu.dma_semaphore, #tpu.memory_space<semaphore_mem>>) src(%dma_wait3A_528 : memref<1x128xi32, #tpu.memory_space<hbm>>) dst(%dma_wait3A_524 : memref<1x128xi32, #tpu.memory_space<vmem>>)
      %add3A_529 = arith.constant 1 : i32
      %add3A_530 = arith.addi %mul3A_399, %add3A_529 : i32
      %dma_start3A_531 = arith.constant 1 : i32
      %dma_start3A_532 = arith.constant 1 : i32
      %dma_start3A_533 = arith.constant 0 : i32
      %dma_start3A_534 = arith.constant 0 : i32
      %dma_start3A_535 = arith.constant 0 : i32
      %dma_start3A_536 = tpu.memref_slice %arg9[%dma_start3A_531, %dma_start3A_534, %dma_start3A_535] : memref<3x128x128xf32, #tpu.memory_space<vmem>> -> memref<1x128x128xf32, #tpu.memory_space<vmem>>
      %dma_start3A_537 = tpu.memref_squeeze %dma_start3A_536 : memref<1x128x128xf32, #tpu.memory_space<vmem>> -> memref<128x128xf32, #tpu.memory_space<vmem>>
      %dma_start3A_538 = arith.constant 0 : i32
      %dma_start3A_539 = tpu.memref_slice %arg8[%dma_start3A_532, %dma_start3A_533, %dma_start3A_538] : memref<3x1x128xi32, #tpu.memory_space<vmem>> -> memref<1x1x128xi32, #tpu.memory_space<vmem>>
      %dma_start3A_540 = tpu.memref_squeeze %dma_start3A_539 : memref<1x1x128xi32, #tpu.memory_space<vmem>> -> memref<128xi32, #tpu.memory_space<vmem>>
      %dma_start3A_541 = arith.constant 0 : i32
      %dma_start3A_542 = arith.constant 0 : i32
      %dma_start3A_543 = tpu.memref_slice %arg22[%dma_start3A_541, %dma_start3A_542] : memref<10112x128xf32, #tpu.memory_space<vmem_shared>> -> memref<10112x128xf32, #tpu.memory_space<vmem_shared>>
      tpu.enqueue_indirect_dma source(%dma_start3A_537 : memref<128x128xf32, #tpu.memory_space<vmem>>) target(%dma_start3A_543 : memref<10112x128xf32, #tpu.memory_space<vmem_shared>>) offsets(%dma_start3A_540 : memref<128xi32, #tpu.memory_space<vmem>>) semaphore(%arg20 : memref<!tpu.dma_semaphore, #tpu.memory_space<semaphore_mem>>) {add = true}
      %add3A_544 = arith.constant 2 : i32
      %add3A_545 = arith.addi %mul3A_399, %add3A_544 : i32
      %dma_wait3A_546 = arith.constant 2 : i32
      %dma_wait3A_547 = arith.constant 0 : i32
      %dma_wait3A_548 = arith.constant 2 : i32
      %dma_wait3A_549 = arith.constant 0 : i32
      %dma_wait3A_550 = arith.constant 0 : i32
      %dma_wait3A_551 = tpu.memref_slice %arg9[%dma_wait3A_548, %dma_wait3A_549, %dma_wait3A_550] : memref<3x128x128xf32, #tpu.memory_space<vmem>> -> memref<1x128x128xf32, #tpu.memory_space<vmem>>
      %dma_wait3A_552 = tpu.memref_squeeze %dma_wait3A_551 : memref<1x128x128xf32, #tpu.memory_space<vmem>> -> memref<128x128xf32, #tpu.memory_space<vmem>>
      %dma_wait3A_553 = arith.constant 0 : i32
      %dma_wait3A_554 = tpu.memref_slice %arg7[%dma_wait3A_546, %dma_wait3A_547, %dma_wait3A_553] : memref<3x1x128xi32, #tpu.memory_space<vmem>> -> memref<1x1x128xi32, #tpu.memory_space<vmem>>
      %dma_wait3A_555 = tpu.memref_squeeze %dma_wait3A_554 : memref<1x1x128xi32, #tpu.memory_space<vmem>> -> memref<128xi32, #tpu.memory_space<vmem>>
      %dma_wait3A_556 = arith.constant 0 : i32
      %dma_wait3A_557 = arith.constant 0 : i32
      %dma_wait3A_558 = tpu.memref_slice %arg2[%dma_wait3A_556, %dma_wait3A_557] : memref<10000x128xf32, #tpu.memory_space<hbm>> -> memref<10000x128xf32, #tpu.memory_space<hbm>>
      tpu.wait_indirect_dma semaphore(%arg18 : memref<!tpu.dma_semaphore, #tpu.memory_space<semaphore_mem>>) src(%dma_wait3A_558 : memref<10000x128xf32, #tpu.memory_space<hbm>>) dst(%dma_wait3A_552 : memref<128x128xf32, #tpu.memory_space<vmem>>)
      %add3A_559 = arith.constant 3 : i32
      %add3A_560 = arith.addi %mul3A_399, %add3A_559 : i32
      %add3A_561 = arith.constant 2 : i32
      %add3A_562 = arith.addi %add3A_560, %add3A_561 : i32
      %add3A_563 = arith.addi %mul3A_2, %add3A_562 : i32
      %dma_start3A_564 = arith.constant 2 : i32
      %dma_start3A_565 = arith.constant 0 : i32
      %dma_start3A_566 = arith.constant 0 : i32
      %dma_start3A_567 = tpu.memref_slice %arg7[%dma_start3A_564, %dma_start3A_565, %dma_start3A_566] : memref<3x1x128xi32, #tpu.memory_space<vmem>> -> memref<1x1x128xi32, #tpu.memory_space<vmem>>
      %dma_start3A_568 = tpu.memref_squeeze %dma_start3A_567 : memref<1x1x128xi32, #tpu.memory_space<vmem>> -> memref<1x128xi32, #tpu.memory_space<vmem>>
      %dma_start3A_569 = arith.constant 0 : i32
      %dma_start3A_570 = arith.constant 0 : i32
      %dma_start3A_571 = tpu.memref_slice %arg3[%add3A_563, %dma_start3A_569, %dma_start3A_570] : memref<2592x1x128xi32, #tpu.memory_space<hbm>> -> memref<1x1x128xi32, #tpu.memory_space<hbm>>
      %dma_start3A_572 = tpu.memref_squeeze %dma_start3A_571 : memref<1x1x128xi32, #tpu.memory_space<hbm>> -> memref<1x128xi32, #tpu.memory_space<hbm>>
      %dma_start3A_573 = arith.constant 0 : i32
      %dma_start3A_574 = arith.constant 0 : i32
      %dma_start3A_575 = tpu.memref_slice %arg7[%dma_start3A_564, %dma_start3A_573, %dma_start3A_574] : memref<3x1x128xi32, #tpu.memory_space<vmem>> -> memref<1x1x128xi32, #tpu.memory_space<vmem>>
      %dma_start3A_576 = tpu.memref_squeeze %dma_start3A_575 : memref<1x1x128xi32, #tpu.memory_space<vmem>> -> memref<1x128xi32, #tpu.memory_space<vmem>>
      %dma_start3A_577 = arith.constant 0 : i32
      %dma_start3A_578 = arith.constant 0 : i32
      %dma_start3A_579 = tpu.memref_slice %arg3[%add3A_563, %dma_start3A_577, %dma_start3A_578] : memref<2592x1x128xi32, #tpu.memory_space<hbm>> -> memref<1x1x128xi32, #tpu.memory_space<hbm>>
      %dma_start3A_580 = tpu.memref_squeeze %dma_start3A_579 : memref<1x1x128xi32, #tpu.memory_space<hbm>> -> memref<1x128xi32, #tpu.memory_space<hbm>>
      tpu.enqueue_dma source(%dma_start3A_580 : memref<1x128xi32, #tpu.memory_space<hbm>>) target(%dma_start3A_576 : memref<1x128xi32, #tpu.memory_space<vmem>>) target_semaphore(%arg12 : memref<!tpu.dma_semaphore, #tpu.memory_space<semaphore_mem>>)
      %add3A_581 = arith.constant 2 : i32
      %add3A_582 = arith.addi %mul3A_399, %add3A_581 : i32
      %add3A_583 = arith.addi %mul3A_2, %add3A_582 : i32
      %dma_wait3A_584 = arith.constant 2 : i32
      %dma_wait3A_585 = arith.constant 0 : i32
      %dma_wait3A_586 = arith.constant 0 : i32
      %dma_wait3A_587 = tpu.memref_slice %arg8[%dma_wait3A_584, %dma_wait3A_585, %dma_wait3A_586] : memref<3x1x128xi32, #tpu.memory_space<vmem>> -> memref<1x1x128xi32, #tpu.memory_space<vmem>>
      %dma_wait3A_588 = tpu.memref_squeeze %dma_wait3A_587 : memref<1x1x128xi32, #tpu.memory_space<vmem>> -> memref<1x128xi32, #tpu.memory_space<vmem>>
      %dma_wait3A_589 = arith.constant 0 : i32
      %dma_wait3A_590 = arith.constant 0 : i32
      %dma_wait3A_591 = tpu.memref_slice %arg4[%add3A_583, %dma_wait3A_589, %dma_wait3A_590] : memref<2592x1x128xi32, #tpu.memory_space<hbm>> -> memref<1x1x128xi32, #tpu.memory_space<hbm>>
      %dma_wait3A_592 = tpu.memref_squeeze %dma_wait3A_591 : memref<1x1x128xi32, #tpu.memory_space<hbm>> -> memref<1x128xi32, #tpu.memory_space<hbm>>
      %dma_wait3A_593 = arith.constant 0 : i32
      %dma_wait3A_594 = arith.constant 0 : i32
      %dma_wait3A_595 = tpu.memref_slice %arg8[%dma_wait3A_584, %dma_wait3A_593, %dma_wait3A_594] : memref<3x1x128xi32, #tpu.memory_space<vmem>> -> memref<1x1x128xi32, #tpu.memory_space<vmem>>
      %dma_wait3A_596 = tpu.memref_squeeze %dma_wait3A_595 : memref<1x1x128xi32, #tpu.memory_space<vmem>> -> memref<1x128xi32, #tpu.memory_space<vmem>>
      %dma_wait3A_597 = arith.constant 0 : i32
      %dma_wait3A_598 = arith.constant 0 : i32
      %dma_wait3A_599 = tpu.memref_slice %arg4[%add3A_583, %dma_wait3A_597, %dma_wait3A_598] : memref<2592x1x128xi32, #tpu.memory_space<hbm>> -> memref<1x1x128xi32, #tpu.memory_space<hbm>>
      %dma_wait3A_600 = tpu.memref_squeeze %dma_wait3A_599 : memref<1x1x128xi32, #tpu.memory_space<hbm>> -> memref<1x128xi32, #tpu.memory_space<hbm>>
      tpu.wait_dma2 semaphore(%arg15 : memref<!tpu.dma_semaphore, #tpu.memory_space<semaphore_mem>>) src(%dma_wait3A_600 : memref<1x128xi32, #tpu.memory_space<hbm>>) dst(%dma_wait3A_596 : memref<1x128xi32, #tpu.memory_space<vmem>>)
      %add3A_601 = arith.constant 2 : i32
      %add3A_602 = arith.addi %mul3A_399, %add3A_601 : i32
      %dma_start3A_603 = arith.constant 2 : i32
      %dma_start3A_604 = arith.constant 2 : i32
      %dma_start3A_605 = arith.constant 0 : i32
      %dma_start3A_606 = arith.constant 0 : i32
      %dma_start3A_607 = arith.constant 0 : i32
      %dma_start3A_608 = tpu.memref_slice %arg9[%dma_start3A_603, %dma_start3A_606, %dma_start3A_607] : memref<3x128x128xf32, #tpu.memory_space<vmem>> -> memref<1x128x128xf32, #tpu.memory_space<vmem>>
      %dma_start3A_609 = tpu.memref_squeeze %dma_start3A_608 : memref<1x128x128xf32, #tpu.memory_space<vmem>> -> memref<128x128xf32, #tpu.memory_space<vmem>>
      %dma_start3A_610 = arith.constant 0 : i32
      %dma_start3A_611 = tpu.memref_slice %arg8[%dma_start3A_604, %dma_start3A_605, %dma_start3A_610] : memref<3x1x128xi32, #tpu.memory_space<vmem>> -> memref<1x1x128xi32, #tpu.memory_space<vmem>>
      %dma_start3A_612 = tpu.memref_squeeze %dma_start3A_611 : memref<1x1x128xi32, #tpu.memory_space<vmem>> -> memref<128xi32, #tpu.memory_space<vmem>>
      %dma_start3A_613 = arith.constant 0 : i32
      %dma_start3A_614 = arith.constant 0 : i32
      %dma_start3A_615 = tpu.memref_slice %arg22[%dma_start3A_613, %dma_start3A_614] : memref<10112x128xf32, #tpu.memory_space<vmem_shared>> -> memref<10112x128xf32, #tpu.memory_space<vmem_shared>>
      tpu.enqueue_indirect_dma source(%dma_start3A_609 : memref<128x128xf32, #tpu.memory_space<vmem>>) target(%dma_start3A_615 : memref<10112x128xf32, #tpu.memory_space<vmem_shared>>) offsets(%dma_start3A_612 : memref<128xi32, #tpu.memory_space<vmem>>) semaphore(%arg21 : memref<!tpu.dma_semaphore, #tpu.memory_space<semaphore_mem>>) {add = true}
      %dma_wait3A_616 = arith.constant 0 : i32
      %dma_wait3A_617 = arith.constant 0 : i32
      %dma_wait3A_618 = arith.constant 0 : i32
      %dma_wait3A_619 = arith.constant 0 : i32
      %dma_wait3A_620 = arith.constant 0 : i32
      %dma_wait3A_621 = tpu.memref_slice %arg9[%dma_wait3A_616, %dma_wait3A_619, %dma_wait3A_620] : memref<3x128x128xf32, #tpu.memory_space<vmem>> -> memref<1x128x128xf32, #tpu.memory_space<vmem>>
      %dma_wait3A_622 = tpu.memref_squeeze %dma_wait3A_621 : memref<1x128x128xf32, #tpu.memory_space<vmem>> -> memref<128x128xf32, #tpu.memory_space<vmem>>
      %dma_wait3A_623 = arith.constant 0 : i32
      %dma_wait3A_624 = tpu.memref_slice %arg8[%dma_wait3A_617, %dma_wait3A_618, %dma_wait3A_623] : memref<3x1x128xi32, #tpu.memory_space<vmem>> -> memref<1x1x128xi32, #tpu.memory_space<vmem>>
      %dma_wait3A_625 = tpu.memref_squeeze %dma_wait3A_624 : memref<1x1x128xi32, #tpu.memory_space<vmem>> -> memref<128xi32, #tpu.memory_space<vmem>>
      %dma_wait3A_626 = arith.constant 0 : i32
      %dma_wait3A_627 = arith.constant 0 : i32
      %dma_wait3A_628 = tpu.memref_slice %arg22[%dma_wait3A_626, %dma_wait3A_627] : memref<10112x128xf32, #tpu.memory_space<vmem_shared>> -> memref<10112x128xf32, #tpu.memory_space<vmem_shared>>
      tpu.wait_indirect_dma semaphore(%arg19 : memref<!tpu.dma_semaphore, #tpu.memory_space<semaphore_mem>>) src(%dma_wait3A_622 : memref<128x128xf32, #tpu.memory_space<vmem>>) dst(%dma_wait3A_628 : memref<10112x128xf32, #tpu.memory_space<vmem_shared>>)
      %add3A_629 = arith.constant 3 : i32
      %add3A_630 = arith.addi %mul3A_399, %add3A_629 : i32
      %add3A_631 = arith.constant 0 : i32
      %add3A_632 = arith.addi %add3A_630, %add3A_631 : i32
      %add3A_633 = arith.addi %mul3A_2, %add3A_632 : i32
      %dma_start3A_634 = arith.constant 0 : i32
      %dma_start3A_635 = arith.constant 0 : i32
      %dma_start3A_636 = arith.constant 0 : i32
      %dma_start3A_637 = tpu.memref_slice %arg8[%dma_start3A_634, %dma_start3A_635, %dma_start3A_636] : memref<3x1x128xi32, #tpu.memory_space<vmem>> -> memref<1x1x128xi32, #tpu.memory_space<vmem>>
      %dma_start3A_638 = tpu.memref_squeeze %dma_start3A_637 : memref<1x1x128xi32, #tpu.memory_space<vmem>> -> memref<1x128xi32, #tpu.memory_space<vmem>>
      %dma_start3A_639 = arith.constant 0 : i32
      %dma_start3A_640 = arith.constant 0 : i32
      %dma_start3A_641 = tpu.memref_slice %arg4[%add3A_633, %dma_start3A_639, %dma_start3A_640] : memref<2592x1x128xi32, #tpu.memory_space<hbm>> -> memref<1x1x128xi32, #tpu.memory_space<hbm>>
      %dma_start3A_642 = tpu.memref_squeeze %dma_start3A_641 : memref<1x1x128xi32, #tpu.memory_space<hbm>> -> memref<1x128xi32, #tpu.memory_space<hbm>>
      %dma_start3A_643 = arith.constant 0 : i32
      %dma_start3A_644 = arith.constant 0 : i32
      %dma_start3A_645 = tpu.memref_slice %arg8[%dma_start3A_634, %dma_start3A_643, %dma_start3A_644] : memref<3x1x128xi32, #tpu.memory_space<vmem>> -> memref<1x1x128xi32, #tpu.memory_space<vmem>>
      %dma_start3A_646 = tpu.memref_squeeze %dma_start3A_645 : memref<1x1x128xi32, #tpu.memory_space<vmem>> -> memref<1x128xi32, #tpu.memory_space<vmem>>
      %dma_start3A_647 = arith.constant 0 : i32
      %dma_start3A_648 = arith.constant 0 : i32
      %dma_start3A_649 = tpu.memref_slice %arg4[%add3A_633, %dma_start3A_647, %dma_start3A_648] : memref<2592x1x128xi32, #tpu.memory_space<hbm>> -> memref<1x1x128xi32, #tpu.memory_space<hbm>>
      %dma_start3A_650 = tpu.memref_squeeze %dma_start3A_649 : memref<1x1x128xi32, #tpu.memory_space<hbm>> -> memref<1x128xi32, #tpu.memory_space<hbm>>
      tpu.enqueue_dma source(%dma_start3A_650 : memref<1x128xi32, #tpu.memory_space<hbm>>) target(%dma_start3A_646 : memref<1x128xi32, #tpu.memory_space<vmem>>) target_semaphore(%arg13 : memref<!tpu.dma_semaphore, #tpu.memory_space<semaphore_mem>>)
      %add3A_651 = arith.constant 3 : i32
      %add3A_652 = arith.addi %mul3A_399, %add3A_651 : i32
      %add3A_653 = arith.constant 0 : i32
      %add3A_654 = arith.addi %add3A_652, %add3A_653 : i32
      %add3A_655 = arith.addi %mul3A_2, %add3A_654 : i32
      %dma_wait3A_656 = arith.constant 0 : i32
      %dma_wait3A_657 = arith.constant 0 : i32
      %dma_wait3A_658 = arith.constant 0 : i32
      %dma_wait3A_659 = tpu.memref_slice %arg7[%dma_wait3A_656, %dma_wait3A_657, %dma_wait3A_658] : memref<3x1x128xi32, #tpu.memory_space<vmem>> -> memref<1x1x128xi32, #tpu.memory_space<vmem>>
      %dma_wait3A_660 = tpu.memref_squeeze %dma_wait3A_659 : memref<1x1x128xi32, #tpu.memory_space<vmem>> -> memref<1x128xi32, #tpu.memory_space<vmem>>
      %dma_wait3A_661 = arith.constant 0 : i32
      %dma_wait3A_662 = arith.constant 0 : i32
      %dma_wait3A_663 = tpu.memref_slice %arg3[%add3A_655, %dma_wait3A_661, %dma_wait3A_662] : memref<2592x1x128xi32, #tpu.memory_space<hbm>> -> memref<1x1x128xi32, #tpu.memory_space<hbm>>
      %dma_wait3A_664 = tpu.memref_squeeze %dma_wait3A_663 : memref<1x1x128xi32, #tpu.memory_space<hbm>> -> memref<1x128xi32, #tpu.memory_space<hbm>>
      %dma_wait3A_665 = arith.constant 0 : i32
      %dma_wait3A_666 = arith.constant 0 : i32
      %dma_wait3A_667 = tpu.memref_slice %arg7[%dma_wait3A_656, %dma_wait3A_665, %dma_wait3A_666] : memref<3x1x128xi32, #tpu.memory_space<vmem>> -> memref<1x1x128xi32, #tpu.memory_space<vmem>>
      %dma_wait3A_668 = tpu.memref_squeeze %dma_wait3A_667 : memref<1x1x128xi32, #tpu.memory_space<vmem>> -> memref<1x128xi32, #tpu.memory_space<vmem>>
      %dma_wait3A_669 = arith.constant 0 : i32
      %dma_wait3A_670 = arith.constant 0 : i32
      %dma_wait3A_671 = tpu.memref_slice %arg3[%add3A_655, %dma_wait3A_669, %dma_wait3A_670] : memref<2592x1x128xi32, #tpu.memory_space<hbm>> -> memref<1x1x128xi32, #tpu.memory_space<hbm>>
      %dma_wait3A_672 = tpu.memref_squeeze %dma_wait3A_671 : memref<1x1x128xi32, #tpu.memory_space<hbm>> -> memref<1x128xi32, #tpu.memory_space<hbm>>
      tpu.wait_dma2 semaphore(%arg10 : memref<!tpu.dma_semaphore, #tpu.memory_space<semaphore_mem>>) src(%dma_wait3A_672 : memref<1x128xi32, #tpu.memory_space<hbm>>) dst(%dma_wait3A_668 : memref<1x128xi32, #tpu.memory_space<vmem>>)
      %add3A_673 = arith.constant 3 : i32
      %add3A_674 = arith.addi %mul3A_399, %add3A_673 : i32
      %add3A_675 = arith.constant 0 : i32
      %add3A_676 = arith.addi %add3A_674, %add3A_675 : i32
      %dma_start3A_677 = arith.constant 0 : i32
      %dma_start3A_678 = arith.constant 0 : i32
      %dma_start3A_679 = arith.constant 0 : i32
      %dma_start3A_680 = arith.constant 0 : i32
      %dma_start3A_681 = arith.constant 0 : i32
      %dma_start3A_682 = tpu.memref_slice %arg9[%dma_start3A_679, %dma_start3A_680, %dma_start3A_681] : memref<3x128x128xf32, #tpu.memory_space<vmem>> -> memref<1x128x128xf32, #tpu.memory_space<vmem>>
      %dma_start3A_683 = tpu.memref_squeeze %dma_start3A_682 : memref<1x128x128xf32, #tpu.memory_space<vmem>> -> memref<128x128xf32, #tpu.memory_space<vmem>>
      %dma_start3A_684 = arith.constant 0 : i32
      %dma_start3A_685 = tpu.memref_slice %arg7[%dma_start3A_677, %dma_start3A_678, %dma_start3A_684] : memref<3x1x128xi32, #tpu.memory_space<vmem>> -> memref<1x1x128xi32, #tpu.memory_space<vmem>>
      %dma_start3A_686 = tpu.memref_squeeze %dma_start3A_685 : memref<1x1x128xi32, #tpu.memory_space<vmem>> -> memref<128xi32, #tpu.memory_space<vmem>>
      %dma_start3A_687 = arith.constant 0 : i32
      %dma_start3A_688 = arith.constant 0 : i32
      %dma_start3A_689 = tpu.memref_slice %arg2[%dma_start3A_687, %dma_start3A_688] : memref<10000x128xf32, #tpu.memory_space<hbm>> -> memref<10000x128xf32, #tpu.memory_space<hbm>>
      tpu.enqueue_indirect_dma source(%dma_start3A_689 : memref<10000x128xf32, #tpu.memory_space<hbm>>) target(%dma_start3A_683 : memref<128x128xf32, #tpu.memory_space<vmem>>) offsets(%dma_start3A_686 : memref<128xi32, #tpu.memory_space<vmem>>) semaphore(%arg16 : memref<!tpu.dma_semaphore, #tpu.memory_space<semaphore_mem>>)
      %dma_wait3A_690 = arith.constant 1 : i32
      %dma_wait3A_691 = arith.constant 1 : i32
      %dma_wait3A_692 = arith.constant 0 : i32
      %dma_wait3A_693 = arith.constant 0 : i32
      %dma_wait3A_694 = arith.constant 0 : i32
      %dma_wait3A_695 = tpu.memref_slice %arg9[%dma_wait3A_690, %dma_wait3A_693, %dma_wait3A_694] : memref<3x128x128xf32, #tpu.memory_space<vmem>> -> memref<1x128x128xf32, #tpu.memory_space<vmem>>
      %dma_wait3A_696 = tpu.memref_squeeze %dma_wait3A_695 : memref<1x128x128xf32, #tpu.memory_space<vmem>> -> memref<128x128xf32, #tpu.memory_space<vmem>>
      %dma_wait3A_697 = arith.constant 0 : i32
      %dma_wait3A_698 = tpu.memref_slice %arg8[%dma_wait3A_691, %dma_wait3A_692, %dma_wait3A_697] : memref<3x1x128xi32, #tpu.memory_space<vmem>> -> memref<1x1x128xi32, #tpu.memory_space<vmem>>
      %dma_wait3A_699 = tpu.memref_squeeze %dma_wait3A_698 : memref<1x1x128xi32, #tpu.memory_space<vmem>> -> memref<128xi32, #tpu.memory_space<vmem>>
      %dma_wait3A_700 = arith.constant 0 : i32
      %dma_wait3A_701 = arith.constant 0 : i32
      %dma_wait3A_702 = tpu.memref_slice %arg22[%dma_wait3A_700, %dma_wait3A_701] : memref<10112x128xf32, #tpu.memory_space<vmem_shared>> -> memref<10112x128xf32, #tpu.memory_space<vmem_shared>>
      tpu.wait_indirect_dma semaphore(%arg20 : memref<!tpu.dma_semaphore, #tpu.memory_space<semaphore_mem>>) src(%dma_wait3A_696 : memref<128x128xf32, #tpu.memory_space<vmem>>) dst(%dma_wait3A_702 : memref<10112x128xf32, #tpu.memory_space<vmem_shared>>)
      %add3A_703 = arith.constant 3 : i32
      %add3A_704 = arith.addi %mul3A_399, %add3A_703 : i32
      %add3A_705 = arith.constant 1 : i32
      %add3A_706 = arith.addi %add3A_704, %add3A_705 : i32
      %add3A_707 = arith.addi %mul3A_2, %add3A_706 : i32
      %dma_start3A_708 = arith.constant 1 : i32
      %dma_start3A_709 = arith.constant 0 : i32
      %dma_start3A_710 = arith.constant 0 : i32
      %dma_start3A_711 = tpu.memref_slice %arg8[%dma_start3A_708, %dma_start3A_709, %dma_start3A_710] : memref<3x1x128xi32, #tpu.memory_space<vmem>> -> memref<1x1x128xi32, #tpu.memory_space<vmem>>
      %dma_start3A_712 = tpu.memref_squeeze %dma_start3A_711 : memref<1x1x128xi32, #tpu.memory_space<vmem>> -> memref<1x128xi32, #tpu.memory_space<vmem>>
      %dma_start3A_713 = arith.constant 0 : i32
      %dma_start3A_714 = arith.constant 0 : i32
      %dma_start3A_715 = tpu.memref_slice %arg4[%add3A_707, %dma_start3A_713, %dma_start3A_714] : memref<2592x1x128xi32, #tpu.memory_space<hbm>> -> memref<1x1x128xi32, #tpu.memory_space<hbm>>
      %dma_start3A_716 = tpu.memref_squeeze %dma_start3A_715 : memref<1x1x128xi32, #tpu.memory_space<hbm>> -> memref<1x128xi32, #tpu.memory_space<hbm>>
      %dma_start3A_717 = arith.constant 0 : i32
      %dma_start3A_718 = arith.constant 0 : i32
      %dma_start3A_719 = tpu.memref_slice %arg8[%dma_start3A_708, %dma_start3A_717, %dma_start3A_718] : memref<3x1x128xi32, #tpu.memory_space<vmem>> -> memref<1x1x128xi32, #tpu.memory_space<vmem>>
      %dma_start3A_720 = tpu.memref_squeeze %dma_start3A_719 : memref<1x1x128xi32, #tpu.memory_space<vmem>> -> memref<1x128xi32, #tpu.memory_space<vmem>>
      %dma_start3A_721 = arith.constant 0 : i32
      %dma_start3A_722 = arith.constant 0 : i32
      %dma_start3A_723 = tpu.memref_slice %arg4[%add3A_707, %dma_start3A_721, %dma_start3A_722] : memref<2592x1x128xi32, #tpu.memory_space<hbm>> -> memref<1x1x128xi32, #tpu.memory_space<hbm>>
      %dma_start3A_724 = tpu.memref_squeeze %dma_start3A_723 : memref<1x1x128xi32, #tpu.memory_space<hbm>> -> memref<1x128xi32, #tpu.memory_space<hbm>>
      tpu.enqueue_dma source(%dma_start3A_724 : memref<1x128xi32, #tpu.memory_space<hbm>>) target(%dma_start3A_720 : memref<1x128xi32, #tpu.memory_space<vmem>>) target_semaphore(%arg14 : memref<!tpu.dma_semaphore, #tpu.memory_space<semaphore_mem>>)
      %add3A_725 = arith.constant 3 : i32
      %add3A_726 = arith.addi %mul3A_399, %add3A_725 : i32
      %add3A_727 = arith.constant 1 : i32
      %add3A_728 = arith.addi %add3A_726, %add3A_727 : i32
      %add3A_729 = arith.addi %mul3A_2, %add3A_728 : i32
      %dma_wait3A_730 = arith.constant 1 : i32
      %dma_wait3A_731 = arith.constant 0 : i32
      %dma_wait3A_732 = arith.constant 0 : i32
      %dma_wait3A_733 = tpu.memref_slice %arg7[%dma_wait3A_730, %dma_wait3A_731, %dma_wait3A_732] : memref<3x1x128xi32, #tpu.memory_space<vmem>> -> memref<1x1x128xi32, #tpu.memory_space<vmem>>
      %dma_wait3A_734 = tpu.memref_squeeze %dma_wait3A_733 : memref<1x1x128xi32, #tpu.memory_space<vmem>> -> memref<1x128xi32, #tpu.memory_space<vmem>>
      %dma_wait3A_735 = arith.constant 0 : i32
      %dma_wait3A_736 = arith.constant 0 : i32
      %dma_wait3A_737 = tpu.memref_slice %arg3[%add3A_729, %dma_wait3A_735, %dma_wait3A_736] : memref<2592x1x128xi32, #tpu.memory_space<hbm>> -> memref<1x1x128xi32, #tpu.memory_space<hbm>>
      %dma_wait3A_738 = tpu.memref_squeeze %dma_wait3A_737 : memref<1x1x128xi32, #tpu.memory_space<hbm>> -> memref<1x128xi32, #tpu.memory_space<hbm>>
      %dma_wait3A_739 = arith.constant 0 : i32
      %dma_wait3A_740 = arith.constant 0 : i32
      %dma_wait3A_741 = tpu.memref_slice %arg7[%dma_wait3A_730, %dma_wait3A_739, %dma_wait3A_740] : memref<3x1x128xi32, #tpu.memory_space<vmem>> -> memref<1x1x128xi32, #tpu.memory_space<vmem>>
      %dma_wait3A_742 = tpu.memref_squeeze %dma_wait3A_741 : memref<1x1x128xi32, #tpu.memory_space<vmem>> -> memref<1x128xi32, #tpu.memory_space<vmem>>
      %dma_wait3A_743 = arith.constant 0 : i32
      %dma_wait3A_744 = arith.constant 0 : i32
      %dma_wait3A_745 = tpu.memref_slice %arg3[%add3A_729, %dma_wait3A_743, %dma_wait3A_744] : memref<2592x1x128xi32, #tpu.memory_space<hbm>> -> memref<1x1x128xi32, #tpu.memory_space<hbm>>
      %dma_wait3A_746 = tpu.memref_squeeze %dma_wait3A_745 : memref<1x1x128xi32, #tpu.memory_space<hbm>> -> memref<1x128xi32, #tpu.memory_space<hbm>>
      tpu.wait_dma2 semaphore(%arg11 : memref<!tpu.dma_semaphore, #tpu.memory_space<semaphore_mem>>) src(%dma_wait3A_746 : memref<1x128xi32, #tpu.memory_space<hbm>>) dst(%dma_wait3A_742 : memref<1x128xi32, #tpu.memory_space<vmem>>)
      %add3A_747 = arith.constant 3 : i32
      %add3A_748 = arith.addi %mul3A_399, %add3A_747 : i32
      %add3A_749 = arith.constant 1 : i32
      %add3A_750 = arith.addi %add3A_748, %add3A_749 : i32
      %dma_start3A_751 = arith.constant 1 : i32
      %dma_start3A_752 = arith.constant 0 : i32
      %dma_start3A_753 = arith.constant 1 : i32
      %dma_start3A_754 = arith.constant 0 : i32
      %dma_start3A_755 = arith.constant 0 : i32
      %dma_start3A_756 = tpu.memref_slice %arg9[%dma_start3A_753, %dma_start3A_754, %dma_start3A_755] : memref<3x128x128xf32, #tpu.memory_space<vmem>> -> memref<1x128x128xf32, #tpu.memory_space<vmem>>
      %dma_start3A_757 = tpu.memref_squeeze %dma_start3A_756 : memref<1x128x128xf32, #tpu.memory_space<vmem>> -> memref<128x128xf32, #tpu.memory_space<vmem>>
      %dma_start3A_758 = arith.constant 0 : i32
      %dma_start3A_759 = tpu.memref_slice %arg7[%dma_start3A_751, %dma_start3A_752, %dma_start3A_758] : memref<3x1x128xi32, #tpu.memory_space<vmem>> -> memref<1x1x128xi32, #tpu.memory_space<vmem>>
      %dma_start3A_760 = tpu.memref_squeeze %dma_start3A_759 : memref<1x1x128xi32, #tpu.memory_space<vmem>> -> memref<128xi32, #tpu.memory_space<vmem>>
      %dma_start3A_761 = arith.constant 0 : i32
      %dma_start3A_762 = arith.constant 0 : i32
      %dma_start3A_763 = tpu.memref_slice %arg2[%dma_start3A_761, %dma_start3A_762] : memref<10000x128xf32, #tpu.memory_space<hbm>> -> memref<10000x128xf32, #tpu.memory_space<hbm>>
      tpu.enqueue_indirect_dma source(%dma_start3A_763 : memref<10000x128xf32, #tpu.memory_space<hbm>>) target(%dma_start3A_757 : memref<128x128xf32, #tpu.memory_space<vmem>>) offsets(%dma_start3A_760 : memref<128xi32, #tpu.memory_space<vmem>>) semaphore(%arg17 : memref<!tpu.dma_semaphore, #tpu.memory_space<semaphore_mem>>)
      %dma_wait3A_764 = arith.constant 2 : i32
      %dma_wait3A_765 = arith.constant 2 : i32
      %dma_wait3A_766 = arith.constant 0 : i32
      %dma_wait3A_767 = arith.constant 0 : i32
      %dma_wait3A_768 = arith.constant 0 : i32
      %dma_wait3A_769 = tpu.memref_slice %arg9[%dma_wait3A_764, %dma_wait3A_767, %dma_wait3A_768] : memref<3x128x128xf32, #tpu.memory_space<vmem>> -> memref<1x128x128xf32, #tpu.memory_space<vmem>>
      %dma_wait3A_770 = tpu.memref_squeeze %dma_wait3A_769 : memref<1x128x128xf32, #tpu.memory_space<vmem>> -> memref<128x128xf32, #tpu.memory_space<vmem>>
      %dma_wait3A_771 = arith.constant 0 : i32
      %dma_wait3A_772 = tpu.memref_slice %arg8[%dma_wait3A_765, %dma_wait3A_766, %dma_wait3A_771] : memref<3x1x128xi32, #tpu.memory_space<vmem>> -> memref<1x1x128xi32, #tpu.memory_space<vmem>>
      %dma_wait3A_773 = tpu.memref_squeeze %dma_wait3A_772 : memref<1x1x128xi32, #tpu.memory_space<vmem>> -> memref<128xi32, #tpu.memory_space<vmem>>
      %dma_wait3A_774 = arith.constant 0 : i32
      %dma_wait3A_775 = arith.constant 0 : i32
      %dma_wait3A_776 = tpu.memref_slice %arg22[%dma_wait3A_774, %dma_wait3A_775] : memref<10112x128xf32, #tpu.memory_space<vmem_shared>> -> memref<10112x128xf32, #tpu.memory_space<vmem_shared>>
      tpu.wait_indirect_dma semaphore(%arg21 : memref<!tpu.dma_semaphore, #tpu.memory_space<semaphore_mem>>) src(%dma_wait3A_770 : memref<128x128xf32, #tpu.memory_space<vmem>>) dst(%dma_wait3A_776 : memref<10112x128xf32, #tpu.memory_space<vmem_shared>>)
      %add3A_777 = arith.constant 3 : i32
      %add3A_778 = arith.addi %mul3A_399, %add3A_777 : i32
      %add3A_779 = arith.constant 2 : i32
      %add3A_780 = arith.addi %add3A_778, %add3A_779 : i32
      %add3A_781 = arith.addi %mul3A_2, %add3A_780 : i32
      %dma_start3A_782 = arith.constant 2 : i32
      %dma_start3A_783 = arith.constant 0 : i32
      %dma_start3A_784 = arith.constant 0 : i32
      %dma_start3A_785 = tpu.memref_slice %arg8[%dma_start3A_782, %dma_start3A_783, %dma_start3A_784] : memref<3x1x128xi32, #tpu.memory_space<vmem>> -> memref<1x1x128xi32, #tpu.memory_space<vmem>>
      %dma_start3A_786 = tpu.memref_squeeze %dma_start3A_785 : memref<1x1x128xi32, #tpu.memory_space<vmem>> -> memref<1x128xi32, #tpu.memory_space<vmem>>
      %dma_start3A_787 = arith.constant 0 : i32
      %dma_start3A_788 = arith.constant 0 : i32
      %dma_start3A_789 = tpu.memref_slice %arg4[%add3A_781, %dma_start3A_787, %dma_start3A_788] : memref<2592x1x128xi32, #tpu.memory_space<hbm>> -> memref<1x1x128xi32, #tpu.memory_space<hbm>>
      %dma_start3A_790 = tpu.memref_squeeze %dma_start3A_789 : memref<1x1x128xi32, #tpu.memory_space<hbm>> -> memref<1x128xi32, #tpu.memory_space<hbm>>
      %dma_start3A_791 = arith.constant 0 : i32
      %dma_start3A_792 = arith.constant 0 : i32
      %dma_start3A_793 = tpu.memref_slice %arg8[%dma_start3A_782, %dma_start3A_791, %dma_start3A_792] : memref<3x1x128xi32, #tpu.memory_space<vmem>> -> memref<1x1x128xi32, #tpu.memory_space<vmem>>
      %dma_start3A_794 = tpu.memref_squeeze %dma_start3A_793 : memref<1x1x128xi32, #tpu.memory_space<vmem>> -> memref<1x128xi32, #tpu.memory_space<vmem>>
      %dma_start3A_795 = arith.constant 0 : i32
      %dma_start3A_796 = arith.constant 0 : i32
      %dma_start3A_797 = tpu.memref_slice %arg4[%add3A_781, %dma_start3A_795, %dma_start3A_796] : memref<2592x1x128xi32, #tpu.memory_space<hbm>> -> memref<1x1x128xi32, #tpu.memory_space<hbm>>
      %dma_start3A_798 = tpu.memref_squeeze %dma_start3A_797 : memref<1x1x128xi32, #tpu.memory_space<hbm>> -> memref<1x128xi32, #tpu.memory_space<hbm>>
      tpu.enqueue_dma source(%dma_start3A_798 : memref<1x128xi32, #tpu.memory_space<hbm>>) target(%dma_start3A_794 : memref<1x128xi32, #tpu.memory_space<vmem>>) target_semaphore(%arg15 : memref<!tpu.dma_semaphore, #tpu.memory_space<semaphore_mem>>)
      %add3A_799 = arith.constant 3 : i32
      %add3A_800 = arith.addi %mul3A_399, %add3A_799 : i32
      %add3A_801 = arith.constant 2 : i32
      %add3A_802 = arith.addi %add3A_800, %add3A_801 : i32
      %add3A_803 = arith.addi %mul3A_2, %add3A_802 : i32
      %dma_wait3A_804 = arith.constant 2 : i32
      %dma_wait3A_805 = arith.constant 0 : i32
      %dma_wait3A_806 = arith.constant 0 : i32
      %dma_wait3A_807 = tpu.memref_slice %arg7[%dma_wait3A_804, %dma_wait3A_805, %dma_wait3A_806] : memref<3x1x128xi32, #tpu.memory_space<vmem>> -> memref<1x1x128xi32, #tpu.memory_space<vmem>>
      %dma_wait3A_808 = tpu.memref_squeeze %dma_wait3A_807 : memref<1x1x128xi32, #tpu.memory_space<vmem>> -> memref<1x128xi32, #tpu.memory_space<vmem>>
      %dma_wait3A_809 = arith.constant 0 : i32
      %dma_wait3A_810 = arith.constant 0 : i32
      %dma_wait3A_811 = tpu.memref_slice %arg3[%add3A_803, %dma_wait3A_809, %dma_wait3A_810] : memref<2592x1x128xi32, #tpu.memory_space<hbm>> -> memref<1x1x128xi32, #tpu.memory_space<hbm>>
      %dma_wait3A_812 = tpu.memref_squeeze %dma_wait3A_811 : memref<1x1x128xi32, #tpu.memory_space<hbm>> -> memref<1x128xi32, #tpu.memory_space<hbm>>
      %dma_wait3A_813 = arith.constant 0 : i32
      %dma_wait3A_814 = arith.constant 0 : i32
      %dma_wait3A_815 = tpu.memref_slice %arg7[%dma_wait3A_804, %dma_wait3A_813, %dma_wait3A_814] : memref<3x1x128xi32, #tpu.memory_space<vmem>> -> memref<1x1x128xi32, #tpu.memory_space<vmem>>
      %dma_wait3A_816 = tpu.memref_squeeze %dma_wait3A_815 : memref<1x1x128xi32, #tpu.memory_space<vmem>> -> memref<1x128xi32, #tpu.memory_space<vmem>>
      %dma_wait3A_817 = arith.constant 0 : i32
      %dma_wait3A_818 = arith.constant 0 : i32
      %dma_wait3A_819 = tpu.memref_slice %arg3[%add3A_803, %dma_wait3A_817, %dma_wait3A_818] : memref<2592x1x128xi32, #tpu.memory_space<hbm>> -> memref<1x1x128xi32, #tpu.memory_space<hbm>>
      %dma_wait3A_820 = tpu.memref_squeeze %dma_wait3A_819 : memref<1x1x128xi32, #tpu.memory_space<hbm>> -> memref<1x128xi32, #tpu.memory_space<hbm>>
      tpu.wait_dma2 semaphore(%arg12 : memref<!tpu.dma_semaphore, #tpu.memory_space<semaphore_mem>>) src(%dma_wait3A_820 : memref<1x128xi32, #tpu.memory_space<hbm>>) dst(%dma_wait3A_816 : memref<1x128xi32, #tpu.memory_space<vmem>>)
      %add3A_821 = arith.constant 3 : i32
      %add3A_822 = arith.addi %mul3A_399, %add3A_821 : i32
      %add3A_823 = arith.constant 2 : i32
      %add3A_824 = arith.addi %add3A_822, %add3A_823 : i32
      %dma_start3A_825 = arith.constant 2 : i32
      %dma_start3A_826 = arith.constant 0 : i32
      %dma_start3A_827 = arith.constant 2 : i32
      %dma_start3A_828 = arith.constant 0 : i32
      %dma_start3A_829 = arith.constant 0 : i32
      %dma_start3A_830 = tpu.memref_slice %arg9[%dma_start3A_827, %dma_start3A_828, %dma_start3A_829] : memref<3x128x128xf32, #tpu.memory_space<vmem>> -> memref<1x128x128xf32, #tpu.memory_space<vmem>>
      %dma_start3A_831 = tpu.memref_squeeze %dma_start3A_830 : memref<1x128x128xf32, #tpu.memory_space<vmem>> -> memref<128x128xf32, #tpu.memory_space<vmem>>
      %dma_start3A_832 = arith.constant 0 : i32
      %dma_start3A_833 = tpu.memref_slice %arg7[%dma_start3A_825, %dma_start3A_826, %dma_start3A_832] : memref<3x1x128xi32, #tpu.memory_space<vmem>> -> memref<1x1x128xi32, #tpu.memory_space<vmem>>
      %dma_start3A_834 = tpu.memref_squeeze %dma_start3A_833 : memref<1x1x128xi32, #tpu.memory_space<vmem>> -> memref<128xi32, #tpu.memory_space<vmem>>
      %dma_start3A_835 = arith.constant 0 : i32
      %dma_start3A_836 = arith.constant 0 : i32
      %dma_start3A_837 = tpu.memref_slice %arg2[%dma_start3A_835, %dma_start3A_836] : memref<10000x128xf32, #tpu.memory_space<hbm>> -> memref<10000x128xf32, #tpu.memory_space<hbm>>
      tpu.enqueue_indirect_dma source(%dma_start3A_837 : memref<10000x128xf32, #tpu.memory_space<hbm>>) target(%dma_start3A_831 : memref<128x128xf32, #tpu.memory_space<vmem>>) offsets(%dma_start3A_834 : memref<128xi32, #tpu.memory_space<vmem>>) semaphore(%arg18 : memref<!tpu.dma_semaphore, #tpu.memory_space<semaphore_mem>>)
    }
    %scan3A_217 = arith.constant 26 : i32
    %dma_wait3A_218 = arith.constant 0 : i32
    %dma_wait3A_219 = arith.constant 0 : i32
    %dma_wait3A_220 = arith.constant 0 : i32
    %dma_wait3A_221 = arith.constant 0 : i32
    %dma_wait3A_222 = arith.constant 0 : i32
    %dma_wait3A_223 = tpu.memref_slice %arg9[%dma_wait3A_220, %dma_wait3A_221, %dma_wait3A_222] : memref<3x128x128xf32, #tpu.memory_space<vmem>> -> memref<1x128x128xf32, #tpu.memory_space<vmem>>
    %dma_wait3A_224 = tpu.memref_squeeze %dma_wait3A_223 : memref<1x128x128xf32, #tpu.memory_space<vmem>> -> memref<128x128xf32, #tpu.memory_space<vmem>>
    %dma_wait3A_225 = arith.constant 0 : i32
    %dma_wait3A_226 = tpu.memref_slice %arg7[%dma_wait3A_218, %dma_wait3A_219, %dma_wait3A_225] : memref<3x1x128xi32, #tpu.memory_space<vmem>> -> memref<1x1x128xi32, #tpu.memory_space<vmem>>
    %dma_wait3A_227 = tpu.memref_squeeze %dma_wait3A_226 : memref<1x1x128xi32, #tpu.memory_space<vmem>> -> memref<128xi32, #tpu.memory_space<vmem>>
    %dma_wait3A_228 = arith.constant 0 : i32
    %dma_wait3A_229 = arith.constant 0 : i32
    %dma_wait3A_230 = tpu.memref_slice %arg2[%dma_wait3A_228, %dma_wait3A_229] : memref<10000x128xf32, #tpu.memory_space<hbm>> -> memref<10000x128xf32, #tpu.memory_space<hbm>>
    tpu.wait_indirect_dma semaphore(%arg16 : memref<!tpu.dma_semaphore, #tpu.memory_space<semaphore_mem>>) src(%dma_wait3A_230 : memref<10000x128xf32, #tpu.memory_space<hbm>>) dst(%dma_wait3A_224 : memref<128x128xf32, #tpu.memory_space<vmem>>)
    %add3A_231 = arith.constant 78 : i32
    %add3A_232 = arith.addi %mul3A_2, %add3A_231 : i32
    %dma_wait3A_233 = arith.constant 0 : i32
    %dma_wait3A_234 = arith.constant 0 : i32
    %dma_wait3A_235 = arith.constant 0 : i32
    %dma_wait3A_236 = tpu.memref_slice %arg8[%dma_wait3A_233, %dma_wait3A_234, %dma_wait3A_235] : memref<3x1x128xi32, #tpu.memory_space<vmem>> -> memref<1x1x128xi32, #tpu.memory_space<vmem>>
    %dma_wait3A_237 = tpu.memref_squeeze %dma_wait3A_236 : memref<1x1x128xi32, #tpu.memory_space<vmem>> -> memref<1x128xi32, #tpu.memory_space<vmem>>
    %dma_wait3A_238 = arith.constant 0 : i32
    %dma_wait3A_239 = arith.constant 0 : i32
    %dma_wait3A_240 = tpu.memref_slice %arg4[%add3A_232, %dma_wait3A_238, %dma_wait3A_239] : memref<2592x1x128xi32, #tpu.memory_space<hbm>> -> memref<1x1x128xi32, #tpu.memory_space<hbm>>
    %dma_wait3A_241 = tpu.memref_squeeze %dma_wait3A_240 : memref<1x1x128xi32, #tpu.memory_space<hbm>> -> memref<1x128xi32, #tpu.memory_space<hbm>>
    %dma_wait3A_242 = arith.constant 0 : i32
    %dma_wait3A_243 = arith.constant 0 : i32
    %dma_wait3A_244 = tpu.memref_slice %arg8[%dma_wait3A_233, %dma_wait3A_242, %dma_wait3A_243] : memref<3x1x128xi32, #tpu.memory_space<vmem>> -> memref<1x1x128xi32, #tpu.memory_space<vmem>>
    %dma_wait3A_245 = tpu.memref_squeeze %dma_wait3A_244 : memref<1x1x128xi32, #tpu.memory_space<vmem>> -> memref<1x128xi32, #tpu.memory_space<vmem>>
    %dma_wait3A_246 = arith.constant 0 : i32
    %dma_wait3A_247 = arith.constant 0 : i32
    %dma_wait3A_248 = tpu.memref_slice %arg4[%add3A_232, %dma_wait3A_246, %dma_wait3A_247] : memref<2592x1x128xi32, #tpu.memory_space<hbm>> -> memref<1x1x128xi32, #tpu.memory_space<hbm>>
    %dma_wait3A_249 = tpu.memref_squeeze %dma_wait3A_248 : memref<1x1x128xi32, #tpu.memory_space<hbm>> -> memref<1x128xi32, #tpu.memory_space<hbm>>
    tpu.wait_dma2 semaphore(%arg13 : memref<!tpu.dma_semaphore, #tpu.memory_space<semaphore_mem>>) src(%dma_wait3A_249 : memref<1x128xi32, #tpu.memory_space<hbm>>) dst(%dma_wait3A_245 : memref<1x128xi32, #tpu.memory_space<vmem>>)
    %dma_start3A_250 = arith.constant 0 : i32
    %dma_start3A_251 = arith.constant 0 : i32
    %dma_start3A_252 = arith.constant 0 : i32
    %dma_start3A_253 = arith.constant 0 : i32
    %dma_start3A_254 = arith.constant 0 : i32
    %dma_start3A_255 = tpu.memref_slice %arg9[%dma_start3A_250, %dma_start3A_253, %dma_start3A_254] : memref<3x128x128xf32, #tpu.memory_space<vmem>> -> memref<1x128x128xf32, #tpu.memory_space<vmem>>
    %dma_start3A_256 = tpu.memref_squeeze %dma_start3A_255 : memref<1x128x128xf32, #tpu.memory_space<vmem>> -> memref<128x128xf32, #tpu.memory_space<vmem>>
    %dma_start3A_257 = arith.constant 0 : i32
    %dma_start3A_258 = tpu.memref_slice %arg8[%dma_start3A_251, %dma_start3A_252, %dma_start3A_257] : memref<3x1x128xi32, #tpu.memory_space<vmem>> -> memref<1x1x128xi32, #tpu.memory_space<vmem>>
    %dma_start3A_259 = tpu.memref_squeeze %dma_start3A_258 : memref<1x1x128xi32, #tpu.memory_space<vmem>> -> memref<128xi32, #tpu.memory_space<vmem>>
    %dma_start3A_260 = arith.constant 0 : i32
    %dma_start3A_261 = arith.constant 0 : i32
    %dma_start3A_262 = tpu.memref_slice %arg22[%dma_start3A_260, %dma_start3A_261] : memref<10112x128xf32, #tpu.memory_space<vmem_shared>> -> memref<10112x128xf32, #tpu.memory_space<vmem_shared>>
    tpu.enqueue_indirect_dma source(%dma_start3A_256 : memref<128x128xf32, #tpu.memory_space<vmem>>) target(%dma_start3A_262 : memref<10112x128xf32, #tpu.memory_space<vmem_shared>>) offsets(%dma_start3A_259 : memref<128xi32, #tpu.memory_space<vmem>>) semaphore(%arg19 : memref<!tpu.dma_semaphore, #tpu.memory_space<semaphore_mem>>) {add = true}
    %dma_wait3A_263 = arith.constant 1 : i32
    %dma_wait3A_264 = arith.constant 0 : i32
    %dma_wait3A_265 = arith.constant 1 : i32
    %dma_wait3A_266 = arith.constant 0 : i32
    %dma_wait3A_267 = arith.constant 0 : i32
    %dma_wait3A_268 = tpu.memref_slice %arg9[%dma_wait3A_265, %dma_wait3A_266, %dma_wait3A_267] : memref<3x128x128xf32, #tpu.memory_space<vmem>> -> memref<1x128x128xf32, #tpu.memory_space<vmem>>
    %dma_wait3A_269 = tpu.memref_squeeze %dma_wait3A_268 : memref<1x128x128xf32, #tpu.memory_space<vmem>> -> memref<128x128xf32, #tpu.memory_space<vmem>>
    %dma_wait3A_270 = arith.constant 0 : i32
    %dma_wait3A_271 = tpu.memref_slice %arg7[%dma_wait3A_263, %dma_wait3A_264, %dma_wait3A_270] : memref<3x1x128xi32, #tpu.memory_space<vmem>> -> memref<1x1x128xi32, #tpu.memory_space<vmem>>
    %dma_wait3A_272 = tpu.memref_squeeze %dma_wait3A_271 : memref<1x1x128xi32, #tpu.memory_space<vmem>> -> memref<128xi32, #tpu.memory_space<vmem>>
    %dma_wait3A_273 = arith.constant 0 : i32
    %dma_wait3A_274 = arith.constant 0 : i32
    %dma_wait3A_275 = tpu.memref_slice %arg2[%dma_wait3A_273, %dma_wait3A_274] : memref<10000x128xf32, #tpu.memory_space<hbm>> -> memref<10000x128xf32, #tpu.memory_space<hbm>>
    tpu.wait_indirect_dma semaphore(%arg17 : memref<!tpu.dma_semaphore, #tpu.memory_space<semaphore_mem>>) src(%dma_wait3A_275 : memref<10000x128xf32, #tpu.memory_space<hbm>>) dst(%dma_wait3A_269 : memref<128x128xf32, #tpu.memory_space<vmem>>)
    %add3A_276 = arith.constant 79 : i32
    %add3A_277 = arith.addi %mul3A_2, %add3A_276 : i32
    %dma_wait3A_278 = arith.constant 1 : i32
    %dma_wait3A_279 = arith.constant 0 : i32
    %dma_wait3A_280 = arith.constant 0 : i32
    %dma_wait3A_281 = tpu.memref_slice %arg8[%dma_wait3A_278, %dma_wait3A_279, %dma_wait3A_280] : memref<3x1x128xi32, #tpu.memory_space<vmem>> -> memref<1x1x128xi32, #tpu.memory_space<vmem>>
    %dma_wait3A_282 = tpu.memref_squeeze %dma_wait3A_281 : memref<1x1x128xi32, #tpu.memory_space<vmem>> -> memref<1x128xi32, #tpu.memory_space<vmem>>
    %dma_wait3A_283 = arith.constant 0 : i32
    %dma_wait3A_284 = arith.constant 0 : i32
    %dma_wait3A_285 = tpu.memref_slice %arg4[%add3A_277, %dma_wait3A_283, %dma_wait3A_284] : memref<2592x1x128xi32, #tpu.memory_space<hbm>> -> memref<1x1x128xi32, #tpu.memory_space<hbm>>
    %dma_wait3A_286 = tpu.memref_squeeze %dma_wait3A_285 : memref<1x1x128xi32, #tpu.memory_space<hbm>> -> memref<1x128xi32, #tpu.memory_space<hbm>>
    %dma_wait3A_287 = arith.constant 0 : i32
    %dma_wait3A_288 = arith.constant 0 : i32
    %dma_wait3A_289 = tpu.memref_slice %arg8[%dma_wait3A_278, %dma_wait3A_287, %dma_wait3A_288] : memref<3x1x128xi32, #tpu.memory_space<vmem>> -> memref<1x1x128xi32, #tpu.memory_space<vmem>>
    %dma_wait3A_290 = tpu.memref_squeeze %dma_wait3A_289 : memref<1x1x128xi32, #tpu.memory_space<vmem>> -> memref<1x128xi32, #tpu.memory_space<vmem>>
    %dma_wait3A_291 = arith.constant 0 : i32
    %dma_wait3A_292 = arith.constant 0 : i32
    %dma_wait3A_293 = tpu.memref_slice %arg4[%add3A_277, %dma_wait3A_291, %dma_wait3A_292] : memref<2592x1x128xi32, #tpu.memory_space<hbm>> -> memref<1x1x128xi32, #tpu.memory_space<hbm>>
    %dma_wait3A_294 = tpu.memref_squeeze %dma_wait3A_293 : memref<1x1x128xi32, #tpu.memory_space<hbm>> -> memref<1x128xi32, #tpu.memory_space<hbm>>
    tpu.wait_dma2 semaphore(%arg14 : memref<!tpu.dma_semaphore, #tpu.memory_space<semaphore_mem>>) src(%dma_wait3A_294 : memref<1x128xi32, #tpu.memory_space<hbm>>) dst(%dma_wait3A_290 : memref<1x128xi32, #tpu.memory_space<vmem>>)
    %dma_start3A_295 = arith.constant 1 : i32
    %dma_start3A_296 = arith.constant 1 : i32
    %dma_start3A_297 = arith.constant 0 : i32
    %dma_start3A_298 = arith.constant 0 : i32
    %dma_start3A_299 = arith.constant 0 : i32
    %dma_start3A_300 = tpu.memref_slice %arg9[%dma_start3A_295, %dma_start3A_298, %dma_start3A_299] : memref<3x128x128xf32, #tpu.memory_space<vmem>> -> memref<1x128x128xf32, #tpu.memory_space<vmem>>
    %dma_start3A_301 = tpu.memref_squeeze %dma_start3A_300 : memref<1x128x128xf32, #tpu.memory_space<vmem>> -> memref<128x128xf32, #tpu.memory_space<vmem>>
    %dma_start3A_302 = arith.constant 0 : i32
    %dma_start3A_303 = tpu.memref_slice %arg8[%dma_start3A_296, %dma_start3A_297, %dma_start3A_302] : memref<3x1x128xi32, #tpu.memory_space<vmem>> -> memref<1x1x128xi32, #tpu.memory_space<vmem>>
    %dma_start3A_304 = tpu.memref_squeeze %dma_start3A_303 : memref<1x1x128xi32, #tpu.memory_space<vmem>> -> memref<128xi32, #tpu.memory_space<vmem>>
    %dma_start3A_305 = arith.constant 0 : i32
    %dma_start3A_306 = arith.constant 0 : i32
    %dma_start3A_307 = tpu.memref_slice %arg22[%dma_start3A_305, %dma_start3A_306] : memref<10112x128xf32, #tpu.memory_space<vmem_shared>> -> memref<10112x128xf32, #tpu.memory_space<vmem_shared>>
    tpu.enqueue_indirect_dma source(%dma_start3A_301 : memref<128x128xf32, #tpu.memory_space<vmem>>) target(%dma_start3A_307 : memref<10112x128xf32, #tpu.memory_space<vmem_shared>>) offsets(%dma_start3A_304 : memref<128xi32, #tpu.memory_space<vmem>>) semaphore(%arg20 : memref<!tpu.dma_semaphore, #tpu.memory_space<semaphore_mem>>) {add = true}
    %dma_wait3A_308 = arith.constant 2 : i32
    %dma_wait3A_309 = arith.constant 0 : i32
    %dma_wait3A_310 = arith.constant 2 : i32
    %dma_wait3A_311 = arith.constant 0 : i32
    %dma_wait3A_312 = arith.constant 0 : i32
    %dma_wait3A_313 = tpu.memref_slice %arg9[%dma_wait3A_310, %dma_wait3A_311, %dma_wait3A_312] : memref<3x128x128xf32, #tpu.memory_space<vmem>> -> memref<1x128x128xf32, #tpu.memory_space<vmem>>
    %dma_wait3A_314 = tpu.memref_squeeze %dma_wait3A_313 : memref<1x128x128xf32, #tpu.memory_space<vmem>> -> memref<128x128xf32, #tpu.memory_space<vmem>>
    %dma_wait3A_315 = arith.constant 0 : i32
    %dma_wait3A_316 = tpu.memref_slice %arg7[%dma_wait3A_308, %dma_wait3A_309, %dma_wait3A_315] : memref<3x1x128xi32, #tpu.memory_space<vmem>> -> memref<1x1x128xi32, #tpu.memory_space<vmem>>
    %dma_wait3A_317 = tpu.memref_squeeze %dma_wait3A_316 : memref<1x1x128xi32, #tpu.memory_space<vmem>> -> memref<128xi32, #tpu.memory_space<vmem>>
    %dma_wait3A_318 = arith.constant 0 : i32
    %dma_wait3A_319 = arith.constant 0 : i32
    %dma_wait3A_320 = tpu.memref_slice %arg2[%dma_wait3A_318, %dma_wait3A_319] : memref<10000x128xf32, #tpu.memory_space<hbm>> -> memref<10000x128xf32, #tpu.memory_space<hbm>>
    tpu.wait_indirect_dma semaphore(%arg18 : memref<!tpu.dma_semaphore, #tpu.memory_space<semaphore_mem>>) src(%dma_wait3A_320 : memref<10000x128xf32, #tpu.memory_space<hbm>>) dst(%dma_wait3A_314 : memref<128x128xf32, #tpu.memory_space<vmem>>)
    %add3A_321 = arith.constant 80 : i32
    %add3A_322 = arith.addi %mul3A_2, %add3A_321 : i32
    %dma_wait3A_323 = arith.constant 2 : i32
    %dma_wait3A_324 = arith.constant 0 : i32
    %dma_wait3A_325 = arith.constant 0 : i32
    %dma_wait3A_326 = tpu.memref_slice %arg8[%dma_wait3A_323, %dma_wait3A_324, %dma_wait3A_325] : memref<3x1x128xi32, #tpu.memory_space<vmem>> -> memref<1x1x128xi32, #tpu.memory_space<vmem>>
    %dma_wait3A_327 = tpu.memref_squeeze %dma_wait3A_326 : memref<1x1x128xi32, #tpu.memory_space<vmem>> -> memref<1x128xi32, #tpu.memory_space<vmem>>
    %dma_wait3A_328 = arith.constant 0 : i32
    %dma_wait3A_329 = arith.constant 0 : i32
    %dma_wait3A_330 = tpu.memref_slice %arg4[%add3A_322, %dma_wait3A_328, %dma_wait3A_329] : memref<2592x1x128xi32, #tpu.memory_space<hbm>> -> memref<1x1x128xi32, #tpu.memory_space<hbm>>
    %dma_wait3A_331 = tpu.memref_squeeze %dma_wait3A_330 : memref<1x1x128xi32, #tpu.memory_space<hbm>> -> memref<1x128xi32, #tpu.memory_space<hbm>>
    %dma_wait3A_332 = arith.constant 0 : i32
    %dma_wait3A_333 = arith.constant 0 : i32
    %dma_wait3A_334 = tpu.memref_slice %arg8[%dma_wait3A_323, %dma_wait3A_332, %dma_wait3A_333] : memref<3x1x128xi32, #tpu.memory_space<vmem>> -> memref<1x1x128xi32, #tpu.memory_space<vmem>>
    %dma_wait3A_335 = tpu.memref_squeeze %dma_wait3A_334 : memref<1x1x128xi32, #tpu.memory_space<vmem>> -> memref<1x128xi32, #tpu.memory_space<vmem>>
    %dma_wait3A_336 = arith.constant 0 : i32
    %dma_wait3A_337 = arith.constant 0 : i32
    %dma_wait3A_338 = tpu.memref_slice %arg4[%add3A_322, %dma_wait3A_336, %dma_wait3A_337] : memref<2592x1x128xi32, #tpu.memory_space<hbm>> -> memref<1x1x128xi32, #tpu.memory_space<hbm>>
    %dma_wait3A_339 = tpu.memref_squeeze %dma_wait3A_338 : memref<1x1x128xi32, #tpu.memory_space<hbm>> -> memref<1x128xi32, #tpu.memory_space<hbm>>
    tpu.wait_dma2 semaphore(%arg15 : memref<!tpu.dma_semaphore, #tpu.memory_space<semaphore_mem>>) src(%dma_wait3A_339 : memref<1x128xi32, #tpu.memory_space<hbm>>) dst(%dma_wait3A_335 : memref<1x128xi32, #tpu.memory_space<vmem>>)
    %dma_start3A_340 = arith.constant 2 : i32
    %dma_start3A_341 = arith.constant 2 : i32
    %dma_start3A_342 = arith.constant 0 : i32
    %dma_start3A_343 = arith.constant 0 : i32
    %dma_start3A_344 = arith.constant 0 : i32
    %dma_start3A_345 = tpu.memref_slice %arg9[%dma_start3A_340, %dma_start3A_343, %dma_start3A_344] : memref<3x128x128xf32, #tpu.memory_space<vmem>> -> memref<1x128x128xf32, #tpu.memory_space<vmem>>
    %dma_start3A_346 = tpu.memref_squeeze %dma_start3A_345 : memref<1x128x128xf32, #tpu.memory_space<vmem>> -> memref<128x128xf32, #tpu.memory_space<vmem>>
    %dma_start3A_347 = arith.constant 0 : i32
    %dma_start3A_348 = tpu.memref_slice %arg8[%dma_start3A_341, %dma_start3A_342, %dma_start3A_347] : memref<3x1x128xi32, #tpu.memory_space<vmem>> -> memref<1x1x128xi32, #tpu.memory_space<vmem>>
    %dma_start3A_349 = tpu.memref_squeeze %dma_start3A_348 : memref<1x1x128xi32, #tpu.memory_space<vmem>> -> memref<128xi32, #tpu.memory_space<vmem>>
    %dma_start3A_350 = arith.constant 0 : i32
    %dma_start3A_351 = arith.constant 0 : i32
    %dma_start3A_352 = tpu.memref_slice %arg22[%dma_start3A_350, %dma_start3A_351] : memref<10112x128xf32, #tpu.memory_space<vmem_shared>> -> memref<10112x128xf32, #tpu.memory_space<vmem_shared>>
    tpu.enqueue_indirect_dma source(%dma_start3A_346 : memref<128x128xf32, #tpu.memory_space<vmem>>) target(%dma_start3A_352 : memref<10112x128xf32, #tpu.memory_space<vmem_shared>>) offsets(%dma_start3A_349 : memref<128xi32, #tpu.memory_space<vmem>>) semaphore(%arg21 : memref<!tpu.dma_semaphore, #tpu.memory_space<semaphore_mem>>) {add = true}
    %dma_wait3A_353 = arith.constant 0 : i32
    %dma_wait3A_354 = arith.constant 0 : i32
    %dma_wait3A_355 = arith.constant 0 : i32
    %dma_wait3A_356 = arith.constant 0 : i32
    %dma_wait3A_357 = arith.constant 0 : i32
    %dma_wait3A_358 = tpu.memref_slice %arg9[%dma_wait3A_353, %dma_wait3A_356, %dma_wait3A_357] : memref<3x128x128xf32, #tpu.memory_space<vmem>> -> memref<1x128x128xf32, #tpu.memory_space<vmem>>
    %dma_wait3A_359 = tpu.memref_squeeze %dma_wait3A_358 : memref<1x128x128xf32, #tpu.memory_space<vmem>> -> memref<128x128xf32, #tpu.memory_space<vmem>>
    %dma_wait3A_360 = arith.constant 0 : i32
    %dma_wait3A_361 = tpu.memref_slice %arg8[%dma_wait3A_354, %dma_wait3A_355, %dma_wait3A_360] : memref<3x1x128xi32, #tpu.memory_space<vmem>> -> memref<1x1x128xi32, #tpu.memory_space<vmem>>
    %dma_wait3A_362 = tpu.memref_squeeze %dma_wait3A_361 : memref<1x1x128xi32, #tpu.memory_space<vmem>> -> memref<128xi32, #tpu.memory_space<vmem>>
    %dma_wait3A_363 = arith.constant 0 : i32
    %dma_wait3A_364 = arith.constant 0 : i32
    %dma_wait3A_365 = tpu.memref_slice %arg22[%dma_wait3A_363, %dma_wait3A_364] : memref<10112x128xf32, #tpu.memory_space<vmem_shared>> -> memref<10112x128xf32, #tpu.memory_space<vmem_shared>>
    tpu.wait_indirect_dma semaphore(%arg19 : memref<!tpu.dma_semaphore, #tpu.memory_space<semaphore_mem>>) src(%dma_wait3A_359 : memref<128x128xf32, #tpu.memory_space<vmem>>) dst(%dma_wait3A_365 : memref<10112x128xf32, #tpu.memory_space<vmem_shared>>)
    %dma_wait3A_366 = arith.constant 1 : i32
    %dma_wait3A_367 = arith.constant 1 : i32
    %dma_wait3A_368 = arith.constant 0 : i32
    %dma_wait3A_369 = arith.constant 0 : i32
    %dma_wait3A_370 = arith.constant 0 : i32
    %dma_wait3A_371 = tpu.memref_slice %arg9[%dma_wait3A_366, %dma_wait3A_369, %dma_wait3A_370] : memref<3x128x128xf32, #tpu.memory_space<vmem>> -> memref<1x128x128xf32, #tpu.memory_space<vmem>>
    %dma_wait3A_372 = tpu.memref_squeeze %dma_wait3A_371 : memref<1x128x128xf32, #tpu.memory_space<vmem>> -> memref<128x128xf32, #tpu.memory_space<vmem>>
    %dma_wait3A_373 = arith.constant 0 : i32
    %dma_wait3A_374 = tpu.memref_slice %arg8[%dma_wait3A_367, %dma_wait3A_368, %dma_wait3A_373] : memref<3x1x128xi32, #tpu.memory_space<vmem>> -> memref<1x1x128xi32, #tpu.memory_space<vmem>>
    %dma_wait3A_375 = tpu.memref_squeeze %dma_wait3A_374 : memref<1x1x128xi32, #tpu.memory_space<vmem>> -> memref<128xi32, #tpu.memory_space<vmem>>
    %dma_wait3A_376 = arith.constant 0 : i32
    %dma_wait3A_377 = arith.constant 0 : i32
    %dma_wait3A_378 = tpu.memref_slice %arg22[%dma_wait3A_376, %dma_wait3A_377] : memref<10112x128xf32, #tpu.memory_space<vmem_shared>> -> memref<10112x128xf32, #tpu.memory_space<vmem_shared>>
    tpu.wait_indirect_dma semaphore(%arg20 : memref<!tpu.dma_semaphore, #tpu.memory_space<semaphore_mem>>) src(%dma_wait3A_372 : memref<128x128xf32, #tpu.memory_space<vmem>>) dst(%dma_wait3A_378 : memref<10112x128xf32, #tpu.memory_space<vmem_shared>>)
    %dma_wait3A_379 = arith.constant 2 : i32
    %dma_wait3A_380 = arith.constant 2 : i32
    %dma_wait3A_381 = arith.constant 0 : i32
    %dma_wait3A_382 = arith.constant 0 : i32
    %dma_wait3A_383 = arith.constant 0 : i32
    %dma_wait3A_384 = tpu.memref_slice %arg9[%dma_wait3A_379, %dma_wait3A_382, %dma_wait3A_383] : memref<3x128x128xf32, #tpu.memory_space<vmem>> -> memref<1x128x128xf32, #tpu.memory_space<vmem>>
    %dma_wait3A_385 = tpu.memref_squeeze %dma_wait3A_384 : memref<1x128x128xf32, #tpu.memory_space<vmem>> -> memref<128x128xf32, #tpu.memory_space<vmem>>
    %dma_wait3A_386 = arith.constant 0 : i32
    %dma_wait3A_387 = tpu.memref_slice %arg8[%dma_wait3A_380, %dma_wait3A_381, %dma_wait3A_386] : memref<3x1x128xi32, #tpu.memory_space<vmem>> -> memref<1x1x128xi32, #tpu.memory_space<vmem>>
    %dma_wait3A_388 = tpu.memref_squeeze %dma_wait3A_387 : memref<1x1x128xi32, #tpu.memory_space<vmem>> -> memref<128xi32, #tpu.memory_space<vmem>>
    %dma_wait3A_389 = arith.constant 0 : i32
    %dma_wait3A_390 = arith.constant 0 : i32
    %dma_wait3A_391 = tpu.memref_slice %arg22[%dma_wait3A_389, %dma_wait3A_390] : memref<10112x128xf32, #tpu.memory_space<vmem_shared>> -> memref<10112x128xf32, #tpu.memory_space<vmem_shared>>
    tpu.wait_indirect_dma semaphore(%arg21 : memref<!tpu.dma_semaphore, #tpu.memory_space<semaphore_mem>>) src(%dma_wait3A_385 : memref<128x128xf32, #tpu.memory_space<vmem>>) dst(%dma_wait3A_391 : memref<10112x128xf32, #tpu.memory_space<vmem_shared>>)
    %barrier3A_392 = arith.constant 0 : index
    tpu.barrier barrier_id(%barrier3A_392)
    %mul3A_393 = arith.constant 632 : i32
    %mul3A_394 = arith.muli %arg1, %mul3A_393 : i32
    %mul3A_395 = arith.constant 632 : i32
    %mul3A_396 = arith.muli %arg1, %mul3A_395 : i32
    "tpu.region"() ({
      %run_scoped3A = tpu.sem_alloc : memref<!tpu.dma_semaphore, #tpu.memory_space<semaphore_mem>>
      %dma_start3A_397 = arith.constant 0 : i32
      %dma_start3A_398 = tpu.memref_slice %arg6[%arg0, %mul3A_396, %dma_start3A_397] : memref<2x10112x128xf32, #tpu.memory_space<hbm>> -> memref<1x632x128xf32, #tpu.memory_space<hbm>>
      %dma_start3A_399 = tpu.memref_squeeze %dma_start3A_398 : memref<1x632x128xf32, #tpu.memory_space<hbm>> -> memref<632x128xf32, #tpu.memory_space<hbm>>
      %dma_start3A_400 = arith.constant 0 : i32
      %dma_start3A_401 = tpu.memref_slice %arg22[%mul3A_394, %dma_start3A_400] : memref<10112x128xf32, #tpu.memory_space<vmem_shared>> -> memref<632x128xf32, #tpu.memory_space<vmem_shared>>
      tpu.enqueue_dma source(%dma_start3A_401 : memref<632x128xf32, #tpu.memory_space<vmem_shared>>) target(%dma_start3A_399 : memref<632x128xf32, #tpu.memory_space<hbm>>) target_semaphore(%run_scoped3A : memref<!tpu.dma_semaphore, #tpu.memory_space<semaphore_mem>>)
      %dma_wait3A_402 = arith.constant 0 : i32
      %dma_wait3A_403 = tpu.memref_slice %arg6[%arg0, %mul3A_396, %dma_wait3A_402] : memref<2x10112x128xf32, #tpu.memory_space<hbm>> -> memref<1x632x128xf32, #tpu.memory_space<hbm>>
      %dma_wait3A_404 = tpu.memref_squeeze %dma_wait3A_403 : memref<1x632x128xf32, #tpu.memory_space<hbm>> -> memref<632x128xf32, #tpu.memory_space<hbm>>
      %dma_wait3A_405 = arith.constant 0 : i32
      %dma_wait3A_406 = tpu.memref_slice %arg22[%mul3A_394, %dma_wait3A_405] : memref<10112x128xf32, #tpu.memory_space<vmem_shared>> -> memref<632x128xf32, #tpu.memory_space<vmem_shared>>
      tpu.wait_dma2 semaphore(%run_scoped3A : memref<!tpu.dma_semaphore, #tpu.memory_space<semaphore_mem>>) src(%dma_wait3A_406 : memref<632x128xf32, #tpu.memory_space<vmem_shared>>) dst(%dma_wait3A_404 : memref<632x128xf32, #tpu.memory_space<hbm>>)
      tpu.yield
    }) : () -> ()
    return
  }
}

module attributes {stable_mosaic.version = 14 : i64} {
  func.func @_tc_first_body(%arg0: i32, %arg1: memref<2x400x128xf32, #tpu.memory_space<vmem>>, %arg2: memref<400x128xf32, #tpu.memory_space<vmem>>, %arg3: memref<128x128xf32, #tpu.memory_space<vmem>>, %arg4: memref<400x1xf32, #tpu.memory_space<vmem>>, %arg5: memref<400x128xf32, #tpu.memory_space<vmem>>) attributes {dimension_semantics = [#tpu.dimension_semantics<arbitrary>], iteration_bounds = array<i64: 25>, scalar_prefetch = 0 : i64, scratch_operands = 0 : i64, tpu.core_type = #tpu.core_type<tc>, window_params = [{transform_indices = @transform_0, window_bounds = array<i64: 2, 400, 128>}, {transform_indices = @transform_1, window_bounds = array<i64: 400, 128>}, {pipeline_mode = #tpu.pipeline_mode<synchronous>, transform_indices = @transform_2, window_bounds = array<i64: 128, 128>}, {transform_indices = @transform_3, window_bounds = array<i64: 400, 1>}, {transform_indices = @transform_4, window_bounds = array<i64: 400, 128>}]} {
    %get3A = arith.constant 0 : index
    %get3A_0 = arith.constant 0 : index
    %get3A_1 = arith.constant 0 : index
    %get3A_2 = vector.load %arg1[%get3A, %get3A_0, %get3A_1] : memref<2x400x128xf32, #tpu.memory_space<vmem>>, vector<1x400x1xf32>
    %get3A_3 = vector.shape_cast %get3A_2 : vector<1x400x1xf32> to vector<400x1xf32>
    %get3A_4 = arith.constant 1 : index
    %get3A_5 = arith.constant 0 : index
    %get3A_6 = arith.constant 0 : index
    %get3A_7 = vector.load %arg1[%get3A_4, %get3A_5, %get3A_6] : memref<2x400x128xf32, #tpu.memory_space<vmem>>, vector<1x400x1xf32>
    %get3A_8 = vector.shape_cast %get3A_7 : vector<1x400x1xf32> to vector<400x1xf32>
    %add3A = arith.addf %get3A_3, %get3A_8 : vector<400x1xf32>
    %add3A_9 = arith.constant 1.000000e+00 : f32
    %add3A_10 = vector.broadcast %add3A_9 : f32 to vector<400x1xf32>
    %add3A_11 = arith.addf %add3A, %add3A_10 : vector<400x1xf32>
    %max3A = arith.constant 1.000000e+00 : f32
    %max3A_12 = vector.broadcast %max3A : f32 to vector<400x1xf32>
    %max3A_13 = arith.maximumf %add3A_11, %max3A_12 : vector<400x1xf32>
    %rsqrt3A = math.rsqrt %max3A_13 : vector<400x1xf32>
    %swap3A = arith.constant 0 : index
    %swap3A_14 = arith.constant 0 : index
    %swap3A_15 = vector.load %arg4[%swap3A, %swap3A_14] : memref<400x1xf32, #tpu.memory_space<vmem>>, vector<400x1xf32>
    tpu.vector_store %arg4[%swap3A, %swap3A_14], %rsqrt3A {strides = array<i32>} : memref<400x1xf32, #tpu.memory_space<vmem>>, vector<400x1xf32>,
    %get3A_16 = arith.constant 0 : index
    %get3A_17 = arith.constant 0 : index
    %get3A_18 = vector.load %arg2[%get3A_16, %get3A_17] : memref<400x128xf32, #tpu.memory_space<vmem>>, vector<400x128xf32>
    %get3A_19 = arith.constant 0 : index
    %get3A_20 = arith.constant 0 : index
    %get3A_21 = vector.load %arg3[%get3A_19, %get3A_20] : memref<128x128xf32, #tpu.memory_space<vmem>>, vector<128x128xf32>
    %dot_general3A = arith.constant dense<0.000000e+00> : vector<400x128xf32>
    %dot_general3A_22 = tpu.matmul %get3A_18, %get3A_21, %dot_general3A {dimension_numbers = #tpu.dot_dimension_numbers<[1], [0], [0], [1], [0, 0, 1, 1], [], []>, transpose_lhs_hint = false} : vector<400x128xf32>, vector<128x128xf32>, vector<400x128xf32> -> vector<400x128xf32>
    %mul3A = vector.broadcast %rsqrt3A : vector<400x1xf32> to vector<400x128xf32>
    %mul3A_23 = arith.mulf %mul3A, %dot_general3A_22 : vector<400x128xf32>
    %swap3A_24 = arith.constant 0 : index
    %swap3A_25 = arith.constant 0 : index
    %swap3A_26 = vector.load %arg5[%swap3A_24, %swap3A_25] : memref<400x128xf32, #tpu.memory_space<vmem>>, vector<400x128xf32>
    tpu.vector_store %arg5[%swap3A_24, %swap3A_25], %mul3A_23 {strides = array<i32>} : memref<400x128xf32, #tpu.memory_space<vmem>>, vector<400x128xf32>,
    return
  }
  func.func @transform_0(%arg0: i32) -> (i32, i32, i32) {
    %c0_i32 = arith.constant 0 : i32
    %c0_i32_0 = arith.constant 0 : i32
    %c0_i32_1 = arith.constant 0 : i32
    return %c0_i32, %arg0, %c0_i32_0 : i32, i32, i32
  }
  func.func @transform_1(%arg0: i32) -> (i32, i32) {
    %c0_i32 = arith.constant 0 : i32
    %c0_i32_0 = arith.constant 0 : i32
    return %arg0, %c0_i32 : i32, i32
  }
  func.func @transform_2(%arg0: i32) -> (i32, i32) {
    %c0_i32 = arith.constant 0 : i32
    %c0_i32_0 = arith.constant 0 : i32
    %c0_i32_1 = arith.constant 0 : i32
    return %c0_i32, %c0_i32_0 : i32, i32
  }
  func.func @transform_3(%arg0: i32) -> (i32, i32) {
    %c0_i32 = arith.constant 0 : i32
    %c0_i32_0 = arith.constant 0 : i32
    return %arg0, %c0_i32 : i32, i32
  }
  func.func @transform_4(%arg0: i32) -> (i32, i32) {
    %c0_i32 = arith.constant 0 : i32
    %c0_i32_0 = arith.constant 0 : i32
    return %arg0, %c0_i32 : i32, i32
  }
}

module attributes {stable_mosaic.version = 14 : i64} {
  func.func @_tc_mid_body(%arg0: i32, %arg1: memref<2x400x128xf32, #tpu.memory_space<vmem>>, %arg2: memref<400x128xf32, #tpu.memory_space<vmem>>, %arg3: memref<400x1xf32, #tpu.memory_space<vmem>>, %arg4: memref<1x128xf32, #tpu.memory_space<vmem>>, %arg5: memref<128x128xf32, #tpu.memory_space<vmem>>, %arg6: memref<400x128xf32, #tpu.memory_space<vmem>>) attributes {dimension_semantics = [#tpu.dimension_semantics<arbitrary>], iteration_bounds = array<i64: 25>, scalar_prefetch = 0 : i64, scratch_operands = 0 : i64, tpu.core_type = #tpu.core_type<tc>, window_params = [{transform_indices = @transform_0, window_bounds = array<i64: 2, 400, 128>}, {transform_indices = @transform_1, window_bounds = array<i64: 400, 128>}, {transform_indices = @transform_2, window_bounds = array<i64: 400, 1>}, {pipeline_mode = #tpu.pipeline_mode<synchronous>, transform_indices = @transform_3, window_bounds = array<i64: 1, 128>}, {pipeline_mode = #tpu.pipeline_mode<synchronous>, transform_indices = @transform_4, window_bounds = array<i64: 128, 128>}, {transform_indices = @transform_5, window_bounds = array<i64: 400, 128>}]} {
    %get3A = arith.constant 0 : index
    %get3A_0 = arith.constant 0 : index
    %get3A_1 = vector.load %arg3[%get3A, %get3A_0] : memref<400x1xf32, #tpu.memory_space<vmem>>, vector<400x1xf32>
    %get3A_2 = arith.constant 0 : index
    %get3A_3 = arith.constant 0 : index
    %get3A_4 = arith.constant 0 : index
    %get3A_5 = vector.load %arg1[%get3A_2, %get3A_3, %get3A_4] : memref<2x400x128xf32, #tpu.memory_space<vmem>>, vector<1x400x128xf32>
    %get3A_6 = vector.shape_cast %get3A_5 : vector<1x400x128xf32> to vector<400x128xf32>
    %get3A_7 = arith.constant 1 : index
    %get3A_8 = arith.constant 0 : index
    %get3A_9 = arith.constant 0 : index
    %get3A_10 = vector.load %arg1[%get3A_7, %get3A_8, %get3A_9] : memref<2x400x128xf32, #tpu.memory_space<vmem>>, vector<1x400x128xf32>
    %get3A_11 = vector.shape_cast %get3A_10 : vector<1x400x128xf32> to vector<400x128xf32>
    %add3A = arith.addf %get3A_6, %get3A_11 : vector<400x128xf32>
    %get3A_12 = arith.constant 0 : index
    %get3A_13 = arith.constant 0 : index
    %get3A_14 = vector.load %arg2[%get3A_12, %get3A_13] : memref<400x128xf32, #tpu.memory_space<vmem>>, vector<400x128xf32>
    %add3A_15 = arith.addf %add3A, %get3A_14 : vector<400x128xf32>
    %mul3A = vector.broadcast %get3A_1 : vector<400x1xf32> to vector<400x128xf32>
    %mul3A_16 = arith.mulf %add3A_15, %mul3A : vector<400x128xf32>
    %get3A_17 = arith.constant 0 : index
    %get3A_18 = arith.constant 0 : index
    %get3A_19 = vector.load %arg4[%get3A_17, %get3A_18] : memref<1x128xf32, #tpu.memory_space<vmem>>, vector<1x128xf32>
    %add3A_20 = vector.broadcast %get3A_19 : vector<1x128xf32> to vector<400x128xf32>
    %add3A_21 = arith.addf %mul3A_16, %add3A_20 : vector<400x128xf32>
    %max3A = arith.constant 0.000000e+00 : f32
    %max3A_22 = vector.broadcast %max3A : f32 to vector<400x128xf32>
    %max3A_23 = arith.maximumf %add3A_21, %max3A_22 : vector<400x128xf32>
    %get3A_24 = arith.constant 0 : index
    %get3A_25 = arith.constant 0 : index
    %get3A_26 = vector.load %arg5[%get3A_24, %get3A_25] : memref<128x128xf32, #tpu.memory_space<vmem>>, vector<128x128xf32>
    %dot_general3A = arith.constant dense<0.000000e+00> : vector<400x128xf32>
    %dot_general3A_27 = tpu.matmul %max3A_23, %get3A_26, %dot_general3A {dimension_numbers = #tpu.dot_dimension_numbers<[1], [0], [0], [1], [0, 0, 1, 1], [], []>, transpose_lhs_hint = false} : vector<400x128xf32>, vector<128x128xf32>, vector<400x128xf32> -> vector<400x128xf32>
    %mul3A_28 = vector.broadcast %get3A_1 : vector<400x1xf32> to vector<400x128xf32>
    %mul3A_29 = arith.mulf %mul3A_28, %dot_general3A_27 : vector<400x128xf32>
    %swap3A = arith.constant 0 : index
    %swap3A_30 = arith.constant 0 : index
    %swap3A_31 = vector.load %arg6[%swap3A, %swap3A_30] : memref<400x128xf32, #tpu.memory_space<vmem>>, vector<400x128xf32>
    tpu.vector_store %arg6[%swap3A, %swap3A_30], %mul3A_29 {strides = array<i32>} : memref<400x128xf32, #tpu.memory_space<vmem>>, vector<400x128xf32>,
    return
  }
  func.func @transform_0(%arg0: i32) -> (i32, i32, i32) {
    %c0_i32 = arith.constant 0 : i32
    %c0_i32_0 = arith.constant 0 : i32
    %c0_i32_1 = arith.constant 0 : i32
    return %c0_i32, %arg0, %c0_i32_0 : i32, i32, i32
  }
  func.func @transform_1(%arg0: i32) -> (i32, i32) {
    %c0_i32 = arith.constant 0 : i32
    %c0_i32_0 = arith.constant 0 : i32
    return %arg0, %c0_i32 : i32, i32
  }
  func.func @transform_2(%arg0: i32) -> (i32, i32) {
    %c0_i32 = arith.constant 0 : i32
    %c0_i32_0 = arith.constant 0 : i32
    return %arg0, %c0_i32 : i32, i32
  }
  func.func @transform_3(%arg0: i32) -> (i32, i32) {
    %c0_i32 = arith.constant 0 : i32
    %c0_i32_0 = arith.constant 0 : i32
    %c0_i32_1 = arith.constant 0 : i32
    return %c0_i32, %c0_i32_0 : i32, i32
  }
  func.func @transform_4(%arg0: i32) -> (i32, i32) {
    %c0_i32 = arith.constant 0 : i32
    %c0_i32_0 = arith.constant 0 : i32
    %c0_i32_1 = arith.constant 0 : i32
    return %c0_i32, %c0_i32_0 : i32, i32
  }
  func.func @transform_5(%arg0: i32) -> (i32, i32) {
    %c0_i32 = arith.constant 0 : i32
    %c0_i32_0 = arith.constant 0 : i32
    return %arg0, %c0_i32 : i32, i32
  }
}

module attributes {stable_mosaic.version = 14 : i64} {
  func.func @_tc_last_body(%arg0: i32, %arg1: memref<2x400x128xf32, #tpu.memory_space<vmem>>, %arg2: memref<400x128xf32, #tpu.memory_space<vmem>>, %arg3: memref<400x1xf32, #tpu.memory_space<vmem>>, %arg4: memref<1x128xf32, #tpu.memory_space<vmem>>, %arg5: memref<400x128xf32, #tpu.memory_space<vmem>>) attributes {dimension_semantics = [#tpu.dimension_semantics<arbitrary>], iteration_bounds = array<i64: 25>, scalar_prefetch = 0 : i64, scratch_operands = 0 : i64, tpu.core_type = #tpu.core_type<tc>, window_params = [{transform_indices = @transform_0, window_bounds = array<i64: 2, 400, 128>}, {transform_indices = @transform_1, window_bounds = array<i64: 400, 128>}, {transform_indices = @transform_2, window_bounds = array<i64: 400, 1>}, {pipeline_mode = #tpu.pipeline_mode<synchronous>, transform_indices = @transform_3, window_bounds = array<i64: 1, 128>}, {transform_indices = @transform_4, window_bounds = array<i64: 400, 128>}]} {
    %get3A = arith.constant 0 : index
    %get3A_0 = arith.constant 0 : index
    %get3A_1 = arith.constant 0 : index
    %get3A_2 = vector.load %arg1[%get3A, %get3A_0, %get3A_1] : memref<2x400x128xf32, #tpu.memory_space<vmem>>, vector<1x400x128xf32>
    %get3A_3 = vector.shape_cast %get3A_2 : vector<1x400x128xf32> to vector<400x128xf32>
    %get3A_4 = arith.constant 1 : index
    %get3A_5 = arith.constant 0 : index
    %get3A_6 = arith.constant 0 : index
    %get3A_7 = vector.load %arg1[%get3A_4, %get3A_5, %get3A_6] : memref<2x400x128xf32, #tpu.memory_space<vmem>>, vector<1x400x128xf32>
    %get3A_8 = vector.shape_cast %get3A_7 : vector<1x400x128xf32> to vector<400x128xf32>
    %add3A = arith.addf %get3A_3, %get3A_8 : vector<400x128xf32>
    %get3A_9 = arith.constant 0 : index
    %get3A_10 = arith.constant 0 : index
    %get3A_11 = vector.load %arg2[%get3A_9, %get3A_10] : memref<400x128xf32, #tpu.memory_space<vmem>>, vector<400x128xf32>
    %add3A_12 = arith.addf %add3A, %get3A_11 : vector<400x128xf32>
    %get3A_13 = arith.constant 0 : index
    %get3A_14 = arith.constant 0 : index
    %get3A_15 = vector.load %arg3[%get3A_13, %get3A_14] : memref<400x1xf32, #tpu.memory_space<vmem>>, vector<400x1xf32>
    %mul3A = vector.broadcast %get3A_15 : vector<400x1xf32> to vector<400x128xf32>
    %mul3A_16 = arith.mulf %add3A_12, %mul3A : vector<400x128xf32>
    %get3A_17 = arith.constant 0 : index
    %get3A_18 = arith.constant 0 : index
    %get3A_19 = vector.load %arg4[%get3A_17, %get3A_18] : memref<1x128xf32, #tpu.memory_space<vmem>>, vector<1x128xf32>
    %add3A_20 = vector.broadcast %get3A_19 : vector<1x128xf32> to vector<400x128xf32>
    %add3A_21 = arith.addf %mul3A_16, %add3A_20 : vector<400x128xf32>
    %swap3A = arith.constant 0 : index
    %swap3A_22 = arith.constant 0 : index
    %swap3A_23 = vector.load %arg5[%swap3A, %swap3A_22] : memref<400x128xf32, #tpu.memory_space<vmem>>, vector<400x128xf32>
    tpu.vector_store %arg5[%swap3A, %swap3A_22], %add3A_21 {strides = array<i32>} : memref<400x128xf32, #tpu.memory_space<vmem>>, vector<400x128xf32>,
    return
  }
  func.func @transform_0(%arg0: i32) -> (i32, i32, i32) {
    %c0_i32 = arith.constant 0 : i32
    %c0_i32_0 = arith.constant 0 : i32
    %c0_i32_1 = arith.constant 0 : i32
    return %c0_i32, %arg0, %c0_i32_0 : i32, i32, i32
  }
  func.func @transform_1(%arg0: i32) -> (i32, i32) {
    %c0_i32 = arith.constant 0 : i32
    %c0_i32_0 = arith.constant 0 : i32
    return %arg0, %c0_i32 : i32, i32
  }
  func.func @transform_2(%arg0: i32) -> (i32, i32) {
    %c0_i32 = arith.constant 0 : i32
    %c0_i32_0 = arith.constant 0 : i32
    return %arg0, %c0_i32 : i32, i32
  }
  func.func @transform_3(%arg0: i32) -> (i32, i32) {
    %c0_i32 = arith.constant 0 : i32
    %c0_i32_0 = arith.constant 0 : i32
    %c0_i32_1 = arith.constant 0 : i32
    return %c0_i32, %c0_i32_0 : i32, i32
  }
  func.func @transform_4(%arg0: i32) -> (i32, i32) {
    %c0_i32 = arith.constant 0 : i32
    %c0_i32_0 = arith.constant 0 : i32
    return %arg0, %c0_i32 : i32, i32
  }
}

</mosaic_0001>

<sc_bundles>
// kernel: kernel.10.cloned.1.call-start
scs
__scs_entry_jumppad:
0x0: {  	(pc) =	sbr.rel $0x88, $3  }
0x1: {  	(tag) =	ssettag $0x0;
	lr =	simm.s32 $0x1  }
0x2: {  	[smem:$0x3F99] =	sst lr;
	_ =	strace $0xD0000000  }
0x3: {  	_ = 	snop  }
0x4: {  	_ = 	snop  }
0x5: {  	_ = 	snop  }
0x6: {  	_ = 	snop  }
0x7: {  	_ = 	snop  }
__scs_overlays_trampoline_lowered:
0x8: {  	[smem:$0x3FA8] =	sst s0  }
0x9: {  	[smem:$0x3FA9] =	sst s1  }
0xa: {  	[smem:$0x3FAA] =	sst s2  }
0xb: {  	[smem:$0x3FAB] =	sst s3  }
0xc: {  	[smem:$0x3FAC] =	sst s4  }
0xd: {  	[smem:$0x3FAD] =	sst s5  }
0xe: {  	[smem:$0x3FAE] =	sst s6  }
0xf: {  	[smem:$0x3FAF] =	sst s7  }
0x10: {  	[smem:$0x3FB0] =	sst s8  }
0x11: {  	[smem:$0x3FB1] =	sst s9;
	s0 =	simm.s32 @!p0 $0x0  }
0x12: {  	s1 =	sld [smem:$0x3F97];
	s0 =	simm.s32 @p0 $0x1  }
0x13: {  	[smem:$0x3FB2] =	sst s0;
	s0 =	simm.s32 @!p1 $0x0  }
0x14: {  	s2 =	sld [smem:$0x3F96];
	s0 =	simm.s32 @p1 $0x1  }
0x15: {  	[smem:$0x3FB3] =	sst s0;
	s0 =	simm.s32 @!p2 $0x0  }
0x16: {  	s3 =	sld [smem:$0x3FDB];
	s0 =	simm.s32 @p2 $0x1  }
0x17: {  	s4 =	simm.s32 $0x1BF5;
	[smem:$0x3FB5] =	sst s0  }
0x18: {  	s0 =	sld [smem:$0x3F98];
	_ =	swait.ge [sflag:s4], $0x0  }
0x19: {  	s7 =	sld [smem:$0x3F99]  }
0x1a: {  	s8 =	sadd.s32 $0xFFFFE003, lr  }
0x1b: {  	s9 =	sadd.s32 $0xFFFFFEF7, lr;
	s5 =	simm.s32 $0xFFFFFFFF;
	p2 =	slt.u32 s8, $0xFFFFF086  }
0x1c: {  	p1 =	slt.u32 s9, $0xF7A;
	s5 =	simm.s32 @!p2 $0x0  }
0x1d: {  	s5 =	simm.s32 @p1 $0x1;
	p0 =	seq.s32 s7, s2  }
0x1e: {  	s7 =	smul.u32 @!p0 $0xF7A, s2;
	p2 =	seq.s32 @!p0 s5, $0x0  }
0x1f: {  	s9 =	smul.u32 $0xF7A, s1;
	s8 =	simm.s32 @!p0 $0x1BF5;
	p2 =	por !p2, p0  }
0x20: {  	[sflag:s8] =	ssyncset.s32 @!p0 $0xFFFFF086;
	s6 =	sadd.s32 @!p0 s3, s7;
	s7 =	simm.s32 @!p0 $0x108  }
0x21: {  	s3 =	sadd.s32 s3, s9;
	s6 =	sadd.s32 @!p0 $0x88, s6;
	s7 =	simm.s32 @p2 $0x1082  }
0x22: {  	[simem:s7], [sflag:s8] =	dma.local @!p0 [hbm:s6], $0xF7A  }
0x23: {  	s9 =	sor.u32 $0xD0000000, s2;
	s6 =	simm.s32 $0x108;
	_ =	swait.ge @!p0 [sflag:s8], $0x0  }
0x24: {  	s3 =	sadd.s32 $0x88, s3;
	s6 =	simm.s32 @!p1 $0x1082;
	[sflag:s4] =	ssyncset.s32 $0xFFFFF086  }
0x25: {  	[simem:s6], [sflag:s4] =	dma.local [hbm:s3], $0xF7A  }
0x26: {  	[smem:$0x3F99] =	sst s1;
	(tag) =	ssettag s2;
	_ =	strace s9  }
0x27: {  	s1 =	sld [smem:$0x3FA9]  }
0x28: {  	s2 =	sld [smem:$0x3FAA]  }
0x29: {  	s4 =	sld [smem:$0x3FAC]  }
0x2a: {  	p0 =	seq.s32 s5, $0x0;
	s5 =	sld [smem:$0x3FAD]  }
0x2b: {  	s6 =	sld [smem:$0x3FAE]  }
0x2c: {  	s7 =	sld [smem:$0x3FAF]  }
0x2d: {  	s3 =	simm.s32 $0x108;
	s8 =	sld [smem:$0x3FB0]  }
0x2e: {  	s3 =	simm.s32 @!p0 $0x1082;
	s9 =	sld [smem:$0x3FB1]  }
0x2f: {  	lr =	sadd.s32 s0, s3;
	s0 =	sld [smem:$0x3FA8]  }
0x30: {  	s3 =	sld [smem:$0x3FAB]  }
0x31: {  	[smem:$0x3FB4] =	sst s10  }
0x32: {  	s10 =	sld [smem:$0x3FB2];
	_ =	sdelay $0x3  }
0x33: {  	p0 =	seq.s32 s10, $0x1;
	s10 =	sld [smem:$0x3FB4];
	_ =	sdelay $0x3  }
0x34: {  	[smem:$0x3FB4] =	sst s10  }
0x35: {  	s10 =	sld [smem:$0x3FB3];
	_ =	sdelay $0x3  }
0x36: {  	p1 =	seq.s32 s10, $0x1;
	s10 =	sld [smem:$0x3FB4];
	_ =	sdelay $0x3  }
0x37: {  	[smem:$0x3FB4] =	sst s10  }
0x38: {  	s10 =	sld [smem:$0x3FB5]  }
0x39: {  	_ = 	snop;
	(pc) =	sbr.ind lr, $3  }
0x3a: {  	_ = 	snop  }
0x3b: {  	_ = 	snop  }
0x3c: {  	p2 =	seq.s32 s10, $0x1;
	s10 =	sld [smem:$0x3FB4]  }
0x3d: {  	_ =	shalt  }
0x3e: {  	_ =	shalt  }
0x3f: {  	_ =	shalt  }
0x40: {  	_ =	shalt  }
0x41: {  	_ =	shalt  }
0x42: {  	_ =	shalt  }
0x43: {  	_ =	shalt  }
0x44: {  	_ =	shalt  }
0x45: {  	_ =	shalt  }
0x46: {  	_ =	shalt  }
0x47: {  	_ =	shalt  }
0x48: {  	_ =	shalt  }
0x49: {  	_ =	shalt  }
0x4a: {  	_ =	shalt  }
0x4b: {  	_ =	shalt  }
0x4c: {  	_ =	shalt  }
0x4d: {  	_ =	shalt  }
0x4e: {  	_ =	shalt  }
0x4f: {  	_ =	shalt  }
0x50: {  	_ =	shalt  }
0x51: {  	_ =	shalt  }
0x52: {  	_ =	shalt  }
0x53: {  	_ =	shalt  }
0x54: {  	_ =	shalt  }
0x55: {  	_ =	shalt  }
0x56: {  	_ =	shalt  }
0x57: {  	_ =	shalt  }
0x58: {  	_ =	shalt  }
0x59: {  	_ =	shalt  }
0x5a: {  	_ =	shalt  }
0x5b: {  	_ =	shalt  }
0x5c: {  	_ =	shalt  }
0x5d: {  	_ =	shalt  }
0x5e: {  	_ =	shalt  }
0x5f: {  	_ =	shalt  }
0x60: {  	_ =	shalt  }
0x61: {  	_ =	shalt  }
0x62: {  	_ =	shalt  }
0x63: {  	_ =	shalt  }
0x64: {  	_ =	shalt  }
0x65: {  	_ =	shalt  }
0x66: {  	_ =	shalt  }
0x67: {  	_ =	shalt  }
0x68: {  	_ =	shalt  }
0x69: {  	_ =	shalt  }
0x6a: {  	_ =	shalt  }
0x6b: {  	_ =	shalt  }
0x6c: {  	_ =	shalt  }
0x6d: {  	_ =	shalt  }
0x6e: {  	_ =	shalt  }
0x6f: {  	_ =	shalt  }
0x70: {  	_ =	shalt  }
0x71: {  	_ =	shalt  }
0x72: {  	_ =	shalt  }
0x73: {  	_ =	shalt  }
0x74: {  	_ =	shalt  }
0x75: {  	_ =	shalt  }
0x76: {  	_ =	shalt  }
0x77: {  	_ =	shalt  }
0x78: {  	_ =	shalt  }
0x79: {  	_ =	shalt  }
0x7a: {  	_ =	shalt  }
0x7b: {  	_ =	shalt  }
0x7c: {  	_ =	shalt  }
0x7d: {  	_ =	shalt  }
0x7e: {  	_ =	shalt  }
0x7f: {  	_ =	shalt  }
0x80: {  	_ =	shalt  }
0x81: {  	_ =	shalt  }
0x82: {  	_ =	shalt  }
0x83: {  	_ =	shalt  }
0x84: {  	_ =	shalt  }
0x85: {  	_ =	shalt  }
0x86: {  	_ =	shalt  }
0x87: {  	_ =	shalt  }
.Lfunc_end0:
.L_simem_size_0:
called_computation_lowered:
.L_overlay_start_0:
0x88: {  	s2 =	sld [smem:$0x3FD9]  }
0x89: {  	s3 =	sld [smem:$0x3FFE];
	_ =	sdelay $0x1  }
0x8a: {  	s1 =	srdreg.scid  }
0x8b: {  	s0 =	sand.u32 $0x1, s1  }
0x8c: {  	s17 =	sshll.u32 s0, $0xA;
	s2 =	sadd.s32 s3, s2  }
0x8d: {  	s2 =	sadd.s32 s2, s17  }
0x8e: {  	[smem:$0x3FC0] =	sst s2  }
0x8f: {  	_ = 	snop  }
0x90: {  	s2 =	sld [smem:$0x3FD0];
	(tm) =	ssettm $0x1  }
0x91: {  	s18 =	sld [smem:$0x3FFB];
	_ =	sdelay $0x3  }
0x92: {  	_ =	strace s18  }
0x93: {  	s3 =	sld [smem:$0x3FFC];
	_ =	sdelay $0x3  }
0x94: {  	_ =	strace s3  }
0x95: {  	s3 =	sld [smem:$0x3FFD];
	_ =	sdelay $0x3  }
0x96: {  	_ =	strace s3  }
0x97: {  	_ =	strace $0x8FFFFFFF  }
0x98: {  	s19 =	sld [smem:$0x3FDB];
	_ =	sdelay $0x1  }
0x99: {  	s4 =	simm.s32 $_scs_section_size  }
0x9a: {  	s5 =	simm.s32 $_size__tile_overlayer_lowered;
	s6 =	simm.s32 $_tile_overlayer_lowered  }
0x9b: {  	s22 =	simm.s32 $0x1BFF;
	s21 =	sshll.u32 s6, $0x1;
	s3 =	sadd.s32 s4, s19  }
0x9c: {  	s7 =	simm.s32 $0x0;
	s20 =	sshll.u32 s5, $0x1;
	s5 =	sadd.s32 s21, s3  }
0x9d: {  	[timem:s7], [sflag:s22] =	dma.local [hbm:s5], s20  }
0x9e: {  	_ =	swait.ge [sflag:s22], s20  }
0x9f: {  	s4 =	ssub.s32 $0x0, s20;
	[sflag:s22] =	ssyncset.done $0x0  }
0xa0: {  	[sflag:s22] =	ssyncadd.s32 s4;
	_ =	sdelay $0x1  }
0xa1: {  	s23 =	simm.s32 $0x1B8B  }
0xa2: {  	_ =	swait.ge [sflag:s23], $0x1  }
0xa3: {  	[sflag:s23] =	ssyncset.done $0x0  }
0xa4: {  	s25 =	simm.s32 $0x1B8E;
	s24 =	sld [smem:$0x3FFE];
	[sflag:s23] =	ssyncadd.s32 $0xFFFFFFFF  }
0xa5: {  	s26 =	simm.s32 $execute0_lowered;
	[smem:$0x3FD2] =	sst s25  }
0xa6: {  	s5 =	sshll.u32 s26, $0x1;
	_ =	strace $0x80000046;
	[dreg:$0x1] =	wrdreg $0xFFFFFFFF  }
0xa7: {  	s28 =	simm.s32 $_size_execute0_lowered;
	s3 =	sadd.s32 s3, s5;
	[dreg:$0x0] =	wrdreg $0x0  }
0xa8: {  	s5 =	sshll.u32 s28, $0x1;
	[dreg:$0x2] =	wrdreg s3  }
0xa9: {  	[dreg:$0x3] =	wrdreg s5  }
0xaa: {  	[dreg:$0x4] =	wrdreg $0xC0  }
0xab: {  	_ =	task [dreg:s7], $0x5FFFF  }
0xac: {  	[dreg:$0x1] =	wrdreg $0xFFFFFFFF  }
0xad: {  	[dreg:$0x0] =	wrdreg $0x60  }
0xae: {  	[dreg:$0x2] =	wrdreg s24  }
0xaf: {  	[dreg:$0x3] =	wrdreg s2  }
0xb0: {  	[dreg:$0x4] =	wrdreg $0x68800  }
0xb1: {  	[dreg:$0x5] =	wrdreg $0x9  }
0xb2: {  	_ =	task.clear_ibuf [dreg:s7], $0x6FFFF;
	_ =	strace $0x90000046  }
0xb3: {  	s29 =	simm.s32 $0x9;
	_ =	strace $0x80000048  }
0xb4: {  	_ =	swait.ge [sflag:s29], $0x1  }
0xb5: {  	[sflag:s29] =	ssyncadd.s32 $0xFFFFFFFF  }
0xb6: {  	_ =	strace $0x90000048  }
0xb7: {  	_ =	sfence  }
0xb8: {  	s30 =	sld [smem:$0x0];
	_ =	sdelay $0x2  }
0xb9: {  	s31 =	sshll.u32 s1, $0xD;
	s1 =	sshrl.u32 s1, $0x2  }
0xba: {  	s3 =	sand.u32 $0x4000, s31;
	s1 =	sadd.s32 s1, s30  }
0xbb: {  	s0 =	sor.u32 s3, s0;
	s1 =	sshll.u32 s1, $0x11  }
0xbc: {  	s0 =	sor.u32 s1, s0  }
0xbd: {  	s0 =	sadd.s32 $0x8F2B, s0  }
0xbe: {  	[sflag:s0] =	ssyncadd.remote.s32 $0x1  }
0xbf: {  	_ =	sfence.sel $0xFFFF  }
0xc0: {  	[dreg:$0x0] =	wrdreg $0xFFFFFFFF;
	(pc) =	sbr.abs _section_cstart, $3  }
0xc1: {  	[dreg:$0x1] =	wrdreg $0xFFFFFFFF  }
0xc2: {  	_ =	task.clear_ibuf [dreg:s7], $0x2FFFF;
	_ =	strace $0x9FFFFFFF  }
0xc3: {  	(tm) =	ssettm $0x7FFFFFFF  }
tec
execute0_lowered:
.L_overlay_start_1:
0x0: {  	(tag) =	ssettag $0x1  }
0x1: {  	s6 =	rddreg [dreg:$0x0]  }
0x2: {  	s2 =	rddreg [dreg:$0x1]  }
0x3: {  	s0 =	srdreg.scid;
	s3 =	rddreg [dreg:$0x2]  }
0x4: {  	s4 =	simm.s32 $0x0;
	s13 =	simm.s32 $0x80;
	s5 =	sand.u32 $0x1, s0  }
0x5: {  	s14 =	simm.s32 $0x1;
	s0 =	stileid.u32;
	s8 =	smul.u32 $0x13C000, s5  }
0x6: {  	s15 =	simm.s32 $0x0;
	[smem:$0x7FF] =	sst s4;
	s9 =	smul.u32 $0x13C00, s0  }
0x7: {  	s1 =	sshll.u32 s5, $0x4;
	s30 =	ssub.s32 $0x2, s5;
	s10 =	smul.u32 $0x4F000, s0  }
0x8: {  	s5 =	sadd.s32 $0x17800, s6;
	s31 =	sshll.u32 s0, $0x6;
	s1 =	sor.u32 s0, s1  }
0x9: {  	s11 =	sshrl.u32 s30, $0x1;
	s7 =	smul.u32 $0x510, s1;
	s1 =	rddreg [dreg:$0x3]  }
0xa: {  	_ =	strace $0x80000047;
	s8 =	sadd.s32 s9, s8;
	s9 =	ssub.s32 s30, s11  }
0xb: {  	s10 =	sshrl.u32 s10, $0x2;
	s11 =	sor.u32 $0x1C02, s31;
	s8 =	sshrl.u32 s8, $0x3  }
0xc: {  	s12 =	sadd.s32 s10, s3;
	s10 =	simm.s32 $0x2880;
	s7 =	sadd.s32 s7, s6  }
0xd: {  	s8 =	sadd.s32 s8, s6;
	s12 =	sshrl.u32 s12, $0x3;
	s6 =	sadd.s32 $0x3400, s7  }
0xe: {  	s7 =	sadd.s32 $0x1A000, s8;
	s8 =	smax.u32 s9, $0x1;
	s9 =	simm.s32 $0x2  }
.LBB2_1:
0xf: {  	[tilespmem:s4], [sflag:$0x2] =	stream.linear.gather [hbm4b:s6+s4], $0x2880, $0x38;
	[tilespmem:$0x1A480] =	vst v63  }
0x10: {  	_ =	swait.ge [sflag:s9], $0x2880  }
0x11: {  	[sflag:s9] =	ssyncset.done $0x0  }
0x12: {  	[sflag:s9] =	ssyncadd.s32 $0xFFFFD780  }
0x13: {  	[tilespmem:s10], [sflag:$0x2] =	stream.linear.gather [hbm4b:s2+s4], $0x4000, $0x38;
	[tilespmem:$0x1A480] =	vst v63  }
0x14: {  	_ =	swait.ge [sflag:s9], $0x4000  }
0x15: {  	[sflag:s9] =	ssyncset.done $0x0  }
0x16: {  	[sflag:s9] =	ssyncadd.s32 $0xFFFFC000  }
0x17: {  	[spmem:s12], [sflag:s11] =	dma.local [hbm:s5], $0x2780  }
0x18: {  	_ =	swait.ge [sflag:s9], $0x2780  }
0x19: {  	[sflag:s9] =	ssyncset.done $0x0  }
0x1a: {  	[sflag:s9] =	ssyncadd.s32 $0xFFFFD880  }
0x1b: {  	s16 =	simm.s32 $0x0;
	[bflag:$0x0] =	sbarrier.arrive $0xFFFF  }
.LBB2_2:
0x1c: {  	p0 =	sne.s32 s16, $0xA000  }
.Ltmp0:
0x1d: {  	_ = 	snop;
	(pc) =	sbr.rel @p0 .LBB2_2-.Ltmp0, $3  }
0x1e: {  	_ =	sdelay $0x1  }
0x1f: {  	s17 =	sshra.s32 s16, $0x2;
	s16 =	sadd.s32 $0x200, s16  }
0x20: {  	[spmem:s3] =	stream.indirect.scatter.add.f32 [tilespmem:s10], [sflag:$0x1], $0x80, s17, s13, $0xb8;
	[tilespmem:$0x1A480] =	vst v63  }
0x21: {  	_ =	swait.ge [sflag:s14], $0x4000  }
0x22: {  	s16 =	simm.s32 $0x50;
	[sflag:s14] =	ssyncset.done $0x0  }
.LBB2_4:
0x23: {  	p0 =	sne.s32 s16, $0x1;
	s16 =	sadd.s32 $0xFFFFFFFF, s16;
	[sflag:s14] =	ssyncadd.s32 $0xFFFFC000  }
.Ltmp1:
0x24: {  	(pc) =	sbr.rel @p0 .LBB2_4-.Ltmp1, $3  }
0x25: {  	_ =	sdelay $0x1  }
0x26: {  	_ =	swait.ge [sflag:s14], $0x4000  }
0x27: {  	[sflag:s14] =	ssyncset.done $0x0  }
0x28: {  	s15 =	sadd.s32 $0x1, s15  }
0x29: {  	[sflag:s14] =	ssyncadd.s32 $0xFFFFC000;
	p0 =	sne.s32 s15, s8  }
.Ltmp2:
0x2a: {  	[bflag:$0x0] =	sbarrier.arrive $0xFFFF;
	(pc) =	sbr.rel @p0 .LBB2_1-.Ltmp2, $4  }
0x2b: {  	[hbm:s7], [sflag:s11] =	dma.local [spmem:s12], $0x2780  }
0x2c: {  	_ =	swait.ge [sflag:s9], $0x2780  }
0x2d: {  	[sflag:s9] =	ssyncset.done $0x0  }
0x2e: {  	[sflag:s9] =	ssyncadd.s32 $0xFFFFD880  }
0x2f: {  	_ =	sfence.sel $0x180000  }
0x30: {  	[bflag:$0x0] =	sbarrier.arrive $0xFFFF  }
0x31: {  	p0 =	sne.s32 s0, $0x0;
	_ =	strace $0x90000047  }
0x32: {  	s0 =	sadd.s32 @!p0 $0x100000, s1;
	[bflag:$0x2] =	sbarrier.arrive $0xFFFF  }
0x33: {  	[sflag:s0] =	ssyncadd.tile.s32 @!p0 $0x1;
	_ =	shalt  }
.Lfunc_end2:
_tile_overlayer_lowered:
.L_overlay_start_2:
0x34: {  	(tag) =	ssettag $0x2  }
0x35: {  	s0 =	rddreg [dreg:$0x0];
	s2 =	stileid.u32  }
0x36: {  	s1 =	rddreg [dreg:$0x1];
	p0 =	sne.s32 s2, $0x0  }
0x37: {  	s3 =	rddreg [dreg:$0x2];
	[bflag:$0x3] =	sbarrier.arrive $0xFFFF;
	s2 =	simm.s32 @!p0 $0x1C02  }
0x38: {  	[timem:s3], [sflag:s2] =	dma.local @!p0 [hbm:s0], s1  }
0x39: {  	s0 =	simm.s32 @!p0 $0x2  }
0x3a: {  	_ =	swait.ge @!p0 [sflag:s0], s1  }
0x3b: {  	s1 =	ssub.s32 @!p0 $0x0, s1;
	[sflag:s0] =	ssyncset.done @!p0 $0x0  }
0x3c: {  	[sflag:s0] =	ssyncadd.s32 @!p0 s1  }
0x3d: {  	[bflag:$0x3] =	sbarrier.arrive $0xFFFF  }
0x3e: {  	_ =	shalt  }

// kernel: kernel.13.cloned.1.call-start
scs
__scs_entry_jumppad:
0x0: {  	(pc) =	sbr.rel $0x88, $3  }
0x1: {  	(tag) =	ssettag $0x0;
	lr =	simm.s32 $0x1  }
0x2: {  	[smem:$0x3F99] =	sst lr;
	_ =	strace $0xD0000000  }
0x3: {  	_ = 	snop  }
0x4: {  	_ = 	snop  }
0x5: {  	_ = 	snop  }
0x6: {  	_ = 	snop  }
0x7: {  	_ = 	snop  }
__scs_overlays_trampoline_lowered:
0x8: {  	[smem:$0x3FA8] =	sst s0  }
0x9: {  	[smem:$0x3FA9] =	sst s1  }
0xa: {  	[smem:$0x3FAA] =	sst s2  }
0xb: {  	[smem:$0x3FAB] =	sst s3  }
0xc: {  	[smem:$0x3FAC] =	sst s4  }
0xd: {  	[smem:$0x3FAD] =	sst s5  }
0xe: {  	[smem:$0x3FAE] =	sst s6  }
0xf: {  	[smem:$0x3FAF] =	sst s7  }
0x10: {  	[smem:$0x3FB0] =	sst s8  }
0x11: {  	[smem:$0x3FB1] =	sst s9;
	s0 =	simm.s32 @!p0 $0x0  }
0x12: {  	s1 =	sld [smem:$0x3F97];
	s0 =	simm.s32 @p0 $0x1  }
0x13: {  	[smem:$0x3FB2] =	sst s0;
	s0 =	simm.s32 @!p1 $0x0  }
0x14: {  	s2 =	sld [smem:$0x3F96];
	s0 =	simm.s32 @p1 $0x1  }
0x15: {  	[smem:$0x3FB3] =	sst s0;
	s0 =	simm.s32 @!p2 $0x0  }
0x16: {  	s3 =	sld [smem:$0x3FDB];
	s0 =	simm.s32 @p2 $0x1  }
0x17: {  	s4 =	simm.s32 $0x1BF5;
	[smem:$0x3FB5] =	sst s0  }
0x18: {  	s0 =	sld [smem:$0x3F98];
	_ =	swait.ge [sflag:s4], $0x0  }
0x19: {  	s7 =	sld [smem:$0x3F99]  }
0x1a: {  	s8 =	sadd.s32 $0xFFFFE003, lr  }
0x1b: {  	s9 =	sadd.s32 $0xFFFFFEF7, lr;
	s5 =	simm.s32 $0xFFFFFFFF;
	p2 =	slt.u32 s8, $0xFFFFF086  }
0x1c: {  	p1 =	slt.u32 s9, $0xF7A;
	s5 =	simm.s32 @!p2 $0x0  }
0x1d: {  	s5 =	simm.s32 @p1 $0x1;
	p0 =	seq.s32 s7, s2  }
0x1e: {  	s7 =	smul.u32 @!p0 $0xF7A, s2;
	p2 =	seq.s32 @!p0 s5, $0x0  }
0x1f: {  	s9 =	smul.u32 $0xF7A, s1;
	s8 =	simm.s32 @!p0 $0x1BF5;
	p2 =	por !p2, p0  }
0x20: {  	[sflag:s8] =	ssyncset.s32 @!p0 $0xFFFFF086;
	s6 =	sadd.s32 @!p0 s3, s7;
	s7 =	simm.s32 @!p0 $0x108  }
0x21: {  	s3 =	sadd.s32 s3, s9;
	s6 =	sadd.s32 @!p0 $0x88, s6;
	s7 =	simm.s32 @p2 $0x1082  }
0x22: {  	[simem:s7], [sflag:s8] =	dma.local @!p0 [hbm:s6], $0xF7A  }
0x23: {  	s9 =	sor.u32 $0xD0000000, s2;
	s6 =	simm.s32 $0x108;
	_ =	swait.ge @!p0 [sflag:s8], $0x0  }
0x24: {  	s3 =	sadd.s32 $0x88, s3;
	s6 =	simm.s32 @!p1 $0x1082;
	[sflag:s4] =	ssyncset.s32 $0xFFFFF086  }
0x25: {  	[simem:s6], [sflag:s4] =	dma.local [hbm:s3], $0xF7A  }
0x26: {  	[smem:$0x3F99] =	sst s1;
	(tag) =	ssettag s2;
	_ =	strace s9  }
0x27: {  	s1 =	sld [smem:$0x3FA9]  }
0x28: {  	s2 =	sld [smem:$0x3FAA]  }
0x29: {  	s4 =	sld [smem:$0x3FAC]  }
0x2a: {  	p0 =	seq.s32 s5, $0x0;
	s5 =	sld [smem:$0x3FAD]  }
0x2b: {  	s6 =	sld [smem:$0x3FAE]  }
0x2c: {  	s7 =	sld [smem:$0x3FAF]  }
0x2d: {  	s3 =	simm.s32 $0x108;
	s8 =	sld [smem:$0x3FB0]  }
0x2e: {  	s3 =	simm.s32 @!p0 $0x1082;
	s9 =	sld [smem:$0x3FB1]  }
0x2f: {  	lr =	sadd.s32 s0, s3;
	s0 =	sld [smem:$0x3FA8]  }
0x30: {  	s3 =	sld [smem:$0x3FAB]  }
0x31: {  	[smem:$0x3FB4] =	sst s10  }
0x32: {  	s10 =	sld [smem:$0x3FB2];
	_ =	sdelay $0x3  }
0x33: {  	p0 =	seq.s32 s10, $0x1;
	s10 =	sld [smem:$0x3FB4];
	_ =	sdelay $0x3  }
0x34: {  	[smem:$0x3FB4] =	sst s10  }
0x35: {  	s10 =	sld [smem:$0x3FB3];
	_ =	sdelay $0x3  }
0x36: {  	p1 =	seq.s32 s10, $0x1;
	s10 =	sld [smem:$0x3FB4];
	_ =	sdelay $0x3  }
0x37: {  	[smem:$0x3FB4] =	sst s10  }
0x38: {  	s10 =	sld [smem:$0x3FB5]  }
0x39: {  	_ = 	snop;
	(pc) =	sbr.ind lr, $3  }
0x3a: {  	_ = 	snop  }
0x3b: {  	_ = 	snop  }
0x3c: {  	p2 =	seq.s32 s10, $0x1;
	s10 =	sld [smem:$0x3FB4]  }
0x3d: {  	_ =	shalt  }
0x3e: {  	_ =	shalt  }
0x3f: {  	_ =	shalt  }
0x40: {  	_ =	shalt  }
0x41: {  	_ =	shalt  }
0x42: {  	_ =	shalt  }
0x43: {  	_ =	shalt  }
0x44: {  	_ =	shalt  }
0x45: {  	_ =	shalt  }
0x46: {  	_ =	shalt  }
0x47: {  	_ =	shalt  }
0x48: {  	_ =	shalt  }
0x49: {  	_ =	shalt  }
0x4a: {  	_ =	shalt  }
0x4b: {  	_ =	shalt  }
0x4c: {  	_ =	shalt  }
0x4d: {  	_ =	shalt  }
0x4e: {  	_ =	shalt  }
0x4f: {  	_ =	shalt  }
0x50: {  	_ =	shalt  }
0x51: {  	_ =	shalt  }
0x52: {  	_ =	shalt  }
0x53: {  	_ =	shalt  }
0x54: {  	_ =	shalt  }
0x55: {  	_ =	shalt  }
0x56: {  	_ =	shalt  }
0x57: {  	_ =	shalt  }
0x58: {  	_ =	shalt  }
0x59: {  	_ =	shalt  }
0x5a: {  	_ =	shalt  }
0x5b: {  	_ =	shalt  }
0x5c: {  	_ =	shalt  }
0x5d: {  	_ =	shalt  }
0x5e: {  	_ =	shalt  }
0x5f: {  	_ =	shalt  }
0x60: {  	_ =	shalt  }
0x61: {  	_ =	shalt  }
0x62: {  	_ =	shalt  }
0x63: {  	_ =	shalt  }
0x64: {  	_ =	shalt  }
0x65: {  	_ =	shalt  }
0x66: {  	_ =	shalt  }
0x67: {  	_ =	shalt  }
0x68: {  	_ =	shalt  }
0x69: {  	_ =	shalt  }
0x6a: {  	_ =	shalt  }
0x6b: {  	_ =	shalt  }
0x6c: {  	_ =	shalt  }
0x6d: {  	_ =	shalt  }
0x6e: {  	_ =	shalt  }
0x6f: {  	_ =	shalt  }
0x70: {  	_ =	shalt  }
0x71: {  	_ =	shalt  }
0x72: {  	_ =	shalt  }
0x73: {  	_ =	shalt  }
0x74: {  	_ =	shalt  }
0x75: {  	_ =	shalt  }
0x76: {  	_ =	shalt  }
0x77: {  	_ =	shalt  }
0x78: {  	_ =	shalt  }
0x79: {  	_ =	shalt  }
0x7a: {  	_ =	shalt  }
0x7b: {  	_ =	shalt  }
0x7c: {  	_ =	shalt  }
0x7d: {  	_ =	shalt  }
0x7e: {  	_ =	shalt  }
0x7f: {  	_ =	shalt  }
0x80: {  	_ =	shalt  }
0x81: {  	_ =	shalt  }
0x82: {  	_ =	shalt  }
0x83: {  	_ =	shalt  }
0x84: {  	_ =	shalt  }
0x85: {  	_ =	shalt  }
0x86: {  	_ =	shalt  }
0x87: {  	_ =	shalt  }
.Lfunc_end0:
.L_simem_size_0:
called_computation.1_lowered:
.L_overlay_start_0:
0x88: {  	s2 =	sld [smem:$0x3FD9]  }
0x89: {  	s3 =	sld [smem:$0x3FFE];
	_ =	sdelay $0x1  }
0x8a: {  	s1 =	srdreg.scid  }
0x8b: {  	s0 =	sand.u32 $0x1, s1  }
0x8c: {  	s17 =	sshll.u32 s0, $0xA;
	s2 =	sadd.s32 s3, s2  }
0x8d: {  	s2 =	sadd.s32 s2, s17  }
0x8e: {  	[smem:$0x3FC0] =	sst s2  }
0x8f: {  	_ = 	snop  }
0x90: {  	s2 =	sld [smem:$0x3FD0];
	(tm) =	ssettm $0x1  }
0x91: {  	s18 =	sld [smem:$0x3FFB];
	_ =	sdelay $0x3  }
0x92: {  	_ =	strace s18  }
0x93: {  	s3 =	sld [smem:$0x3FFC];
	_ =	sdelay $0x3  }
0x94: {  	_ =	strace s3  }
0x95: {  	s3 =	sld [smem:$0x3FFD];
	_ =	sdelay $0x3  }
0x96: {  	_ =	strace s3  }
0x97: {  	_ =	strace $0x8FFFFFFF  }
0x98: {  	s19 =	sld [smem:$0x3FDB];
	_ =	sdelay $0x1  }
0x99: {  	s4 =	simm.s32 $_scs_section_size  }
0x9a: {  	s5 =	simm.s32 $_size__tile_overlayer_lowered;
	s6 =	simm.s32 $_tile_overlayer_lowered  }
0x9b: {  	s22 =	simm.s32 $0x1BFF;
	s21 =	sshll.u32 s6, $0x1;
	s3 =	sadd.s32 s4, s19  }
0x9c: {  	s7 =	simm.s32 $0x0;
	s20 =	sshll.u32 s5, $0x1;
	s5 =	sadd.s32 s21, s3  }
0x9d: {  	[timem:s7], [sflag:s22] =	dma.local [hbm:s5], s20  }
0x9e: {  	_ =	swait.ge [sflag:s22], s20  }
0x9f: {  	s4 =	ssub.s32 $0x0, s20;
	[sflag:s22] =	ssyncset.done $0x0  }
0xa0: {  	[sflag:s22] =	ssyncadd.s32 s4;
	_ =	sdelay $0x1  }
0xa1: {  	s23 =	simm.s32 $0x1B8B  }
0xa2: {  	_ =	swait.ge [sflag:s23], $0x1  }
0xa3: {  	[sflag:s23] =	ssyncset.done $0x0  }
0xa4: {  	s25 =	simm.s32 $0x1B8E;
	s24 =	sld [smem:$0x3FFE];
	[sflag:s23] =	ssyncadd.s32 $0xFFFFFFFF  }
0xa5: {  	s26 =	simm.s32 $execute0_lowered;
	[smem:$0x3FD2] =	sst s25  }
0xa6: {  	s5 =	sshll.u32 s26, $0x1;
	_ =	strace $0x80000049;
	[dreg:$0x1] =	wrdreg $0xFFFFFFFF  }
0xa7: {  	s28 =	simm.s32 $_size_execute0_lowered;
	s3 =	sadd.s32 s3, s5;
	[dreg:$0x0] =	wrdreg $0x0  }
0xa8: {  	s5 =	sshll.u32 s28, $0x1;
	[dreg:$0x2] =	wrdreg s3  }
0xa9: {  	[dreg:$0x3] =	wrdreg s5  }
0xaa: {  	[dreg:$0x4] =	wrdreg $0xC0  }
0xab: {  	_ =	task [dreg:s7], $0x5FFFF  }
0xac: {  	[dreg:$0x1] =	wrdreg $0xFFFFFFFF  }
0xad: {  	[dreg:$0x0] =	wrdreg $0x60  }
0xae: {  	[dreg:$0x2] =	wrdreg s2  }
0xaf: {  	[dreg:$0x3] =	wrdreg s24  }
0xb0: {  	[dreg:$0x4] =	wrdreg $0xC3000  }
0xb1: {  	[dreg:$0x5] =	wrdreg $0x9  }
0xb2: {  	_ =	task.clear_ibuf [dreg:s7], $0x6FFFF;
	_ =	strace $0x90000049  }
0xb3: {  	s29 =	simm.s32 $0x9;
	_ =	strace $0x8000004B  }
0xb4: {  	_ =	swait.ge [sflag:s29], $0x1  }
0xb5: {  	[sflag:s29] =	ssyncadd.s32 $0xFFFFFFFF  }
0xb6: {  	_ =	strace $0x9000004B  }
0xb7: {  	_ =	sfence  }
0xb8: {  	s30 =	sld [smem:$0x0];
	_ =	sdelay $0x2  }
0xb9: {  	s31 =	sshll.u32 s1, $0xD;
	s1 =	sshrl.u32 s1, $0x2  }
0xba: {  	s3 =	sand.u32 $0x4000, s31;
	s1 =	sadd.s32 s1, s30  }
0xbb: {  	s0 =	sor.u32 s3, s0;
	s1 =	sshll.u32 s1, $0x11  }
0xbc: {  	s0 =	sor.u32 s1, s0  }
0xbd: {  	s0 =	sadd.s32 $0x8F2B, s0  }
0xbe: {  	[sflag:s0] =	ssyncadd.remote.s32 $0x1  }
0xbf: {  	_ =	sfence.sel $0xFFFF  }
0xc0: {  	[dreg:$0x0] =	wrdreg $0xFFFFFFFF;
	(pc) =	sbr.abs _section_cstart, $3  }
0xc1: {  	[dreg:$0x1] =	wrdreg $0xFFFFFFFF  }
0xc2: {  	_ =	task.clear_ibuf [dreg:s7], $0x2FFFF;
	_ =	strace $0x9FFFFFFF  }
0xc3: {  	(tm) =	ssettm $0x7FFFFFFF  }
tec
execute0_lowered:
.L_overlay_start_1:
0x0: {  	(tag) =	ssettag $0x1  }
0x1: {  	s1 =	rddreg [dreg:$0x0]  }
0x2: {  	s0 =	rddreg [dreg:$0x1]  }
0x3: {  	s2 =	rddreg [dreg:$0x2];
	s4 =	simm.s32 $0x0  }
0x4: {  	s3 =	srdreg.scid;
	s13 =	stileid.u32;
	s28 =	simm.s32 $0x3  }
0x5: {  	s29 =	simm.s32 $0x8300;
	s30 =	simm.s32 $0x7;
	s31 =	simm.s32 $0x4  }
0x6: {  	[smem:$0x7FF] =	sst s4;
	s3 =	sand.u32 $0x1, s3;
	s7 =	smul.u32 $0x13C00, s13  }
0x7: {  	s6 =	sadd.s32 $0xD600, s0;
	s8 =	sadd.s32 $0x3400, s0;
	s21 =	smul.u32 $0x4F000, s13  }
0x8: {  	s9 =	sadd.s32 $0x17800, s0;
	s24 =	sshll.u32 s13, $0x6;
	s25 =	smul.u32 $0x51, s13  }
0x9: {  	s5 =	smul.u32 $0x13C000, s3;
	_ =	strace $0x8000004A;
	s19 =	sshll.u32 s3, $0x4  }
0xa: {  	s10 =	ssub.s32 $0x2, s3;
	s3 =	smul.u32 $0x510, s3;
	s20 =	sor.u32 s13, s19  }
0xb: {  	[dreg:$0x9] =	wrdreg s9;
	s22 =	sshrl.u32 s10, $0x1;
	s11 =	smul.u32 $0x510, s20  }
0xc: {  	s23 =	sshrl.u32 s21, $0x2;
	s5 =	sadd.s32 s7, s5;
	s12 =	smul.u32 $0x2880, s20  }
0xd: {  	s7 =	sadd.s32 s23, s2;
	s3 =	sadd.s32 s25, s3;
	s5 =	sshrl.u32 s5, $0x3  }
0xe: {  	[dreg:$0xa] =	wrdreg s7;
	s7 =	sor.u32 $0x1C0D, s24;
	s3 =	sshll.u32 s3, $0x4  }
0xf: {  	s0 =	sadd.s32 s5, s0;
	s5 =	ssub.s32 s10, s22;
	s26 =	sadd.s32 s6, s11  }
0x10: {  	s13 =	sshrl.u32 s12, $0x3;
	s11 =	sadd.s32 s8, s11;
	s19 =	sadd.s32 $0x50, s3  }
0x11: {  	s22 =	sadd.s32 $0x40, s3;
	s25 =	sadd.s32 s3, s6;
	[dreg:$0xb] =	wrdreg s26  }
0x12: {  	s3 =	sadd.s32 s3, s8;
	s10 =	simm.s32 $0xC;
	[dreg:$0xc] =	wrdreg s11  }
0x13: {  	s14 =	sadd.s32 $0x10, s13;
	s16 =	sadd.s32 $0x20, s13;
	s0 =	sadd.s32 $0x1A000, s0  }
0x14: {  	s20 =	sadd.s32 s19, s6;
	s21 =	sadd.s32 s19, s8;
	[dreg:$0x11] =	wrdreg s0  }
0x15: {  	s5 =	smax.u32 s5, $0x1;
	s23 =	sadd.s32 s22, s6;
	[dreg:$0x4] =	wrdreg s20  }
0x16: {  	s24 =	sadd.s32 s22, s8;
	s26 =	sadd.s32 $0x30, s25;
	[dreg:$0x12] =	wrdreg s5  }
0x17: {  	s19 =	simm.s32 $0x80;
	s22 =	simm.s32 $0x280;
	[dreg:$0x5] =	wrdreg s21  }
0x18: {  	s25 =	simm.s32 $0x2;
	s11 =	simm.s32 $0x0;
	[dreg:$0x6] =	wrdreg s23  }
0x19: {  	s15 =	sadd.s32 s6, s14;
	s17 =	sadd.s32 s8, s14;
	[dreg:$0x7] =	wrdreg s24  }
0x1a: {  	s18 =	sadd.s32 s6, s16;
	s9 =	sadd.s32 s8, s16;
	[dreg:$0x8] =	wrdreg s26  }
0x1b: {  	s16 =	sadd.s32 $0x30, s3;
	s20 =	simm.s32 $0x200;
	s21 =	simm.s32 $0x100  }
0x1c: {  	s23 =	simm.s32 $0x1;
	s24 =	simm.s32 $0x300;
	[dreg:$0xd] =	wrdreg s15  }
0x1d: {  	s26 =	simm.s32 $0x4300;
	s0 =	simm.s32 $0x8;
	[dreg:$0xe] =	wrdreg s17  }
0x1e: {  	s3 =	simm.s32 $0x5;
	s5 =	simm.s32 $0x9;
	[dreg:$0xf] =	wrdreg s18  }
0x1f: {  	s6 =	simm.s32 $0x6;
	s8 =	simm.s32 $0xA;
	[dreg:$0x10] =	wrdreg s9  }
0x20: {  	s17 =	simm.s32 $0xD;
	s18 =	simm.s32 $0x180;
	s9 =	simm.s32 $0xB  }
.LBB2_1:
0x21: {  	s12 =	rddreg [dreg:$0xa]  }
0x22: {  	s13 =	rddreg [dreg:$0x9];
	s12 =	sshrl.u32 s12, $0x3  }
0x23: {  	[spmem:s12], [sflag:s7] =	dma.local [hbm:s13], $0x2780  }
0x24: {  	_ =	swait.ge [sflag:s17], $0x2780  }
0x25: {  	[sflag:s17] =	ssyncset.done $0x0  }
0x26: {  	[sflag:s17] =	ssyncadd.s32 $0xFFFFD880  }
0x27: {  	[bflag:$0x0] =	sbarrier.arrive $0xFFFF  }
0x28: {  	s14 =	rddreg [dreg:$0xb]  }
0x29: {  	[tilespmem:s4], [sflag:$0x1] =	stream.linear.gather [hbm4b:s14+s4], $0x80, $0x38;
	[tilespmem:$0x1FF00] =	vst v63  }
0x2a: {  	s15 =	rddreg [dreg:$0xc]  }
0x2b: {  	[tilespmem:s18], [sflag:$0x4] =	stream.linear.gather [hbm4b:s15+s4], $0x80, $0x38;
	[tilespmem:$0x1FF00] =	vst v63  }
0x2c: {  	s14 =	rddreg [dreg:$0xd]  }
0x2d: {  	[tilespmem:s19], [sflag:$0x2] =	stream.linear.gather [hbm4b:s14+s4], $0x80, $0x38;
	[tilespmem:$0x1FF00] =	vst v63  }
0x2e: {  	s15 =	rddreg [dreg:$0xe]  }
0x2f: {  	[tilespmem:s20], [sflag:$0x5] =	stream.linear.gather [hbm4b:s15+s4], $0x80, $0x38;
	[tilespmem:$0x1FF00] =	vst v63  }
0x30: {  	s14 =	rddreg [dreg:$0xf]  }
0x31: {  	[tilespmem:s21], [sflag:$0x3] =	stream.linear.gather [hbm4b:s14+s4], $0x80, $0x38;
	[tilespmem:$0x1FF00] =	vst v63  }
0x32: {  	s15 =	rddreg [dreg:$0x10]  }
0x33: {  	[tilespmem:s22], [sflag:$0x6] =	stream.linear.gather [hbm4b:s15+s4], $0x80, $0x38;
	[tilespmem:$0x1FF00] =	vst v63  }
0x34: {  	_ =	swait.ge [sflag:s23], $0x80  }
0x35: {  	[sflag:s23] =	ssyncset.done $0x0  }
0x36: {  	[sflag:s23] =	ssyncadd.s32 $0xFFFFFF80  }
0x37: {  	[tilespmem:s24], [sflag:$0x7] =	stream.indirect.gather [hbm4b:s1+s19], $0x80, s4, s19, $0xb8;
	[tilespmem:$0x1FF00] =	vst v63  }
0x38: {  	_ =	swait.ge [sflag:s25], $0x80  }
0x39: {  	[sflag:s25] =	ssyncset.done $0x0  }
0x3a: {  	[sflag:s25] =	ssyncadd.s32 $0xFFFFFF80  }
0x3b: {  	[tilespmem:s26], [sflag:$0x8] =	stream.indirect.gather [hbm4b:s1+s19], $0x80, s19, s19, $0xb8;
	[tilespmem:$0x1FF00] =	vst v63  }
0x3c: {  	_ =	swait.ge [sflag:s28], $0x80  }
0x3d: {  	[sflag:s28] =	ssyncset.done $0x0  }
0x3e: {  	[sflag:s28] =	ssyncadd.s32 $0xFFFFFF80  }
0x3f: {  	[tilespmem:s29], [sflag:$0x9] =	stream.indirect.gather [hbm4b:s1+s19], $0x80, s21, s19, $0xb8;
	[tilespmem:$0x1FF00] =	vst v63  }
0x40: {  	_ =	swait.ge [sflag:s30], $0x4000  }
0x41: {  	s14 =	rddreg [dreg:$0x8];
	[sflag:s30] =	ssyncset.done $0x0  }
0x42: {  	[sflag:s30] =	ssyncadd.s32 $0xFFFFC000;
	s13 =	sadd.s32 $0x0, s14  }
0x43: {  	[tilespmem:s4], [sflag:$0x1] =	stream.linear.gather [hbm4b:s13+s4], $0x80, $0x38;
	[tilespmem:$0x1FF00] =	vst v63  }
0x44: {  	_ =	swait.ge [sflag:s31], $0x80  }
0x45: {  	[sflag:s31] =	ssyncset.done $0x0  }
0x46: {  	[sflag:s31] =	ssyncadd.s32 $0xFFFFFF80  }
0x47: {  	[spmem:s2] =	stream.indirect.scatter.add.f32 [tilespmem:s24], [sflag:$0xA], $0x80, s18, s19, $0xb8;
	[tilespmem:$0x1FF00] =	vst v63  }
0x48: {  	_ =	swait.ge [sflag:s0], $0x4000  }
0x49: {  	s15 =	rddreg [dreg:$0x6];
	[sflag:s0] =	ssyncset.done $0x0  }
0x4a: {  	[sflag:s0] =	ssyncadd.s32 $0xFFFFC000;
	s13 =	sadd.s32 $0x0, s15  }
0x4b: {  	[tilespmem:s19], [sflag:$0x2] =	stream.linear.gather [hbm4b:s13+s4], $0x80, $0x38;
	[tilespmem:$0x1FF00] =	vst v63  }
0x4c: {  	_ =	swait.ge [sflag:s3], $0x80  }
0x4d: {  	[sflag:s3] =	ssyncset.done $0x0  }
0x4e: {  	[sflag:s3] =	ssyncadd.s32 $0xFFFFFF80  }
0x4f: {  	[spmem:s2] =	stream.indirect.scatter.add.f32 [tilespmem:s26], [sflag:$0xB], $0x80, s20, s19, $0xb8;
	[tilespmem:$0x1FF00] =	vst v63  }
0x50: {  	_ =	swait.ge [sflag:s5], $0x4000  }
0x51: {  	s14 =	rddreg [dreg:$0x4];
	[sflag:s5] =	ssyncset.done $0x0  }
0x52: {  	[sflag:s5] =	ssyncadd.s32 $0xFFFFC000;
	s13 =	sadd.s32 $0x0, s14  }
0x53: {  	[tilespmem:s21], [sflag:$0x3] =	stream.linear.gather [hbm4b:s13+s4], $0x80, $0x38;
	[tilespmem:$0x1FF00] =	vst v63  }
0x54: {  	_ =	swait.ge [sflag:s6], $0x80  }
0x55: {  	[sflag:s6] =	ssyncset.done $0x0  }
0x56: {  	[sflag:s6] =	ssyncadd.s32 $0xFFFFFF80  }
0x57: {  	[spmem:s2] =	stream.indirect.scatter.add.f32 [tilespmem:s29], [sflag:$0xC], $0x80, s22, s19, $0xb8;
	[tilespmem:$0x1FF00] =	vst v63  }
0x58: {  	_ =	swait.ge [sflag:s8], $0x4000  }
0x59: {  	[sflag:s8] =	ssyncset.done $0x0  }
0x5a: {  	s15 =	sadd.s32 $0x0, s16;
	[sflag:s8] =	ssyncadd.s32 $0xFFFFC000  }
0x5b: {  	[tilespmem:s18], [sflag:$0x4] =	stream.linear.gather [hbm4b:s15+s4], $0x80, $0x38;
	[tilespmem:$0x1FF00] =	vst v63  }
0x5c: {  	_ =	swait.ge [sflag:s23], $0x80  }
0x5d: {  	[sflag:s23] =	ssyncset.done $0x0  }
0x5e: {  	[sflag:s23] =	ssyncadd.s32 $0xFFFFFF80  }
0x5f: {  	[tilespmem:s24], [sflag:$0x7] =	stream.indirect.gather [hbm4b:s1+s19], $0x80, s4, s19, $0xb8;
	[tilespmem:$0x1FF00] =	vst v63  }
0x60: {  	_ =	swait.ge [sflag:s9], $0x4000  }
0x61: {  	s14 =	rddreg [dreg:$0x7];
	[sflag:s9] =	ssyncset.done $0x0  }
0x62: {  	[sflag:s9] =	ssyncadd.s32 $0xFFFFC000;
	s13 =	sadd.s32 $0x0, s14  }
0x63: {  	[tilespmem:s20], [sflag:$0x5] =	stream.linear.gather [hbm4b:s13+s4], $0x80, $0x38;
	[tilespmem:$0x1FF00] =	vst v63  }
0x64: {  	_ =	swait.ge [sflag:s25], $0x80  }
0x65: {  	[sflag:s25] =	ssyncset.done $0x0  }
0x66: {  	[sflag:s25] =	ssyncadd.s32 $0xFFFFFF80  }
0x67: {  	[tilespmem:s26], [sflag:$0x8] =	stream.indirect.gather [hbm4b:s1+s19], $0x80, s19, s19, $0xb8;
	[tilespmem:$0x1FF00] =	vst v63  }
0x68: {  	_ =	swait.ge [sflag:s10], $0x4000  }
0x69: {  	s15 =	rddreg [dreg:$0x5];
	[sflag:s10] =	ssyncset.done $0x0  }
0x6a: {  	[sflag:s10] =	ssyncadd.s32 $0xFFFFC000;
	s13 =	sadd.s32 $0x0, s15  }
0x6b: {  	[tilespmem:s22], [sflag:$0x6] =	stream.linear.gather [hbm4b:s13+s4], $0x80, $0x38;
	[tilespmem:$0x1FF00] =	vst v63  }
0x6c: {  	_ =	swait.ge [sflag:s28], $0x80  }
0x6d: {  	[sflag:s28] =	ssyncset.done $0x0  }
0x6e: {  	s13 =	simm.s32 $0x30;
	[sflag:s28] =	ssyncadd.s32 $0xFFFFFF80  }
.LBB2_2:
0x6f: {  	[tilespmem:s29], [sflag:$0x9] =	stream.indirect.gather [hbm4b:s1+s19], $0x80, s21, s19, $0xb8;
	[tilespmem:$0x1FF00] =	vst v63  }
0x70: {  	_ =	swait.ge [sflag:s30], $0x4000  }
0x71: {  	s14 =	smov.u32 s13;
	s15 =	rddreg [dreg:$0x8];
	[sflag:s30] =	ssyncset.done $0x0  }
0x72: {  	[sflag:s30] =	ssyncadd.s32 $0xFFFFC000;
	s15 =	sadd.s32 s14, s15  }
0x73: {  	[tilespmem:s4], [sflag:$0x1] =	stream.linear.gather [hbm4b:s15+s4], $0x80, $0x38;
	[tilespmem:$0x1FF00] =	vst v63  }
0x74: {  	_ =	swait.ge [sflag:s31], $0x80  }
0x75: {  	[sflag:s31] =	ssyncset.done $0x0  }
0x76: {  	[sflag:s31] =	ssyncadd.s32 $0xFFFFFF80  }
0x77: {  	[spmem:s2] =	stream.indirect.scatter.add.f32 [tilespmem:s24], [sflag:$0xA], $0x80, s18, s19, $0xb8;
	[tilespmem:$0x1FF00] =	vst v63  }
0x78: {  	_ =	swait.ge [sflag:s0], $0x4000  }
0x79: {  	s15 =	rddreg [dreg:$0x6];
	[sflag:s0] =	ssyncset.done $0x0  }
0x7a: {  	[sflag:s0] =	ssyncadd.s32 $0xFFFFC000;
	s15 =	sadd.s32 s14, s15  }
0x7b: {  	[tilespmem:s19], [sflag:$0x2] =	stream.linear.gather [hbm4b:s15+s4], $0x80, $0x38;
	[tilespmem:$0x1FF00] =	vst v63  }
0x7c: {  	_ =	swait.ge [sflag:s3], $0x80  }
0x7d: {  	[sflag:s3] =	ssyncset.done $0x0  }
0x7e: {  	[sflag:s3] =	ssyncadd.s32 $0xFFFFFF80  }
0x7f: {  	[spmem:s2] =	stream.indirect.scatter.add.f32 [tilespmem:s26], [sflag:$0xB], $0x80, s20, s19, $0xb8;
	[tilespmem:$0x1FF00] =	vst v63  }
0x80: {  	_ =	swait.ge [sflag:s5], $0x4000  }
0x81: {  	s15 =	rddreg [dreg:$0x4];
	[sflag:s5] =	ssyncset.done $0x0  }
0x82: {  	[sflag:s5] =	ssyncadd.s32 $0xFFFFC000;
	s15 =	sadd.s32 s14, s15  }
0x83: {  	[tilespmem:s21], [sflag:$0x3] =	stream.linear.gather [hbm4b:s15+s4], $0x80, $0x38;
	[tilespmem:$0x1FF00] =	vst v63  }
0x84: {  	_ =	swait.ge [sflag:s6], $0x80  }
0x85: {  	[sflag:s6] =	ssyncset.done $0x0  }
0x86: {  	[sflag:s6] =	ssyncadd.s32 $0xFFFFFF80  }
0x87: {  	[spmem:s2] =	stream.indirect.scatter.add.f32 [tilespmem:s29], [sflag:$0xC], $0x80, s22, s19, $0xb8;
	[tilespmem:$0x1FF00] =	vst v63  }
0x88: {  	_ =	swait.ge [sflag:s8], $0x4000  }
0x89: {  	[sflag:s8] =	ssyncset.done $0x0  }
0x8a: {  	s15 =	sadd.s32 s14, s16;
	[sflag:s8] =	ssyncadd.s32 $0xFFFFC000  }
0x8b: {  	[tilespmem:s18], [sflag:$0x4] =	stream.linear.gather [hbm4b:s15+s4], $0x80, $0x38;
	[tilespmem:$0x1FF00] =	vst v63  }
0x8c: {  	_ =	swait.ge [sflag:s23], $0x80  }
0x8d: {  	[sflag:s23] =	ssyncset.done $0x0  }
0x8e: {  	[sflag:s23] =	ssyncadd.s32 $0xFFFFFF80  }
0x8f: {  	[tilespmem:s24], [sflag:$0x7] =	stream.indirect.gather [hbm4b:s1+s19], $0x80, s4, s19, $0xb8;
	[tilespmem:$0x1FF00] =	vst v63  }
0x90: {  	_ =	swait.ge [sflag:s9], $0x4000  }
0x91: {  	s15 =	rddreg [dreg:$0x7];
	[sflag:s9] =	ssyncset.done $0x0  }
0x92: {  	[sflag:s9] =	ssyncadd.s32 $0xFFFFC000;
	s15 =	sadd.s32 s14, s15  }
0x93: {  	[tilespmem:s20], [sflag:$0x5] =	stream.linear.gather [hbm4b:s15+s4], $0x80, $0x38;
	[tilespmem:$0x1FF00] =	vst v63  }
0x94: {  	_ =	swait.ge [sflag:s25], $0x80  }
0x95: {  	[sflag:s25] =	ssyncset.done $0x0  }
0x96: {  	[sflag:s25] =	ssyncadd.s32 $0xFFFFFF80  }
0x97: {  	[tilespmem:s26], [sflag:$0x8] =	stream.indirect.gather [hbm4b:s1+s19], $0x80, s19, s19, $0xb8;
	[tilespmem:$0x1FF00] =	vst v63  }
0x98: {  	_ =	swait.ge [sflag:s10], $0x4000  }
0x99: {  	p0 =	sne.s32 s13, $0x4B0;
	s15 =	rddreg [dreg:$0x5];
	[sflag:s10] =	ssyncset.done $0x0  }
.Ltmp0:
0x9a: {  	[sflag:s10] =	ssyncadd.s32 $0xFFFFC000;
	s14 =	sadd.s32 s14, s15;
	(pc) =	sbr.rel @p0 .LBB2_2-.Ltmp0, $4  }
0x9b: {  	[tilespmem:s22], [sflag:$0x6] =	stream.linear.gather [hbm4b:s14+s4], $0x80, $0x38;
	[tilespmem:$0x1FF00] =	vst v63  }
0x9c: {  	_ =	swait.ge [sflag:s28], $0x80  }
0x9d: {  	[sflag:s28] =	ssyncset.done $0x0  }
0x9e: {  	s13 =	sadd.s32 $0x30, s13;
	[sflag:s28] =	ssyncadd.s32 $0xFFFFFF80  }
0x9f: {  	[tilespmem:s29], [sflag:$0x9] =	stream.indirect.gather [hbm4b:s1+s19], $0x80, s21, s19, $0xb8;
	[tilespmem:$0x1FF00] =	vst v63  }
0xa0: {  	_ =	swait.ge [sflag:s30], $0x4000  }
0xa1: {  	[sflag:s30] =	ssyncset.done $0x0  }
0xa2: {  	[sflag:s30] =	ssyncadd.s32 $0xFFFFC000  }
0xa3: {  	_ =	swait.ge [sflag:s31], $0x80  }
0xa4: {  	[sflag:s31] =	ssyncset.done $0x0  }
0xa5: {  	[sflag:s31] =	ssyncadd.s32 $0xFFFFFF80  }
0xa6: {  	[spmem:s2] =	stream.indirect.scatter.add.f32 [tilespmem:s24], [sflag:$0xA], $0x80, s18, s19, $0xb8;
	[tilespmem:$0x1FF00] =	vst v63  }
0xa7: {  	_ =	swait.ge [sflag:s0], $0x4000  }
0xa8: {  	[sflag:s0] =	ssyncset.done $0x0  }
0xa9: {  	[sflag:s0] =	ssyncadd.s32 $0xFFFFC000  }
0xaa: {  	_ =	swait.ge [sflag:s3], $0x80  }
0xab: {  	[sflag:s3] =	ssyncset.done $0x0  }
0xac: {  	[sflag:s3] =	ssyncadd.s32 $0xFFFFFF80  }
0xad: {  	[spmem:s2] =	stream.indirect.scatter.add.f32 [tilespmem:s26], [sflag:$0xB], $0x80, s20, s19, $0xb8;
	[tilespmem:$0x1FF00] =	vst v63  }
0xae: {  	_ =	swait.ge [sflag:s5], $0x4000  }
0xaf: {  	[sflag:s5] =	ssyncset.done $0x0  }
0xb0: {  	[sflag:s5] =	ssyncadd.s32 $0xFFFFC000  }
0xb1: {  	_ =	swait.ge [sflag:s6], $0x80  }
0xb2: {  	[sflag:s6] =	ssyncset.done $0x0  }
0xb3: {  	[sflag:s6] =	ssyncadd.s32 $0xFFFFFF80  }
0xb4: {  	[spmem:s2] =	stream.indirect.scatter.add.f32 [tilespmem:s29], [sflag:$0xC], $0x80, s22, s19, $0xb8;
	[tilespmem:$0x1FF00] =	vst v63  }
0xb5: {  	_ =	swait.ge [sflag:s8], $0x4000  }
0xb6: {  	[sflag:s8] =	ssyncset.done $0x0  }
0xb7: {  	[sflag:s8] =	ssyncadd.s32 $0xFFFFC000  }
0xb8: {  	_ =	swait.ge [sflag:s9], $0x4000  }
0xb9: {  	[sflag:s9] =	ssyncset.done $0x0  }
0xba: {  	[sflag:s9] =	ssyncadd.s32 $0xFFFFC000  }
0xbb: {  	_ =	swait.ge [sflag:s10], $0x4000  }
0xbc: {  	[sflag:s10] =	ssyncset.done $0x0  }
0xbd: {  	[sflag:s10] =	ssyncadd.s32 $0xFFFFC000  }
0xbe: {  	[bflag:$0x0] =	sbarrier.arrive $0xFFFF  }
0xbf: {  	s13 =	rddreg [dreg:$0x11]  }
0xc0: {  	[hbm:s13], [sflag:s7] =	dma.local [spmem:s12], $0x2780  }
0xc1: {  	_ =	swait.ge [sflag:s17], $0x2780  }
0xc2: {  	s11 =	sadd.s32 $0x1, s11;
	s15 =	rddreg [dreg:$0x12]  }
0xc3: {  	p0 =	sne.s32 s11, s15  }
.Ltmp1:
0xc4: {  	_ = 	snop;
	(pc) =	sbr.rel @p0 .LBB2_1-.Ltmp1, $3  }
0xc5: {  	_ =	sdelay $0x1  }
0xc6: {  	[sflag:s17] =	ssyncset.done $0x0  }
0xc7: {  	[sflag:s17] =	ssyncadd.s32 $0xFFFFD880  }
0xc8: {  	_ =	sfence.sel $0x180000  }
0xc9: {  	[bflag:$0x0] =	sbarrier.arrive $0xFFFF  }
0xca: {  	_ =	strace $0x9000004A  }
0xcb: {  	s0 =	stileid.u32;
	[bflag:$0x2] =	sbarrier.arrive $0xFFFF  }
0xcc: {  	p0 =	sne.s32 s0, $0x0;
	s0 =	rddreg [dreg:$0x3]  }
0xcd: {  	s0 =	sadd.s32 @!p0 $0x100000, s0  }
0xce: {  	[sflag:s0] =	ssyncadd.tile.s32 @!p0 $0x1;
	_ =	shalt  }
.Lfunc_end2:
_tile_overlayer_lowered:
.L_overlay_start_2:
0xcf: {  	(tag) =	ssettag $0x2  }
0xd0: {  	s0 =	rddreg [dreg:$0x0];
	s2 =	stileid.u32  }
0xd1: {  	s1 =	rddreg [dreg:$0x1];
	p0 =	sne.s32 s2, $0x0  }
0xd2: {  	s3 =	rddreg [dreg:$0x2];
	[bflag:$0x3] =	sbarrier.arrive $0xFFFF;
	s2 =	simm.s32 @!p0 $0x1C0D  }
0xd3: {  	[timem:s3], [sflag:s2] =	dma.local @!p0 [hbm:s0], s1  }
0xd4: {  	s0 =	simm.s32 @!p0 $0xD  }
0xd5: {  	_ =	swait.ge @!p0 [sflag:s0], s1  }
0xd6: {  	s1 =	ssub.s32 @!p0 $0x0, s1;
	[sflag:s0] =	ssyncset.done @!p0 $0x0  }
0xd7: {  	[sflag:s0] =	ssyncadd.s32 @!p0 s1  }
0xd8: {  	[bflag:$0x3] =	sbarrier.arrive $0xFFFF  }
0xd9: {  	_ =	shalt  }

// kernel: kernel.16.cloned.1.call-start
scs
__scs_entry_jumppad:
0x0: {  	(pc) =	sbr.rel $0x88, $3  }
0x1: {  	(tag) =	ssettag $0x0;
	lr =	simm.s32 $0x1  }
0x2: {  	[smem:$0x3F99] =	sst lr;
	_ =	strace $0xD0000000  }
0x3: {  	_ = 	snop  }
0x4: {  	_ = 	snop  }
0x5: {  	_ = 	snop  }
0x6: {  	_ = 	snop  }
0x7: {  	_ = 	snop  }
__scs_overlays_trampoline_lowered:
0x8: {  	[smem:$0x3FA8] =	sst s0  }
0x9: {  	[smem:$0x3FA9] =	sst s1  }
0xa: {  	[smem:$0x3FAA] =	sst s2  }
0xb: {  	[smem:$0x3FAB] =	sst s3  }
0xc: {  	[smem:$0x3FAC] =	sst s4  }
0xd: {  	[smem:$0x3FAD] =	sst s5  }
0xe: {  	[smem:$0x3FAE] =	sst s6  }
0xf: {  	[smem:$0x3FAF] =	sst s7  }
0x10: {  	[smem:$0x3FB0] =	sst s8  }
0x11: {  	[smem:$0x3FB1] =	sst s9;
	s0 =	simm.s32 @!p0 $0x0  }
0x12: {  	s1 =	sld [smem:$0x3F97];
	s0 =	simm.s32 @p0 $0x1  }
0x13: {  	[smem:$0x3FB2] =	sst s0;
	s0 =	simm.s32 @!p1 $0x0  }
0x14: {  	s2 =	sld [smem:$0x3F96];
	s0 =	simm.s32 @p1 $0x1  }
0x15: {  	[smem:$0x3FB3] =	sst s0;
	s0 =	simm.s32 @!p2 $0x0  }
0x16: {  	s3 =	sld [smem:$0x3FDB];
	s0 =	simm.s32 @p2 $0x1  }
0x17: {  	s4 =	simm.s32 $0x1BF5;
	[smem:$0x3FB5] =	sst s0  }
0x18: {  	s0 =	sld [smem:$0x3F98];
	_ =	swait.ge [sflag:s4], $0x0  }
0x19: {  	s7 =	sld [smem:$0x3F99]  }
0x1a: {  	s8 =	sadd.s32 $0xFFFFE003, lr  }
0x1b: {  	s9 =	sadd.s32 $0xFFFFFEF7, lr;
	s5 =	simm.s32 $0xFFFFFFFF;
	p2 =	slt.u32 s8, $0xFFFFF086  }
0x1c: {  	p1 =	slt.u32 s9, $0xF7A;
	s5 =	simm.s32 @!p2 $0x0  }
0x1d: {  	s5 =	simm.s32 @p1 $0x1;
	p0 =	seq.s32 s7, s2  }
0x1e: {  	s7 =	smul.u32 @!p0 $0xF7A, s2;
	p2 =	seq.s32 @!p0 s5, $0x0  }
0x1f: {  	s9 =	smul.u32 $0xF7A, s1;
	s8 =	simm.s32 @!p0 $0x1BF5;
	p2 =	por !p2, p0  }
0x20: {  	[sflag:s8] =	ssyncset.s32 @!p0 $0xFFFFF086;
	s6 =	sadd.s32 @!p0 s3, s7;
	s7 =	simm.s32 @!p0 $0x108  }
0x21: {  	s3 =	sadd.s32 s3, s9;
	s6 =	sadd.s32 @!p0 $0x88, s6;
	s7 =	simm.s32 @p2 $0x1082  }
0x22: {  	[simem:s7], [sflag:s8] =	dma.local @!p0 [hbm:s6], $0xF7A  }
0x23: {  	s9 =	sor.u32 $0xD0000000, s2;
	s6 =	simm.s32 $0x108;
	_ =	swait.ge @!p0 [sflag:s8], $0x0  }
0x24: {  	s3 =	sadd.s32 $0x88, s3;
	s6 =	simm.s32 @!p1 $0x1082;
	[sflag:s4] =	ssyncset.s32 $0xFFFFF086  }
0x25: {  	[simem:s6], [sflag:s4] =	dma.local [hbm:s3], $0xF7A  }
0x26: {  	[smem:$0x3F99] =	sst s1;
	(tag) =	ssettag s2;
	_ =	strace s9  }
0x27: {  	s1 =	sld [smem:$0x3FA9]  }
0x28: {  	s2 =	sld [smem:$0x3FAA]  }
0x29: {  	s4 =	sld [smem:$0x3FAC]  }
0x2a: {  	p0 =	seq.s32 s5, $0x0;
	s5 =	sld [smem:$0x3FAD]  }
0x2b: {  	s6 =	sld [smem:$0x3FAE]  }
0x2c: {  	s7 =	sld [smem:$0x3FAF]  }
0x2d: {  	s3 =	simm.s32 $0x108;
	s8 =	sld [smem:$0x3FB0]  }
0x2e: {  	s3 =	simm.s32 @!p0 $0x1082;
	s9 =	sld [smem:$0x3FB1]  }
0x2f: {  	lr =	sadd.s32 s0, s3;
	s0 =	sld [smem:$0x3FA8]  }
0x30: {  	s3 =	sld [smem:$0x3FAB]  }
0x31: {  	[smem:$0x3FB4] =	sst s10  }
0x32: {  	s10 =	sld [smem:$0x3FB2];
	_ =	sdelay $0x3  }
0x33: {  	p0 =	seq.s32 s10, $0x1;
	s10 =	sld [smem:$0x3FB4];
	_ =	sdelay $0x3  }
0x34: {  	[smem:$0x3FB4] =	sst s10  }
0x35: {  	s10 =	sld [smem:$0x3FB3];
	_ =	sdelay $0x3  }
0x36: {  	p1 =	seq.s32 s10, $0x1;
	s10 =	sld [smem:$0x3FB4];
	_ =	sdelay $0x3  }
0x37: {  	[smem:$0x3FB4] =	sst s10  }
0x38: {  	s10 =	sld [smem:$0x3FB5]  }
0x39: {  	_ = 	snop;
	(pc) =	sbr.ind lr, $3  }
0x3a: {  	_ = 	snop  }
0x3b: {  	_ = 	snop  }
0x3c: {  	p2 =	seq.s32 s10, $0x1;
	s10 =	sld [smem:$0x3FB4]  }
0x3d: {  	_ =	shalt  }
0x3e: {  	_ =	shalt  }
0x3f: {  	_ =	shalt  }
0x40: {  	_ =	shalt  }
0x41: {  	_ =	shalt  }
0x42: {  	_ =	shalt  }
0x43: {  	_ =	shalt  }
0x44: {  	_ =	shalt  }
0x45: {  	_ =	shalt  }
0x46: {  	_ =	shalt  }
0x47: {  	_ =	shalt  }
0x48: {  	_ =	shalt  }
0x49: {  	_ =	shalt  }
0x4a: {  	_ =	shalt  }
0x4b: {  	_ =	shalt  }
0x4c: {  	_ =	shalt  }
0x4d: {  	_ =	shalt  }
0x4e: {  	_ =	shalt  }
0x4f: {  	_ =	shalt  }
0x50: {  	_ =	shalt  }
0x51: {  	_ =	shalt  }
0x52: {  	_ =	shalt  }
0x53: {  	_ =	shalt  }
0x54: {  	_ =	shalt  }
0x55: {  	_ =	shalt  }
0x56: {  	_ =	shalt  }
0x57: {  	_ =	shalt  }
0x58: {  	_ =	shalt  }
0x59: {  	_ =	shalt  }
0x5a: {  	_ =	shalt  }
0x5b: {  	_ =	shalt  }
0x5c: {  	_ =	shalt  }
0x5d: {  	_ =	shalt  }
0x5e: {  	_ =	shalt  }
0x5f: {  	_ =	shalt  }
0x60: {  	_ =	shalt  }
0x61: {  	_ =	shalt  }
0x62: {  	_ =	shalt  }
0x63: {  	_ =	shalt  }
0x64: {  	_ =	shalt  }
0x65: {  	_ =	shalt  }
0x66: {  	_ =	shalt  }
0x67: {  	_ =	shalt  }
0x68: {  	_ =	shalt  }
0x69: {  	_ =	shalt  }
0x6a: {  	_ =	shalt  }
0x6b: {  	_ =	shalt  }
0x6c: {  	_ =	shalt  }
0x6d: {  	_ =	shalt  }
0x6e: {  	_ =	shalt  }
0x6f: {  	_ =	shalt  }
0x70: {  	_ =	shalt  }
0x71: {  	_ =	shalt  }
0x72: {  	_ =	shalt  }
0x73: {  	_ =	shalt  }
0x74: {  	_ =	shalt  }
0x75: {  	_ =	shalt  }
0x76: {  	_ =	shalt  }
0x77: {  	_ =	shalt  }
0x78: {  	_ =	shalt  }
0x79: {  	_ =	shalt  }
0x7a: {  	_ =	shalt  }
0x7b: {  	_ =	shalt  }
0x7c: {  	_ =	shalt  }
0x7d: {  	_ =	shalt  }
0x7e: {  	_ =	shalt  }
0x7f: {  	_ =	shalt  }
0x80: {  	_ =	shalt  }
0x81: {  	_ =	shalt  }
0x82: {  	_ =	shalt  }
0x83: {  	_ =	shalt  }
0x84: {  	_ =	shalt  }
0x85: {  	_ =	shalt  }
0x86: {  	_ =	shalt  }
0x87: {  	_ =	shalt  }
.Lfunc_end0:
.L_simem_size_0:
called_computation.2_lowered:
.L_overlay_start_0:
0x88: {  	s2 =	sld [smem:$0x3FD9]  }
0x89: {  	s3 =	sld [smem:$0x3FFE];
	_ =	sdelay $0x1  }
0x8a: {  	s1 =	srdreg.scid  }
0x8b: {  	s0 =	sand.u32 $0x1, s1  }
0x8c: {  	s17 =	sshll.u32 s0, $0xA;
	s2 =	sadd.s32 s3, s2  }
0x8d: {  	s2 =	sadd.s32 s2, s17  }
0x8e: {  	[smem:$0x3FC0] =	sst s2  }
0x8f: {  	_ = 	snop  }
0x90: {  	s2 =	sld [smem:$0x3FD0];
	(tm) =	ssettm $0x1  }
0x91: {  	s18 =	sld [smem:$0x3FFB];
	_ =	sdelay $0x3  }
0x92: {  	_ =	strace s18  }
0x93: {  	s3 =	sld [smem:$0x3FFC];
	_ =	sdelay $0x3  }
0x94: {  	_ =	strace s3  }
0x95: {  	s3 =	sld [smem:$0x3FFD];
	_ =	sdelay $0x3  }
0x96: {  	_ =	strace s3  }
0x97: {  	_ =	strace $0x8FFFFFFF  }
0x98: {  	s19 =	sld [smem:$0x3FDB];
	_ =	sdelay $0x1  }
0x99: {  	s4 =	simm.s32 $_scs_section_size  }
0x9a: {  	s5 =	simm.s32 $_size__tile_overlayer_lowered;
	s6 =	simm.s32 $_tile_overlayer_lowered  }
0x9b: {  	s22 =	simm.s32 $0x1BFF;
	s21 =	sshll.u32 s6, $0x1;
	s3 =	sadd.s32 s4, s19  }
0x9c: {  	s7 =	simm.s32 $0x0;
	s20 =	sshll.u32 s5, $0x1;
	s5 =	sadd.s32 s21, s3  }
0x9d: {  	[timem:s7], [sflag:s22] =	dma.local [hbm:s5], s20  }
0x9e: {  	_ =	swait.ge [sflag:s22], s20  }
0x9f: {  	s4 =	ssub.s32 $0x0, s20;
	[sflag:s22] =	ssyncset.done $0x0  }
0xa0: {  	[sflag:s22] =	ssyncadd.s32 s4;
	_ =	sdelay $0x1  }
0xa1: {  	s23 =	simm.s32 $0x1B8B  }
0xa2: {  	_ =	swait.ge [sflag:s23], $0x1  }
0xa3: {  	[sflag:s23] =	ssyncset.done $0x0  }
0xa4: {  	s25 =	simm.s32 $0x1B8E;
	s24 =	sld [smem:$0x3FFE];
	[sflag:s23] =	ssyncadd.s32 $0xFFFFFFFF  }
0xa5: {  	s26 =	simm.s32 $execute0_lowered;
	[smem:$0x3FD2] =	sst s25  }
0xa6: {  	s5 =	sshll.u32 s26, $0x1;
	_ =	strace $0x8000004C;
	[dreg:$0x1] =	wrdreg $0xFFFFFFFF  }
0xa7: {  	s28 =	simm.s32 $_size_execute0_lowered;
	s3 =	sadd.s32 s3, s5;
	[dreg:$0x0] =	wrdreg $0x0  }
0xa8: {  	s5 =	sshll.u32 s28, $0x1;
	[dreg:$0x2] =	wrdreg s3  }
0xa9: {  	[dreg:$0x3] =	wrdreg s5  }
0xaa: {  	[dreg:$0x4] =	wrdreg $0xC0  }
0xab: {  	_ =	task [dreg:s7], $0x5FFFF  }
0xac: {  	[dreg:$0x1] =	wrdreg $0xFFFFFFFF  }
0xad: {  	[dreg:$0x0] =	wrdreg $0x60  }
0xae: {  	[dreg:$0x2] =	wrdreg s2  }
0xaf: {  	[dreg:$0x3] =	wrdreg s24  }
0xb0: {  	[dreg:$0x4] =	wrdreg $0xC3000  }
0xb1: {  	[dreg:$0x5] =	wrdreg $0x9  }
0xb2: {  	_ =	task.clear_ibuf [dreg:s7], $0x6FFFF;
	_ =	strace $0x9000004C  }
0xb3: {  	s29 =	simm.s32 $0x9;
	_ =	strace $0x8000004E  }
0xb4: {  	_ =	swait.ge [sflag:s29], $0x1  }
0xb5: {  	[sflag:s29] =	ssyncadd.s32 $0xFFFFFFFF  }
0xb6: {  	_ =	strace $0x9000004E  }
0xb7: {  	_ =	sfence  }
0xb8: {  	s30 =	sld [smem:$0x0];
	_ =	sdelay $0x2  }
0xb9: {  	s31 =	sshll.u32 s1, $0xD;
	s1 =	sshrl.u32 s1, $0x2  }
0xba: {  	s3 =	sand.u32 $0x4000, s31;
	s1 =	sadd.s32 s1, s30  }
0xbb: {  	s0 =	sor.u32 s3, s0;
	s1 =	sshll.u32 s1, $0x11  }
0xbc: {  	s0 =	sor.u32 s1, s0  }
0xbd: {  	s0 =	sadd.s32 $0x8F2B, s0  }
0xbe: {  	[sflag:s0] =	ssyncadd.remote.s32 $0x1  }
0xbf: {  	_ =	sfence.sel $0xFFFF  }
0xc0: {  	[dreg:$0x0] =	wrdreg $0xFFFFFFFF;
	(pc) =	sbr.abs _section_cstart, $3  }
0xc1: {  	[dreg:$0x1] =	wrdreg $0xFFFFFFFF  }
0xc2: {  	_ =	task.clear_ibuf [dreg:s7], $0x2FFFF;
	_ =	strace $0x9FFFFFFF  }
0xc3: {  	(tm) =	ssettm $0x7FFFFFFF  }
tec
execute0_lowered:
.L_overlay_start_1:
0x0: {  	(tag) =	ssettag $0x1  }
0x1: {  	s1 =	rddreg [dreg:$0x0]  }
0x2: {  	s0 =	rddreg [dreg:$0x1]  }
0x3: {  	s2 =	rddreg [dreg:$0x2];
	s4 =	simm.s32 $0x0  }
0x4: {  	s3 =	srdreg.scid;
	s13 =	stileid.u32;
	s28 =	simm.s32 $0x3  }
0x5: {  	s29 =	simm.s32 $0x8300;
	s30 =	simm.s32 $0x7;
	s31 =	simm.s32 $0x4  }
0x6: {  	[smem:$0x7FF] =	sst s4;
	s3 =	sand.u32 $0x1, s3;
	s7 =	smul.u32 $0x13C00, s13  }
0x7: {  	s6 =	sadd.s32 $0xD600, s0;
	s8 =	sadd.s32 $0x3400, s0;
	s21 =	smul.u32 $0x4F000, s13  }
0x8: {  	s9 =	sadd.s32 $0x17800, s0;
	s24 =	sshll.u32 s13, $0x6;
	s25 =	smul.u32 $0x51, s13  }
0x9: {  	s5 =	smul.u32 $0x13C000, s3;
	_ =	strace $0x8000004D;
	s19 =	sshll.u32 s3, $0x4  }
0xa: {  	s10 =	ssub.s32 $0x2, s3;
	s3 =	smul.u32 $0x510, s3;
	s20 =	sor.u32 s13, s19  }
0xb: {  	[dreg:$0x9] =	wrdreg s9;
	s22 =	sshrl.u32 s10, $0x1;
	s11 =	smul.u32 $0x510, s20  }
0xc: {  	s23 =	sshrl.u32 s21, $0x2;
	s5 =	sadd.s32 s7, s5;
	s12 =	smul.u32 $0x2880, s20  }
0xd: {  	s7 =	sadd.s32 s23, s2;
	s3 =	sadd.s32 s25, s3;
	s5 =	sshrl.u32 s5, $0x3  }
0xe: {  	[dreg:$0xa] =	wrdreg s7;
	s7 =	sor.u32 $0x1C0D, s24;
	s3 =	sshll.u32 s3, $0x4  }
0xf: {  	s0 =	sadd.s32 s5, s0;
	s5 =	ssub.s32 s10, s22;
	s26 =	sadd.s32 s6, s11  }
0x10: {  	s13 =	sshrl.u32 s12, $0x3;
	s11 =	sadd.s32 s8, s11;
	s19 =	sadd.s32 $0x50, s3  }
0x11: {  	s22 =	sadd.s32 $0x40, s3;
	s25 =	sadd.s32 s3, s6;
	[dreg:$0xb] =	wrdreg s26  }
0x12: {  	s3 =	sadd.s32 s3, s8;
	s10 =	simm.s32 $0xC;
	[dreg:$0xc] =	wrdreg s11  }
0x13: {  	s14 =	sadd.s32 $0x10, s13;
	s16 =	sadd.s32 $0x20, s13;
	s0 =	sadd.s32 $0x1A000, s0  }
0x14: {  	s20 =	sadd.s32 s19, s6;
	s21 =	sadd.s32 s19, s8;
	[dreg:$0x11] =	wrdreg s0  }
0x15: {  	s5 =	smax.u32 s5, $0x1;
	s23 =	sadd.s32 s22, s6;
	[dreg:$0x4] =	wrdreg s20  }
0x16: {  	s24 =	sadd.s32 s22, s8;
	s26 =	sadd.s32 $0x30, s25;
	[dreg:$0x12] =	wrdreg s5  }
0x17: {  	s19 =	simm.s32 $0x80;
	s22 =	simm.s32 $0x280;
	[dreg:$0x5] =	wrdreg s21  }
0x18: {  	s25 =	simm.s32 $0x2;
	s11 =	simm.s32 $0x0;
	[dreg:$0x6] =	wrdreg s23  }
0x19: {  	s15 =	sadd.s32 s6, s14;
	s17 =	sadd.s32 s8, s14;
	[dreg:$0x7] =	wrdreg s24  }
0x1a: {  	s18 =	sadd.s32 s6, s16;
	s9 =	sadd.s32 s8, s16;
	[dreg:$0x8] =	wrdreg s26  }
0x1b: {  	s16 =	sadd.s32 $0x30, s3;
	s20 =	simm.s32 $0x200;
	s21 =	simm.s32 $0x100  }
0x1c: {  	s23 =	simm.s32 $0x1;
	s24 =	simm.s32 $0x300;
	[dreg:$0xd] =	wrdreg s15  }
0x1d: {  	s26 =	simm.s32 $0x4300;
	s0 =	simm.s32 $0x8;
	[dreg:$0xe] =	wrdreg s17  }
0x1e: {  	s3 =	simm.s32 $0x5;
	s5 =	simm.s32 $0x9;
	[dreg:$0xf] =	wrdreg s18  }
0x1f: {  	s6 =	simm.s32 $0x6;
	s8 =	simm.s32 $0xA;
	[dreg:$0x10] =	wrdreg s9  }
0x20: {  	s17 =	simm.s32 $0xD;
	s18 =	simm.s32 $0x180;
	s9 =	simm.s32 $0xB  }
.LBB2_1:
0x21: {  	s12 =	rddreg [dreg:$0xa]  }
0x22: {  	s13 =	rddreg [dreg:$0x9];
	s12 =	sshrl.u32 s12, $0x3  }
0x23: {  	[spmem:s12], [sflag:s7] =	dma.local [hbm:s13], $0x2780  }
0x24: {  	_ =	swait.ge [sflag:s17], $0x2780  }
0x25: {  	[sflag:s17] =	ssyncset.done $0x0  }
0x26: {  	[sflag:s17] =	ssyncadd.s32 $0xFFFFD880  }
0x27: {  	[bflag:$0x0] =	sbarrier.arrive $0xFFFF  }
0x28: {  	s14 =	rddreg [dreg:$0xb]  }
0x29: {  	[tilespmem:s4], [sflag:$0x1] =	stream.linear.gather [hbm4b:s14+s4], $0x80, $0x38;
	[tilespmem:$0x1FF00] =	vst v63  }
0x2a: {  	s15 =	rddreg [dreg:$0xc]  }
0x2b: {  	[tilespmem:s18], [sflag:$0x4] =	stream.linear.gather [hbm4b:s15+s4], $0x80, $0x38;
	[tilespmem:$0x1FF00] =	vst v63  }
0x2c: {  	s14 =	rddreg [dreg:$0xd]  }
0x2d: {  	[tilespmem:s19], [sflag:$0x2] =	stream.linear.gather [hbm4b:s14+s4], $0x80, $0x38;
	[tilespmem:$0x1FF00] =	vst v63  }
0x2e: {  	s15 =	rddreg [dreg:$0xe]  }
0x2f: {  	[tilespmem:s20], [sflag:$0x5] =	stream.linear.gather [hbm4b:s15+s4], $0x80, $0x38;
	[tilespmem:$0x1FF00] =	vst v63  }
0x30: {  	s14 =	rddreg [dreg:$0xf]  }
0x31: {  	[tilespmem:s21], [sflag:$0x3] =	stream.linear.gather [hbm4b:s14+s4], $0x80, $0x38;
	[tilespmem:$0x1FF00] =	vst v63  }
0x32: {  	s15 =	rddreg [dreg:$0x10]  }
0x33: {  	[tilespmem:s22], [sflag:$0x6] =	stream.linear.gather [hbm4b:s15+s4], $0x80, $0x38;
	[tilespmem:$0x1FF00] =	vst v63  }
0x34: {  	_ =	swait.ge [sflag:s23], $0x80  }
0x35: {  	[sflag:s23] =	ssyncset.done $0x0  }
0x36: {  	[sflag:s23] =	ssyncadd.s32 $0xFFFFFF80  }
0x37: {  	[tilespmem:s24], [sflag:$0x7] =	stream.indirect.gather [hbm4b:s1+s19], $0x80, s4, s19, $0xb8;
	[tilespmem:$0x1FF00] =	vst v63  }
0x38: {  	_ =	swait.ge [sflag:s25], $0x80  }
0x39: {  	[sflag:s25] =	ssyncset.done $0x0  }
0x3a: {  	[sflag:s25] =	ssyncadd.s32 $0xFFFFFF80  }
0x3b: {  	[tilespmem:s26], [sflag:$0x8] =	stream.indirect.gather [hbm4b:s1+s19], $0x80, s19, s19, $0xb8;
	[tilespmem:$0x1FF00] =	vst v63  }
0x3c: {  	_ =	swait.ge [sflag:s28], $0x80  }
0x3d: {  	[sflag:s28] =	ssyncset.done $0x0  }
0x3e: {  	[sflag:s28] =	ssyncadd.s32 $0xFFFFFF80  }
0x3f: {  	[tilespmem:s29], [sflag:$0x9] =	stream.indirect.gather [hbm4b:s1+s19], $0x80, s21, s19, $0xb8;
	[tilespmem:$0x1FF00] =	vst v63  }
0x40: {  	_ =	swait.ge [sflag:s30], $0x4000  }
0x41: {  	s14 =	rddreg [dreg:$0x8];
	[sflag:s30] =	ssyncset.done $0x0  }
0x42: {  	[sflag:s30] =	ssyncadd.s32 $0xFFFFC000;
	s13 =	sadd.s32 $0x0, s14  }
0x43: {  	[tilespmem:s4], [sflag:$0x1] =	stream.linear.gather [hbm4b:s13+s4], $0x80, $0x38;
	[tilespmem:$0x1FF00] =	vst v63  }
0x44: {  	_ =	swait.ge [sflag:s31], $0x80  }
0x45: {  	[sflag:s31] =	ssyncset.done $0x0  }
0x46: {  	[sflag:s31] =	ssyncadd.s32 $0xFFFFFF80  }
0x47: {  	[spmem:s2] =	stream.indirect.scatter.add.f32 [tilespmem:s24], [sflag:$0xA], $0x80, s18, s19, $0xb8;
	[tilespmem:$0x1FF00] =	vst v63  }
0x48: {  	_ =	swait.ge [sflag:s0], $0x4000  }
0x49: {  	s15 =	rddreg [dreg:$0x6];
	[sflag:s0] =	ssyncset.done $0x0  }
0x4a: {  	[sflag:s0] =	ssyncadd.s32 $0xFFFFC000;
	s13 =	sadd.s32 $0x0, s15  }
0x4b: {  	[tilespmem:s19], [sflag:$0x2] =	stream.linear.gather [hbm4b:s13+s4], $0x80, $0x38;
	[tilespmem:$0x1FF00] =	vst v63  }
0x4c: {  	_ =	swait.ge [sflag:s3], $0x80  }
0x4d: {  	[sflag:s3] =	ssyncset.done $0x0  }
0x4e: {  	[sflag:s3] =	ssyncadd.s32 $0xFFFFFF80  }
0x4f: {  	[spmem:s2] =	stream.indirect.scatter.add.f32 [tilespmem:s26], [sflag:$0xB], $0x80, s20, s19, $0xb8;
	[tilespmem:$0x1FF00] =	vst v63  }
0x50: {  	_ =	swait.ge [sflag:s5], $0x4000  }
0x51: {  	s14 =	rddreg [dreg:$0x4];
	[sflag:s5] =	ssyncset.done $0x0  }
0x52: {  	[sflag:s5] =	ssyncadd.s32 $0xFFFFC000;
	s13 =	sadd.s32 $0x0, s14  }
0x53: {  	[tilespmem:s21], [sflag:$0x3] =	stream.linear.gather [hbm4b:s13+s4], $0x80, $0x38;
	[tilespmem:$0x1FF00] =	vst v63  }
0x54: {  	_ =	swait.ge [sflag:s6], $0x80  }
0x55: {  	[sflag:s6] =	ssyncset.done $0x0  }
0x56: {  	[sflag:s6] =	ssyncadd.s32 $0xFFFFFF80  }
0x57: {  	[spmem:s2] =	stream.indirect.scatter.add.f32 [tilespmem:s29], [sflag:$0xC], $0x80, s22, s19, $0xb8;
	[tilespmem:$0x1FF00] =	vst v63  }
0x58: {  	_ =	swait.ge [sflag:s8], $0x4000  }
0x59: {  	[sflag:s8] =	ssyncset.done $0x0  }
0x5a: {  	s15 =	sadd.s32 $0x0, s16;
	[sflag:s8] =	ssyncadd.s32 $0xFFFFC000  }
0x5b: {  	[tilespmem:s18], [sflag:$0x4] =	stream.linear.gather [hbm4b:s15+s4], $0x80, $0x38;
	[tilespmem:$0x1FF00] =	vst v63  }
0x5c: {  	_ =	swait.ge [sflag:s23], $0x80  }
0x5d: {  	[sflag:s23] =	ssyncset.done $0x0  }
0x5e: {  	[sflag:s23] =	ssyncadd.s32 $0xFFFFFF80  }
0x5f: {  	[tilespmem:s24], [sflag:$0x7] =	stream.indirect.gather [hbm4b:s1+s19], $0x80, s4, s19, $0xb8;
	[tilespmem:$0x1FF00] =	vst v63  }
0x60: {  	_ =	swait.ge [sflag:s9], $0x4000  }
0x61: {  	s14 =	rddreg [dreg:$0x7];
	[sflag:s9] =	ssyncset.done $0x0  }
0x62: {  	[sflag:s9] =	ssyncadd.s32 $0xFFFFC000;
	s13 =	sadd.s32 $0x0, s14  }
0x63: {  	[tilespmem:s20], [sflag:$0x5] =	stream.linear.gather [hbm4b:s13+s4], $0x80, $0x38;
	[tilespmem:$0x1FF00] =	vst v63  }
0x64: {  	_ =	swait.ge [sflag:s25], $0x80  }
0x65: {  	[sflag:s25] =	ssyncset.done $0x0  }
0x66: {  	[sflag:s25] =	ssyncadd.s32 $0xFFFFFF80  }
0x67: {  	[tilespmem:s26], [sflag:$0x8] =	stream.indirect.gather [hbm4b:s1+s19], $0x80, s19, s19, $0xb8;
	[tilespmem:$0x1FF00] =	vst v63  }
0x68: {  	_ =	swait.ge [sflag:s10], $0x4000  }
0x69: {  	s15 =	rddreg [dreg:$0x5];
	[sflag:s10] =	ssyncset.done $0x0  }
0x6a: {  	[sflag:s10] =	ssyncadd.s32 $0xFFFFC000;
	s13 =	sadd.s32 $0x0, s15  }
0x6b: {  	[tilespmem:s22], [sflag:$0x6] =	stream.linear.gather [hbm4b:s13+s4], $0x80, $0x38;
	[tilespmem:$0x1FF00] =	vst v63  }
0x6c: {  	_ =	swait.ge [sflag:s28], $0x80  }
0x6d: {  	[sflag:s28] =	ssyncset.done $0x0  }
0x6e: {  	s13 =	simm.s32 $0x30;
	[sflag:s28] =	ssyncadd.s32 $0xFFFFFF80  }
.LBB2_2:
0x6f: {  	[tilespmem:s29], [sflag:$0x9] =	stream.indirect.gather [hbm4b:s1+s19], $0x80, s21, s19, $0xb8;
	[tilespmem:$0x1FF00] =	vst v63  }
0x70: {  	_ =	swait.ge [sflag:s30], $0x4000  }
0x71: {  	s14 =	smov.u32 s13;
	s15 =	rddreg [dreg:$0x8];
	[sflag:s30] =	ssyncset.done $0x0  }
0x72: {  	[sflag:s30] =	ssyncadd.s32 $0xFFFFC000;
	s15 =	sadd.s32 s14, s15  }
0x73: {  	[tilespmem:s4], [sflag:$0x1] =	stream.linear.gather [hbm4b:s15+s4], $0x80, $0x38;
	[tilespmem:$0x1FF00] =	vst v63  }
0x74: {  	_ =	swait.ge [sflag:s31], $0x80  }
0x75: {  	[sflag:s31] =	ssyncset.done $0x0  }
0x76: {  	[sflag:s31] =	ssyncadd.s32 $0xFFFFFF80  }
0x77: {  	[spmem:s2] =	stream.indirect.scatter.add.f32 [tilespmem:s24], [sflag:$0xA], $0x80, s18, s19, $0xb8;
	[tilespmem:$0x1FF00] =	vst v63  }
0x78: {  	_ =	swait.ge [sflag:s0], $0x4000  }
0x79: {  	s15 =	rddreg [dreg:$0x6];
	[sflag:s0] =	ssyncset.done $0x0  }
0x7a: {  	[sflag:s0] =	ssyncadd.s32 $0xFFFFC000;
	s15 =	sadd.s32 s14, s15  }
0x7b: {  	[tilespmem:s19], [sflag:$0x2] =	stream.linear.gather [hbm4b:s15+s4], $0x80, $0x38;
	[tilespmem:$0x1FF00] =	vst v63  }
0x7c: {  	_ =	swait.ge [sflag:s3], $0x80  }
0x7d: {  	[sflag:s3] =	ssyncset.done $0x0  }
0x7e: {  	[sflag:s3] =	ssyncadd.s32 $0xFFFFFF80  }
0x7f: {  	[spmem:s2] =	stream.indirect.scatter.add.f32 [tilespmem:s26], [sflag:$0xB], $0x80, s20, s19, $0xb8;
	[tilespmem:$0x1FF00] =	vst v63  }
0x80: {  	_ =	swait.ge [sflag:s5], $0x4000  }
0x81: {  	s15 =	rddreg [dreg:$0x4];
	[sflag:s5] =	ssyncset.done $0x0  }
0x82: {  	[sflag:s5] =	ssyncadd.s32 $0xFFFFC000;
	s15 =	sadd.s32 s14, s15  }
0x83: {  	[tilespmem:s21], [sflag:$0x3] =	stream.linear.gather [hbm4b:s15+s4], $0x80, $0x38;
	[tilespmem:$0x1FF00] =	vst v63  }
0x84: {  	_ =	swait.ge [sflag:s6], $0x80  }
0x85: {  	[sflag:s6] =	ssyncset.done $0x0  }
0x86: {  	[sflag:s6] =	ssyncadd.s32 $0xFFFFFF80  }
0x87: {  	[spmem:s2] =	stream.indirect.scatter.add.f32 [tilespmem:s29], [sflag:$0xC], $0x80, s22, s19, $0xb8;
	[tilespmem:$0x1FF00] =	vst v63  }
0x88: {  	_ =	swait.ge [sflag:s8], $0x4000  }
0x89: {  	[sflag:s8] =	ssyncset.done $0x0  }
0x8a: {  	s15 =	sadd.s32 s14, s16;
	[sflag:s8] =	ssyncadd.s32 $0xFFFFC000  }
0x8b: {  	[tilespmem:s18], [sflag:$0x4] =	stream.linear.gather [hbm4b:s15+s4], $0x80, $0x38;
	[tilespmem:$0x1FF00] =	vst v63  }
0x8c: {  	_ =	swait.ge [sflag:s23], $0x80  }
0x8d: {  	[sflag:s23] =	ssyncset.done $0x0  }
0x8e: {  	[sflag:s23] =	ssyncadd.s32 $0xFFFFFF80  }
0x8f: {  	[tilespmem:s24], [sflag:$0x7] =	stream.indirect.gather [hbm4b:s1+s19], $0x80, s4, s19, $0xb8;
	[tilespmem:$0x1FF00] =	vst v63  }
0x90: {  	_ =	swait.ge [sflag:s9], $0x4000  }
0x91: {  	s15 =	rddreg [dreg:$0x7];
	[sflag:s9] =	ssyncset.done $0x0  }
0x92: {  	[sflag:s9] =	ssyncadd.s32 $0xFFFFC000;
	s15 =	sadd.s32 s14, s15  }
0x93: {  	[tilespmem:s20], [sflag:$0x5] =	stream.linear.gather [hbm4b:s15+s4], $0x80, $0x38;
	[tilespmem:$0x1FF00] =	vst v63  }
0x94: {  	_ =	swait.ge [sflag:s25], $0x80  }
0x95: {  	[sflag:s25] =	ssyncset.done $0x0  }
0x96: {  	[sflag:s25] =	ssyncadd.s32 $0xFFFFFF80  }
0x97: {  	[tilespmem:s26], [sflag:$0x8] =	stream.indirect.gather [hbm4b:s1+s19], $0x80, s19, s19, $0xb8;
	[tilespmem:$0x1FF00] =	vst v63  }
0x98: {  	_ =	swait.ge [sflag:s10], $0x4000  }
0x99: {  	p0 =	sne.s32 s13, $0x4B0;
	s15 =	rddreg [dreg:$0x5];
	[sflag:s10] =	ssyncset.done $0x0  }
.Ltmp0:
0x9a: {  	[sflag:s10] =	ssyncadd.s32 $0xFFFFC000;
	s14 =	sadd.s32 s14, s15;
	(pc) =	sbr.rel @p0 .LBB2_2-.Ltmp0, $4  }
0x9b: {  	[tilespmem:s22], [sflag:$0x6] =	stream.linear.gather [hbm4b:s14+s4], $0x80, $0x38;
	[tilespmem:$0x1FF00] =	vst v63  }
0x9c: {  	_ =	swait.ge [sflag:s28], $0x80  }
0x9d: {  	[sflag:s28] =	ssyncset.done $0x0  }
0x9e: {  	s13 =	sadd.s32 $0x30, s13;
	[sflag:s28] =	ssyncadd.s32 $0xFFFFFF80  }
0x9f: {  	[tilespmem:s29], [sflag:$0x9] =	stream.indirect.gather [hbm4b:s1+s19], $0x80, s21, s19, $0xb8;
	[tilespmem:$0x1FF00] =	vst v63  }
0xa0: {  	_ =	swait.ge [sflag:s30], $0x4000  }
0xa1: {  	[sflag:s30] =	ssyncset.done $0x0  }
0xa2: {  	[sflag:s30] =	ssyncadd.s32 $0xFFFFC000  }
0xa3: {  	_ =	swait.ge [sflag:s31], $0x80  }
0xa4: {  	[sflag:s31] =	ssyncset.done $0x0  }
0xa5: {  	[sflag:s31] =	ssyncadd.s32 $0xFFFFFF80  }
0xa6: {  	[spmem:s2] =	stream.indirect.scatter.add.f32 [tilespmem:s24], [sflag:$0xA], $0x80, s18, s19, $0xb8;
	[tilespmem:$0x1FF00] =	vst v63  }
0xa7: {  	_ =	swait.ge [sflag:s0], $0x4000  }
0xa8: {  	[sflag:s0] =	ssyncset.done $0x0  }
0xa9: {  	[sflag:s0] =	ssyncadd.s32 $0xFFFFC000  }
0xaa: {  	_ =	swait.ge [sflag:s3], $0x80  }
0xab: {  	[sflag:s3] =	ssyncset.done $0x0  }
0xac: {  	[sflag:s3] =	ssyncadd.s32 $0xFFFFFF80  }
0xad: {  	[spmem:s2] =	stream.indirect.scatter.add.f32 [tilespmem:s26], [sflag:$0xB], $0x80, s20, s19, $0xb8;
	[tilespmem:$0x1FF00] =	vst v63  }
0xae: {  	_ =	swait.ge [sflag:s5], $0x4000  }
0xaf: {  	[sflag:s5] =	ssyncset.done $0x0  }
0xb0: {  	[sflag:s5] =	ssyncadd.s32 $0xFFFFC000  }
0xb1: {  	_ =	swait.ge [sflag:s6], $0x80  }
0xb2: {  	[sflag:s6] =	ssyncset.done $0x0  }
0xb3: {  	[sflag:s6] =	ssyncadd.s32 $0xFFFFFF80  }
0xb4: {  	[spmem:s2] =	stream.indirect.scatter.add.f32 [tilespmem:s29], [sflag:$0xC], $0x80, s22, s19, $0xb8;
	[tilespmem:$0x1FF00] =	vst v63  }
0xb5: {  	_ =	swait.ge [sflag:s8], $0x4000  }
0xb6: {  	[sflag:s8] =	ssyncset.done $0x0  }
0xb7: {  	[sflag:s8] =	ssyncadd.s32 $0xFFFFC000  }
0xb8: {  	_ =	swait.ge [sflag:s9], $0x4000  }
0xb9: {  	[sflag:s9] =	ssyncset.done $0x0  }
0xba: {  	[sflag:s9] =	ssyncadd.s32 $0xFFFFC000  }
0xbb: {  	_ =	swait.ge [sflag:s10], $0x4000  }
0xbc: {  	[sflag:s10] =	ssyncset.done $0x0  }
0xbd: {  	[sflag:s10] =	ssyncadd.s32 $0xFFFFC000  }
0xbe: {  	[bflag:$0x0] =	sbarrier.arrive $0xFFFF  }
0xbf: {  	s13 =	rddreg [dreg:$0x11]  }
0xc0: {  	[hbm:s13], [sflag:s7] =	dma.local [spmem:s12], $0x2780  }
0xc1: {  	_ =	swait.ge [sflag:s17], $0x2780  }
0xc2: {  	s11 =	sadd.s32 $0x1, s11;
	s15 =	rddreg [dreg:$0x12]  }
0xc3: {  	p0 =	sne.s32 s11, s15  }
.Ltmp1:
0xc4: {  	_ = 	snop;
	(pc) =	sbr.rel @p0 .LBB2_1-.Ltmp1, $3  }
0xc5: {  	_ =	sdelay $0x1  }
0xc6: {  	[sflag:s17] =	ssyncset.done $0x0  }
0xc7: {  	[sflag:s17] =	ssyncadd.s32 $0xFFFFD880  }
0xc8: {  	_ =	sfence.sel $0x180000  }
0xc9: {  	[bflag:$0x0] =	sbarrier.arrive $0xFFFF  }
0xca: {  	_ =	strace $0x9000004D  }
0xcb: {  	s0 =	stileid.u32;
	[bflag:$0x2] =	sbarrier.arrive $0xFFFF  }
0xcc: {  	p0 =	sne.s32 s0, $0x0;
	s0 =	rddreg [dreg:$0x3]  }
0xcd: {  	s0 =	sadd.s32 @!p0 $0x100000, s0  }
0xce: {  	[sflag:s0] =	ssyncadd.tile.s32 @!p0 $0x1;
	_ =	shalt  }
.Lfunc_end2:
_tile_overlayer_lowered:
.L_overlay_start_2:
0xcf: {  	(tag) =	ssettag $0x2  }
0xd0: {  	s0 =	rddreg [dreg:$0x0];
	s2 =	stileid.u32  }
0xd1: {  	s1 =	rddreg [dreg:$0x1];
	p0 =	sne.s32 s2, $0x0  }
0xd2: {  	s3 =	rddreg [dreg:$0x2];
	[bflag:$0x3] =	sbarrier.arrive $0xFFFF;
	s2 =	simm.s32 @!p0 $0x1C0D  }
0xd3: {  	[timem:s3], [sflag:s2] =	dma.local @!p0 [hbm:s0], s1  }
0xd4: {  	s0 =	simm.s32 @!p0 $0xD  }
0xd5: {  	_ =	swait.ge @!p0 [sflag:s0], s1  }
0xd6: {  	s1 =	ssub.s32 @!p0 $0x0, s1;
	[sflag:s0] =	ssyncset.done @!p0 $0x0  }
0xd7: {  	[sflag:s0] =	ssyncadd.s32 @!p0 s1  }
0xd8: {  	[bflag:$0x3] =	sbarrier.arrive $0xFFFF  }
0xd9: {  	_ =	shalt  }

// kernel: kernel.19.cloned.1.call-start
scs
__scs_entry_jumppad:
0x0: {  	(pc) =	sbr.rel $0x88, $3  }
0x1: {  	(tag) =	ssettag $0x0;
	lr =	simm.s32 $0x1  }
0x2: {  	[smem:$0x3F99] =	sst lr;
	_ =	strace $0xD0000000  }
0x3: {  	_ = 	snop  }
0x4: {  	_ = 	snop  }
0x5: {  	_ = 	snop  }
0x6: {  	_ = 	snop  }
0x7: {  	_ = 	snop  }
__scs_overlays_trampoline_lowered:
0x8: {  	[smem:$0x3FA8] =	sst s0  }
0x9: {  	[smem:$0x3FA9] =	sst s1  }
0xa: {  	[smem:$0x3FAA] =	sst s2  }
0xb: {  	[smem:$0x3FAB] =	sst s3  }
0xc: {  	[smem:$0x3FAC] =	sst s4  }
0xd: {  	[smem:$0x3FAD] =	sst s5  }
0xe: {  	[smem:$0x3FAE] =	sst s6  }
0xf: {  	[smem:$0x3FAF] =	sst s7  }
0x10: {  	[smem:$0x3FB0] =	sst s8  }
0x11: {  	[smem:$0x3FB1] =	sst s9;
	s0 =	simm.s32 @!p0 $0x0  }
0x12: {  	s1 =	sld [smem:$0x3F97];
	s0 =	simm.s32 @p0 $0x1  }
0x13: {  	[smem:$0x3FB2] =	sst s0;
	s0 =	simm.s32 @!p1 $0x0  }
0x14: {  	s2 =	sld [smem:$0x3F96];
	s0 =	simm.s32 @p1 $0x1  }
0x15: {  	[smem:$0x3FB3] =	sst s0;
	s0 =	simm.s32 @!p2 $0x0  }
0x16: {  	s3 =	sld [smem:$0x3FDB];
	s0 =	simm.s32 @p2 $0x1  }
0x17: {  	s4 =	simm.s32 $0x1BF5;
	[smem:$0x3FB5] =	sst s0  }
0x18: {  	s0 =	sld [smem:$0x3F98];
	_ =	swait.ge [sflag:s4], $0x0  }
0x19: {  	s7 =	sld [smem:$0x3F99]  }
0x1a: {  	s8 =	sadd.s32 $0xFFFFE003, lr  }
0x1b: {  	s9 =	sadd.s32 $0xFFFFFEF7, lr;
	s5 =	simm.s32 $0xFFFFFFFF;
	p2 =	slt.u32 s8, $0xFFFFF086  }
0x1c: {  	p1 =	slt.u32 s9, $0xF7A;
	s5 =	simm.s32 @!p2 $0x0  }
0x1d: {  	s5 =	simm.s32 @p1 $0x1;
	p0 =	seq.s32 s7, s2  }
0x1e: {  	s7 =	smul.u32 @!p0 $0xF7A, s2;
	p2 =	seq.s32 @!p0 s5, $0x0  }
0x1f: {  	s9 =	smul.u32 $0xF7A, s1;
	s8 =	simm.s32 @!p0 $0x1BF5;
	p2 =	por !p2, p0  }
0x20: {  	[sflag:s8] =	ssyncset.s32 @!p0 $0xFFFFF086;
	s6 =	sadd.s32 @!p0 s3, s7;
	s7 =	simm.s32 @!p0 $0x108  }
0x21: {  	s3 =	sadd.s32 s3, s9;
	s6 =	sadd.s32 @!p0 $0x88, s6;
	s7 =	simm.s32 @p2 $0x1082  }
0x22: {  	[simem:s7], [sflag:s8] =	dma.local @!p0 [hbm:s6], $0xF7A  }
0x23: {  	s9 =	sor.u32 $0xD0000000, s2;
	s6 =	simm.s32 $0x108;
	_ =	swait.ge @!p0 [sflag:s8], $0x0  }
0x24: {  	s3 =	sadd.s32 $0x88, s3;
	s6 =	simm.s32 @!p1 $0x1082;
	[sflag:s4] =	ssyncset.s32 $0xFFFFF086  }
0x25: {  	[simem:s6], [sflag:s4] =	dma.local [hbm:s3], $0xF7A  }
0x26: {  	[smem:$0x3F99] =	sst s1;
	(tag) =	ssettag s2;
	_ =	strace s9  }
0x27: {  	s1 =	sld [smem:$0x3FA9]  }
0x28: {  	s2 =	sld [smem:$0x3FAA]  }
0x29: {  	s4 =	sld [smem:$0x3FAC]  }
0x2a: {  	p0 =	seq.s32 s5, $0x0;
	s5 =	sld [smem:$0x3FAD]  }
0x2b: {  	s6 =	sld [smem:$0x3FAE]  }
0x2c: {  	s7 =	sld [smem:$0x3FAF]  }
0x2d: {  	s3 =	simm.s32 $0x108;
	s8 =	sld [smem:$0x3FB0]  }
0x2e: {  	s3 =	simm.s32 @!p0 $0x1082;
	s9 =	sld [smem:$0x3FB1]  }
0x2f: {  	lr =	sadd.s32 s0, s3;
	s0 =	sld [smem:$0x3FA8]  }
0x30: {  	s3 =	sld [smem:$0x3FAB]  }
0x31: {  	[smem:$0x3FB4] =	sst s10  }
0x32: {  	s10 =	sld [smem:$0x3FB2];
	_ =	sdelay $0x3  }
0x33: {  	p0 =	seq.s32 s10, $0x1;
	s10 =	sld [smem:$0x3FB4];
	_ =	sdelay $0x3  }
0x34: {  	[smem:$0x3FB4] =	sst s10  }
0x35: {  	s10 =	sld [smem:$0x3FB3];
	_ =	sdelay $0x3  }
0x36: {  	p1 =	seq.s32 s10, $0x1;
	s10 =	sld [smem:$0x3FB4];
	_ =	sdelay $0x3  }
0x37: {  	[smem:$0x3FB4] =	sst s10  }
0x38: {  	s10 =	sld [smem:$0x3FB5]  }
0x39: {  	_ = 	snop;
	(pc) =	sbr.ind lr, $3  }
0x3a: {  	_ = 	snop  }
0x3b: {  	_ = 	snop  }
0x3c: {  	p2 =	seq.s32 s10, $0x1;
	s10 =	sld [smem:$0x3FB4]  }
0x3d: {  	_ =	shalt  }
0x3e: {  	_ =	shalt  }
0x3f: {  	_ =	shalt  }
0x40: {  	_ =	shalt  }
0x41: {  	_ =	shalt  }
0x42: {  	_ =	shalt  }
0x43: {  	_ =	shalt  }
0x44: {  	_ =	shalt  }
0x45: {  	_ =	shalt  }
0x46: {  	_ =	shalt  }
0x47: {  	_ =	shalt  }
0x48: {  	_ =	shalt  }
0x49: {  	_ =	shalt  }
0x4a: {  	_ =	shalt  }
0x4b: {  	_ =	shalt  }
0x4c: {  	_ =	shalt  }
0x4d: {  	_ =	shalt  }
0x4e: {  	_ =	shalt  }
0x4f: {  	_ =	shalt  }
0x50: {  	_ =	shalt  }
0x51: {  	_ =	shalt  }
0x52: {  	_ =	shalt  }
0x53: {  	_ =	shalt  }
0x54: {  	_ =	shalt  }
0x55: {  	_ =	shalt  }
0x56: {  	_ =	shalt  }
0x57: {  	_ =	shalt  }
0x58: {  	_ =	shalt  }
0x59: {  	_ =	shalt  }
0x5a: {  	_ =	shalt  }
0x5b: {  	_ =	shalt  }
0x5c: {  	_ =	shalt  }
0x5d: {  	_ =	shalt  }
0x5e: {  	_ =	shalt  }
0x5f: {  	_ =	shalt  }
0x60: {  	_ =	shalt  }
0x61: {  	_ =	shalt  }
0x62: {  	_ =	shalt  }
0x63: {  	_ =	shalt  }
0x64: {  	_ =	shalt  }
0x65: {  	_ =	shalt  }
0x66: {  	_ =	shalt  }
0x67: {  	_ =	shalt  }
0x68: {  	_ =	shalt  }
0x69: {  	_ =	shalt  }
0x6a: {  	_ =	shalt  }
0x6b: {  	_ =	shalt  }
0x6c: {  	_ =	shalt  }
0x6d: {  	_ =	shalt  }
0x6e: {  	_ =	shalt  }
0x6f: {  	_ =	shalt  }
0x70: {  	_ =	shalt  }
0x71: {  	_ =	shalt  }
0x72: {  	_ =	shalt  }
0x73: {  	_ =	shalt  }
0x74: {  	_ =	shalt  }
0x75: {  	_ =	shalt  }
0x76: {  	_ =	shalt  }
0x77: {  	_ =	shalt  }
0x78: {  	_ =	shalt  }
0x79: {  	_ =	shalt  }
0x7a: {  	_ =	shalt  }
0x7b: {  	_ =	shalt  }
0x7c: {  	_ =	shalt  }
0x7d: {  	_ =	shalt  }
0x7e: {  	_ =	shalt  }
0x7f: {  	_ =	shalt  }
0x80: {  	_ =	shalt  }
0x81: {  	_ =	shalt  }
0x82: {  	_ =	shalt  }
0x83: {  	_ =	shalt  }
0x84: {  	_ =	shalt  }
0x85: {  	_ =	shalt  }
0x86: {  	_ =	shalt  }
0x87: {  	_ =	shalt  }
.Lfunc_end0:
.L_simem_size_0:
called_computation.3_lowered:
.L_overlay_start_0:
0x88: {  	s2 =	sld [smem:$0x3FD9]  }
0x89: {  	s3 =	sld [smem:$0x3FFE];
	_ =	sdelay $0x1  }
0x8a: {  	s1 =	srdreg.scid  }
0x8b: {  	s0 =	sand.u32 $0x1, s1  }
0x8c: {  	s17 =	sshll.u32 s0, $0xA;
	s2 =	sadd.s32 s3, s2  }
0x8d: {  	s2 =	sadd.s32 s2, s17  }
0x8e: {  	[smem:$0x3FC0] =	sst s2  }
0x8f: {  	_ = 	snop  }
0x90: {  	s2 =	sld [smem:$0x3FD0];
	(tm) =	ssettm $0x1  }
0x91: {  	s18 =	sld [smem:$0x3FFB];
	_ =	sdelay $0x3  }
0x92: {  	_ =	strace s18  }
0x93: {  	s3 =	sld [smem:$0x3FFC];
	_ =	sdelay $0x3  }
0x94: {  	_ =	strace s3  }
0x95: {  	s3 =	sld [smem:$0x3FFD];
	_ =	sdelay $0x3  }
0x96: {  	_ =	strace s3  }
0x97: {  	_ =	strace $0x8FFFFFFF  }
0x98: {  	s19 =	sld [smem:$0x3FDB];
	_ =	sdelay $0x1  }
0x99: {  	s4 =	simm.s32 $_scs_section_size  }
0x9a: {  	s5 =	simm.s32 $_size__tile_overlayer_lowered;
	s6 =	simm.s32 $_tile_overlayer_lowered  }
0x9b: {  	s22 =	simm.s32 $0x1BFF;
	s21 =	sshll.u32 s6, $0x1;
	s3 =	sadd.s32 s4, s19  }
0x9c: {  	s7 =	simm.s32 $0x0;
	s20 =	sshll.u32 s5, $0x1;
	s5 =	sadd.s32 s21, s3  }
0x9d: {  	[timem:s7], [sflag:s22] =	dma.local [hbm:s5], s20  }
0x9e: {  	_ =	swait.ge [sflag:s22], s20  }
0x9f: {  	s4 =	ssub.s32 $0x0, s20;
	[sflag:s22] =	ssyncset.done $0x0  }
0xa0: {  	[sflag:s22] =	ssyncadd.s32 s4;
	_ =	sdelay $0x1  }
0xa1: {  	s23 =	simm.s32 $0x1B8B  }
0xa2: {  	_ =	swait.ge [sflag:s23], $0x1  }
0xa3: {  	[sflag:s23] =	ssyncset.done $0x0  }
0xa4: {  	s25 =	simm.s32 $0x1B8E;
	s24 =	sld [smem:$0x3FFE];
	[sflag:s23] =	ssyncadd.s32 $0xFFFFFFFF  }
0xa5: {  	s26 =	simm.s32 $execute0_lowered;
	[smem:$0x3FD2] =	sst s25  }
0xa6: {  	s5 =	sshll.u32 s26, $0x1;
	_ =	strace $0x8000004F;
	[dreg:$0x1] =	wrdreg $0xFFFFFFFF  }
0xa7: {  	s28 =	simm.s32 $_size_execute0_lowered;
	s3 =	sadd.s32 s3, s5;
	[dreg:$0x0] =	wrdreg $0x0  }
0xa8: {  	s5 =	sshll.u32 s28, $0x1;
	[dreg:$0x2] =	wrdreg s3  }
0xa9: {  	[dreg:$0x3] =	wrdreg s5  }
0xaa: {  	[dreg:$0x4] =	wrdreg $0xC0  }
0xab: {  	_ =	task [dreg:s7], $0x5FFFF  }
0xac: {  	[dreg:$0x1] =	wrdreg $0xFFFFFFFF  }
0xad: {  	[dreg:$0x0] =	wrdreg $0x60  }
0xae: {  	[dreg:$0x2] =	wrdreg s2  }
0xaf: {  	[dreg:$0x3] =	wrdreg s24  }
0xb0: {  	[dreg:$0x4] =	wrdreg $0xC3000  }
0xb1: {  	[dreg:$0x5] =	wrdreg $0x9  }
0xb2: {  	_ =	task.clear_ibuf [dreg:s7], $0x6FFFF;
	_ =	strace $0x9000004F  }
0xb3: {  	s29 =	simm.s32 $0x9;
	_ =	strace $0x80000051  }
0xb4: {  	_ =	swait.ge [sflag:s29], $0x1  }
0xb5: {  	[sflag:s29] =	ssyncadd.s32 $0xFFFFFFFF  }
0xb6: {  	_ =	strace $0x90000051  }
0xb7: {  	_ =	sfence  }
0xb8: {  	s30 =	sld [smem:$0x0];
	_ =	sdelay $0x2  }
0xb9: {  	s31 =	sshll.u32 s1, $0xD;
	s1 =	sshrl.u32 s1, $0x2  }
0xba: {  	s3 =	sand.u32 $0x4000, s31;
	s1 =	sadd.s32 s1, s30  }
0xbb: {  	s0 =	sor.u32 s3, s0;
	s1 =	sshll.u32 s1, $0x11  }
0xbc: {  	s0 =	sor.u32 s1, s0  }
0xbd: {  	s0 =	sadd.s32 $0x8F2B, s0  }
0xbe: {  	[sflag:s0] =	ssyncadd.remote.s32 $0x1  }
0xbf: {  	_ =	sfence.sel $0xFFFF  }
0xc0: {  	[dreg:$0x0] =	wrdreg $0xFFFFFFFF;
	(pc) =	sbr.abs _section_cstart, $3  }
0xc1: {  	[dreg:$0x1] =	wrdreg $0xFFFFFFFF  }
0xc2: {  	_ =	task.clear_ibuf [dreg:s7], $0x2FFFF;
	_ =	strace $0x9FFFFFFF  }
0xc3: {  	(tm) =	ssettm $0x7FFFFFFF  }
tec
execute0_lowered:
.L_overlay_start_1:
0x0: {  	(tag) =	ssettag $0x1  }
0x1: {  	s1 =	rddreg [dreg:$0x0]  }
0x2: {  	s0 =	rddreg [dreg:$0x1]  }
0x3: {  	s2 =	rddreg [dreg:$0x2];
	s4 =	simm.s32 $0x0  }
0x4: {  	s3 =	srdreg.scid;
	s13 =	stileid.u32;
	s28 =	simm.s32 $0x3  }
0x5: {  	s29 =	simm.s32 $0x8300;
	s30 =	simm.s32 $0x7;
	s31 =	simm.s32 $0x4  }
0x6: {  	[smem:$0x7FF] =	sst s4;
	s3 =	sand.u32 $0x1, s3;
	s7 =	smul.u32 $0x13C00, s13  }
0x7: {  	s6 =	sadd.s32 $0xD600, s0;
	s8 =	sadd.s32 $0x3400, s0;
	s21 =	smul.u32 $0x4F000, s13  }
0x8: {  	s9 =	sadd.s32 $0x17800, s0;
	s24 =	sshll.u32 s13, $0x6;
	s25 =	smul.u32 $0x51, s13  }
0x9: {  	s5 =	smul.u32 $0x13C000, s3;
	_ =	strace $0x80000050;
	s19 =	sshll.u32 s3, $0x4  }
0xa: {  	s10 =	ssub.s32 $0x2, s3;
	s3 =	smul.u32 $0x510, s3;
	s20 =	sor.u32 s13, s19  }
0xb: {  	[dreg:$0x9] =	wrdreg s9;
	s22 =	sshrl.u32 s10, $0x1;
	s11 =	smul.u32 $0x510, s20  }
0xc: {  	s23 =	sshrl.u32 s21, $0x2;
	s5 =	sadd.s32 s7, s5;
	s12 =	smul.u32 $0x2880, s20  }
0xd: {  	s7 =	sadd.s32 s23, s2;
	s3 =	sadd.s32 s25, s3;
	s5 =	sshrl.u32 s5, $0x3  }
0xe: {  	[dreg:$0xa] =	wrdreg s7;
	s7 =	sor.u32 $0x1C0D, s24;
	s3 =	sshll.u32 s3, $0x4  }
0xf: {  	s0 =	sadd.s32 s5, s0;
	s5 =	ssub.s32 s10, s22;
	s26 =	sadd.s32 s6, s11  }
0x10: {  	s13 =	sshrl.u32 s12, $0x3;
	s11 =	sadd.s32 s8, s11;
	s19 =	sadd.s32 $0x50, s3  }
0x11: {  	s22 =	sadd.s32 $0x40, s3;
	s25 =	sadd.s32 s3, s6;
	[dreg:$0xb] =	wrdreg s26  }
0x12: {  	s3 =	sadd.s32 s3, s8;
	s10 =	simm.s32 $0xC;
	[dreg:$0xc] =	wrdreg s11  }
0x13: {  	s14 =	sadd.s32 $0x10, s13;
	s16 =	sadd.s32 $0x20, s13;
	s0 =	sadd.s32 $0x1A000, s0  }
0x14: {  	s20 =	sadd.s32 s19, s6;
	s21 =	sadd.s32 s19, s8;
	[dreg:$0x11] =	wrdreg s0  }
0x15: {  	s5 =	smax.u32 s5, $0x1;
	s23 =	sadd.s32 s22, s6;
	[dreg:$0x4] =	wrdreg s20  }
0x16: {  	s24 =	sadd.s32 s22, s8;
	s26 =	sadd.s32 $0x30, s25;
	[dreg:$0x12] =	wrdreg s5  }
0x17: {  	s19 =	simm.s32 $0x80;
	s22 =	simm.s32 $0x280;
	[dreg:$0x5] =	wrdreg s21  }
0x18: {  	s25 =	simm.s32 $0x2;
	s11 =	simm.s32 $0x0;
	[dreg:$0x6] =	wrdreg s23  }
0x19: {  	s15 =	sadd.s32 s6, s14;
	s17 =	sadd.s32 s8, s14;
	[dreg:$0x7] =	wrdreg s24  }
0x1a: {  	s18 =	sadd.s32 s6, s16;
	s9 =	sadd.s32 s8, s16;
	[dreg:$0x8] =	wrdreg s26  }
0x1b: {  	s16 =	sadd.s32 $0x30, s3;
	s20 =	simm.s32 $0x200;
	s21 =	simm.s32 $0x100  }
0x1c: {  	s23 =	simm.s32 $0x1;
	s24 =	simm.s32 $0x300;
	[dreg:$0xd] =	wrdreg s15  }
0x1d: {  	s26 =	simm.s32 $0x4300;
	s0 =	simm.s32 $0x8;
	[dreg:$0xe] =	wrdreg s17  }
0x1e: {  	s3 =	simm.s32 $0x5;
	s5 =	simm.s32 $0x9;
	[dreg:$0xf] =	wrdreg s18  }
0x1f: {  	s6 =	simm.s32 $0x6;
	s8 =	simm.s32 $0xA;
	[dreg:$0x10] =	wrdreg s9  }
0x20: {  	s17 =	simm.s32 $0xD;
	s18 =	simm.s32 $0x180;
	s9 =	simm.s32 $0xB  }
.LBB2_1:
0x21: {  	s12 =	rddreg [dreg:$0xa]  }
0x22: {  	s13 =	rddreg [dreg:$0x9];
	s12 =	sshrl.u32 s12, $0x3  }
0x23: {  	[spmem:s12], [sflag:s7] =	dma.local [hbm:s13], $0x2780  }
0x24: {  	_ =	swait.ge [sflag:s17], $0x2780  }
0x25: {  	[sflag:s17] =	ssyncset.done $0x0  }
0x26: {  	[sflag:s17] =	ssyncadd.s32 $0xFFFFD880  }
0x27: {  	[bflag:$0x0] =	sbarrier.arrive $0xFFFF  }
0x28: {  	s14 =	rddreg [dreg:$0xb]  }
0x29: {  	[tilespmem:s4], [sflag:$0x1] =	stream.linear.gather [hbm4b:s14+s4], $0x80, $0x38;
	[tilespmem:$0x1FF00] =	vst v63  }
0x2a: {  	s15 =	rddreg [dreg:$0xc]  }
0x2b: {  	[tilespmem:s18], [sflag:$0x4] =	stream.linear.gather [hbm4b:s15+s4], $0x80, $0x38;
	[tilespmem:$0x1FF00] =	vst v63  }
0x2c: {  	s14 =	rddreg [dreg:$0xd]  }
0x2d: {  	[tilespmem:s19], [sflag:$0x2] =	stream.linear.gather [hbm4b:s14+s4], $0x80, $0x38;
	[tilespmem:$0x1FF00] =	vst v63  }
0x2e: {  	s15 =	rddreg [dreg:$0xe]  }
0x2f: {  	[tilespmem:s20], [sflag:$0x5] =	stream.linear.gather [hbm4b:s15+s4], $0x80, $0x38;
	[tilespmem:$0x1FF00] =	vst v63  }
0x30: {  	s14 =	rddreg [dreg:$0xf]  }
0x31: {  	[tilespmem:s21], [sflag:$0x3] =	stream.linear.gather [hbm4b:s14+s4], $0x80, $0x38;
	[tilespmem:$0x1FF00] =	vst v63  }
0x32: {  	s15 =	rddreg [dreg:$0x10]  }
0x33: {  	[tilespmem:s22], [sflag:$0x6] =	stream.linear.gather [hbm4b:s15+s4], $0x80, $0x38;
	[tilespmem:$0x1FF00] =	vst v63  }
0x34: {  	_ =	swait.ge [sflag:s23], $0x80  }
0x35: {  	[sflag:s23] =	ssyncset.done $0x0  }
0x36: {  	[sflag:s23] =	ssyncadd.s32 $0xFFFFFF80  }
0x37: {  	[tilespmem:s24], [sflag:$0x7] =	stream.indirect.gather [hbm4b:s1+s19], $0x80, s4, s19, $0xb8;
	[tilespmem:$0x1FF00] =	vst v63  }
0x38: {  	_ =	swait.ge [sflag:s25], $0x80  }
0x39: {  	[sflag:s25] =	ssyncset.done $0x0  }
0x3a: {  	[sflag:s25] =	ssyncadd.s32 $0xFFFFFF80  }
0x3b: {  	[tilespmem:s26], [sflag:$0x8] =	stream.indirect.gather [hbm4b:s1+s19], $0x80, s19, s19, $0xb8;
	[tilespmem:$0x1FF00] =	vst v63  }
0x3c: {  	_ =	swait.ge [sflag:s28], $0x80  }
0x3d: {  	[sflag:s28] =	ssyncset.done $0x0  }
0x3e: {  	[sflag:s28] =	ssyncadd.s32 $0xFFFFFF80  }
0x3f: {  	[tilespmem:s29], [sflag:$0x9] =	stream.indirect.gather [hbm4b:s1+s19], $0x80, s21, s19, $0xb8;
	[tilespmem:$0x1FF00] =	vst v63  }
0x40: {  	_ =	swait.ge [sflag:s30], $0x4000  }
0x41: {  	s14 =	rddreg [dreg:$0x8];
	[sflag:s30] =	ssyncset.done $0x0  }
0x42: {  	[sflag:s30] =	ssyncadd.s32 $0xFFFFC000;
	s13 =	sadd.s32 $0x0, s14  }
0x43: {  	[tilespmem:s4], [sflag:$0x1] =	stream.linear.gather [hbm4b:s13+s4], $0x80, $0x38;
	[tilespmem:$0x1FF00] =	vst v63  }
0x44: {  	_ =	swait.ge [sflag:s31], $0x80  }
0x45: {  	[sflag:s31] =	ssyncset.done $0x0  }
0x46: {  	[sflag:s31] =	ssyncadd.s32 $0xFFFFFF80  }
0x47: {  	[spmem:s2] =	stream.indirect.scatter.add.f32 [tilespmem:s24], [sflag:$0xA], $0x80, s18, s19, $0xb8;
	[tilespmem:$0x1FF00] =	vst v63  }
0x48: {  	_ =	swait.ge [sflag:s0], $0x4000  }
0x49: {  	s15 =	rddreg [dreg:$0x6];
	[sflag:s0] =	ssyncset.done $0x0  }
0x4a: {  	[sflag:s0] =	ssyncadd.s32 $0xFFFFC000;
	s13 =	sadd.s32 $0x0, s15  }
0x4b: {  	[tilespmem:s19], [sflag:$0x2] =	stream.linear.gather [hbm4b:s13+s4], $0x80, $0x38;
	[tilespmem:$0x1FF00] =	vst v63  }
0x4c: {  	_ =	swait.ge [sflag:s3], $0x80  }
0x4d: {  	[sflag:s3] =	ssyncset.done $0x0  }
0x4e: {  	[sflag:s3] =	ssyncadd.s32 $0xFFFFFF80  }
0x4f: {  	[spmem:s2] =	stream.indirect.scatter.add.f32 [tilespmem:s26], [sflag:$0xB], $0x80, s20, s19, $0xb8;
	[tilespmem:$0x1FF00] =	vst v63  }
0x50: {  	_ =	swait.ge [sflag:s5], $0x4000  }
0x51: {  	s14 =	rddreg [dreg:$0x4];
	[sflag:s5] =	ssyncset.done $0x0  }
0x52: {  	[sflag:s5] =	ssyncadd.s32 $0xFFFFC000;
	s13 =	sadd.s32 $0x0, s14  }
0x53: {  	[tilespmem:s21], [sflag:$0x3] =	stream.linear.gather [hbm4b:s13+s4], $0x80, $0x38;
	[tilespmem:$0x1FF00] =	vst v63  }
0x54: {  	_ =	swait.ge [sflag:s6], $0x80  }
0x55: {  	[sflag:s6] =	ssyncset.done $0x0  }
0x56: {  	[sflag:s6] =	ssyncadd.s32 $0xFFFFFF80  }
0x57: {  	[spmem:s2] =	stream.indirect.scatter.add.f32 [tilespmem:s29], [sflag:$0xC], $0x80, s22, s19, $0xb8;
	[tilespmem:$0x1FF00] =	vst v63  }
0x58: {  	_ =	swait.ge [sflag:s8], $0x4000  }
0x59: {  	[sflag:s8] =	ssyncset.done $0x0  }
0x5a: {  	s15 =	sadd.s32 $0x0, s16;
	[sflag:s8] =	ssyncadd.s32 $0xFFFFC000  }
0x5b: {  	[tilespmem:s18], [sflag:$0x4] =	stream.linear.gather [hbm4b:s15+s4], $0x80, $0x38;
	[tilespmem:$0x1FF00] =	vst v63  }
0x5c: {  	_ =	swait.ge [sflag:s23], $0x80  }
0x5d: {  	[sflag:s23] =	ssyncset.done $0x0  }
0x5e: {  	[sflag:s23] =	ssyncadd.s32 $0xFFFFFF80  }
0x5f: {  	[tilespmem:s24], [sflag:$0x7] =	stream.indirect.gather [hbm4b:s1+s19], $0x80, s4, s19, $0xb8;
	[tilespmem:$0x1FF00] =	vst v63  }
0x60: {  	_ =	swait.ge [sflag:s9], $0x4000  }
0x61: {  	s14 =	rddreg [dreg:$0x7];
	[sflag:s9] =	ssyncset.done $0x0  }
0x62: {  	[sflag:s9] =	ssyncadd.s32 $0xFFFFC000;
	s13 =	sadd.s32 $0x0, s14  }
0x63: {  	[tilespmem:s20], [sflag:$0x5] =	stream.linear.gather [hbm4b:s13+s4], $0x80, $0x38;
	[tilespmem:$0x1FF00] =	vst v63  }
0x64: {  	_ =	swait.ge [sflag:s25], $0x80  }
0x65: {  	[sflag:s25] =	ssyncset.done $0x0  }
0x66: {  	[sflag:s25] =	ssyncadd.s32 $0xFFFFFF80  }
0x67: {  	[tilespmem:s26], [sflag:$0x8] =	stream.indirect.gather [hbm4b:s1+s19], $0x80, s19, s19, $0xb8;
	[tilespmem:$0x1FF00] =	vst v63  }
0x68: {  	_ =	swait.ge [sflag:s10], $0x4000  }
0x69: {  	s15 =	rddreg [dreg:$0x5];
	[sflag:s10] =	ssyncset.done $0x0  }
0x6a: {  	[sflag:s10] =	ssyncadd.s32 $0xFFFFC000;
	s13 =	sadd.s32 $0x0, s15  }
0x6b: {  	[tilespmem:s22], [sflag:$0x6] =	stream.linear.gather [hbm4b:s13+s4], $0x80, $0x38;
	[tilespmem:$0x1FF00] =	vst v63  }
0x6c: {  	_ =	swait.ge [sflag:s28], $0x80  }
0x6d: {  	[sflag:s28] =	ssyncset.done $0x0  }
0x6e: {  	s13 =	simm.s32 $0x30;
	[sflag:s28] =	ssyncadd.s32 $0xFFFFFF80  }
.LBB2_2:
0x6f: {  	[tilespmem:s29], [sflag:$0x9] =	stream.indirect.gather [hbm4b:s1+s19], $0x80, s21, s19, $0xb8;
	[tilespmem:$0x1FF00] =	vst v63  }
0x70: {  	_ =	swait.ge [sflag:s30], $0x4000  }
0x71: {  	s14 =	smov.u32 s13;
	s15 =	rddreg [dreg:$0x8];
	[sflag:s30] =	ssyncset.done $0x0  }
0x72: {  	[sflag:s30] =	ssyncadd.s32 $0xFFFFC000;
	s15 =	sadd.s32 s14, s15  }
0x73: {  	[tilespmem:s4], [sflag:$0x1] =	stream.linear.gather [hbm4b:s15+s4], $0x80, $0x38;
	[tilespmem:$0x1FF00] =	vst v63  }
0x74: {  	_ =	swait.ge [sflag:s31], $0x80  }
0x75: {  	[sflag:s31] =	ssyncset.done $0x0  }
0x76: {  	[sflag:s31] =	ssyncadd.s32 $0xFFFFFF80  }
0x77: {  	[spmem:s2] =	stream.indirect.scatter.add.f32 [tilespmem:s24], [sflag:$0xA], $0x80, s18, s19, $0xb8;
	[tilespmem:$0x1FF00] =	vst v63  }
0x78: {  	_ =	swait.ge [sflag:s0], $0x4000  }
0x79: {  	s15 =	rddreg [dreg:$0x6];
	[sflag:s0] =	ssyncset.done $0x0  }
0x7a: {  	[sflag:s0] =	ssyncadd.s32 $0xFFFFC000;
	s15 =	sadd.s32 s14, s15  }
0x7b: {  	[tilespmem:s19], [sflag:$0x2] =	stream.linear.gather [hbm4b:s15+s4], $0x80, $0x38;
	[tilespmem:$0x1FF00] =	vst v63  }
0x7c: {  	_ =	swait.ge [sflag:s3], $0x80  }
0x7d: {  	[sflag:s3] =	ssyncset.done $0x0  }
0x7e: {  	[sflag:s3] =	ssyncadd.s32 $0xFFFFFF80  }
0x7f: {  	[spmem:s2] =	stream.indirect.scatter.add.f32 [tilespmem:s26], [sflag:$0xB], $0x80, s20, s19, $0xb8;
	[tilespmem:$0x1FF00] =	vst v63  }
0x80: {  	_ =	swait.ge [sflag:s5], $0x4000  }
0x81: {  	s15 =	rddreg [dreg:$0x4];
	[sflag:s5] =	ssyncset.done $0x0  }
0x82: {  	[sflag:s5] =	ssyncadd.s32 $0xFFFFC000;
	s15 =	sadd.s32 s14, s15  }
0x83: {  	[tilespmem:s21], [sflag:$0x3] =	stream.linear.gather [hbm4b:s15+s4], $0x80, $0x38;
	[tilespmem:$0x1FF00] =	vst v63  }
0x84: {  	_ =	swait.ge [sflag:s6], $0x80  }
0x85: {  	[sflag:s6] =	ssyncset.done $0x0  }
0x86: {  	[sflag:s6] =	ssyncadd.s32 $0xFFFFFF80  }
0x87: {  	[spmem:s2] =	stream.indirect.scatter.add.f32 [tilespmem:s29], [sflag:$0xC], $0x80, s22, s19, $0xb8;
	[tilespmem:$0x1FF00] =	vst v63  }
0x88: {  	_ =	swait.ge [sflag:s8], $0x4000  }
0x89: {  	[sflag:s8] =	ssyncset.done $0x0  }
0x8a: {  	s15 =	sadd.s32 s14, s16;
	[sflag:s8] =	ssyncadd.s32 $0xFFFFC000  }
0x8b: {  	[tilespmem:s18], [sflag:$0x4] =	stream.linear.gather [hbm4b:s15+s4], $0x80, $0x38;
	[tilespmem:$0x1FF00] =	vst v63  }
0x8c: {  	_ =	swait.ge [sflag:s23], $0x80  }
0x8d: {  	[sflag:s23] =	ssyncset.done $0x0  }
0x8e: {  	[sflag:s23] =	ssyncadd.s32 $0xFFFFFF80  }
0x8f: {  	[tilespmem:s24], [sflag:$0x7] =	stream.indirect.gather [hbm4b:s1+s19], $0x80, s4, s19, $0xb8;
	[tilespmem:$0x1FF00] =	vst v63  }
0x90: {  	_ =	swait.ge [sflag:s9], $0x4000  }
0x91: {  	s15 =	rddreg [dreg:$0x7];
	[sflag:s9] =	ssyncset.done $0x0  }
0x92: {  	[sflag:s9] =	ssyncadd.s32 $0xFFFFC000;
	s15 =	sadd.s32 s14, s15  }
0x93: {  	[tilespmem:s20], [sflag:$0x5] =	stream.linear.gather [hbm4b:s15+s4], $0x80, $0x38;
	[tilespmem:$0x1FF00] =	vst v63  }
0x94: {  	_ =	swait.ge [sflag:s25], $0x80  }
0x95: {  	[sflag:s25] =	ssyncset.done $0x0  }
0x96: {  	[sflag:s25] =	ssyncadd.s32 $0xFFFFFF80  }
0x97: {  	[tilespmem:s26], [sflag:$0x8] =	stream.indirect.gather [hbm4b:s1+s19], $0x80, s19, s19, $0xb8;
	[tilespmem:$0x1FF00] =	vst v63  }
0x98: {  	_ =	swait.ge [sflag:s10], $0x4000  }
0x99: {  	p0 =	sne.s32 s13, $0x4B0;
	s15 =	rddreg [dreg:$0x5];
	[sflag:s10] =	ssyncset.done $0x0  }
.Ltmp0:
0x9a: {  	[sflag:s10] =	ssyncadd.s32 $0xFFFFC000;
	s14 =	sadd.s32 s14, s15;
	(pc) =	sbr.rel @p0 .LBB2_2-.Ltmp0, $4  }
0x9b: {  	[tilespmem:s22], [sflag:$0x6] =	stream.linear.gather [hbm4b:s14+s4], $0x80, $0x38;
	[tilespmem:$0x1FF00] =	vst v63  }
0x9c: {  	_ =	swait.ge [sflag:s28], $0x80  }
0x9d: {  	[sflag:s28] =	ssyncset.done $0x0  }
0x9e: {  	s13 =	sadd.s32 $0x30, s13;
	[sflag:s28] =	ssyncadd.s32 $0xFFFFFF80  }
0x9f: {  	[tilespmem:s29], [sflag:$0x9] =	stream.indirect.gather [hbm4b:s1+s19], $0x80, s21, s19, $0xb8;
	[tilespmem:$0x1FF00] =	vst v63  }
0xa0: {  	_ =	swait.ge [sflag:s30], $0x4000  }
0xa1: {  	[sflag:s30] =	ssyncset.done $0x0  }
0xa2: {  	[sflag:s30] =	ssyncadd.s32 $0xFFFFC000  }
0xa3: {  	_ =	swait.ge [sflag:s31], $0x80  }
0xa4: {  	[sflag:s31] =	ssyncset.done $0x0  }
0xa5: {  	[sflag:s31] =	ssyncadd.s32 $0xFFFFFF80  }
0xa6: {  	[spmem:s2] =	stream.indirect.scatter.add.f32 [tilespmem:s24], [sflag:$0xA], $0x80, s18, s19, $0xb8;
	[tilespmem:$0x1FF00] =	vst v63  }
0xa7: {  	_ =	swait.ge [sflag:s0], $0x4000  }
0xa8: {  	[sflag:s0] =	ssyncset.done $0x0  }
0xa9: {  	[sflag:s0] =	ssyncadd.s32 $0xFFFFC000  }
0xaa: {  	_ =	swait.ge [sflag:s3], $0x80  }
0xab: {  	[sflag:s3] =	ssyncset.done $0x0  }
0xac: {  	[sflag:s3] =	ssyncadd.s32 $0xFFFFFF80  }
0xad: {  	[spmem:s2] =	stream.indirect.scatter.add.f32 [tilespmem:s26], [sflag:$0xB], $0x80, s20, s19, $0xb8;
	[tilespmem:$0x1FF00] =	vst v63  }
0xae: {  	_ =	swait.ge [sflag:s5], $0x4000  }
0xaf: {  	[sflag:s5] =	ssyncset.done $0x0  }
0xb0: {  	[sflag:s5] =	ssyncadd.s32 $0xFFFFC000  }
0xb1: {  	_ =	swait.ge [sflag:s6], $0x80  }
0xb2: {  	[sflag:s6] =	ssyncset.done $0x0  }
0xb3: {  	[sflag:s6] =	ssyncadd.s32 $0xFFFFFF80  }
0xb4: {  	[spmem:s2] =	stream.indirect.scatter.add.f32 [tilespmem:s29], [sflag:$0xC], $0x80, s22, s19, $0xb8;
	[tilespmem:$0x1FF00] =	vst v63  }
0xb5: {  	_ =	swait.ge [sflag:s8], $0x4000  }
0xb6: {  	[sflag:s8] =	ssyncset.done $0x0  }
0xb7: {  	[sflag:s8] =	ssyncadd.s32 $0xFFFFC000  }
0xb8: {  	_ =	swait.ge [sflag:s9], $0x4000  }
0xb9: {  	[sflag:s9] =	ssyncset.done $0x0  }
0xba: {  	[sflag:s9] =	ssyncadd.s32 $0xFFFFC000  }
0xbb: {  	_ =	swait.ge [sflag:s10], $0x4000  }
0xbc: {  	[sflag:s10] =	ssyncset.done $0x0  }
0xbd: {  	[sflag:s10] =	ssyncadd.s32 $0xFFFFC000  }
0xbe: {  	[bflag:$0x0] =	sbarrier.arrive $0xFFFF  }
0xbf: {  	s13 =	rddreg [dreg:$0x11]  }
0xc0: {  	[hbm:s13], [sflag:s7] =	dma.local [spmem:s12], $0x2780  }
0xc1: {  	_ =	swait.ge [sflag:s17], $0x2780  }
0xc2: {  	s11 =	sadd.s32 $0x1, s11;
	s15 =	rddreg [dreg:$0x12]  }
0xc3: {  	p0 =	sne.s32 s11, s15  }
.Ltmp1:
0xc4: {  	_ = 	snop;
	(pc) =	sbr.rel @p0 .LBB2_1-.Ltmp1, $3  }
0xc5: {  	_ =	sdelay $0x1  }
0xc6: {  	[sflag:s17] =	ssyncset.done $0x0  }
0xc7: {  	[sflag:s17] =	ssyncadd.s32 $0xFFFFD880  }
0xc8: {  	_ =	sfence.sel $0x180000  }
0xc9: {  	[bflag:$0x0] =	sbarrier.arrive $0xFFFF  }
0xca: {  	_ =	strace $0x90000050  }
0xcb: {  	s0 =	stileid.u32;
	[bflag:$0x2] =	sbarrier.arrive $0xFFFF  }
0xcc: {  	p0 =	sne.s32 s0, $0x0;
	s0 =	rddreg [dreg:$0x3]  }
0xcd: {  	s0 =	sadd.s32 @!p0 $0x100000, s0  }
0xce: {  	[sflag:s0] =	ssyncadd.tile.s32 @!p0 $0x1;
	_ =	shalt  }
.Lfunc_end2:
_tile_overlayer_lowered:
.L_overlay_start_2:
0xcf: {  	(tag) =	ssettag $0x2  }
0xd0: {  	s0 =	rddreg [dreg:$0x0];
	s2 =	stileid.u32  }
0xd1: {  	s1 =	rddreg [dreg:$0x1];
	p0 =	sne.s32 s2, $0x0  }
0xd2: {  	s3 =	rddreg [dreg:$0x2];
	[bflag:$0x3] =	sbarrier.arrive $0xFFFF;
	s2 =	simm.s32 @!p0 $0x1C0D  }
0xd3: {  	[timem:s3], [sflag:s2] =	dma.local @!p0 [hbm:s0], s1  }
0xd4: {  	s0 =	simm.s32 @!p0 $0xD  }
0xd5: {  	_ =	swait.ge @!p0 [sflag:s0], s1  }
0xd6: {  	s1 =	ssub.s32 @!p0 $0x0, s1;
	[sflag:s0] =	ssyncset.done @!p0 $0x0  }
0xd7: {  	[sflag:s0] =	ssyncadd.s32 @!p0 s1  }
0xd8: {  	[bflag:$0x3] =	sbarrier.arrive $0xFFFF  }
0xd9: {  	_ =	shalt  }

</sc_bundles>
